<compile_context>
chip_gen: v7x
topology: tpu7x:2x2x1
jax: 0.10.2.dev20260603
libtpu: 0.0.44.dev20260713+nightly
codegen_flags: <defaults>
</compile_context>

<pallas_src>
import functools

import jax
import jax.numpy as jnp
from jax import lax
from jax.experimental import pallas as pl
from jax.experimental.pallas import tpu as pltpu
from jax.experimental.pallas import tpu_sc as plsc

N = 10000
NP = 10240
E = 320000
EP = 327680
D = 128
F = 16
NC = 2
NS = 16
NW = NC * NS
EPW = EP // NW
CHA = 128
NCHA = EPW // CHA
CHB = 128
NCHB = EPW // CHB
NB2 = NCHB // 2
NPT = NP // NS

_mesh = plsc.VectorSubcoreMesh(core_axis_name="c", subcore_axis_name="s")


def _zero_rows(rows_v):
  z = jnp.zeros((16,), jnp.float32)
  @pl.loop(0, rows_v.shape[0])
  def _(i):
    for j in range(D // 16):
      rows_v[i, pl.ds(j * 16, 16)] = z


def _acc_zero_and_barrier(sid, zrow_v, acc, zsem):
  _zero_rows(zrow_v)
  ch = zrow_v.shape[0]
  base = sid * NPT
  for k in range(NPT // ch):
    pltpu.async_copy(zrow_v, acc.at[pl.ds(base + k * ch, ch)], zsem)
  for k in range(NPT // ch):
    pltpu.make_async_copy(zrow_v, acc.at[pl.ds(base + k * ch, ch)],
                          zsem).wait()
  plsc.subcore_barrier()


def _acc_writeback(cid, sid, rows2_v, acc, out_hbm, sem0, sem1):
  plsc.subcore_barrier()
  ch = rows2_v.shape[1]
  base = sid * NPT
  sems = (sem0, sem1)
  nkb = NPT // ch
  for k in range(nkb):
    b = k % 2
    if k >= 2:
      pltpu.make_async_copy(
          rows2_v.at[b], out_hbm.at[cid, pl.ds(base + (k - 2) * ch, ch)],
          sems[b]).wait()
    pltpu.sync_copy(acc.at[pl.ds(base + k * ch, ch)], rows2_v.at[b])
    pltpu.async_copy(
        rows2_v.at[b], out_hbm.at[cid, pl.ds(base + k * ch, ch)], sems[b])
  for k in (nkb - 2, nkb - 1):
    b = k % 2
    pltpu.make_async_copy(
        rows2_v.at[b], out_hbm.at[cid, pl.ds(base + k * ch, ch)],
        sems[b]).wait()


def _pipelined_accumulate(nchk, src_slice, didx_row, rows2_v, acc, sem0,
                          sem1, ssem0, ssem1, pre=lambda g: None):
  gsems = (sem0, sem1)
  ssems = (ssem0, ssem1)

  def fire_g(j, b):
    pltpu.async_copy(src_slice(j), rows2_v.at[b], gsems[b])

  def wait_g(j, b):
    pltpu.make_async_copy(src_slice(j), rows2_v.at[b], gsems[b]).wait()

  def fire_s(j, b):
    pltpu.async_copy(rows2_v.at[b], acc.at[didx_row(j)], ssems[b], add=True)

  def wait_s(j, b):
    pltpu.make_async_copy(rows2_v.at[b], acc.at[didx_row(j)],
                          ssems[b]).wait()

  @pl.loop(0, nchk // 2)
  def _(g):
    c0 = 2 * g
    pre(g)
    wait_g(c0, 0)
    fire_s(c0, 0)
    wait_s(c0, 0)

    @pl.when(c0 + 2 < nchk)
    def _():
      fire_g(c0 + 2, 0)
    wait_g(c0 + 1, 1)
    fire_s(c0 + 1, 1)
    wait_s(c0 + 1, 1)

    @pl.when(c0 + 3 < nchk)
    def _():
      fire_g(c0 + 3, 1)


@functools.partial(
    pl.kernel,
    out_type=jax.ShapeDtypeStruct((NC, NP, D), jnp.float32),
    mesh=_mesh,
    scratch_types=[
        pltpu.VMEM((NCHA, CHA), jnp.int32),
        pltpu.VMEM((2, CHA, D), jnp.float32),
        pltpu.VMEM_SHARED((NP, D), jnp.float32),
        pltpu.SemaphoreType.DMA,
        pltpu.SemaphoreType.DMA,
        pltpu.SemaphoreType.DMA,
        pltpu.SemaphoreType.DMA,
    ],
)
def _seg_sum_edges(rows_hbm, dst_hbm, out_hbm, didx_v, rows2_v, acc,
                   sem0, sem1, ssem0, ssem1):
  cid = lax.axis_index("c")
  sid = lax.axis_index("s")
  wid = cid * NS + sid
  ebase = wid * EPW
  src_slice = lambda j: rows_hbm.at[
      pl.ds(jnp.minimum(ebase + j * CHA, E - CHA), CHA)]
  didx_row = lambda j: didx_v.at[j]
  pltpu.sync_copy(dst_hbm.at[wid], didx_v)
  pltpu.async_copy(src_slice(0), rows2_v.at[0], sem0)
  _acc_zero_and_barrier(sid, rows2_v.at[1], acc, ssem0)
  pltpu.async_copy(src_slice(1), rows2_v.at[1], sem1)
  _pipelined_accumulate(NCHA, src_slice, didx_row, rows2_v, acc, sem0, sem1,
                        ssem0, ssem1)
  _acc_writeback(cid, sid, rows2_v, acc, out_hbm, sem0, sem1)


@functools.partial(
    pl.kernel,
    out_type=jax.ShapeDtypeStruct((NC, NP, D), jnp.float32),
    mesh=_mesh,
    scratch_types=[
        pltpu.VMEM((EPW,), jnp.int32),
        pltpu.VMEM((NB2, CHB), jnp.int32),
        pltpu.VMEM((2, CHB, D), jnp.float32),
        pltpu.VMEM_SHARED((NP, D), jnp.float32),
        pltpu.SemaphoreType.DMA,
        pltpu.SemaphoreType.DMA,
        pltpu.SemaphoreType.DMA,
        pltpu.SemaphoreType.DMA,
    ],
)
def _gather_seg_sum(nodes_hbm, src_hbm, dst_hbm, out_hbm, sidx_v, didx_v,
                    rows2_v, acc, sem0, sem1, ssem0, ssem1):
  cid = lax.axis_index("c")
  sid = lax.axis_index("s")
  wid = cid * NS + sid
  src_slice = lambda j: nodes_hbm.at[sidx_v.at[pl.ds(j * CHB, CHB)]]
  didx_row = lambda j: didx_v.at[lax.rem(j, NB2)]
  pltpu.sync_copy(src_hbm.at[pl.ds(wid * EPW, EPW)], sidx_v)
  pltpu.sync_copy(dst_hbm.at[wid, pl.ds(0, NB2)], didx_v)
  pltpu.async_copy(src_slice(0), rows2_v.at[0], sem0)
  _acc_zero_and_barrier(sid, rows2_v.at[1], acc, ssem0)
  pltpu.async_copy(src_slice(1), rows2_v.at[1], sem1)

  def _pre(g):
    @pl.when(g == NB2 // 2)
    def _():
      pltpu.sync_copy(dst_hbm.at[wid, pl.ds(NB2, NB2)], didx_v)

  _pipelined_accumulate(NCHB, src_slice, didx_row, rows2_v, acc, sem0, sem1,
                        ssem0, ssem1, pre=_pre)
  _acc_writeback(cid, sid, rows2_v, acc, out_hbm, sem0, sem1)


BE = 12800


def _edge_linear_body(ef_ref, w_ref, out_ref):
  xb = ef_ref[...].astype(jnp.bfloat16)
  x = lax.dot_general(xb, w_ref[...], (((0,), (1,)), ((), ())),
                      preferred_element_type=jnp.float32)
  out_ref[...] = jnp.maximum(x, 0.0)


def _dot_t(x, w_ref):
  return lax.dot_general(x, w_ref[...], (((1,), (1,)), ((), ())),
                         preferred_element_type=jnp.float32)


def _static_body(p_ref, w_ref, static_ref, cur_ref):
  s = _dot_t(p_ref[0] + p_ref[1], w_ref)
  static_ref[...] = s
  cur_ref[...] = jnp.maximum(s, 0.0)


def _merge_body(static_ref, cur_ref, p_ref, w1_ref, w2_ref, out_ref):
  m = (static_ref[...] + _dot_t(cur_ref[...], w1_ref)
       + _dot_t(p_ref[0] + p_ref[1], w2_ref))
  out_ref[...] = jnp.maximum(m, 0.0)


BN = 2048


@jax.jit
def kernel(edge_feat, edge_index, W_e2l, W0, W1, W2):
  npad = EP - E
  pad_src = jnp.arange(npad, dtype=jnp.int32) % N
  pad_dst = N + (jnp.arange(npad, dtype=jnp.int32) % (NP - N))
  src = jnp.concatenate([edge_index[0], pad_src])
  dstp = jnp.concatenate([edge_index[1], pad_dst])
  dst_a = dstp.reshape(NW, NCHA, CHA)
  dst_b = dstp.reshape(NW, NCHB, CHB)
  w_e = W_e2l.astype(jnp.bfloat16)
  ef_t = edge_feat.T

  edge_msg = pl.pallas_call(
      _edge_linear_body,
      grid=(E // BE,),
      in_specs=[
          pl.BlockSpec((F, BE), lambda i: (0, i)),
          pl.BlockSpec((D, F), lambda i: (0, 0)),
      ],
      out_specs=pl.BlockSpec((BE, D), lambda i: (i, 0)),
      out_shape=jax.ShapeDtypeStruct((E, D), jnp.float32),
  )(ef_t, w_e)

  part = _seg_sum_edges(edge_msg, dst_a)

  static, cur = pl.pallas_call(
      _static_body,
      grid=(NP // BN,),
      in_specs=[
          pl.BlockSpec((NC, BN, D), lambda i: (0, i, 0)),
          pl.BlockSpec((D, D), lambda i: (0, 0)),
      ],
      out_specs=[
          pl.BlockSpec((BN, D), lambda i: (i, 0)),
          pl.BlockSpec((BN, D), lambda i: (i, 0)),
      ],
      out_shape=[
          jax.ShapeDtypeStruct((NP, D), jnp.float32),
          jax.ShapeDtypeStruct((NP, D), jnp.float32),
      ],
  )(part, W0)

  merge = pl.pallas_call(
      _merge_body,
      grid=(NP // BN,),
      in_specs=[
          pl.BlockSpec((BN, D), lambda i: (i, 0)),
          pl.BlockSpec((BN, D), lambda i: (i, 0)),
          pl.BlockSpec((NC, BN, D), lambda i: (0, i, 0)),
          pl.BlockSpec((D, D), lambda i: (0, 0)),
          pl.BlockSpec((D, D), lambda i: (0, 0)),
      ],
      out_specs=pl.BlockSpec((BN, D), lambda i: (i, 0)),
      out_shape=jax.ShapeDtypeStruct((NP, D), jnp.float32),
  )

  pool = _gather_seg_sum(cur, src, dst_b)
  cur = merge(static, cur, pool, W1, W2)
  pool = _gather_seg_sum(cur, src, dst_b)

  BN2 = N // 5
  return pl.pallas_call(
      _merge_body,
      grid=(N // BN2,),
      in_specs=[
          pl.BlockSpec((BN2, D), lambda i: (i, 0)),
          pl.BlockSpec((BN2, D), lambda i: (i, 0)),
          pl.BlockSpec((NC, BN2, D), lambda i: (0, i, 0)),
          pl.BlockSpec((D, D), lambda i: (0, 0)),
          pl.BlockSpec((D, D), lambda i: (0, 0)),
      ],
      out_specs=pl.BlockSpec((BN2, D), lambda i: (i, 0)),
      out_shape=jax.ShapeDtypeStruct((N, D), jnp.float32),
  )(static, cur, pool, W1, W2)

# --- scband reference (transcript-rebuilt; emitter-appended) ---
"""Pipeline reference for scband-embed-mean-field-64888365908123 (READ-ONLY COPY).

The authoritative reference and input builder live on the scoring server;
editing this copy changes nothing except your own understanding.
"""

import jax, jax.numpy as jnp
import numpy as np

N_NODES = 10000
E_EDGES = 320000
LATENT = 128
EDGE_FEATS = 16
MAX_LV = 3


def setup_inputs(seed: int = 0) -> dict:
    key = jax.random.key(seed)
    k1, k2, k3, k4, k5, k6 = jax.random.split(key, 6)
    edge_feat = jax.random.normal(k1, (E_EDGES, EDGE_FEATS), dtype=jnp.float32)
    edge_index = jax.random.randint(k2, (2, E_EDGES), 0, N_NODES, dtype=jnp.int32)
    # Learned parameters (nn.Linear with bias=False stores weight of shape [out, in])
    W_e2l = jax.random.normal(k3, (LATENT, EDGE_FEATS), dtype=jnp.float32) * (1.0 / np.sqrt(EDGE_FEATS))
    W0 = jax.random.normal(k4, (LATENT, LATENT), dtype=jnp.float32) * (1.0 / np.sqrt(LATENT))
    W1 = jax.random.normal(k5, (LATENT, LATENT), dtype=jnp.float32) * (1.0 / np.sqrt(LATENT))
    W2 = jax.random.normal(k6, (LATENT, LATENT), dtype=jnp.float32) * (1.0 / np.sqrt(LATENT))
    return {"edge_feat": edge_feat, "edge_index": edge_index, "W_e2l": W_e2l, "W0": W0, "W1": W1, "W2": W2}


def reference(edge_feat, edge_index, W_e2l, W0, W1, W2):
    # Faithful translation of EmbedMeanField.mean_field.
    # e2n_sp: [N, E] incidence matrix scattering each edge's feature to its dst node.
    # n2n_sp: [N, N] adjacency; spmm(n2n_sp, h)[i] = sum_{j in N(i)} h[j].
    src = edge_index[0]
    dst = edge_index[1]
    # input_edge_linear = relu(w_e2l(edge_feat))
    input_edge_linear = jax.nn.relu(edge_feat @ W_e2l.T)
    # e2n_pool = spmm(e2n_sp, input_edge_linear)  -> scatter-add edges into dst nodes
    e2n_pool = jax.ops.segment_sum(input_edge_linear, dst, num_segments=N_NODES)
    # static_message_conv = conv_params_0(e2n_pool)
    static_message_conv = e2n_pool @ W0.T
    cur_message_layer = jax.nn.relu(static_message_conv)
    for _ in range(1, MAX_LV):
        # n2n_pool = spmm(n2n_sp, cur_message_layer)  -> gather src, scatter-add to dst
        n2n_pool = jax.ops.segment_sum(cur_message_layer[src], dst, num_segments=N_NODES)
        merged_linear = static_message_conv + cur_message_layer @ W1.T + n2n_pool @ W2.T
        cur_message_layer = jax.nn.relu(merged_linear)
    return cur_message_layer

if __name__ == "__main__":
    import jax
    _d = setup_inputs()
    print(jax.jit(kernel)(*tuple(_d.values())))

</pallas_src>

<mosaic_0001>
#map = affine_map<(d0, d1) -> (0, 0)>
#map1 = affine_map<(d0, d1) -> (0, 0, 0)>
module attributes {stable_mosaic.version = 14 : i64} {
  func.func @_seg_sum_edges(%arg0: i32, %arg1: i32, %arg2: memref<320000x128xf32, #tpu.memory_space<hbm>>, %arg3: memref<32x80x128xi32, #tpu.memory_space<hbm>>, %arg4: memref<2x10240x128xf32, #tpu.memory_space<hbm>>, %arg5: memref<80x128xi32, #tpu.memory_space<vmem>>, %arg6: memref<2x128x128xf32, #tpu.memory_space<vmem>>, %arg7: memref<10240x128xf32, #tpu.memory_space<vmem_shared>>, %arg8: memref<!tpu.dma_semaphore, #tpu.memory_space<semaphore_mem>>, %arg9: memref<!tpu.dma_semaphore, #tpu.memory_space<semaphore_mem>>, %arg10: memref<!tpu.dma_semaphore, #tpu.memory_space<semaphore_mem>>, %arg11: memref<!tpu.dma_semaphore, #tpu.memory_space<semaphore_mem>>) attributes {dimension_semantics = [#tpu.dimension_semantics<core_parallel>, #tpu.dimension_semantics<subcore_parallel>], iteration_bounds = array<i64: 2, 16>, scalar_prefetch = 0 : i64, scratch_operands = 7 : i64, tpu.core_type = #tpu.core_type<sc_vector_subcore>, window_params = [{transform_indices = #map}, {transform_indices = #map1}, {transform_indices = #map1}]} {
    %mul3A = arith.constant 16 : i32
    %mul3A_0 = arith.muli %arg0, %mul3A : i32
    %add3A = arith.addi %mul3A_0, %arg1 : i32
    %mul3A_1 = arith.constant 10240 : i32
    %mul3A_2 = arith.muli %add3A, %mul3A_1 : i32
    "tpu.region"() ({
      %run_scoped3A_384 = tpu.sem_alloc : memref<!tpu.dma_semaphore, #tpu.memory_space<semaphore_mem>>
      %dma_start3A_385 = arith.constant 0 : i32
      %dma_start3A_386 = arith.constant 0 : i32
      %dma_start3A_387 = tpu.memref_slice %arg3[%add3A, %dma_start3A_385, %dma_start3A_386] : memref<32x80x128xi32, #tpu.memory_space<hbm>> -> memref<1x80x128xi32, #tpu.memory_space<hbm>>
      %dma_start3A_388 = tpu.memref_squeeze %dma_start3A_387 : memref<1x80x128xi32, #tpu.memory_space<hbm>> -> memref<80x128xi32, #tpu.memory_space<hbm>>
      %dma_start3A_389 = arith.constant 0 : i32
      %dma_start3A_390 = arith.constant 0 : i32
      %dma_start3A_391 = tpu.memref_slice %arg3[%add3A, %dma_start3A_389, %dma_start3A_390] : memref<32x80x128xi32, #tpu.memory_space<hbm>> -> memref<1x80x128xi32, #tpu.memory_space<hbm>>
      %dma_start3A_392 = tpu.memref_squeeze %dma_start3A_391 : memref<1x80x128xi32, #tpu.memory_space<hbm>> -> memref<80x128xi32, #tpu.memory_space<hbm>>
      tpu.enqueue_dma source(%dma_start3A_392 : memref<80x128xi32, #tpu.memory_space<hbm>>) target(%arg5 : memref<80x128xi32, #tpu.memory_space<vmem>>) target_semaphore(%run_scoped3A_384 : memref<!tpu.dma_semaphore, #tpu.memory_space<semaphore_mem>>)
      %dma_wait3A_393 = arith.constant 0 : i32
      %dma_wait3A_394 = arith.constant 0 : i32
      %dma_wait3A_395 = tpu.memref_slice %arg3[%add3A, %dma_wait3A_393, %dma_wait3A_394] : memref<32x80x128xi32, #tpu.memory_space<hbm>> -> memref<1x80x128xi32, #tpu.memory_space<hbm>>
      %dma_wait3A_396 = tpu.memref_squeeze %dma_wait3A_395 : memref<1x80x128xi32, #tpu.memory_space<hbm>> -> memref<80x128xi32, #tpu.memory_space<hbm>>
      %dma_wait3A_397 = arith.constant 0 : i32
      %dma_wait3A_398 = arith.constant 0 : i32
      %dma_wait3A_399 = tpu.memref_slice %arg3[%add3A, %dma_wait3A_397, %dma_wait3A_398] : memref<32x80x128xi32, #tpu.memory_space<hbm>> -> memref<1x80x128xi32, #tpu.memory_space<hbm>>
      %dma_wait3A_400 = tpu.memref_squeeze %dma_wait3A_399 : memref<1x80x128xi32, #tpu.memory_space<hbm>> -> memref<80x128xi32, #tpu.memory_space<hbm>>
      tpu.wait_dma2 semaphore(%run_scoped3A_384 : memref<!tpu.dma_semaphore, #tpu.memory_space<semaphore_mem>>) src(%dma_wait3A_400 : memref<80x128xi32, #tpu.memory_space<hbm>>) dst(%arg5 : memref<80x128xi32, #tpu.memory_space<vmem>>)
      tpu.yield
    }) : () -> ()
    %add3A_3 = arith.constant 0 : i32
    %add3A_4 = arith.addi %mul3A_2, %add3A_3 : i32
    %min3A = arith.constant 319872 : i32
    %min3A_5 = arith.minsi %add3A_4, %min3A : i32
    %dma_start3A = arith.constant 0 : i32
    %dma_start3A_6 = arith.constant 0 : i32
    %dma_start3A_7 = arith.constant 0 : i32
    %dma_start3A_8 = tpu.memref_slice %arg6[%dma_start3A, %dma_start3A_6, %dma_start3A_7] : memref<2x128x128xf32, #tpu.memory_space<vmem>> -> memref<1x128x128xf32, #tpu.memory_space<vmem>>
    %dma_start3A_9 = tpu.memref_squeeze %dma_start3A_8 : memref<1x128x128xf32, #tpu.memory_space<vmem>> -> memref<128x128xf32, #tpu.memory_space<vmem>>
    %dma_start3A_10 = arith.constant 0 : i32
    %dma_start3A_11 = tpu.memref_slice %arg2[%min3A_5, %dma_start3A_10] : memref<320000x128xf32, #tpu.memory_space<hbm>> -> memref<128x128xf32, #tpu.memory_space<hbm>>
    %dma_start3A_12 = arith.constant 0 : i32
    %dma_start3A_13 = arith.constant 0 : i32
    %dma_start3A_14 = tpu.memref_slice %arg6[%dma_start3A, %dma_start3A_12, %dma_start3A_13] : memref<2x128x128xf32, #tpu.memory_space<vmem>> -> memref<1x128x128xf32, #tpu.memory_space<vmem>>
    %dma_start3A_15 = tpu.memref_squeeze %dma_start3A_14 : memref<1x128x128xf32, #tpu.memory_space<vmem>> -> memref<128x128xf32, #tpu.memory_space<vmem>>
    %dma_start3A_16 = arith.constant 0 : i32
    %dma_start3A_17 = tpu.memref_slice %arg2[%min3A_5, %dma_start3A_16] : memref<320000x128xf32, #tpu.memory_space<hbm>> -> memref<128x128xf32, #tpu.memory_space<hbm>>
    tpu.enqueue_dma source(%dma_start3A_17 : memref<128x128xf32, #tpu.memory_space<hbm>>) target(%dma_start3A_15 : memref<128x128xf32, #tpu.memory_space<vmem>>) target_semaphore(%arg8 : memref<!tpu.dma_semaphore, #tpu.memory_space<semaphore_mem>>)
    %broadcast_in_dim3A = arith.constant 0.000000e+00 : f32
    %broadcast_in_dim3A_18 = vector.broadcast %broadcast_in_dim3A : f32 to vector<16xf32>
    %scan3A = arith.constant 1 : i32
    %scan3A_19 = arith.constant 0 : i32
    %scan3A_20 = arith.constant 128 : i32
    %scan3A_21 = arith.addi %scan3A_19, %scan3A_20 : i32
    %scan3A_22 = arith.constant 1 : i32
    scf.for %scan3A_384 = %scan3A_19 to %scan3A_21 step %scan3A_22  : i32 {
      %mul3A_385 = arith.constant 1 : i32
      %mul3A_386 = arith.muli %scan3A_384, %mul3A_385 : i32
      %add3A_387 = arith.constant 0 : i32
      %add3A_388 = arith.addi %add3A_387, %mul3A_386 : i32
      %swap3A = arith.constant 0 : i32
      %swap3A_389 = arith.constant 0 : i32
      %swap3A_390 = tpu.memref_slice %arg6[%scan3A, %swap3A, %swap3A_389] : memref<2x128x128xf32, #tpu.memory_space<vmem>> -> memref<1x128x128xf32, #tpu.memory_space<vmem>>
      %swap3A_391 = tpu.memref_squeeze %swap3A_390 : memref<1x128x128xf32, #tpu.memory_space<vmem>> -> memref<128x128xf32, #tpu.memory_space<vmem>>
      %swap3A_392 = arith.index_cast %add3A_388 : i32 to index
      %swap3A_393 = arith.constant 0 : index
      %swap3A_394 = tpu.vector_load %swap3A_391[%swap3A_392, %swap3A_393] {strides = array<i32>} : memref<128x128xf32, #tpu.memory_space<vmem>>, vector<1x16xf32>,
      %swap3A_395 = vector.shape_cast %swap3A_394 : vector<1x16xf32> to vector<16xf32>
      %swap3A_396 = vector.shape_cast %broadcast_in_dim3A_18 : vector<16xf32> to vector<1x16xf32>
      tpu.vector_store %swap3A_391[%swap3A_392, %swap3A_393], %swap3A_396 {strides = array<i32>} : memref<128x128xf32, #tpu.memory_space<vmem>>, vector<1x16xf32>,
      %swap3A_397 = arith.constant 0 : i32
      %swap3A_398 = arith.constant 0 : i32
      %swap3A_399 = tpu.memref_slice %arg6[%scan3A, %swap3A_397, %swap3A_398] : memref<2x128x128xf32, #tpu.memory_space<vmem>> -> memref<1x128x128xf32, #tpu.memory_space<vmem>>
      %swap3A_400 = tpu.memref_squeeze %swap3A_399 : memref<1x128x128xf32, #tpu.memory_space<vmem>> -> memref<128x128xf32, #tpu.memory_space<vmem>>
      %swap3A_401 = arith.index_cast %add3A_388 : i32 to index
      %swap3A_402 = arith.constant 16 : index
      %swap3A_403 = tpu.vector_load %swap3A_400[%swap3A_401, %swap3A_402] {strides = array<i32>} : memref<128x128xf32, #tpu.memory_space<vmem>>, vector<1x16xf32>,
      %swap3A_404 = vector.shape_cast %swap3A_403 : vector<1x16xf32> to vector<16xf32>
      %swap3A_405 = vector.shape_cast %broadcast_in_dim3A_18 : vector<16xf32> to vector<1x16xf32>
      tpu.vector_store %swap3A_400[%swap3A_401, %swap3A_402], %swap3A_405 {strides = array<i32>} : memref<128x128xf32, #tpu.memory_space<vmem>>, vector<1x16xf32>,
      %swap3A_406 = arith.constant 0 : i32
      %swap3A_407 = arith.constant 0 : i32
      %swap3A_408 = tpu.memref_slice %arg6[%scan3A, %swap3A_406, %swap3A_407] : memref<2x128x128xf32, #tpu.memory_space<vmem>> -> memref<1x128x128xf32, #tpu.memory_space<vmem>>
      %swap3A_409 = tpu.memref_squeeze %swap3A_408 : memref<1x128x128xf32, #tpu.memory_space<vmem>> -> memref<128x128xf32, #tpu.memory_space<vmem>>
      %swap3A_410 = arith.index_cast %add3A_388 : i32 to index
      %swap3A_411 = arith.constant 32 : index
      %swap3A_412 = tpu.vector_load %swap3A_409[%swap3A_410, %swap3A_411] {strides = array<i32>} : memref<128x128xf32, #tpu.memory_space<vmem>>, vector<1x16xf32>,
      %swap3A_413 = vector.shape_cast %swap3A_412 : vector<1x16xf32> to vector<16xf32>
      %swap3A_414 = vector.shape_cast %broadcast_in_dim3A_18 : vector<16xf32> to vector<1x16xf32>
      tpu.vector_store %swap3A_409[%swap3A_410, %swap3A_411], %swap3A_414 {strides = array<i32>} : memref<128x128xf32, #tpu.memory_space<vmem>>, vector<1x16xf32>,
      %swap3A_415 = arith.constant 0 : i32
      %swap3A_416 = arith.constant 0 : i32
      %swap3A_417 = tpu.memref_slice %arg6[%scan3A, %swap3A_415, %swap3A_416] : memref<2x128x128xf32, #tpu.memory_space<vmem>> -> memref<1x128x128xf32, #tpu.memory_space<vmem>>
      %swap3A_418 = tpu.memref_squeeze %swap3A_417 : memref<1x128x128xf32, #tpu.memory_space<vmem>> -> memref<128x128xf32, #tpu.memory_space<vmem>>
      %swap3A_419 = arith.index_cast %add3A_388 : i32 to index
      %swap3A_420 = arith.constant 48 : index
      %swap3A_421 = tpu.vector_load %swap3A_418[%swap3A_419, %swap3A_420] {strides = array<i32>} : memref<128x128xf32, #tpu.memory_space<vmem>>, vector<1x16xf32>,
      %swap3A_422 = vector.shape_cast %swap3A_421 : vector<1x16xf32> to vector<16xf32>
      %swap3A_423 = vector.shape_cast %broadcast_in_dim3A_18 : vector<16xf32> to vector<1x16xf32>
      tpu.vector_store %swap3A_418[%swap3A_419, %swap3A_420], %swap3A_423 {strides = array<i32>} : memref<128x128xf32, #tpu.memory_space<vmem>>, vector<1x16xf32>,
      %swap3A_424 = arith.constant 0 : i32
      %swap3A_425 = arith.constant 0 : i32
      %swap3A_426 = tpu.memref_slice %arg6[%scan3A, %swap3A_424, %swap3A_425] : memref<2x128x128xf32, #tpu.memory_space<vmem>> -> memref<1x128x128xf32, #tpu.memory_space<vmem>>
      %swap3A_427 = tpu.memref_squeeze %swap3A_426 : memref<1x128x128xf32, #tpu.memory_space<vmem>> -> memref<128x128xf32, #tpu.memory_space<vmem>>
      %swap3A_428 = arith.index_cast %add3A_388 : i32 to index
      %swap3A_429 = arith.constant 64 : index
      %swap3A_430 = tpu.vector_load %swap3A_427[%swap3A_428, %swap3A_429] {strides = array<i32>} : memref<128x128xf32, #tpu.memory_space<vmem>>, vector<1x16xf32>,
      %swap3A_431 = vector.shape_cast %swap3A_430 : vector<1x16xf32> to vector<16xf32>
      %swap3A_432 = vector.shape_cast %broadcast_in_dim3A_18 : vector<16xf32> to vector<1x16xf32>
      tpu.vector_store %swap3A_427[%swap3A_428, %swap3A_429], %swap3A_432 {strides = array<i32>} : memref<128x128xf32, #tpu.memory_space<vmem>>, vector<1x16xf32>,
      %swap3A_433 = arith.constant 0 : i32
      %swap3A_434 = arith.constant 0 : i32
      %swap3A_435 = tpu.memref_slice %arg6[%scan3A, %swap3A_433, %swap3A_434] : memref<2x128x128xf32, #tpu.memory_space<vmem>> -> memref<1x128x128xf32, #tpu.memory_space<vmem>>
      %swap3A_436 = tpu.memref_squeeze %swap3A_435 : memref<1x128x128xf32, #tpu.memory_space<vmem>> -> memref<128x128xf32, #tpu.memory_space<vmem>>
      %swap3A_437 = arith.index_cast %add3A_388 : i32 to index
      %swap3A_438 = arith.constant 80 : index
      %swap3A_439 = tpu.vector_load %swap3A_436[%swap3A_437, %swap3A_438] {strides = array<i32>} : memref<128x128xf32, #tpu.memory_space<vmem>>, vector<1x16xf32>,
      %swap3A_440 = vector.shape_cast %swap3A_439 : vector<1x16xf32> to vector<16xf32>
      %swap3A_441 = vector.shape_cast %broadcast_in_dim3A_18 : vector<16xf32> to vector<1x16xf32>
      tpu.vector_store %swap3A_436[%swap3A_437, %swap3A_438], %swap3A_441 {strides = array<i32>} : memref<128x128xf32, #tpu.memory_space<vmem>>, vector<1x16xf32>,
      %swap3A_442 = arith.constant 0 : i32
      %swap3A_443 = arith.constant 0 : i32
      %swap3A_444 = tpu.memref_slice %arg6[%scan3A, %swap3A_442, %swap3A_443] : memref<2x128x128xf32, #tpu.memory_space<vmem>> -> memref<1x128x128xf32, #tpu.memory_space<vmem>>
      %swap3A_445 = tpu.memref_squeeze %swap3A_444 : memref<1x128x128xf32, #tpu.memory_space<vmem>> -> memref<128x128xf32, #tpu.memory_space<vmem>>
      %swap3A_446 = arith.index_cast %add3A_388 : i32 to index
      %swap3A_447 = arith.constant 96 : index
      %swap3A_448 = tpu.vector_load %swap3A_445[%swap3A_446, %swap3A_447] {strides = array<i32>} : memref<128x128xf32, #tpu.memory_space<vmem>>, vector<1x16xf32>,
      %swap3A_449 = vector.shape_cast %swap3A_448 : vector<1x16xf32> to vector<16xf32>
      %swap3A_450 = vector.shape_cast %broadcast_in_dim3A_18 : vector<16xf32> to vector<1x16xf32>
      tpu.vector_store %swap3A_445[%swap3A_446, %swap3A_447], %swap3A_450 {strides = array<i32>} : memref<128x128xf32, #tpu.memory_space<vmem>>, vector<1x16xf32>,
      %swap3A_451 = arith.constant 0 : i32
      %swap3A_452 = arith.constant 0 : i32
      %swap3A_453 = tpu.memref_slice %arg6[%scan3A, %swap3A_451, %swap3A_452] : memref<2x128x128xf32, #tpu.memory_space<vmem>> -> memref<1x128x128xf32, #tpu.memory_space<vmem>>
      %swap3A_454 = tpu.memref_squeeze %swap3A_453 : memref<1x128x128xf32, #tpu.memory_space<vmem>> -> memref<128x128xf32, #tpu.memory_space<vmem>>
      %swap3A_455 = arith.index_cast %add3A_388 : i32 to index
      %swap3A_456 = arith.constant 112 : index
      %swap3A_457 = tpu.vector_load %swap3A_454[%swap3A_455, %swap3A_456] {strides = array<i32>} : memref<128x128xf32, #tpu.memory_space<vmem>>, vector<1x16xf32>,
      %swap3A_458 = vector.shape_cast %swap3A_457 : vector<1x16xf32> to vector<16xf32>
      %swap3A_459 = vector.shape_cast %broadcast_in_dim3A_18 : vector<16xf32> to vector<1x16xf32>
      tpu.vector_store %swap3A_454[%swap3A_455, %swap3A_456], %swap3A_459 {strides = array<i32>} : memref<128x128xf32, #tpu.memory_space<vmem>>, vector<1x16xf32>,
    }
    %scan3A_23 = arith.constant 128 : i32
    %mul3A_24 = arith.constant 640 : i32
    %mul3A_25 = arith.muli %arg1, %mul3A_24 : i32
    %add3A_26 = arith.constant 0 : i32
    %add3A_27 = arith.addi %mul3A_25, %add3A_26 : i32
    %dma_start3A_28 = arith.constant 1 : i32
    %dma_start3A_29 = arith.constant 0 : i32
    %dma_start3A_30 = arith.constant 0 : i32
    %dma_start3A_31 = tpu.memref_slice %arg6[%dma_start3A_28, %dma_start3A_29, %dma_start3A_30] : memref<2x128x128xf32, #tpu.memory_space<vmem>> -> memref<1x128x128xf32, #tpu.memory_space<vmem>>
    %dma_start3A_32 = tpu.memref_squeeze %dma_start3A_31 : memref<1x128x128xf32, #tpu.memory_space<vmem>> -> memref<128x128xf32, #tpu.memory_space<vmem>>
    %dma_start3A_33 = arith.constant 0 : i32
    %dma_start3A_34 = tpu.memref_slice %arg7[%add3A_27, %dma_start3A_33] : memref<10240x128xf32, #tpu.memory_space<vmem_shared>> -> memref<128x128xf32, #tpu.memory_space<vmem_shared>>
    %dma_start3A_35 = arith.constant 0 : i32
    %dma_start3A_36 = tpu.memref_slice %arg7[%add3A_27, %dma_start3A_35] : memref<10240x128xf32, #tpu.memory_space<vmem_shared>> -> memref<128x128xf32, #tpu.memory_space<vmem_shared>>
    %dma_start3A_37 = arith.constant 0 : i32
    %dma_start3A_38 = arith.constant 0 : i32
    %dma_start3A_39 = tpu.memref_slice %arg6[%dma_start3A_28, %dma_start3A_37, %dma_start3A_38] : memref<2x128x128xf32, #tpu.memory_space<vmem>> -> memref<1x128x128xf32, #tpu.memory_space<vmem>>
    %dma_start3A_40 = tpu.memref_squeeze %dma_start3A_39 : memref<1x128x128xf32, #tpu.memory_space<vmem>> -> memref<128x128xf32, #tpu.memory_space<vmem>>
    tpu.enqueue_dma source(%dma_start3A_40 : memref<128x128xf32, #tpu.memory_space<vmem>>) target(%dma_start3A_36 : memref<128x128xf32, #tpu.memory_space<vmem_shared>>) target_semaphore(%arg10 : memref<!tpu.dma_semaphore, #tpu.memory_space<semaphore_mem>>)
    %add3A_41 = arith.constant 128 : i32
    %add3A_42 = arith.addi %mul3A_25, %add3A_41 : i32
    %dma_start3A_43 = arith.constant 1 : i32
    %dma_start3A_44 = arith.constant 0 : i32
    %dma_start3A_45 = arith.constant 0 : i32
    %dma_start3A_46 = tpu.memref_slice %arg6[%dma_start3A_43, %dma_start3A_44, %dma_start3A_45] : memref<2x128x128xf32, #tpu.memory_space<vmem>> -> memref<1x128x128xf32, #tpu.memory_space<vmem>>
    %dma_start3A_47 = tpu.memref_squeeze %dma_start3A_46 : memref<1x128x128xf32, #tpu.memory_space<vmem>> -> memref<128x128xf32, #tpu.memory_space<vmem>>
    %dma_start3A_48 = arith.constant 0 : i32
    %dma_start3A_49 = tpu.memref_slice %arg7[%add3A_42, %dma_start3A_48] : memref<10240x128xf32, #tpu.memory_space<vmem_shared>> -> memref<128x128xf32, #tpu.memory_space<vmem_shared>>
    %dma_start3A_50 = arith.constant 0 : i32
    %dma_start3A_51 = tpu.memref_slice %arg7[%add3A_42, %dma_start3A_50] : memref<10240x128xf32, #tpu.memory_space<vmem_shared>> -> memref<128x128xf32, #tpu.memory_space<vmem_shared>>
    %dma_start3A_52 = arith.constant 0 : i32
    %dma_start3A_53 = arith.constant 0 : i32
    %dma_start3A_54 = tpu.memref_slice %arg6[%dma_start3A_43, %dma_start3A_52, %dma_start3A_53] : memref<2x128x128xf32, #tpu.memory_space<vmem>> -> memref<1x128x128xf32, #tpu.memory_space<vmem>>
    %dma_start3A_55 = tpu.memref_squeeze %dma_start3A_54 : memref<1x128x128xf32, #tpu.memory_space<vmem>> -> memref<128x128xf32, #tpu.memory_space<vmem>>
    tpu.enqueue_dma source(%dma_start3A_55 : memref<128x128xf32, #tpu.memory_space<vmem>>) target(%dma_start3A_51 : memref<128x128xf32, #tpu.memory_space<vmem_shared>>) target_semaphore(%arg10 : memref<!tpu.dma_semaphore, #tpu.memory_space<semaphore_mem>>)
    %add3A_56 = arith.constant 256 : i32
    %add3A_57 = arith.addi %mul3A_25, %add3A_56 : i32
    %dma_start3A_58 = arith.constant 1 : i32
    %dma_start3A_59 = arith.constant 0 : i32
    %dma_start3A_60 = arith.constant 0 : i32
    %dma_start3A_61 = tpu.memref_slice %arg6[%dma_start3A_58, %dma_start3A_59, %dma_start3A_60] : memref<2x128x128xf32, #tpu.memory_space<vmem>> -> memref<1x128x128xf32, #tpu.memory_space<vmem>>
    %dma_start3A_62 = tpu.memref_squeeze %dma_start3A_61 : memref<1x128x128xf32, #tpu.memory_space<vmem>> -> memref<128x128xf32, #tpu.memory_space<vmem>>
    %dma_start3A_63 = arith.constant 0 : i32
    %dma_start3A_64 = tpu.memref_slice %arg7[%add3A_57, %dma_start3A_63] : memref<10240x128xf32, #tpu.memory_space<vmem_shared>> -> memref<128x128xf32, #tpu.memory_space<vmem_shared>>
    %dma_start3A_65 = arith.constant 0 : i32
    %dma_start3A_66 = tpu.memref_slice %arg7[%add3A_57, %dma_start3A_65] : memref<10240x128xf32, #tpu.memory_space<vmem_shared>> -> memref<128x128xf32, #tpu.memory_space<vmem_shared>>
    %dma_start3A_67 = arith.constant 0 : i32
    %dma_start3A_68 = arith.constant 0 : i32
    %dma_start3A_69 = tpu.memref_slice %arg6[%dma_start3A_58, %dma_start3A_67, %dma_start3A_68] : memref<2x128x128xf32, #tpu.memory_space<vmem>> -> memref<1x128x128xf32, #tpu.memory_space<vmem>>
    %dma_start3A_70 = tpu.memref_squeeze %dma_start3A_69 : memref<1x128x128xf32, #tpu.memory_space<vmem>> -> memref<128x128xf32, #tpu.memory_space<vmem>>
    tpu.enqueue_dma source(%dma_start3A_70 : memref<128x128xf32, #tpu.memory_space<vmem>>) target(%dma_start3A_66 : memref<128x128xf32, #tpu.memory_space<vmem_shared>>) target_semaphore(%arg10 : memref<!tpu.dma_semaphore, #tpu.memory_space<semaphore_mem>>)
    %add3A_71 = arith.constant 384 : i32
    %add3A_72 = arith.addi %mul3A_25, %add3A_71 : i32
    %dma_start3A_73 = arith.constant 1 : i32
    %dma_start3A_74 = arith.constant 0 : i32
    %dma_start3A_75 = arith.constant 0 : i32
    %dma_start3A_76 = tpu.memref_slice %arg6[%dma_start3A_73, %dma_start3A_74, %dma_start3A_75] : memref<2x128x128xf32, #tpu.memory_space<vmem>> -> memref<1x128x128xf32, #tpu.memory_space<vmem>>
    %dma_start3A_77 = tpu.memref_squeeze %dma_start3A_76 : memref<1x128x128xf32, #tpu.memory_space<vmem>> -> memref<128x128xf32, #tpu.memory_space<vmem>>
    %dma_start3A_78 = arith.constant 0 : i32
    %dma_start3A_79 = tpu.memref_slice %arg7[%add3A_72, %dma_start3A_78] : memref<10240x128xf32, #tpu.memory_space<vmem_shared>> -> memref<128x128xf32, #tpu.memory_space<vmem_shared>>
    %dma_start3A_80 = arith.constant 0 : i32
    %dma_start3A_81 = tpu.memref_slice %arg7[%add3A_72, %dma_start3A_80] : memref<10240x128xf32, #tpu.memory_space<vmem_shared>> -> memref<128x128xf32, #tpu.memory_space<vmem_shared>>
    %dma_start3A_82 = arith.constant 0 : i32
    %dma_start3A_83 = arith.constant 0 : i32
    %dma_start3A_84 = tpu.memref_slice %arg6[%dma_start3A_73, %dma_start3A_82, %dma_start3A_83] : memref<2x128x128xf32, #tpu.memory_space<vmem>> -> memref<1x128x128xf32, #tpu.memory_space<vmem>>
    %dma_start3A_85 = tpu.memref_squeeze %dma_start3A_84 : memref<1x128x128xf32, #tpu.memory_space<vmem>> -> memref<128x128xf32, #tpu.memory_space<vmem>>
    tpu.enqueue_dma source(%dma_start3A_85 : memref<128x128xf32, #tpu.memory_space<vmem>>) target(%dma_start3A_81 : memref<128x128xf32, #tpu.memory_space<vmem_shared>>) target_semaphore(%arg10 : memref<!tpu.dma_semaphore, #tpu.memory_space<semaphore_mem>>)
    %add3A_86 = arith.constant 512 : i32
    %add3A_87 = arith.addi %mul3A_25, %add3A_86 : i32
    %dma_start3A_88 = arith.constant 1 : i32
    %dma_start3A_89 = arith.constant 0 : i32
    %dma_start3A_90 = arith.constant 0 : i32
    %dma_start3A_91 = tpu.memref_slice %arg6[%dma_start3A_88, %dma_start3A_89, %dma_start3A_90] : memref<2x128x128xf32, #tpu.memory_space<vmem>> -> memref<1x128x128xf32, #tpu.memory_space<vmem>>
    %dma_start3A_92 = tpu.memref_squeeze %dma_start3A_91 : memref<1x128x128xf32, #tpu.memory_space<vmem>> -> memref<128x128xf32, #tpu.memory_space<vmem>>
    %dma_start3A_93 = arith.constant 0 : i32
    %dma_start3A_94 = tpu.memref_slice %arg7[%add3A_87, %dma_start3A_93] : memref<10240x128xf32, #tpu.memory_space<vmem_shared>> -> memref<128x128xf32, #tpu.memory_space<vmem_shared>>
    %dma_start3A_95 = arith.constant 0 : i32
    %dma_start3A_96 = tpu.memref_slice %arg7[%add3A_87, %dma_start3A_95] : memref<10240x128xf32, #tpu.memory_space<vmem_shared>> -> memref<128x128xf32, #tpu.memory_space<vmem_shared>>
    %dma_start3A_97 = arith.constant 0 : i32
    %dma_start3A_98 = arith.constant 0 : i32
    %dma_start3A_99 = tpu.memref_slice %arg6[%dma_start3A_88, %dma_start3A_97, %dma_start3A_98] : memref<2x128x128xf32, #tpu.memory_space<vmem>> -> memref<1x128x128xf32, #tpu.memory_space<vmem>>
    %dma_start3A_100 = tpu.memref_squeeze %dma_start3A_99 : memref<1x128x128xf32, #tpu.memory_space<vmem>> -> memref<128x128xf32, #tpu.memory_space<vmem>>
    tpu.enqueue_dma source(%dma_start3A_100 : memref<128x128xf32, #tpu.memory_space<vmem>>) target(%dma_start3A_96 : memref<128x128xf32, #tpu.memory_space<vmem_shared>>) target_semaphore(%arg10 : memref<!tpu.dma_semaphore, #tpu.memory_space<semaphore_mem>>)
    %add3A_101 = arith.constant 0 : i32
    %add3A_102 = arith.addi %mul3A_25, %add3A_101 : i32
    %dma_wait3A = arith.constant 1 : i32
    %dma_wait3A_103 = arith.constant 0 : i32
    %dma_wait3A_104 = arith.constant 0 : i32
    %dma_wait3A_105 = tpu.memref_slice %arg6[%dma_wait3A, %dma_wait3A_103, %dma_wait3A_104] : memref<2x128x128xf32, #tpu.memory_space<vmem>> -> memref<1x128x128xf32, #tpu.memory_space<vmem>>
    %dma_wait3A_106 = tpu.memref_squeeze %dma_wait3A_105 : memref<1x128x128xf32, #tpu.memory_space<vmem>> -> memref<128x128xf32, #tpu.memory_space<vmem>>
    %dma_wait3A_107 = arith.constant 0 : i32
    %dma_wait3A_108 = tpu.memref_slice %arg7[%add3A_102, %dma_wait3A_107] : memref<10240x128xf32, #tpu.memory_space<vmem_shared>> -> memref<128x128xf32, #tpu.memory_space<vmem_shared>>
    %dma_wait3A_109 = arith.constant 0 : i32
    %dma_wait3A_110 = tpu.memref_slice %arg7[%add3A_102, %dma_wait3A_109] : memref<10240x128xf32, #tpu.memory_space<vmem_shared>> -> memref<128x128xf32, #tpu.memory_space<vmem_shared>>
    %dma_wait3A_111 = arith.constant 0 : i32
    %dma_wait3A_112 = arith.constant 0 : i32
    %dma_wait3A_113 = tpu.memref_slice %arg6[%dma_wait3A, %dma_wait3A_111, %dma_wait3A_112] : memref<2x128x128xf32, #tpu.memory_space<vmem>> -> memref<1x128x128xf32, #tpu.memory_space<vmem>>
    %dma_wait3A_114 = tpu.memref_squeeze %dma_wait3A_113 : memref<1x128x128xf32, #tpu.memory_space<vmem>> -> memref<128x128xf32, #tpu.memory_space<vmem>>
    tpu.wait_dma2 semaphore(%arg10 : memref<!tpu.dma_semaphore, #tpu.memory_space<semaphore_mem>>) src(%dma_wait3A_114 : memref<128x128xf32, #tpu.memory_space<vmem>>) dst(%dma_wait3A_110 : memref<128x128xf32, #tpu.memory_space<vmem_shared>>)
    %add3A_115 = arith.constant 128 : i32
    %add3A_116 = arith.addi %mul3A_25, %add3A_115 : i32
    %dma_wait3A_117 = arith.constant 1 : i32
    %dma_wait3A_118 = arith.constant 0 : i32
    %dma_wait3A_119 = arith.constant 0 : i32
    %dma_wait3A_120 = tpu.memref_slice %arg6[%dma_wait3A_117, %dma_wait3A_118, %dma_wait3A_119] : memref<2x128x128xf32, #tpu.memory_space<vmem>> -> memref<1x128x128xf32, #tpu.memory_space<vmem>>
    %dma_wait3A_121 = tpu.memref_squeeze %dma_wait3A_120 : memref<1x128x128xf32, #tpu.memory_space<vmem>> -> memref<128x128xf32, #tpu.memory_space<vmem>>
    %dma_wait3A_122 = arith.constant 0 : i32
    %dma_wait3A_123 = tpu.memref_slice %arg7[%add3A_116, %dma_wait3A_122] : memref<10240x128xf32, #tpu.memory_space<vmem_shared>> -> memref<128x128xf32, #tpu.memory_space<vmem_shared>>
    %dma_wait3A_124 = arith.constant 0 : i32
    %dma_wait3A_125 = tpu.memref_slice %arg7[%add3A_116, %dma_wait3A_124] : memref<10240x128xf32, #tpu.memory_space<vmem_shared>> -> memref<128x128xf32, #tpu.memory_space<vmem_shared>>
    %dma_wait3A_126 = arith.constant 0 : i32
    %dma_wait3A_127 = arith.constant 0 : i32
    %dma_wait3A_128 = tpu.memref_slice %arg6[%dma_wait3A_117, %dma_wait3A_126, %dma_wait3A_127] : memref<2x128x128xf32, #tpu.memory_space<vmem>> -> memref<1x128x128xf32, #tpu.memory_space<vmem>>
    %dma_wait3A_129 = tpu.memref_squeeze %dma_wait3A_128 : memref<1x128x128xf32, #tpu.memory_space<vmem>> -> memref<128x128xf32, #tpu.memory_space<vmem>>
    tpu.wait_dma2 semaphore(%arg10 : memref<!tpu.dma_semaphore, #tpu.memory_space<semaphore_mem>>) src(%dma_wait3A_129 : memref<128x128xf32, #tpu.memory_space<vmem>>) dst(%dma_wait3A_125 : memref<128x128xf32, #tpu.memory_space<vmem_shared>>)
    %add3A_130 = arith.constant 256 : i32
    %add3A_131 = arith.addi %mul3A_25, %add3A_130 : i32
    %dma_wait3A_132 = arith.constant 1 : i32
    %dma_wait3A_133 = arith.constant 0 : i32
    %dma_wait3A_134 = arith.constant 0 : i32
    %dma_wait3A_135 = tpu.memref_slice %arg6[%dma_wait3A_132, %dma_wait3A_133, %dma_wait3A_134] : memref<2x128x128xf32, #tpu.memory_space<vmem>> -> memref<1x128x128xf32, #tpu.memory_space<vmem>>
    %dma_wait3A_136 = tpu.memref_squeeze %dma_wait3A_135 : memref<1x128x128xf32, #tpu.memory_space<vmem>> -> memref<128x128xf32, #tpu.memory_space<vmem>>
    %dma_wait3A_137 = arith.constant 0 : i32
    %dma_wait3A_138 = tpu.memref_slice %arg7[%add3A_131, %dma_wait3A_137] : memref<10240x128xf32, #tpu.memory_space<vmem_shared>> -> memref<128x128xf32, #tpu.memory_space<vmem_shared>>
    %dma_wait3A_139 = arith.constant 0 : i32
    %dma_wait3A_140 = tpu.memref_slice %arg7[%add3A_131, %dma_wait3A_139] : memref<10240x128xf32, #tpu.memory_space<vmem_shared>> -> memref<128x128xf32, #tpu.memory_space<vmem_shared>>
    %dma_wait3A_141 = arith.constant 0 : i32
    %dma_wait3A_142 = arith.constant 0 : i32
    %dma_wait3A_143 = tpu.memref_slice %arg6[%dma_wait3A_132, %dma_wait3A_141, %dma_wait3A_142] : memref<2x128x128xf32, #tpu.memory_space<vmem>> -> memref<1x128x128xf32, #tpu.memory_space<vmem>>
    %dma_wait3A_144 = tpu.memref_squeeze %dma_wait3A_143 : memref<1x128x128xf32, #tpu.memory_space<vmem>> -> memref<128x128xf32, #tpu.memory_space<vmem>>
    tpu.wait_dma2 semaphore(%arg10 : memref<!tpu.dma_semaphore, #tpu.memory_space<semaphore_mem>>) src(%dma_wait3A_144 : memref<128x128xf32, #tpu.memory_space<vmem>>) dst(%dma_wait3A_140 : memref<128x128xf32, #tpu.memory_space<vmem_shared>>)
    %add3A_145 = arith.constant 384 : i32
    %add3A_146 = arith.addi %mul3A_25, %add3A_145 : i32
    %dma_wait3A_147 = arith.constant 1 : i32
    %dma_wait3A_148 = arith.constant 0 : i32
    %dma_wait3A_149 = arith.constant 0 : i32
    %dma_wait3A_150 = tpu.memref_slice %arg6[%dma_wait3A_147, %dma_wait3A_148, %dma_wait3A_149] : memref<2x128x128xf32, #tpu.memory_space<vmem>> -> memref<1x128x128xf32, #tpu.memory_space<vmem>>
    %dma_wait3A_151 = tpu.memref_squeeze %dma_wait3A_150 : memref<1x128x128xf32, #tpu.memory_space<vmem>> -> memref<128x128xf32, #tpu.memory_space<vmem>>
    %dma_wait3A_152 = arith.constant 0 : i32
    %dma_wait3A_153 = tpu.memref_slice %arg7[%add3A_146, %dma_wait3A_152] : memref<10240x128xf32, #tpu.memory_space<vmem_shared>> -> memref<128x128xf32, #tpu.memory_space<vmem_shared>>
    %dma_wait3A_154 = arith.constant 0 : i32
    %dma_wait3A_155 = tpu.memref_slice %arg7[%add3A_146, %dma_wait3A_154] : memref<10240x128xf32, #tpu.memory_space<vmem_shared>> -> memref<128x128xf32, #tpu.memory_space<vmem_shared>>
    %dma_wait3A_156 = arith.constant 0 : i32
    %dma_wait3A_157 = arith.constant 0 : i32
    %dma_wait3A_158 = tpu.memref_slice %arg6[%dma_wait3A_147, %dma_wait3A_156, %dma_wait3A_157] : memref<2x128x128xf32, #tpu.memory_space<vmem>> -> memref<1x128x128xf32, #tpu.memory_space<vmem>>
    %dma_wait3A_159 = tpu.memref_squeeze %dma_wait3A_158 : memref<1x128x128xf32, #tpu.memory_space<vmem>> -> memref<128x128xf32, #tpu.memory_space<vmem>>
    tpu.wait_dma2 semaphore(%arg10 : memref<!tpu.dma_semaphore, #tpu.memory_space<semaphore_mem>>) src(%dma_wait3A_159 : memref<128x128xf32, #tpu.memory_space<vmem>>) dst(%dma_wait3A_155 : memref<128x128xf32, #tpu.memory_space<vmem_shared>>)
    %add3A_160 = arith.constant 512 : i32
    %add3A_161 = arith.addi %mul3A_25, %add3A_160 : i32
    %dma_wait3A_162 = arith.constant 1 : i32
    %dma_wait3A_163 = arith.constant 0 : i32
    %dma_wait3A_164 = arith.constant 0 : i32
    %dma_wait3A_165 = tpu.memref_slice %arg6[%dma_wait3A_162, %dma_wait3A_163, %dma_wait3A_164] : memref<2x128x128xf32, #tpu.memory_space<vmem>> -> memref<1x128x128xf32, #tpu.memory_space<vmem>>
    %dma_wait3A_166 = tpu.memref_squeeze %dma_wait3A_165 : memref<1x128x128xf32, #tpu.memory_space<vmem>> -> memref<128x128xf32, #tpu.memory_space<vmem>>
    %dma_wait3A_167 = arith.constant 0 : i32
    %dma_wait3A_168 = tpu.memref_slice %arg7[%add3A_161, %dma_wait3A_167] : memref<10240x128xf32, #tpu.memory_space<vmem_shared>> -> memref<128x128xf32, #tpu.memory_space<vmem_shared>>
    %dma_wait3A_169 = arith.constant 0 : i32
    %dma_wait3A_170 = tpu.memref_slice %arg7[%add3A_161, %dma_wait3A_169] : memref<10240x128xf32, #tpu.memory_space<vmem_shared>> -> memref<128x128xf32, #tpu.memory_space<vmem_shared>>
    %dma_wait3A_171 = arith.constant 0 : i32
    %dma_wait3A_172 = arith.constant 0 : i32
    %dma_wait3A_173 = tpu.memref_slice %arg6[%dma_wait3A_162, %dma_wait3A_171, %dma_wait3A_172] : memref<2x128x128xf32, #tpu.memory_space<vmem>> -> memref<1x128x128xf32, #tpu.memory_space<vmem>>
    %dma_wait3A_174 = tpu.memref_squeeze %dma_wait3A_173 : memref<1x128x128xf32, #tpu.memory_space<vmem>> -> memref<128x128xf32, #tpu.memory_space<vmem>>
    tpu.wait_dma2 semaphore(%arg10 : memref<!tpu.dma_semaphore, #tpu.memory_space<semaphore_mem>>) src(%dma_wait3A_174 : memref<128x128xf32, #tpu.memory_space<vmem>>) dst(%dma_wait3A_170 : memref<128x128xf32, #tpu.memory_space<vmem_shared>>)
    %barrier3A = arith.constant 0 : index
    tpu.barrier barrier_id(%barrier3A)
    %add3A_175 = arith.constant 128 : i32
    %add3A_176 = arith.addi %mul3A_2, %add3A_175 : i32
    %min3A_177 = arith.constant 319872 : i32
    %min3A_178 = arith.minsi %add3A_176, %min3A_177 : i32
    %dma_start3A_179 = arith.constant 1 : i32
    %dma_start3A_180 = arith.constant 0 : i32
    %dma_start3A_181 = arith.constant 0 : i32
    %dma_start3A_182 = tpu.memref_slice %arg6[%dma_start3A_179, %dma_start3A_180, %dma_start3A_181] : memref<2x128x128xf32, #tpu.memory_space<vmem>> -> memref<1x128x128xf32, #tpu.memory_space<vmem>>
    %dma_start3A_183 = tpu.memref_squeeze %dma_start3A_182 : memref<1x128x128xf32, #tpu.memory_space<vmem>> -> memref<128x128xf32, #tpu.memory_space<vmem>>
    %dma_start3A_184 = arith.constant 0 : i32
    %dma_start3A_185 = tpu.memref_slice %arg2[%min3A_178, %dma_start3A_184] : memref<320000x128xf32, #tpu.memory_space<hbm>> -> memref<128x128xf32, #tpu.memory_space<hbm>>
    %dma_start3A_186 = arith.constant 0 : i32
    %dma_start3A_187 = arith.constant 0 : i32
    %dma_start3A_188 = tpu.memref_slice %arg6[%dma_start3A_179, %dma_start3A_186, %dma_start3A_187] : memref<2x128x128xf32, #tpu.memory_space<vmem>> -> memref<1x128x128xf32, #tpu.memory_space<vmem>>
    %dma_start3A_189 = tpu.memref_squeeze %dma_start3A_188 : memref<1x128x128xf32, #tpu.memory_space<vmem>> -> memref<128x128xf32, #tpu.memory_space<vmem>>
    %dma_start3A_190 = arith.constant 0 : i32
    %dma_start3A_191 = tpu.memref_slice %arg2[%min3A_178, %dma_start3A_190] : memref<320000x128xf32, #tpu.memory_space<hbm>> -> memref<128x128xf32, #tpu.memory_space<hbm>>
    tpu.enqueue_dma source(%dma_start3A_191 : memref<128x128xf32, #tpu.memory_space<hbm>>) target(%dma_start3A_189 : memref<128x128xf32, #tpu.memory_space<vmem>>) target_semaphore(%arg9 : memref<!tpu.dma_semaphore, #tpu.memory_space<semaphore_mem>>)
    %scan3A_192 = arith.constant 0 : i32
    %scan3A_193 = arith.constant 40 : i32
    %scan3A_194 = arith.addi %scan3A_192, %scan3A_193 : i32
    %scan3A_195 = arith.constant 1 : i32
    scf.for %scan3A_384 = %scan3A_192 to %scan3A_194 step %scan3A_195  : i32 {
      %mul3A_385 = arith.constant 1 : i32
      %mul3A_386 = arith.muli %scan3A_384, %mul3A_385 : i32
      %add3A_387 = arith.constant 0 : i32
      %add3A_388 = arith.addi %add3A_387, %mul3A_386 : i32
      %mul3A_389 = arith.constant 2 : i32
      %mul3A_390 = arith.muli %mul3A_389, %add3A_388 : i32
      %mul3A_391 = arith.constant 128 : i32
      %mul3A_392 = arith.muli %mul3A_390, %mul3A_391 : i32
      %add3A_393 = arith.addi %mul3A_2, %mul3A_392 : i32
      %min3A_394 = arith.constant 319872 : i32
      %min3A_395 = arith.minsi %add3A_393, %min3A_394 : i32
      %dma_wait3A_396 = arith.constant 0 : i32
      %dma_wait3A_397 = arith.constant 0 : i32
      %dma_wait3A_398 = arith.constant 0 : i32
      %dma_wait3A_399 = tpu.memref_slice %arg6[%dma_wait3A_396, %dma_wait3A_397, %dma_wait3A_398] : memref<2x128x128xf32, #tpu.memory_space<vmem>> -> memref<1x128x128xf32, #tpu.memory_space<vmem>>
      %dma_wait3A_400 = tpu.memref_squeeze %dma_wait3A_399 : memref<1x128x128xf32, #tpu.memory_space<vmem>> -> memref<128x128xf32, #tpu.memory_space<vmem>>
      %dma_wait3A_401 = arith.constant 0 : i32
      %dma_wait3A_402 = tpu.memref_slice %arg2[%min3A_395, %dma_wait3A_401] : memref<320000x128xf32, #tpu.memory_space<hbm>> -> memref<128x128xf32, #tpu.memory_space<hbm>>
      %dma_wait3A_403 = arith.constant 0 : i32
      %dma_wait3A_404 = arith.constant 0 : i32
      %dma_wait3A_405 = tpu.memref_slice %arg6[%dma_wait3A_396, %dma_wait3A_403, %dma_wait3A_404] : memref<2x128x128xf32, #tpu.memory_space<vmem>> -> memref<1x128x128xf32, #tpu.memory_space<vmem>>
      %dma_wait3A_406 = tpu.memref_squeeze %dma_wait3A_405 : memref<1x128x128xf32, #tpu.memory_space<vmem>> -> memref<128x128xf32, #tpu.memory_space<vmem>>
      %dma_wait3A_407 = arith.constant 0 : i32
      %dma_wait3A_408 = tpu.memref_slice %arg2[%min3A_395, %dma_wait3A_407] : memref<320000x128xf32, #tpu.memory_space<hbm>> -> memref<128x128xf32, #tpu.memory_space<hbm>>
      tpu.wait_dma2 semaphore(%arg8 : memref<!tpu.dma_semaphore, #tpu.memory_space<semaphore_mem>>) src(%dma_wait3A_408 : memref<128x128xf32, #tpu.memory_space<hbm>>) dst(%dma_wait3A_406 : memref<128x128xf32, #tpu.memory_space<vmem>>)
      %dma_start3A_409 = arith.constant 0 : i32
      %dma_start3A_410 = arith.constant 0 : i32
      %dma_start3A_411 = arith.constant 0 : i32
      %dma_start3A_412 = tpu.memref_slice %arg6[%dma_start3A_409, %dma_start3A_410, %dma_start3A_411] : memref<2x128x128xf32, #tpu.memory_space<vmem>> -> memref<1x128x128xf32, #tpu.memory_space<vmem>>
      %dma_start3A_413 = tpu.memref_squeeze %dma_start3A_412 : memref<1x128x128xf32, #tpu.memory_space<vmem>> -> memref<128x128xf32, #tpu.memory_space<vmem>>
      %dma_start3A_414 = arith.constant 0 : i32
      %dma_start3A_415 = tpu.memref_slice %arg5[%mul3A_390, %dma_start3A_414] : memref<80x128xi32, #tpu.memory_space<vmem>> -> memref<1x128xi32, #tpu.memory_space<vmem>>
      %dma_start3A_416 = tpu.memref_squeeze %dma_start3A_415 : memref<1x128xi32, #tpu.memory_space<vmem>> -> memref<128xi32, #tpu.memory_space<vmem>>
      %dma_start3A_417 = arith.constant 0 : i32
      %dma_start3A_418 = arith.constant 0 : i32
      %dma_start3A_419 = tpu.memref_slice %arg7[%dma_start3A_417, %dma_start3A_418] : memref<10240x128xf32, #tpu.memory_space<vmem_shared>> -> memref<10240x128xf32, #tpu.memory_space<vmem_shared>>
      tpu.enqueue_indirect_dma source(%dma_start3A_413 : memref<128x128xf32, #tpu.memory_space<vmem>>) target(%dma_start3A_419 : memref<10240x128xf32, #tpu.memory_space<vmem_shared>>) offsets(%dma_start3A_416 : memref<128xi32, #tpu.memory_space<vmem>>) semaphore(%arg10 : memref<!tpu.dma_semaphore, #tpu.memory_space<semaphore_mem>>) {add = true}
      %dma_wait3A_420 = arith.constant 0 : i32
      %dma_wait3A_421 = arith.constant 0 : i32
      %dma_wait3A_422 = arith.constant 0 : i32
      %dma_wait3A_423 = tpu.memref_slice %arg6[%dma_wait3A_420, %dma_wait3A_421, %dma_wait3A_422] : memref<2x128x128xf32, #tpu.memory_space<vmem>> -> memref<1x128x128xf32, #tpu.memory_space<vmem>>
      %dma_wait3A_424 = tpu.memref_squeeze %dma_wait3A_423 : memref<1x128x128xf32, #tpu.memory_space<vmem>> -> memref<128x128xf32, #tpu.memory_space<vmem>>
      %dma_wait3A_425 = arith.constant 0 : i32
      %dma_wait3A_426 = tpu.memref_slice %arg5[%mul3A_390, %dma_wait3A_425] : memref<80x128xi32, #tpu.memory_space<vmem>> -> memref<1x128xi32, #tpu.memory_space<vmem>>
      %dma_wait3A_427 = tpu.memref_squeeze %dma_wait3A_426 : memref<1x128xi32, #tpu.memory_space<vmem>> -> memref<128xi32, #tpu.memory_space<vmem>>
      %dma_wait3A_428 = arith.constant 0 : i32
      %dma_wait3A_429 = arith.constant 0 : i32
      %dma_wait3A_430 = tpu.memref_slice %arg7[%dma_wait3A_428, %dma_wait3A_429] : memref<10240x128xf32, #tpu.memory_space<vmem_shared>> -> memref<10240x128xf32, #tpu.memory_space<vmem_shared>>
      tpu.wait_indirect_dma semaphore(%arg10 : memref<!tpu.dma_semaphore, #tpu.memory_space<semaphore_mem>>) src(%dma_wait3A_424 : memref<128x128xf32, #tpu.memory_space<vmem>>) dst(%dma_wait3A_430 : memref<10240x128xf32, #tpu.memory_space<vmem_shared>>)
      %add3A_431 = arith.constant 2 : i32
      %add3A_432 = arith.addi %mul3A_390, %add3A_431 : i32
      %lt3A = arith.constant 80 : i32
      %lt3A_433 = arith.cmpi slt, %add3A_432, %lt3A : i32
      %convert_element_type3A = arith.extui %lt3A_433 : i1 to i32
      %cond3A = arith.constant 0 : i32
      %cond3A_434 = arith.cmpi ne, %convert_element_type3A, %cond3A : i32
      scf.if %cond3A_434 {
        %add3A_488 = arith.constant 2 : i32
        %add3A_489 = arith.addi %mul3A_390, %add3A_488 : i32
        %mul3A_490 = arith.constant 128 : i32
        %mul3A_491 = arith.muli %add3A_489, %mul3A_490 : i32
        %add3A_492 = arith.addi %mul3A_2, %mul3A_491 : i32
        %min3A_493 = arith.constant 319872 : i32
        %min3A_494 = arith.minsi %add3A_492, %min3A_493 : i32
        %dma_start3A_495 = arith.constant 0 : i32
        %dma_start3A_496 = arith.constant 0 : i32
        %dma_start3A_497 = arith.constant 0 : i32
        %dma_start3A_498 = tpu.memref_slice %arg6[%dma_start3A_495, %dma_start3A_496, %dma_start3A_497] : memref<2x128x128xf32, #tpu.memory_space<vmem>> -> memref<1x128x128xf32, #tpu.memory_space<vmem>>
        %dma_start3A_499 = tpu.memref_squeeze %dma_start3A_498 : memref<1x128x128xf32, #tpu.memory_space<vmem>> -> memref<128x128xf32, #tpu.memory_space<vmem>>
        %dma_start3A_500 = arith.constant 0 : i32
        %dma_start3A_501 = tpu.memref_slice %arg2[%min3A_494, %dma_start3A_500] : memref<320000x128xf32, #tpu.memory_space<hbm>> -> memref<128x128xf32, #tpu.memory_space<hbm>>
        %dma_start3A_502 = arith.constant 0 : i32
        %dma_start3A_503 = arith.constant 0 : i32
        %dma_start3A_504 = tpu.memref_slice %arg6[%dma_start3A_495, %dma_start3A_502, %dma_start3A_503] : memref<2x128x128xf32, #tpu.memory_space<vmem>> -> memref<1x128x128xf32, #tpu.memory_space<vmem>>
        %dma_start3A_505 = tpu.memref_squeeze %dma_start3A_504 : memref<1x128x128xf32, #tpu.memory_space<vmem>> -> memref<128x128xf32, #tpu.memory_space<vmem>>
        %dma_start3A_506 = arith.constant 0 : i32
        %dma_start3A_507 = tpu.memref_slice %arg2[%min3A_494, %dma_start3A_506] : memref<320000x128xf32, #tpu.memory_space<hbm>> -> memref<128x128xf32, #tpu.memory_space<hbm>>
        tpu.enqueue_dma source(%dma_start3A_507 : memref<128x128xf32, #tpu.memory_space<hbm>>) target(%dma_start3A_505 : memref<128x128xf32, #tpu.memory_space<vmem>>) target_semaphore(%arg8 : memref<!tpu.dma_semaphore, #tpu.memory_space<semaphore_mem>>)
      } else {
      }
      %add3A_435 = arith.constant 1 : i32
      %add3A_436 = arith.addi %mul3A_390, %add3A_435 : i32
      %mul3A_437 = arith.constant 128 : i32
      %mul3A_438 = arith.muli %add3A_436, %mul3A_437 : i32
      %add3A_439 = arith.addi %mul3A_2, %mul3A_438 : i32
      %min3A_440 = arith.constant 319872 : i32
      %min3A_441 = arith.minsi %add3A_439, %min3A_440 : i32
      %dma_wait3A_442 = arith.constant 1 : i32
      %dma_wait3A_443 = arith.constant 0 : i32
      %dma_wait3A_444 = arith.constant 0 : i32
      %dma_wait3A_445 = tpu.memref_slice %arg6[%dma_wait3A_442, %dma_wait3A_443, %dma_wait3A_444] : memref<2x128x128xf32, #tpu.memory_space<vmem>> -> memref<1x128x128xf32, #tpu.memory_space<vmem>>
      %dma_wait3A_446 = tpu.memref_squeeze %dma_wait3A_445 : memref<1x128x128xf32, #tpu.memory_space<vmem>> -> memref<128x128xf32, #tpu.memory_space<vmem>>
      %dma_wait3A_447 = arith.constant 0 : i32
      %dma_wait3A_448 = tpu.memref_slice %arg2[%min3A_441, %dma_wait3A_447] : memref<320000x128xf32, #tpu.memory_space<hbm>> -> memref<128x128xf32, #tpu.memory_space<hbm>>
      %dma_wait3A_449 = arith.constant 0 : i32
      %dma_wait3A_450 = arith.constant 0 : i32
      %dma_wait3A_451 = tpu.memref_slice %arg6[%dma_wait3A_442, %dma_wait3A_449, %dma_wait3A_450] : memref<2x128x128xf32, #tpu.memory_space<vmem>> -> memref<1x128x128xf32, #tpu.memory_space<vmem>>
      %dma_wait3A_452 = tpu.memref_squeeze %dma_wait3A_451 : memref<1x128x128xf32, #tpu.memory_space<vmem>> -> memref<128x128xf32, #tpu.memory_space<vmem>>
      %dma_wait3A_453 = arith.constant 0 : i32
      %dma_wait3A_454 = tpu.memref_slice %arg2[%min3A_441, %dma_wait3A_453] : memref<320000x128xf32, #tpu.memory_space<hbm>> -> memref<128x128xf32, #tpu.memory_space<hbm>>
      tpu.wait_dma2 semaphore(%arg9 : memref<!tpu.dma_semaphore, #tpu.memory_space<semaphore_mem>>) src(%dma_wait3A_454 : memref<128x128xf32, #tpu.memory_space<hbm>>) dst(%dma_wait3A_452 : memref<128x128xf32, #tpu.memory_space<vmem>>)
      %add3A_455 = arith.constant 1 : i32
      %add3A_456 = arith.addi %mul3A_390, %add3A_455 : i32
      %dma_start3A_457 = arith.constant 1 : i32
      %dma_start3A_458 = arith.constant 0 : i32
      %dma_start3A_459 = arith.constant 0 : i32
      %dma_start3A_460 = tpu.memref_slice %arg6[%dma_start3A_457, %dma_start3A_458, %dma_start3A_459] : memref<2x128x128xf32, #tpu.memory_space<vmem>> -> memref<1x128x128xf32, #tpu.memory_space<vmem>>
      %dma_start3A_461 = tpu.memref_squeeze %dma_start3A_460 : memref<1x128x128xf32, #tpu.memory_space<vmem>> -> memref<128x128xf32, #tpu.memory_space<vmem>>
      %dma_start3A_462 = arith.constant 0 : i32
      %dma_start3A_463 = tpu.memref_slice %arg5[%add3A_456, %dma_start3A_462] : memref<80x128xi32, #tpu.memory_space<vmem>> -> memref<1x128xi32, #tpu.memory_space<vmem>>
      %dma_start3A_464 = tpu.memref_squeeze %dma_start3A_463 : memref<1x128xi32, #tpu.memory_space<vmem>> -> memref<128xi32, #tpu.memory_space<vmem>>
      %dma_start3A_465 = arith.constant 0 : i32
      %dma_start3A_466 = arith.constant 0 : i32
      %dma_start3A_467 = tpu.memref_slice %arg7[%dma_start3A_465, %dma_start3A_466] : memref<10240x128xf32, #tpu.memory_space<vmem_shared>> -> memref<10240x128xf32, #tpu.memory_space<vmem_shared>>
      tpu.enqueue_indirect_dma source(%dma_start3A_461 : memref<128x128xf32, #tpu.memory_space<vmem>>) target(%dma_start3A_467 : memref<10240x128xf32, #tpu.memory_space<vmem_shared>>) offsets(%dma_start3A_464 : memref<128xi32, #tpu.memory_space<vmem>>) semaphore(%arg11 : memref<!tpu.dma_semaphore, #tpu.memory_space<semaphore_mem>>) {add = true}
      %add3A_468 = arith.constant 1 : i32
      %add3A_469 = arith.addi %mul3A_390, %add3A_468 : i32
      %dma_wait3A_470 = arith.constant 1 : i32
      %dma_wait3A_471 = arith.constant 0 : i32
      %dma_wait3A_472 = arith.constant 0 : i32
      %dma_wait3A_473 = tpu.memref_slice %arg6[%dma_wait3A_470, %dma_wait3A_471, %dma_wait3A_472] : memref<2x128x128xf32, #tpu.memory_space<vmem>> -> memref<1x128x128xf32, #tpu.memory_space<vmem>>
      %dma_wait3A_474 = tpu.memref_squeeze %dma_wait3A_473 : memref<1x128x128xf32, #tpu.memory_space<vmem>> -> memref<128x128xf32, #tpu.memory_space<vmem>>
      %dma_wait3A_475 = arith.constant 0 : i32
      %dma_wait3A_476 = tpu.memref_slice %arg5[%add3A_469, %dma_wait3A_475] : memref<80x128xi32, #tpu.memory_space<vmem>> -> memref<1x128xi32, #tpu.memory_space<vmem>>
      %dma_wait3A_477 = tpu.memref_squeeze %dma_wait3A_476 : memref<1x128xi32, #tpu.memory_space<vmem>> -> memref<128xi32, #tpu.memory_space<vmem>>
      %dma_wait3A_478 = arith.constant 0 : i32
      %dma_wait3A_479 = arith.constant 0 : i32
      %dma_wait3A_480 = tpu.memref_slice %arg7[%dma_wait3A_478, %dma_wait3A_479] : memref<10240x128xf32, #tpu.memory_space<vmem_shared>> -> memref<10240x128xf32, #tpu.memory_space<vmem_shared>>
      tpu.wait_indirect_dma semaphore(%arg11 : memref<!tpu.dma_semaphore, #tpu.memory_space<semaphore_mem>>) src(%dma_wait3A_474 : memref<128x128xf32, #tpu.memory_space<vmem>>) dst(%dma_wait3A_480 : memref<10240x128xf32, #tpu.memory_space<vmem_shared>>)
      %add3A_481 = arith.constant 3 : i32
      %add3A_482 = arith.addi %mul3A_390, %add3A_481 : i32
      %lt3A_483 = arith.constant 80 : i32
      %lt3A_484 = arith.cmpi slt, %add3A_482, %lt3A_483 : i32
      %convert_element_type3A_485 = arith.extui %lt3A_484 : i1 to i32
      %cond3A_486 = arith.constant 0 : i32
      %cond3A_487 = arith.cmpi ne, %convert_element_type3A_485, %cond3A_486 : i32
      scf.if %cond3A_487 {
        %add3A_488 = arith.constant 3 : i32
        %add3A_489 = arith.addi %mul3A_390, %add3A_488 : i32
        %mul3A_490 = arith.constant 128 : i32
        %mul3A_491 = arith.muli %add3A_489, %mul3A_490 : i32
        %add3A_492 = arith.addi %mul3A_2, %mul3A_491 : i32
        %min3A_493 = arith.constant 319872 : i32
        %min3A_494 = arith.minsi %add3A_492, %min3A_493 : i32
        %dma_start3A_495 = arith.constant 1 : i32
        %dma_start3A_496 = arith.constant 0 : i32
        %dma_start3A_497 = arith.constant 0 : i32
        %dma_start3A_498 = tpu.memref_slice %arg6[%dma_start3A_495, %dma_start3A_496, %dma_start3A_497] : memref<2x128x128xf32, #tpu.memory_space<vmem>> -> memref<1x128x128xf32, #tpu.memory_space<vmem>>
        %dma_start3A_499 = tpu.memref_squeeze %dma_start3A_498 : memref<1x128x128xf32, #tpu.memory_space<vmem>> -> memref<128x128xf32, #tpu.memory_space<vmem>>
        %dma_start3A_500 = arith.constant 0 : i32
        %dma_start3A_501 = tpu.memref_slice %arg2[%min3A_494, %dma_start3A_500] : memref<320000x128xf32, #tpu.memory_space<hbm>> -> memref<128x128xf32, #tpu.memory_space<hbm>>
        %dma_start3A_502 = arith.constant 0 : i32
        %dma_start3A_503 = arith.constant 0 : i32
        %dma_start3A_504 = tpu.memref_slice %arg6[%dma_start3A_495, %dma_start3A_502, %dma_start3A_503] : memref<2x128x128xf32, #tpu.memory_space<vmem>> -> memref<1x128x128xf32, #tpu.memory_space<vmem>>
        %dma_start3A_505 = tpu.memref_squeeze %dma_start3A_504 : memref<1x128x128xf32, #tpu.memory_space<vmem>> -> memref<128x128xf32, #tpu.memory_space<vmem>>
        %dma_start3A_506 = arith.constant 0 : i32
        %dma_start3A_507 = tpu.memref_slice %arg2[%min3A_494, %dma_start3A_506] : memref<320000x128xf32, #tpu.memory_space<hbm>> -> memref<128x128xf32, #tpu.memory_space<hbm>>
        tpu.enqueue_dma source(%dma_start3A_507 : memref<128x128xf32, #tpu.memory_space<hbm>>) target(%dma_start3A_505 : memref<128x128xf32, #tpu.memory_space<vmem>>) target_semaphore(%arg9 : memref<!tpu.dma_semaphore, #tpu.memory_space<semaphore_mem>>)
      } else {
      }
    }
    %scan3A_196 = arith.constant 40 : i32
    %barrier3A_197 = arith.constant 0 : index
    tpu.barrier barrier_id(%barrier3A_197)
    %mul3A_198 = arith.constant 640 : i32
    %mul3A_199 = arith.muli %arg1, %mul3A_198 : i32
    %add3A_200 = arith.constant 0 : i32
    %add3A_201 = arith.addi %mul3A_199, %add3A_200 : i32
    %run_scoped3A = arith.constant 0 : i32
    "tpu.region"() ({
      %run_scoped3A_384 = tpu.sem_alloc : memref<!tpu.dma_semaphore, #tpu.memory_space<semaphore_mem>>
      %dma_start3A_385 = arith.constant 0 : i32
      %dma_start3A_386 = arith.constant 0 : i32
      %dma_start3A_387 = tpu.memref_slice %arg6[%run_scoped3A, %dma_start3A_385, %dma_start3A_386] : memref<2x128x128xf32, #tpu.memory_space<vmem>> -> memref<1x128x128xf32, #tpu.memory_space<vmem>>
      %dma_start3A_388 = tpu.memref_squeeze %dma_start3A_387 : memref<1x128x128xf32, #tpu.memory_space<vmem>> -> memref<128x128xf32, #tpu.memory_space<vmem>>
      %dma_start3A_389 = arith.constant 0 : i32
      %dma_start3A_390 = tpu.memref_slice %arg7[%add3A_201, %dma_start3A_389] : memref<10240x128xf32, #tpu.memory_space<vmem_shared>> -> memref<128x128xf32, #tpu.memory_space<vmem_shared>>
      %dma_start3A_391 = arith.constant 0 : i32
      %dma_start3A_392 = arith.constant 0 : i32
      %dma_start3A_393 = tpu.memref_slice %arg6[%run_scoped3A, %dma_start3A_391, %dma_start3A_392] : memref<2x128x128xf32, #tpu.memory_space<vmem>> -> memref<1x128x128xf32, #tpu.memory_space<vmem>>
      %dma_start3A_394 = tpu.memref_squeeze %dma_start3A_393 : memref<1x128x128xf32, #tpu.memory_space<vmem>> -> memref<128x128xf32, #tpu.memory_space<vmem>>
      %dma_start3A_395 = arith.constant 0 : i32
      %dma_start3A_396 = tpu.memref_slice %arg7[%add3A_201, %dma_start3A_395] : memref<10240x128xf32, #tpu.memory_space<vmem_shared>> -> memref<128x128xf32, #tpu.memory_space<vmem_shared>>
      tpu.enqueue_dma source(%dma_start3A_396 : memref<128x128xf32, #tpu.memory_space<vmem_shared>>) target(%dma_start3A_394 : memref<128x128xf32, #tpu.memory_space<vmem>>) target_semaphore(%run_scoped3A_384 : memref<!tpu.dma_semaphore, #tpu.memory_space<semaphore_mem>>)
      %dma_wait3A_397 = arith.constant 0 : i32
      %dma_wait3A_398 = arith.constant 0 : i32
      %dma_wait3A_399 = tpu.memref_slice %arg6[%run_scoped3A, %dma_wait3A_397, %dma_wait3A_398] : memref<2x128x128xf32, #tpu.memory_space<vmem>> -> memref<1x128x128xf32, #tpu.memory_space<vmem>>
      %dma_wait3A_400 = tpu.memref_squeeze %dma_wait3A_399 : memref<1x128x128xf32, #tpu.memory_space<vmem>> -> memref<128x128xf32, #tpu.memory_space<vmem>>
      %dma_wait3A_401 = arith.constant 0 : i32
      %dma_wait3A_402 = tpu.memref_slice %arg7[%add3A_201, %dma_wait3A_401] : memref<10240x128xf32, #tpu.memory_space<vmem_shared>> -> memref<128x128xf32, #tpu.memory_space<vmem_shared>>
      %dma_wait3A_403 = arith.constant 0 : i32
      %dma_wait3A_404 = arith.constant 0 : i32
      %dma_wait3A_405 = tpu.memref_slice %arg6[%run_scoped3A, %dma_wait3A_403, %dma_wait3A_404] : memref<2x128x128xf32, #tpu.memory_space<vmem>> -> memref<1x128x128xf32, #tpu.memory_space<vmem>>
      %dma_wait3A_406 = tpu.memref_squeeze %dma_wait3A_405 : memref<1x128x128xf32, #tpu.memory_space<vmem>> -> memref<128x128xf32, #tpu.memory_space<vmem>>
      %dma_wait3A_407 = arith.constant 0 : i32
      %dma_wait3A_408 = tpu.memref_slice %arg7[%add3A_201, %dma_wait3A_407] : memref<10240x128xf32, #tpu.memory_space<vmem_shared>> -> memref<128x128xf32, #tpu.memory_space<vmem_shared>>
      tpu.wait_dma2 semaphore(%run_scoped3A_384 : memref<!tpu.dma_semaphore, #tpu.memory_space<semaphore_mem>>) src(%dma_wait3A_408 : memref<128x128xf32, #tpu.memory_space<vmem_shared>>) dst(%dma_wait3A_406 : memref<128x128xf32, #tpu.memory_space<vmem>>)
      tpu.yield
    }) : () -> ()
    %add3A_202 = arith.constant 0 : i32
    %add3A_203 = arith.addi %mul3A_199, %add3A_202 : i32
    %dma_start3A_204 = arith.constant 0 : i32
    %dma_start3A_205 = arith.constant 0 : i32
    %dma_start3A_206 = arith.constant 0 : i32
    %dma_start3A_207 = tpu.memref_slice %arg6[%dma_start3A_204, %dma_start3A_205, %dma_start3A_206] : memref<2x128x128xf32, #tpu.memory_space<vmem>> -> memref<1x128x128xf32, #tpu.memory_space<vmem>>
    %dma_start3A_208 = tpu.memref_squeeze %dma_start3A_207 : memref<1x128x128xf32, #tpu.memory_space<vmem>> -> memref<128x128xf32, #tpu.memory_space<vmem>>
    %dma_start3A_209 = arith.constant 0 : i32
    %dma_start3A_210 = tpu.memref_slice %arg4[%arg0, %add3A_203, %dma_start3A_209] : memref<2x10240x128xf32, #tpu.memory_space<hbm>> -> memref<1x128x128xf32, #tpu.memory_space<hbm>>
    %dma_start3A_211 = tpu.memref_squeeze %dma_start3A_210 : memref<1x128x128xf32, #tpu.memory_space<hbm>> -> memref<128x128xf32, #tpu.memory_space<hbm>>
    %dma_start3A_212 = arith.constant 0 : i32
    %dma_start3A_213 = tpu.memref_slice %arg4[%arg0, %add3A_203, %dma_start3A_212] : memref<2x10240x128xf32, #tpu.memory_space<hbm>> -> memref<1x128x128xf32, #tpu.memory_space<hbm>>
    %dma_start3A_214 = tpu.memref_squeeze %dma_start3A_213 : memref<1x128x128xf32, #tpu.memory_space<hbm>> -> memref<128x128xf32, #tpu.memory_space<hbm>>
    %dma_start3A_215 = arith.constant 0 : i32
    %dma_start3A_216 = arith.constant 0 : i32
    %dma_start3A_217 = tpu.memref_slice %arg6[%dma_start3A_204, %dma_start3A_215, %dma_start3A_216] : memref<2x128x128xf32, #tpu.memory_space<vmem>> -> memref<1x128x128xf32, #tpu.memory_space<vmem>>
    %dma_start3A_218 = tpu.memref_squeeze %dma_start3A_217 : memref<1x128x128xf32, #tpu.memory_space<vmem>> -> memref<128x128xf32, #tpu.memory_space<vmem>>
    tpu.enqueue_dma source(%dma_start3A_218 : memref<128x128xf32, #tpu.memory_space<vmem>>) target(%dma_start3A_214 : memref<128x128xf32, #tpu.memory_space<hbm>>) target_semaphore(%arg8 : memref<!tpu.dma_semaphore, #tpu.memory_space<semaphore_mem>>)
    %add3A_219 = arith.constant 128 : i32
    %add3A_220 = arith.addi %mul3A_199, %add3A_219 : i32
    %run_scoped3A_221 = arith.constant 1 : i32
    "tpu.region"() ({
      %run_scoped3A_384 = tpu.sem_alloc : memref<!tpu.dma_semaphore, #tpu.memory_space<semaphore_mem>>
      %dma_start3A_385 = arith.constant 0 : i32
      %dma_start3A_386 = arith.constant 0 : i32
      %dma_start3A_387 = tpu.memref_slice %arg6[%run_scoped3A_221, %dma_start3A_385, %dma_start3A_386] : memref<2x128x128xf32, #tpu.memory_space<vmem>> -> memref<1x128x128xf32, #tpu.memory_space<vmem>>
      %dma_start3A_388 = tpu.memref_squeeze %dma_start3A_387 : memref<1x128x128xf32, #tpu.memory_space<vmem>> -> memref<128x128xf32, #tpu.memory_space<vmem>>
      %dma_start3A_389 = arith.constant 0 : i32
      %dma_start3A_390 = tpu.memref_slice %arg7[%add3A_220, %dma_start3A_389] : memref<10240x128xf32, #tpu.memory_space<vmem_shared>> -> memref<128x128xf32, #tpu.memory_space<vmem_shared>>
      %dma_start3A_391 = arith.constant 0 : i32
      %dma_start3A_392 = arith.constant 0 : i32
      %dma_start3A_393 = tpu.memref_slice %arg6[%run_scoped3A_221, %dma_start3A_391, %dma_start3A_392] : memref<2x128x128xf32, #tpu.memory_space<vmem>> -> memref<1x128x128xf32, #tpu.memory_space<vmem>>
      %dma_start3A_394 = tpu.memref_squeeze %dma_start3A_393 : memref<1x128x128xf32, #tpu.memory_space<vmem>> -> memref<128x128xf32, #tpu.memory_space<vmem>>
      %dma_start3A_395 = arith.constant 0 : i32
      %dma_start3A_396 = tpu.memref_slice %arg7[%add3A_220, %dma_start3A_395] : memref<10240x128xf32, #tpu.memory_space<vmem_shared>> -> memref<128x128xf32, #tpu.memory_space<vmem_shared>>
      tpu.enqueue_dma source(%dma_start3A_396 : memref<128x128xf32, #tpu.memory_space<vmem_shared>>) target(%dma_start3A_394 : memref<128x128xf32, #tpu.memory_space<vmem>>) target_semaphore(%run_scoped3A_384 : memref<!tpu.dma_semaphore, #tpu.memory_space<semaphore_mem>>)
      %dma_wait3A_397 = arith.constant 0 : i32
      %dma_wait3A_398 = arith.constant 0 : i32
      %dma_wait3A_399 = tpu.memref_slice %arg6[%run_scoped3A_221, %dma_wait3A_397, %dma_wait3A_398] : memref<2x128x128xf32, #tpu.memory_space<vmem>> -> memref<1x128x128xf32, #tpu.memory_space<vmem>>
      %dma_wait3A_400 = tpu.memref_squeeze %dma_wait3A_399 : memref<1x128x128xf32, #tpu.memory_space<vmem>> -> memref<128x128xf32, #tpu.memory_space<vmem>>
      %dma_wait3A_401 = arith.constant 0 : i32
      %dma_wait3A_402 = tpu.memref_slice %arg7[%add3A_220, %dma_wait3A_401] : memref<10240x128xf32, #tpu.memory_space<vmem_shared>> -> memref<128x128xf32, #tpu.memory_space<vmem_shared>>
      %dma_wait3A_403 = arith.constant 0 : i32
      %dma_wait3A_404 = arith.constant 0 : i32
      %dma_wait3A_405 = tpu.memref_slice %arg6[%run_scoped3A_221, %dma_wait3A_403, %dma_wait3A_404] : memref<2x128x128xf32, #tpu.memory_space<vmem>> -> memref<1x128x128xf32, #tpu.memory_space<vmem>>
      %dma_wait3A_406 = tpu.memref_squeeze %dma_wait3A_405 : memref<1x128x128xf32, #tpu.memory_space<vmem>> -> memref<128x128xf32, #tpu.memory_space<vmem>>
      %dma_wait3A_407 = arith.constant 0 : i32
      %dma_wait3A_408 = tpu.memref_slice %arg7[%add3A_220, %dma_wait3A_407] : memref<10240x128xf32, #tpu.memory_space<vmem_shared>> -> memref<128x128xf32, #tpu.memory_space<vmem_shared>>
      tpu.wait_dma2 semaphore(%run_scoped3A_384 : memref<!tpu.dma_semaphore, #tpu.memory_space<semaphore_mem>>) src(%dma_wait3A_408 : memref<128x128xf32, #tpu.memory_space<vmem_shared>>) dst(%dma_wait3A_406 : memref<128x128xf32, #tpu.memory_space<vmem>>)
      tpu.yield
    }) : () -> ()
    %add3A_222 = arith.constant 128 : i32
    %add3A_223 = arith.addi %mul3A_199, %add3A_222 : i32
    %dma_start3A_224 = arith.constant 1 : i32
    %dma_start3A_225 = arith.constant 0 : i32
    %dma_start3A_226 = arith.constant 0 : i32
    %dma_start3A_227 = tpu.memref_slice %arg6[%dma_start3A_224, %dma_start3A_225, %dma_start3A_226] : memref<2x128x128xf32, #tpu.memory_space<vmem>> -> memref<1x128x128xf32, #tpu.memory_space<vmem>>
    %dma_start3A_228 = tpu.memref_squeeze %dma_start3A_227 : memref<1x128x128xf32, #tpu.memory_space<vmem>> -> memref<128x128xf32, #tpu.memory_space<vmem>>
    %dma_start3A_229 = arith.constant 0 : i32
    %dma_start3A_230 = tpu.memref_slice %arg4[%arg0, %add3A_223, %dma_start3A_229] : memref<2x10240x128xf32, #tpu.memory_space<hbm>> -> memref<1x128x128xf32, #tpu.memory_space<hbm>>
    %dma_start3A_231 = tpu.memref_squeeze %dma_start3A_230 : memref<1x128x128xf32, #tpu.memory_space<hbm>> -> memref<128x128xf32, #tpu.memory_space<hbm>>
    %dma_start3A_232 = arith.constant 0 : i32
    %dma_start3A_233 = tpu.memref_slice %arg4[%arg0, %add3A_223, %dma_start3A_232] : memref<2x10240x128xf32, #tpu.memory_space<hbm>> -> memref<1x128x128xf32, #tpu.memory_space<hbm>>
    %dma_start3A_234 = tpu.memref_squeeze %dma_start3A_233 : memref<1x128x128xf32, #tpu.memory_space<hbm>> -> memref<128x128xf32, #tpu.memory_space<hbm>>
    %dma_start3A_235 = arith.constant 0 : i32
    %dma_start3A_236 = arith.constant 0 : i32
    %dma_start3A_237 = tpu.memref_slice %arg6[%dma_start3A_224, %dma_start3A_235, %dma_start3A_236] : memref<2x128x128xf32, #tpu.memory_space<vmem>> -> memref<1x128x128xf32, #tpu.memory_space<vmem>>
    %dma_start3A_238 = tpu.memref_squeeze %dma_start3A_237 : memref<1x128x128xf32, #tpu.memory_space<vmem>> -> memref<128x128xf32, #tpu.memory_space<vmem>>
    tpu.enqueue_dma source(%dma_start3A_238 : memref<128x128xf32, #tpu.memory_space<vmem>>) target(%dma_start3A_234 : memref<128x128xf32, #tpu.memory_space<hbm>>) target_semaphore(%arg9 : memref<!tpu.dma_semaphore, #tpu.memory_space<semaphore_mem>>)
    %add3A_239 = arith.constant 0 : i32
    %add3A_240 = arith.addi %mul3A_199, %add3A_239 : i32
    %dma_wait3A_241 = arith.constant 0 : i32
    %dma_wait3A_242 = arith.constant 0 : i32
    %dma_wait3A_243 = arith.constant 0 : i32
    %dma_wait3A_244 = tpu.memref_slice %arg6[%dma_wait3A_241, %dma_wait3A_242, %dma_wait3A_243] : memref<2x128x128xf32, #tpu.memory_space<vmem>> -> memref<1x128x128xf32, #tpu.memory_space<vmem>>
    %dma_wait3A_245 = tpu.memref_squeeze %dma_wait3A_244 : memref<1x128x128xf32, #tpu.memory_space<vmem>> -> memref<128x128xf32, #tpu.memory_space<vmem>>
    %dma_wait3A_246 = arith.constant 0 : i32
    %dma_wait3A_247 = tpu.memref_slice %arg4[%arg0, %add3A_240, %dma_wait3A_246] : memref<2x10240x128xf32, #tpu.memory_space<hbm>> -> memref<1x128x128xf32, #tpu.memory_space<hbm>>
    %dma_wait3A_248 = tpu.memref_squeeze %dma_wait3A_247 : memref<1x128x128xf32, #tpu.memory_space<hbm>> -> memref<128x128xf32, #tpu.memory_space<hbm>>
    %dma_wait3A_249 = arith.constant 0 : i32
    %dma_wait3A_250 = tpu.memref_slice %arg4[%arg0, %add3A_240, %dma_wait3A_249] : memref<2x10240x128xf32, #tpu.memory_space<hbm>> -> memref<1x128x128xf32, #tpu.memory_space<hbm>>
    %dma_wait3A_251 = tpu.memref_squeeze %dma_wait3A_250 : memref<1x128x128xf32, #tpu.memory_space<hbm>> -> memref<128x128xf32, #tpu.memory_space<hbm>>
    %dma_wait3A_252 = arith.constant 0 : i32
    %dma_wait3A_253 = arith.constant 0 : i32
    %dma_wait3A_254 = tpu.memref_slice %arg6[%dma_wait3A_241, %dma_wait3A_252, %dma_wait3A_253] : memref<2x128x128xf32, #tpu.memory_space<vmem>> -> memref<1x128x128xf32, #tpu.memory_space<vmem>>
    %dma_wait3A_255 = tpu.memref_squeeze %dma_wait3A_254 : memref<1x128x128xf32, #tpu.memory_space<vmem>> -> memref<128x128xf32, #tpu.memory_space<vmem>>
    tpu.wait_dma2 semaphore(%arg8 : memref<!tpu.dma_semaphore, #tpu.memory_space<semaphore_mem>>) src(%dma_wait3A_255 : memref<128x128xf32, #tpu.memory_space<vmem>>) dst(%dma_wait3A_251 : memref<128x128xf32, #tpu.memory_space<hbm>>)
    %add3A_256 = arith.constant 256 : i32
    %add3A_257 = arith.addi %mul3A_199, %add3A_256 : i32
    %run_scoped3A_258 = arith.constant 0 : i32
    "tpu.region"() ({
      %run_scoped3A_384 = tpu.sem_alloc : memref<!tpu.dma_semaphore, #tpu.memory_space<semaphore_mem>>
      %dma_start3A_385 = arith.constant 0 : i32
      %dma_start3A_386 = arith.constant 0 : i32
      %dma_start3A_387 = tpu.memref_slice %arg6[%run_scoped3A_258, %dma_start3A_385, %dma_start3A_386] : memref<2x128x128xf32, #tpu.memory_space<vmem>> -> memref<1x128x128xf32, #tpu.memory_space<vmem>>
      %dma_start3A_388 = tpu.memref_squeeze %dma_start3A_387 : memref<1x128x128xf32, #tpu.memory_space<vmem>> -> memref<128x128xf32, #tpu.memory_space<vmem>>
      %dma_start3A_389 = arith.constant 0 : i32
      %dma_start3A_390 = tpu.memref_slice %arg7[%add3A_257, %dma_start3A_389] : memref<10240x128xf32, #tpu.memory_space<vmem_shared>> -> memref<128x128xf32, #tpu.memory_space<vmem_shared>>
      %dma_start3A_391 = arith.constant 0 : i32
      %dma_start3A_392 = arith.constant 0 : i32
      %dma_start3A_393 = tpu.memref_slice %arg6[%run_scoped3A_258, %dma_start3A_391, %dma_start3A_392] : memref<2x128x128xf32, #tpu.memory_space<vmem>> -> memref<1x128x128xf32, #tpu.memory_space<vmem>>
      %dma_start3A_394 = tpu.memref_squeeze %dma_start3A_393 : memref<1x128x128xf32, #tpu.memory_space<vmem>> -> memref<128x128xf32, #tpu.memory_space<vmem>>
      %dma_start3A_395 = arith.constant 0 : i32
      %dma_start3A_396 = tpu.memref_slice %arg7[%add3A_257, %dma_start3A_395] : memref<10240x128xf32, #tpu.memory_space<vmem_shared>> -> memref<128x128xf32, #tpu.memory_space<vmem_shared>>
      tpu.enqueue_dma source(%dma_start3A_396 : memref<128x128xf32, #tpu.memory_space<vmem_shared>>) target(%dma_start3A_394 : memref<128x128xf32, #tpu.memory_space<vmem>>) target_semaphore(%run_scoped3A_384 : memref<!tpu.dma_semaphore, #tpu.memory_space<semaphore_mem>>)
      %dma_wait3A_397 = arith.constant 0 : i32
      %dma_wait3A_398 = arith.constant 0 : i32
      %dma_wait3A_399 = tpu.memref_slice %arg6[%run_scoped3A_258, %dma_wait3A_397, %dma_wait3A_398] : memref<2x128x128xf32, #tpu.memory_space<vmem>> -> memref<1x128x128xf32, #tpu.memory_space<vmem>>
      %dma_wait3A_400 = tpu.memref_squeeze %dma_wait3A_399 : memref<1x128x128xf32, #tpu.memory_space<vmem>> -> memref<128x128xf32, #tpu.memory_space<vmem>>
      %dma_wait3A_401 = arith.constant 0 : i32
      %dma_wait3A_402 = tpu.memref_slice %arg7[%add3A_257, %dma_wait3A_401] : memref<10240x128xf32, #tpu.memory_space<vmem_shared>> -> memref<128x128xf32, #tpu.memory_space<vmem_shared>>
      %dma_wait3A_403 = arith.constant 0 : i32
      %dma_wait3A_404 = arith.constant 0 : i32
      %dma_wait3A_405 = tpu.memref_slice %arg6[%run_scoped3A_258, %dma_wait3A_403, %dma_wait3A_404] : memref<2x128x128xf32, #tpu.memory_space<vmem>> -> memref<1x128x128xf32, #tpu.memory_space<vmem>>
      %dma_wait3A_406 = tpu.memref_squeeze %dma_wait3A_405 : memref<1x128x128xf32, #tpu.memory_space<vmem>> -> memref<128x128xf32, #tpu.memory_space<vmem>>
      %dma_wait3A_407 = arith.constant 0 : i32
      %dma_wait3A_408 = tpu.memref_slice %arg7[%add3A_257, %dma_wait3A_407] : memref<10240x128xf32, #tpu.memory_space<vmem_shared>> -> memref<128x128xf32, #tpu.memory_space<vmem_shared>>
      tpu.wait_dma2 semaphore(%run_scoped3A_384 : memref<!tpu.dma_semaphore, #tpu.memory_space<semaphore_mem>>) src(%dma_wait3A_408 : memref<128x128xf32, #tpu.memory_space<vmem_shared>>) dst(%dma_wait3A_406 : memref<128x128xf32, #tpu.memory_space<vmem>>)
      tpu.yield
    }) : () -> ()
    %add3A_259 = arith.constant 256 : i32
    %add3A_260 = arith.addi %mul3A_199, %add3A_259 : i32
    %dma_start3A_261 = arith.constant 0 : i32
    %dma_start3A_262 = arith.constant 0 : i32
    %dma_start3A_263 = arith.constant 0 : i32
    %dma_start3A_264 = tpu.memref_slice %arg6[%dma_start3A_261, %dma_start3A_262, %dma_start3A_263] : memref<2x128x128xf32, #tpu.memory_space<vmem>> -> memref<1x128x128xf32, #tpu.memory_space<vmem>>
    %dma_start3A_265 = tpu.memref_squeeze %dma_start3A_264 : memref<1x128x128xf32, #tpu.memory_space<vmem>> -> memref<128x128xf32, #tpu.memory_space<vmem>>
    %dma_start3A_266 = arith.constant 0 : i32
    %dma_start3A_267 = tpu.memref_slice %arg4[%arg0, %add3A_260, %dma_start3A_266] : memref<2x10240x128xf32, #tpu.memory_space<hbm>> -> memref<1x128x128xf32, #tpu.memory_space<hbm>>
    %dma_start3A_268 = tpu.memref_squeeze %dma_start3A_267 : memref<1x128x128xf32, #tpu.memory_space<hbm>> -> memref<128x128xf32, #tpu.memory_space<hbm>>
    %dma_start3A_269 = arith.constant 0 : i32
    %dma_start3A_270 = tpu.memref_slice %arg4[%arg0, %add3A_260, %dma_start3A_269] : memref<2x10240x128xf32, #tpu.memory_space<hbm>> -> memref<1x128x128xf32, #tpu.memory_space<hbm>>
    %dma_start3A_271 = tpu.memref_squeeze %dma_start3A_270 : memref<1x128x128xf32, #tpu.memory_space<hbm>> -> memref<128x128xf32, #tpu.memory_space<hbm>>
    %dma_start3A_272 = arith.constant 0 : i32
    %dma_start3A_273 = arith.constant 0 : i32
    %dma_start3A_274 = tpu.memref_slice %arg6[%dma_start3A_261, %dma_start3A_272, %dma_start3A_273] : memref<2x128x128xf32, #tpu.memory_space<vmem>> -> memref<1x128x128xf32, #tpu.memory_space<vmem>>
    %dma_start3A_275 = tpu.memref_squeeze %dma_start3A_274 : memref<1x128x128xf32, #tpu.memory_space<vmem>> -> memref<128x128xf32, #tpu.memory_space<vmem>>
    tpu.enqueue_dma source(%dma_start3A_275 : memref<128x128xf32, #tpu.memory_space<vmem>>) target(%dma_start3A_271 : memref<128x128xf32, #tpu.memory_space<hbm>>) target_semaphore(%arg8 : memref<!tpu.dma_semaphore, #tpu.memory_space<semaphore_mem>>)
    %add3A_276 = arith.constant 128 : i32
    %add3A_277 = arith.addi %mul3A_199, %add3A_276 : i32
    %dma_wait3A_278 = arith.constant 1 : i32
    %dma_wait3A_279 = arith.constant 0 : i32
    %dma_wait3A_280 = arith.constant 0 : i32
    %dma_wait3A_281 = tpu.memref_slice %arg6[%dma_wait3A_278, %dma_wait3A_279, %dma_wait3A_280] : memref<2x128x128xf32, #tpu.memory_space<vmem>> -> memref<1x128x128xf32, #tpu.memory_space<vmem>>
    %dma_wait3A_282 = tpu.memref_squeeze %dma_wait3A_281 : memref<1x128x128xf32, #tpu.memory_space<vmem>> -> memref<128x128xf32, #tpu.memory_space<vmem>>
    %dma_wait3A_283 = arith.constant 0 : i32
    %dma_wait3A_284 = tpu.memref_slice %arg4[%arg0, %add3A_277, %dma_wait3A_283] : memref<2x10240x128xf32, #tpu.memory_space<hbm>> -> memref<1x128x128xf32, #tpu.memory_space<hbm>>
    %dma_wait3A_285 = tpu.memref_squeeze %dma_wait3A_284 : memref<1x128x128xf32, #tpu.memory_space<hbm>> -> memref<128x128xf32, #tpu.memory_space<hbm>>
    %dma_wait3A_286 = arith.constant 0 : i32
    %dma_wait3A_287 = tpu.memref_slice %arg4[%arg0, %add3A_277, %dma_wait3A_286] : memref<2x10240x128xf32, #tpu.memory_space<hbm>> -> memref<1x128x128xf32, #tpu.memory_space<hbm>>
    %dma_wait3A_288 = tpu.memref_squeeze %dma_wait3A_287 : memref<1x128x128xf32, #tpu.memory_space<hbm>> -> memref<128x128xf32, #tpu.memory_space<hbm>>
    %dma_wait3A_289 = arith.constant 0 : i32
    %dma_wait3A_290 = arith.constant 0 : i32
    %dma_wait3A_291 = tpu.memref_slice %arg6[%dma_wait3A_278, %dma_wait3A_289, %dma_wait3A_290] : memref<2x128x128xf32, #tpu.memory_space<vmem>> -> memref<1x128x128xf32, #tpu.memory_space<vmem>>
    %dma_wait3A_292 = tpu.memref_squeeze %dma_wait3A_291 : memref<1x128x128xf32, #tpu.memory_space<vmem>> -> memref<128x128xf32, #tpu.memory_space<vmem>>
    tpu.wait_dma2 semaphore(%arg9 : memref<!tpu.dma_semaphore, #tpu.memory_space<semaphore_mem>>) src(%dma_wait3A_292 : memref<128x128xf32, #tpu.memory_space<vmem>>) dst(%dma_wait3A_288 : memref<128x128xf32, #tpu.memory_space<hbm>>)
    %add3A_293 = arith.constant 384 : i32
    %add3A_294 = arith.addi %mul3A_199, %add3A_293 : i32
    %run_scoped3A_295 = arith.constant 1 : i32
    "tpu.region"() ({
      %run_scoped3A_384 = tpu.sem_alloc : memref<!tpu.dma_semaphore, #tpu.memory_space<semaphore_mem>>
      %dma_start3A_385 = arith.constant 0 : i32
      %dma_start3A_386 = arith.constant 0 : i32
      %dma_start3A_387 = tpu.memref_slice %arg6[%run_scoped3A_295, %dma_start3A_385, %dma_start3A_386] : memref<2x128x128xf32, #tpu.memory_space<vmem>> -> memref<1x128x128xf32, #tpu.memory_space<vmem>>
      %dma_start3A_388 = tpu.memref_squeeze %dma_start3A_387 : memref<1x128x128xf32, #tpu.memory_space<vmem>> -> memref<128x128xf32, #tpu.memory_space<vmem>>
      %dma_start3A_389 = arith.constant 0 : i32
      %dma_start3A_390 = tpu.memref_slice %arg7[%add3A_294, %dma_start3A_389] : memref<10240x128xf32, #tpu.memory_space<vmem_shared>> -> memref<128x128xf32, #tpu.memory_space<vmem_shared>>
      %dma_start3A_391 = arith.constant 0 : i32
      %dma_start3A_392 = arith.constant 0 : i32
      %dma_start3A_393 = tpu.memref_slice %arg6[%run_scoped3A_295, %dma_start3A_391, %dma_start3A_392] : memref<2x128x128xf32, #tpu.memory_space<vmem>> -> memref<1x128x128xf32, #tpu.memory_space<vmem>>
      %dma_start3A_394 = tpu.memref_squeeze %dma_start3A_393 : memref<1x128x128xf32, #tpu.memory_space<vmem>> -> memref<128x128xf32, #tpu.memory_space<vmem>>
      %dma_start3A_395 = arith.constant 0 : i32
      %dma_start3A_396 = tpu.memref_slice %arg7[%add3A_294, %dma_start3A_395] : memref<10240x128xf32, #tpu.memory_space<vmem_shared>> -> memref<128x128xf32, #tpu.memory_space<vmem_shared>>
      tpu.enqueue_dma source(%dma_start3A_396 : memref<128x128xf32, #tpu.memory_space<vmem_shared>>) target(%dma_start3A_394 : memref<128x128xf32, #tpu.memory_space<vmem>>) target_semaphore(%run_scoped3A_384 : memref<!tpu.dma_semaphore, #tpu.memory_space<semaphore_mem>>)
      %dma_wait3A_397 = arith.constant 0 : i32
      %dma_wait3A_398 = arith.constant 0 : i32
      %dma_wait3A_399 = tpu.memref_slice %arg6[%run_scoped3A_295, %dma_wait3A_397, %dma_wait3A_398] : memref<2x128x128xf32, #tpu.memory_space<vmem>> -> memref<1x128x128xf32, #tpu.memory_space<vmem>>
      %dma_wait3A_400 = tpu.memref_squeeze %dma_wait3A_399 : memref<1x128x128xf32, #tpu.memory_space<vmem>> -> memref<128x128xf32, #tpu.memory_space<vmem>>
      %dma_wait3A_401 = arith.constant 0 : i32
      %dma_wait3A_402 = tpu.memref_slice %arg7[%add3A_294, %dma_wait3A_401] : memref<10240x128xf32, #tpu.memory_space<vmem_shared>> -> memref<128x128xf32, #tpu.memory_space<vmem_shared>>
      %dma_wait3A_403 = arith.constant 0 : i32
      %dma_wait3A_404 = arith.constant 0 : i32
      %dma_wait3A_405 = tpu.memref_slice %arg6[%run_scoped3A_295, %dma_wait3A_403, %dma_wait3A_404] : memref<2x128x128xf32, #tpu.memory_space<vmem>> -> memref<1x128x128xf32, #tpu.memory_space<vmem>>
      %dma_wait3A_406 = tpu.memref_squeeze %dma_wait3A_405 : memref<1x128x128xf32, #tpu.memory_space<vmem>> -> memref<128x128xf32, #tpu.memory_space<vmem>>
      %dma_wait3A_407 = arith.constant 0 : i32
      %dma_wait3A_408 = tpu.memref_slice %arg7[%add3A_294, %dma_wait3A_407] : memref<10240x128xf32, #tpu.memory_space<vmem_shared>> -> memref<128x128xf32, #tpu.memory_space<vmem_shared>>
      tpu.wait_dma2 semaphore(%run_scoped3A_384 : memref<!tpu.dma_semaphore, #tpu.memory_space<semaphore_mem>>) src(%dma_wait3A_408 : memref<128x128xf32, #tpu.memory_space<vmem_shared>>) dst(%dma_wait3A_406 : memref<128x128xf32, #tpu.memory_space<vmem>>)
      tpu.yield
    }) : () -> ()
    %add3A_296 = arith.constant 384 : i32
    %add3A_297 = arith.addi %mul3A_199, %add3A_296 : i32
    %dma_start3A_298 = arith.constant 1 : i32
    %dma_start3A_299 = arith.constant 0 : i32
    %dma_start3A_300 = arith.constant 0 : i32
    %dma_start3A_301 = tpu.memref_slice %arg6[%dma_start3A_298, %dma_start3A_299, %dma_start3A_300] : memref<2x128x128xf32, #tpu.memory_space<vmem>> -> memref<1x128x128xf32, #tpu.memory_space<vmem>>
    %dma_start3A_302 = tpu.memref_squeeze %dma_start3A_301 : memref<1x128x128xf32, #tpu.memory_space<vmem>> -> memref<128x128xf32, #tpu.memory_space<vmem>>
    %dma_start3A_303 = arith.constant 0 : i32
    %dma_start3A_304 = tpu.memref_slice %arg4[%arg0, %add3A_297, %dma_start3A_303] : memref<2x10240x128xf32, #tpu.memory_space<hbm>> -> memref<1x128x128xf32, #tpu.memory_space<hbm>>
    %dma_start3A_305 = tpu.memref_squeeze %dma_start3A_304 : memref<1x128x128xf32, #tpu.memory_space<hbm>> -> memref<128x128xf32, #tpu.memory_space<hbm>>
    %dma_start3A_306 = arith.constant 0 : i32
    %dma_start3A_307 = tpu.memref_slice %arg4[%arg0, %add3A_297, %dma_start3A_306] : memref<2x10240x128xf32, #tpu.memory_space<hbm>> -> memref<1x128x128xf32, #tpu.memory_space<hbm>>
    %dma_start3A_308 = tpu.memref_squeeze %dma_start3A_307 : memref<1x128x128xf32, #tpu.memory_space<hbm>> -> memref<128x128xf32, #tpu.memory_space<hbm>>
    %dma_start3A_309 = arith.constant 0 : i32
    %dma_start3A_310 = arith.constant 0 : i32
    %dma_start3A_311 = tpu.memref_slice %arg6[%dma_start3A_298, %dma_start3A_309, %dma_start3A_310] : memref<2x128x128xf32, #tpu.memory_space<vmem>> -> memref<1x128x128xf32, #tpu.memory_space<vmem>>
    %dma_start3A_312 = tpu.memref_squeeze %dma_start3A_311 : memref<1x128x128xf32, #tpu.memory_space<vmem>> -> memref<128x128xf32, #tpu.memory_space<vmem>>
    tpu.enqueue_dma source(%dma_start3A_312 : memref<128x128xf32, #tpu.memory_space<vmem>>) target(%dma_start3A_308 : memref<128x128xf32, #tpu.memory_space<hbm>>) target_semaphore(%arg9 : memref<!tpu.dma_semaphore, #tpu.memory_space<semaphore_mem>>)
    %add3A_313 = arith.constant 256 : i32
    %add3A_314 = arith.addi %mul3A_199, %add3A_313 : i32
    %dma_wait3A_315 = arith.constant 0 : i32
    %dma_wait3A_316 = arith.constant 0 : i32
    %dma_wait3A_317 = arith.constant 0 : i32
    %dma_wait3A_318 = tpu.memref_slice %arg6[%dma_wait3A_315, %dma_wait3A_316, %dma_wait3A_317] : memref<2x128x128xf32, #tpu.memory_space<vmem>> -> memref<1x128x128xf32, #tpu.memory_space<vmem>>
    %dma_wait3A_319 = tpu.memref_squeeze %dma_wait3A_318 : memref<1x128x128xf32, #tpu.memory_space<vmem>> -> memref<128x128xf32, #tpu.memory_space<vmem>>
    %dma_wait3A_320 = arith.constant 0 : i32
    %dma_wait3A_321 = tpu.memref_slice %arg4[%arg0, %add3A_314, %dma_wait3A_320] : memref<2x10240x128xf32, #tpu.memory_space<hbm>> -> memref<1x128x128xf32, #tpu.memory_space<hbm>>
    %dma_wait3A_322 = tpu.memref_squeeze %dma_wait3A_321 : memref<1x128x128xf32, #tpu.memory_space<hbm>> -> memref<128x128xf32, #tpu.memory_space<hbm>>
    %dma_wait3A_323 = arith.constant 0 : i32
    %dma_wait3A_324 = tpu.memref_slice %arg4[%arg0, %add3A_314, %dma_wait3A_323] : memref<2x10240x128xf32, #tpu.memory_space<hbm>> -> memref<1x128x128xf32, #tpu.memory_space<hbm>>
    %dma_wait3A_325 = tpu.memref_squeeze %dma_wait3A_324 : memref<1x128x128xf32, #tpu.memory_space<hbm>> -> memref<128x128xf32, #tpu.memory_space<hbm>>
    %dma_wait3A_326 = arith.constant 0 : i32
    %dma_wait3A_327 = arith.constant 0 : i32
    %dma_wait3A_328 = tpu.memref_slice %arg6[%dma_wait3A_315, %dma_wait3A_326, %dma_wait3A_327] : memref<2x128x128xf32, #tpu.memory_space<vmem>> -> memref<1x128x128xf32, #tpu.memory_space<vmem>>
    %dma_wait3A_329 = tpu.memref_squeeze %dma_wait3A_328 : memref<1x128x128xf32, #tpu.memory_space<vmem>> -> memref<128x128xf32, #tpu.memory_space<vmem>>
    tpu.wait_dma2 semaphore(%arg8 : memref<!tpu.dma_semaphore, #tpu.memory_space<semaphore_mem>>) src(%dma_wait3A_329 : memref<128x128xf32, #tpu.memory_space<vmem>>) dst(%dma_wait3A_325 : memref<128x128xf32, #tpu.memory_space<hbm>>)
    %add3A_330 = arith.constant 512 : i32
    %add3A_331 = arith.addi %mul3A_199, %add3A_330 : i32
    %run_scoped3A_332 = arith.constant 0 : i32
    "tpu.region"() ({
      %run_scoped3A_384 = tpu.sem_alloc : memref<!tpu.dma_semaphore, #tpu.memory_space<semaphore_mem>>
      %dma_start3A_385 = arith.constant 0 : i32
      %dma_start3A_386 = arith.constant 0 : i32
      %dma_start3A_387 = tpu.memref_slice %arg6[%run_scoped3A_332, %dma_start3A_385, %dma_start3A_386] : memref<2x128x128xf32, #tpu.memory_space<vmem>> -> memref<1x128x128xf32, #tpu.memory_space<vmem>>
      %dma_start3A_388 = tpu.memref_squeeze %dma_start3A_387 : memref<1x128x128xf32, #tpu.memory_space<vmem>> -> memref<128x128xf32, #tpu.memory_space<vmem>>
      %dma_start3A_389 = arith.constant 0 : i32
      %dma_start3A_390 = tpu.memref_slice %arg7[%add3A_331, %dma_start3A_389] : memref<10240x128xf32, #tpu.memory_space<vmem_shared>> -> memref<128x128xf32, #tpu.memory_space<vmem_shared>>
      %dma_start3A_391 = arith.constant 0 : i32
      %dma_start3A_392 = arith.constant 0 : i32
      %dma_start3A_393 = tpu.memref_slice %arg6[%run_scoped3A_332, %dma_start3A_391, %dma_start3A_392] : memref<2x128x128xf32, #tpu.memory_space<vmem>> -> memref<1x128x128xf32, #tpu.memory_space<vmem>>
      %dma_start3A_394 = tpu.memref_squeeze %dma_start3A_393 : memref<1x128x128xf32, #tpu.memory_space<vmem>> -> memref<128x128xf32, #tpu.memory_space<vmem>>
      %dma_start3A_395 = arith.constant 0 : i32
      %dma_start3A_396 = tpu.memref_slice %arg7[%add3A_331, %dma_start3A_395] : memref<10240x128xf32, #tpu.memory_space<vmem_shared>> -> memref<128x128xf32, #tpu.memory_space<vmem_shared>>
      tpu.enqueue_dma source(%dma_start3A_396 : memref<128x128xf32, #tpu.memory_space<vmem_shared>>) target(%dma_start3A_394 : memref<128x128xf32, #tpu.memory_space<vmem>>) target_semaphore(%run_scoped3A_384 : memref<!tpu.dma_semaphore, #tpu.memory_space<semaphore_mem>>)
      %dma_wait3A_397 = arith.constant 0 : i32
      %dma_wait3A_398 = arith.constant 0 : i32
      %dma_wait3A_399 = tpu.memref_slice %arg6[%run_scoped3A_332, %dma_wait3A_397, %dma_wait3A_398] : memref<2x128x128xf32, #tpu.memory_space<vmem>> -> memref<1x128x128xf32, #tpu.memory_space<vmem>>
      %dma_wait3A_400 = tpu.memref_squeeze %dma_wait3A_399 : memref<1x128x128xf32, #tpu.memory_space<vmem>> -> memref<128x128xf32, #tpu.memory_space<vmem>>
      %dma_wait3A_401 = arith.constant 0 : i32
      %dma_wait3A_402 = tpu.memref_slice %arg7[%add3A_331, %dma_wait3A_401] : memref<10240x128xf32, #tpu.memory_space<vmem_shared>> -> memref<128x128xf32, #tpu.memory_space<vmem_shared>>
      %dma_wait3A_403 = arith.constant 0 : i32
      %dma_wait3A_404 = arith.constant 0 : i32
      %dma_wait3A_405 = tpu.memref_slice %arg6[%run_scoped3A_332, %dma_wait3A_403, %dma_wait3A_404] : memref<2x128x128xf32, #tpu.memory_space<vmem>> -> memref<1x128x128xf32, #tpu.memory_space<vmem>>
      %dma_wait3A_406 = tpu.memref_squeeze %dma_wait3A_405 : memref<1x128x128xf32, #tpu.memory_space<vmem>> -> memref<128x128xf32, #tpu.memory_space<vmem>>
      %dma_wait3A_407 = arith.constant 0 : i32
      %dma_wait3A_408 = tpu.memref_slice %arg7[%add3A_331, %dma_wait3A_407] : memref<10240x128xf32, #tpu.memory_space<vmem_shared>> -> memref<128x128xf32, #tpu.memory_space<vmem_shared>>
      tpu.wait_dma2 semaphore(%run_scoped3A_384 : memref<!tpu.dma_semaphore, #tpu.memory_space<semaphore_mem>>) src(%dma_wait3A_408 : memref<128x128xf32, #tpu.memory_space<vmem_shared>>) dst(%dma_wait3A_406 : memref<128x128xf32, #tpu.memory_space<vmem>>)
      tpu.yield
    }) : () -> ()
    %add3A_333 = arith.constant 512 : i32
    %add3A_334 = arith.addi %mul3A_199, %add3A_333 : i32
    %dma_start3A_335 = arith.constant 0 : i32
    %dma_start3A_336 = arith.constant 0 : i32
    %dma_start3A_337 = arith.constant 0 : i32
    %dma_start3A_338 = tpu.memref_slice %arg6[%dma_start3A_335, %dma_start3A_336, %dma_start3A_337] : memref<2x128x128xf32, #tpu.memory_space<vmem>> -> memref<1x128x128xf32, #tpu.memory_space<vmem>>
    %dma_start3A_339 = tpu.memref_squeeze %dma_start3A_338 : memref<1x128x128xf32, #tpu.memory_space<vmem>> -> memref<128x128xf32, #tpu.memory_space<vmem>>
    %dma_start3A_340 = arith.constant 0 : i32
    %dma_start3A_341 = tpu.memref_slice %arg4[%arg0, %add3A_334, %dma_start3A_340] : memref<2x10240x128xf32, #tpu.memory_space<hbm>> -> memref<1x128x128xf32, #tpu.memory_space<hbm>>
    %dma_start3A_342 = tpu.memref_squeeze %dma_start3A_341 : memref<1x128x128xf32, #tpu.memory_space<hbm>> -> memref<128x128xf32, #tpu.memory_space<hbm>>
    %dma_start3A_343 = arith.constant 0 : i32
    %dma_start3A_344 = tpu.memref_slice %arg4[%arg0, %add3A_334, %dma_start3A_343] : memref<2x10240x128xf32, #tpu.memory_space<hbm>> -> memref<1x128x128xf32, #tpu.memory_space<hbm>>
    %dma_start3A_345 = tpu.memref_squeeze %dma_start3A_344 : memref<1x128x128xf32, #tpu.memory_space<hbm>> -> memref<128x128xf32, #tpu.memory_space<hbm>>
    %dma_start3A_346 = arith.constant 0 : i32
    %dma_start3A_347 = arith.constant 0 : i32
    %dma_start3A_348 = tpu.memref_slice %arg6[%dma_start3A_335, %dma_start3A_346, %dma_start3A_347] : memref<2x128x128xf32, #tpu.memory_space<vmem>> -> memref<1x128x128xf32, #tpu.memory_space<vmem>>
    %dma_start3A_349 = tpu.memref_squeeze %dma_start3A_348 : memref<1x128x128xf32, #tpu.memory_space<vmem>> -> memref<128x128xf32, #tpu.memory_space<vmem>>
    tpu.enqueue_dma source(%dma_start3A_349 : memref<128x128xf32, #tpu.memory_space<vmem>>) target(%dma_start3A_345 : memref<128x128xf32, #tpu.memory_space<hbm>>) target_semaphore(%arg8 : memref<!tpu.dma_semaphore, #tpu.memory_space<semaphore_mem>>)
    %add3A_350 = arith.constant 384 : i32
    %add3A_351 = arith.addi %mul3A_199, %add3A_350 : i32
    %dma_wait3A_352 = arith.constant 1 : i32
    %dma_wait3A_353 = arith.constant 0 : i32
    %dma_wait3A_354 = arith.constant 0 : i32
    %dma_wait3A_355 = tpu.memref_slice %arg6[%dma_wait3A_352, %dma_wait3A_353, %dma_wait3A_354] : memref<2x128x128xf32, #tpu.memory_space<vmem>> -> memref<1x128x128xf32, #tpu.memory_space<vmem>>
    %dma_wait3A_356 = tpu.memref_squeeze %dma_wait3A_355 : memref<1x128x128xf32, #tpu.memory_space<vmem>> -> memref<128x128xf32, #tpu.memory_space<vmem>>
    %dma_wait3A_357 = arith.constant 0 : i32
    %dma_wait3A_358 = tpu.memref_slice %arg4[%arg0, %add3A_351, %dma_wait3A_357] : memref<2x10240x128xf32, #tpu.memory_space<hbm>> -> memref<1x128x128xf32, #tpu.memory_space<hbm>>
    %dma_wait3A_359 = tpu.memref_squeeze %dma_wait3A_358 : memref<1x128x128xf32, #tpu.memory_space<hbm>> -> memref<128x128xf32, #tpu.memory_space<hbm>>
    %dma_wait3A_360 = arith.constant 0 : i32
    %dma_wait3A_361 = tpu.memref_slice %arg4[%arg0, %add3A_351, %dma_wait3A_360] : memref<2x10240x128xf32, #tpu.memory_space<hbm>> -> memref<1x128x128xf32, #tpu.memory_space<hbm>>
    %dma_wait3A_362 = tpu.memref_squeeze %dma_wait3A_361 : memref<1x128x128xf32, #tpu.memory_space<hbm>> -> memref<128x128xf32, #tpu.memory_space<hbm>>
    %dma_wait3A_363 = arith.constant 0 : i32
    %dma_wait3A_364 = arith.constant 0 : i32
    %dma_wait3A_365 = tpu.memref_slice %arg6[%dma_wait3A_352, %dma_wait3A_363, %dma_wait3A_364] : memref<2x128x128xf32, #tpu.memory_space<vmem>> -> memref<1x128x128xf32, #tpu.memory_space<vmem>>
    %dma_wait3A_366 = tpu.memref_squeeze %dma_wait3A_365 : memref<1x128x128xf32, #tpu.memory_space<vmem>> -> memref<128x128xf32, #tpu.memory_space<vmem>>
    tpu.wait_dma2 semaphore(%arg9 : memref<!tpu.dma_semaphore, #tpu.memory_space<semaphore_mem>>) src(%dma_wait3A_366 : memref<128x128xf32, #tpu.memory_space<vmem>>) dst(%dma_wait3A_362 : memref<128x128xf32, #tpu.memory_space<hbm>>)
    %add3A_367 = arith.constant 512 : i32
    %add3A_368 = arith.addi %mul3A_199, %add3A_367 : i32
    %dma_wait3A_369 = arith.constant 0 : i32
    %dma_wait3A_370 = arith.constant 0 : i32
    %dma_wait3A_371 = arith.constant 0 : i32
    %dma_wait3A_372 = tpu.memref_slice %arg6[%dma_wait3A_369, %dma_wait3A_370, %dma_wait3A_371] : memref<2x128x128xf32, #tpu.memory_space<vmem>> -> memref<1x128x128xf32, #tpu.memory_space<vmem>>
    %dma_wait3A_373 = tpu.memref_squeeze %dma_wait3A_372 : memref<1x128x128xf32, #tpu.memory_space<vmem>> -> memref<128x128xf32, #tpu.memory_space<vmem>>
    %dma_wait3A_374 = arith.constant 0 : i32
    %dma_wait3A_375 = tpu.memref_slice %arg4[%arg0, %add3A_368, %dma_wait3A_374] : memref<2x10240x128xf32, #tpu.memory_space<hbm>> -> memref<1x128x128xf32, #tpu.memory_space<hbm>>
    %dma_wait3A_376 = tpu.memref_squeeze %dma_wait3A_375 : memref<1x128x128xf32, #tpu.memory_space<hbm>> -> memref<128x128xf32, #tpu.memory_space<hbm>>
    %dma_wait3A_377 = arith.constant 0 : i32
    %dma_wait3A_378 = tpu.memref_slice %arg4[%arg0, %add3A_368, %dma_wait3A_377] : memref<2x10240x128xf32, #tpu.memory_space<hbm>> -> memref<1x128x128xf32, #tpu.memory_space<hbm>>
    %dma_wait3A_379 = tpu.memref_squeeze %dma_wait3A_378 : memref<1x128x128xf32, #tpu.memory_space<hbm>> -> memref<128x128xf32, #tpu.memory_space<hbm>>
    %dma_wait3A_380 = arith.constant 0 : i32
    %dma_wait3A_381 = arith.constant 0 : i32
    %dma_wait3A_382 = tpu.memref_slice %arg6[%dma_wait3A_369, %dma_wait3A_380, %dma_wait3A_381] : memref<2x128x128xf32, #tpu.memory_space<vmem>> -> memref<1x128x128xf32, #tpu.memory_space<vmem>>
    %dma_wait3A_383 = tpu.memref_squeeze %dma_wait3A_382 : memref<1x128x128xf32, #tpu.memory_space<vmem>> -> memref<128x128xf32, #tpu.memory_space<vmem>>
    tpu.wait_dma2 semaphore(%arg8 : memref<!tpu.dma_semaphore, #tpu.memory_space<semaphore_mem>>) src(%dma_wait3A_383 : memref<128x128xf32, #tpu.memory_space<vmem>>) dst(%dma_wait3A_379 : memref<128x128xf32, #tpu.memory_space<hbm>>)
    return
  }
}

#map = affine_map<(d0, d1) -> (0, 0)>
#map1 = affine_map<(d0, d1) -> (0)>
#map2 = affine_map<(d0, d1) -> (0, 0, 0)>
module attributes {stable_mosaic.version = 14 : i64} {
  func.func @_gather_seg_sum(%arg0: i32, %arg1: i32, %arg2: memref<10240x128xf32, #tpu.memory_space<hbm>>, %arg3: memref<327680xi32, #tpu.memory_space<hbm>>, %arg4: memref<32x80x128xi32, #tpu.memory_space<hbm>>, %arg5: memref<2x10240x128xf32, #tpu.memory_space<hbm>>, %arg6: memref<10240xi32, #tpu.memory_space<vmem>>, %arg7: memref<40x128xi32, #tpu.memory_space<vmem>>, %arg8: memref<2x128x128xf32, #tpu.memory_space<vmem>>, %arg9: memref<10240x128xf32, #tpu.memory_space<vmem_shared>>, %arg10: memref<!tpu.dma_semaphore, #tpu.memory_space<semaphore_mem>>, %arg11: memref<!tpu.dma_semaphore, #tpu.memory_space<semaphore_mem>>, %arg12: memref<!tpu.dma_semaphore, #tpu.memory_space<semaphore_mem>>, %arg13: memref<!tpu.dma_semaphore, #tpu.memory_space<semaphore_mem>>) attributes {dimension_semantics = [#tpu.dimension_semantics<core_parallel>, #tpu.dimension_semantics<subcore_parallel>], iteration_bounds = array<i64: 2, 16>, scalar_prefetch = 0 : i64, scratch_operands = 8 : i64, tpu.core_type = #tpu.core_type<sc_vector_subcore>, window_params = [{transform_indices = #map}, {transform_indices = #map1}, {transform_indices = #map2}, {transform_indices = #map2}]} {
    %mul3A = arith.constant 16 : i32
    %mul3A_0 = arith.muli %arg0, %mul3A : i32
    %add3A = arith.addi %mul3A_0, %arg1 : i32
    %mul3A_1 = arith.constant 10240 : i32
    %mul3A_2 = arith.muli %add3A, %mul3A_1 : i32
    "tpu.region"() ({
      %run_scoped3A_371 = tpu.sem_alloc : memref<!tpu.dma_semaphore, #tpu.memory_space<semaphore_mem>>
      %dma_start3A_372 = tpu.memref_slice %arg3[%mul3A_2] : memref<327680xi32, #tpu.memory_space<hbm>> -> memref<10240xi32, #tpu.memory_space<hbm>>
      %dma_start3A_373 = tpu.memref_slice %arg3[%mul3A_2] : memref<327680xi32, #tpu.memory_space<hbm>> -> memref<10240xi32, #tpu.memory_space<hbm>>
      tpu.enqueue_dma source(%dma_start3A_373 : memref<10240xi32, #tpu.memory_space<hbm>>) target(%arg6 : memref<10240xi32, #tpu.memory_space<vmem>>) target_semaphore(%run_scoped3A_371 : memref<!tpu.dma_semaphore, #tpu.memory_space<semaphore_mem>>)
      %dma_wait3A_374 = tpu.memref_slice %arg3[%mul3A_2] : memref<327680xi32, #tpu.memory_space<hbm>> -> memref<10240xi32, #tpu.memory_space<hbm>>
      %dma_wait3A_375 = tpu.memref_slice %arg3[%mul3A_2] : memref<327680xi32, #tpu.memory_space<hbm>> -> memref<10240xi32, #tpu.memory_space<hbm>>
      tpu.wait_dma2 semaphore(%run_scoped3A_371 : memref<!tpu.dma_semaphore, #tpu.memory_space<semaphore_mem>>) src(%dma_wait3A_375 : memref<10240xi32, #tpu.memory_space<hbm>>) dst(%arg6 : memref<10240xi32, #tpu.memory_space<vmem>>)
      tpu.yield
    }) : () -> ()
    "tpu.region"() ({
      %run_scoped3A_371 = tpu.sem_alloc : memref<!tpu.dma_semaphore, #tpu.memory_space<semaphore_mem>>
      %dma_start3A_372 = arith.constant 0 : i32
      %dma_start3A_373 = arith.constant 0 : i32
      %dma_start3A_374 = tpu.memref_slice %arg4[%add3A, %dma_start3A_372, %dma_start3A_373] : memref<32x80x128xi32, #tpu.memory_space<hbm>> -> memref<1x40x128xi32, #tpu.memory_space<hbm>>
      %dma_start3A_375 = tpu.memref_squeeze %dma_start3A_374 : memref<1x40x128xi32, #tpu.memory_space<hbm>> -> memref<40x128xi32, #tpu.memory_space<hbm>>
      %dma_start3A_376 = arith.constant 0 : i32
      %dma_start3A_377 = arith.constant 0 : i32
      %dma_start3A_378 = tpu.memref_slice %arg4[%add3A, %dma_start3A_376, %dma_start3A_377] : memref<32x80x128xi32, #tpu.memory_space<hbm>> -> memref<1x40x128xi32, #tpu.memory_space<hbm>>
      %dma_start3A_379 = tpu.memref_squeeze %dma_start3A_378 : memref<1x40x128xi32, #tpu.memory_space<hbm>> -> memref<40x128xi32, #tpu.memory_space<hbm>>
      tpu.enqueue_dma source(%dma_start3A_379 : memref<40x128xi32, #tpu.memory_space<hbm>>) target(%arg7 : memref<40x128xi32, #tpu.memory_space<vmem>>) target_semaphore(%run_scoped3A_371 : memref<!tpu.dma_semaphore, #tpu.memory_space<semaphore_mem>>)
      %dma_wait3A_380 = arith.constant 0 : i32
      %dma_wait3A_381 = arith.constant 0 : i32
      %dma_wait3A_382 = tpu.memref_slice %arg4[%add3A, %dma_wait3A_380, %dma_wait3A_381] : memref<32x80x128xi32, #tpu.memory_space<hbm>> -> memref<1x40x128xi32, #tpu.memory_space<hbm>>
      %dma_wait3A_383 = tpu.memref_squeeze %dma_wait3A_382 : memref<1x40x128xi32, #tpu.memory_space<hbm>> -> memref<40x128xi32, #tpu.memory_space<hbm>>
      %dma_wait3A_384 = arith.constant 0 : i32
      %dma_wait3A_385 = arith.constant 0 : i32
      %dma_wait3A_386 = tpu.memref_slice %arg4[%add3A, %dma_wait3A_384, %dma_wait3A_385] : memref<32x80x128xi32, #tpu.memory_space<hbm>> -> memref<1x40x128xi32, #tpu.memory_space<hbm>>
      %dma_wait3A_387 = tpu.memref_squeeze %dma_wait3A_386 : memref<1x40x128xi32, #tpu.memory_space<hbm>> -> memref<40x128xi32, #tpu.memory_space<hbm>>
      tpu.wait_dma2 semaphore(%run_scoped3A_371 : memref<!tpu.dma_semaphore, #tpu.memory_space<semaphore_mem>>) src(%dma_wait3A_387 : memref<40x128xi32, #tpu.memory_space<hbm>>) dst(%arg7 : memref<40x128xi32, #tpu.memory_space<vmem>>)
      tpu.yield
    }) : () -> ()
    %dma_start3A = arith.constant 0 : i32
    %dma_start3A_3 = arith.constant 0 : i32
    %dma_start3A_4 = arith.constant 0 : i32
    %dma_start3A_5 = tpu.memref_slice %arg8[%dma_start3A, %dma_start3A_3, %dma_start3A_4] : memref<2x128x128xf32, #tpu.memory_space<vmem>> -> memref<1x128x128xf32, #tpu.memory_space<vmem>>
    %dma_start3A_6 = tpu.memref_squeeze %dma_start3A_5 : memref<1x128x128xf32, #tpu.memory_space<vmem>> -> memref<128x128xf32, #tpu.memory_space<vmem>>
    %dma_start3A_7 = arith.constant 0 : i32
    %dma_start3A_8 = tpu.memref_slice %arg6[%dma_start3A_7] : memref<10240xi32, #tpu.memory_space<vmem>> -> memref<128xi32, #tpu.memory_space<vmem>>
    %dma_start3A_9 = arith.constant 0 : i32
    %dma_start3A_10 = arith.constant 0 : i32
    %dma_start3A_11 = tpu.memref_slice %arg2[%dma_start3A_9, %dma_start3A_10] : memref<10240x128xf32, #tpu.memory_space<hbm>> -> memref<10240x128xf32, #tpu.memory_space<hbm>>
    tpu.enqueue_indirect_dma source(%dma_start3A_11 : memref<10240x128xf32, #tpu.memory_space<hbm>>) target(%dma_start3A_6 : memref<128x128xf32, #tpu.memory_space<vmem>>) offsets(%dma_start3A_8 : memref<128xi32, #tpu.memory_space<vmem>>) semaphore(%arg10 : memref<!tpu.dma_semaphore, #tpu.memory_space<semaphore_mem>>)
    %broadcast_in_dim3A = arith.constant 0.000000e+00 : f32
    %broadcast_in_dim3A_12 = vector.broadcast %broadcast_in_dim3A : f32 to vector<16xf32>
    %scan3A = arith.constant 1 : i32
    %scan3A_13 = arith.constant 0 : i32
    %scan3A_14 = arith.constant 128 : i32
    %scan3A_15 = arith.addi %scan3A_13, %scan3A_14 : i32
    %scan3A_16 = arith.constant 1 : i32
    scf.for %scan3A_371 = %scan3A_13 to %scan3A_15 step %scan3A_16  : i32 {
      %mul3A_372 = arith.constant 1 : i32
      %mul3A_373 = arith.muli %scan3A_371, %mul3A_372 : i32
      %add3A_374 = arith.constant 0 : i32
      %add3A_375 = arith.addi %add3A_374, %mul3A_373 : i32
      %swap3A = arith.constant 0 : i32
      %swap3A_376 = arith.constant 0 : i32
      %swap3A_377 = tpu.memref_slice %arg8[%scan3A, %swap3A, %swap3A_376] : memref<2x128x128xf32, #tpu.memory_space<vmem>> -> memref<1x128x128xf32, #tpu.memory_space<vmem>>
      %swap3A_378 = tpu.memref_squeeze %swap3A_377 : memref<1x128x128xf32, #tpu.memory_space<vmem>> -> memref<128x128xf32, #tpu.memory_space<vmem>>
      %swap3A_379 = arith.index_cast %add3A_375 : i32 to index
      %swap3A_380 = arith.constant 0 : index
      %swap3A_381 = tpu.vector_load %swap3A_378[%swap3A_379, %swap3A_380] {strides = array<i32>} : memref<128x128xf32, #tpu.memory_space<vmem>>, vector<1x16xf32>,
      %swap3A_382 = vector.shape_cast %swap3A_381 : vector<1x16xf32> to vector<16xf32>
      %swap3A_383 = vector.shape_cast %broadcast_in_dim3A_12 : vector<16xf32> to vector<1x16xf32>
      tpu.vector_store %swap3A_378[%swap3A_379, %swap3A_380], %swap3A_383 {strides = array<i32>} : memref<128x128xf32, #tpu.memory_space<vmem>>, vector<1x16xf32>,
      %swap3A_384 = arith.constant 0 : i32
      %swap3A_385 = arith.constant 0 : i32
      %swap3A_386 = tpu.memref_slice %arg8[%scan3A, %swap3A_384, %swap3A_385] : memref<2x128x128xf32, #tpu.memory_space<vmem>> -> memref<1x128x128xf32, #tpu.memory_space<vmem>>
      %swap3A_387 = tpu.memref_squeeze %swap3A_386 : memref<1x128x128xf32, #tpu.memory_space<vmem>> -> memref<128x128xf32, #tpu.memory_space<vmem>>
      %swap3A_388 = arith.index_cast %add3A_375 : i32 to index
      %swap3A_389 = arith.constant 16 : index
      %swap3A_390 = tpu.vector_load %swap3A_387[%swap3A_388, %swap3A_389] {strides = array<i32>} : memref<128x128xf32, #tpu.memory_space<vmem>>, vector<1x16xf32>,
      %swap3A_391 = vector.shape_cast %swap3A_390 : vector<1x16xf32> to vector<16xf32>
      %swap3A_392 = vector.shape_cast %broadcast_in_dim3A_12 : vector<16xf32> to vector<1x16xf32>
      tpu.vector_store %swap3A_387[%swap3A_388, %swap3A_389], %swap3A_392 {strides = array<i32>} : memref<128x128xf32, #tpu.memory_space<vmem>>, vector<1x16xf32>,
      %swap3A_393 = arith.constant 0 : i32
      %swap3A_394 = arith.constant 0 : i32
      %swap3A_395 = tpu.memref_slice %arg8[%scan3A, %swap3A_393, %swap3A_394] : memref<2x128x128xf32, #tpu.memory_space<vmem>> -> memref<1x128x128xf32, #tpu.memory_space<vmem>>
      %swap3A_396 = tpu.memref_squeeze %swap3A_395 : memref<1x128x128xf32, #tpu.memory_space<vmem>> -> memref<128x128xf32, #tpu.memory_space<vmem>>
      %swap3A_397 = arith.index_cast %add3A_375 : i32 to index
      %swap3A_398 = arith.constant 32 : index
      %swap3A_399 = tpu.vector_load %swap3A_396[%swap3A_397, %swap3A_398] {strides = array<i32>} : memref<128x128xf32, #tpu.memory_space<vmem>>, vector<1x16xf32>,
      %swap3A_400 = vector.shape_cast %swap3A_399 : vector<1x16xf32> to vector<16xf32>
      %swap3A_401 = vector.shape_cast %broadcast_in_dim3A_12 : vector<16xf32> to vector<1x16xf32>
      tpu.vector_store %swap3A_396[%swap3A_397, %swap3A_398], %swap3A_401 {strides = array<i32>} : memref<128x128xf32, #tpu.memory_space<vmem>>, vector<1x16xf32>,
      %swap3A_402 = arith.constant 0 : i32
      %swap3A_403 = arith.constant 0 : i32
      %swap3A_404 = tpu.memref_slice %arg8[%scan3A, %swap3A_402, %swap3A_403] : memref<2x128x128xf32, #tpu.memory_space<vmem>> -> memref<1x128x128xf32, #tpu.memory_space<vmem>>
      %swap3A_405 = tpu.memref_squeeze %swap3A_404 : memref<1x128x128xf32, #tpu.memory_space<vmem>> -> memref<128x128xf32, #tpu.memory_space<vmem>>
      %swap3A_406 = arith.index_cast %add3A_375 : i32 to index
      %swap3A_407 = arith.constant 48 : index
      %swap3A_408 = tpu.vector_load %swap3A_405[%swap3A_406, %swap3A_407] {strides = array<i32>} : memref<128x128xf32, #tpu.memory_space<vmem>>, vector<1x16xf32>,
      %swap3A_409 = vector.shape_cast %swap3A_408 : vector<1x16xf32> to vector<16xf32>
      %swap3A_410 = vector.shape_cast %broadcast_in_dim3A_12 : vector<16xf32> to vector<1x16xf32>
      tpu.vector_store %swap3A_405[%swap3A_406, %swap3A_407], %swap3A_410 {strides = array<i32>} : memref<128x128xf32, #tpu.memory_space<vmem>>, vector<1x16xf32>,
      %swap3A_411 = arith.constant 0 : i32
      %swap3A_412 = arith.constant 0 : i32
      %swap3A_413 = tpu.memref_slice %arg8[%scan3A, %swap3A_411, %swap3A_412] : memref<2x128x128xf32, #tpu.memory_space<vmem>> -> memref<1x128x128xf32, #tpu.memory_space<vmem>>
      %swap3A_414 = tpu.memref_squeeze %swap3A_413 : memref<1x128x128xf32, #tpu.memory_space<vmem>> -> memref<128x128xf32, #tpu.memory_space<vmem>>
      %swap3A_415 = arith.index_cast %add3A_375 : i32 to index
      %swap3A_416 = arith.constant 64 : index
      %swap3A_417 = tpu.vector_load %swap3A_414[%swap3A_415, %swap3A_416] {strides = array<i32>} : memref<128x128xf32, #tpu.memory_space<vmem>>, vector<1x16xf32>,
      %swap3A_418 = vector.shape_cast %swap3A_417 : vector<1x16xf32> to vector<16xf32>
      %swap3A_419 = vector.shape_cast %broadcast_in_dim3A_12 : vector<16xf32> to vector<1x16xf32>
      tpu.vector_store %swap3A_414[%swap3A_415, %swap3A_416], %swap3A_419 {strides = array<i32>} : memref<128x128xf32, #tpu.memory_space<vmem>>, vector<1x16xf32>,
      %swap3A_420 = arith.constant 0 : i32
      %swap3A_421 = arith.constant 0 : i32
      %swap3A_422 = tpu.memref_slice %arg8[%scan3A, %swap3A_420, %swap3A_421] : memref<2x128x128xf32, #tpu.memory_space<vmem>> -> memref<1x128x128xf32, #tpu.memory_space<vmem>>
      %swap3A_423 = tpu.memref_squeeze %swap3A_422 : memref<1x128x128xf32, #tpu.memory_space<vmem>> -> memref<128x128xf32, #tpu.memory_space<vmem>>
      %swap3A_424 = arith.index_cast %add3A_375 : i32 to index
      %swap3A_425 = arith.constant 80 : index
      %swap3A_426 = tpu.vector_load %swap3A_423[%swap3A_424, %swap3A_425] {strides = array<i32>} : memref<128x128xf32, #tpu.memory_space<vmem>>, vector<1x16xf32>,
      %swap3A_427 = vector.shape_cast %swap3A_426 : vector<1x16xf32> to vector<16xf32>
      %swap3A_428 = vector.shape_cast %broadcast_in_dim3A_12 : vector<16xf32> to vector<1x16xf32>
      tpu.vector_store %swap3A_423[%swap3A_424, %swap3A_425], %swap3A_428 {strides = array<i32>} : memref<128x128xf32, #tpu.memory_space<vmem>>, vector<1x16xf32>,
      %swap3A_429 = arith.constant 0 : i32
      %swap3A_430 = arith.constant 0 : i32
      %swap3A_431 = tpu.memref_slice %arg8[%scan3A, %swap3A_429, %swap3A_430] : memref<2x128x128xf32, #tpu.memory_space<vmem>> -> memref<1x128x128xf32, #tpu.memory_space<vmem>>
      %swap3A_432 = tpu.memref_squeeze %swap3A_431 : memref<1x128x128xf32, #tpu.memory_space<vmem>> -> memref<128x128xf32, #tpu.memory_space<vmem>>
      %swap3A_433 = arith.index_cast %add3A_375 : i32 to index
      %swap3A_434 = arith.constant 96 : index
      %swap3A_435 = tpu.vector_load %swap3A_432[%swap3A_433, %swap3A_434] {strides = array<i32>} : memref<128x128xf32, #tpu.memory_space<vmem>>, vector<1x16xf32>,
      %swap3A_436 = vector.shape_cast %swap3A_435 : vector<1x16xf32> to vector<16xf32>
      %swap3A_437 = vector.shape_cast %broadcast_in_dim3A_12 : vector<16xf32> to vector<1x16xf32>
      tpu.vector_store %swap3A_432[%swap3A_433, %swap3A_434], %swap3A_437 {strides = array<i32>} : memref<128x128xf32, #tpu.memory_space<vmem>>, vector<1x16xf32>,
      %swap3A_438 = arith.constant 0 : i32
      %swap3A_439 = arith.constant 0 : i32
      %swap3A_440 = tpu.memref_slice %arg8[%scan3A, %swap3A_438, %swap3A_439] : memref<2x128x128xf32, #tpu.memory_space<vmem>> -> memref<1x128x128xf32, #tpu.memory_space<vmem>>
      %swap3A_441 = tpu.memref_squeeze %swap3A_440 : memref<1x128x128xf32, #tpu.memory_space<vmem>> -> memref<128x128xf32, #tpu.memory_space<vmem>>
      %swap3A_442 = arith.index_cast %add3A_375 : i32 to index
      %swap3A_443 = arith.constant 112 : index
      %swap3A_444 = tpu.vector_load %swap3A_441[%swap3A_442, %swap3A_443] {strides = array<i32>} : memref<128x128xf32, #tpu.memory_space<vmem>>, vector<1x16xf32>,
      %swap3A_445 = vector.shape_cast %swap3A_444 : vector<1x16xf32> to vector<16xf32>
      %swap3A_446 = vector.shape_cast %broadcast_in_dim3A_12 : vector<16xf32> to vector<1x16xf32>
      tpu.vector_store %swap3A_441[%swap3A_442, %swap3A_443], %swap3A_446 {strides = array<i32>} : memref<128x128xf32, #tpu.memory_space<vmem>>, vector<1x16xf32>,
    }
    %scan3A_17 = arith.constant 128 : i32
    %mul3A_18 = arith.constant 640 : i32
    %mul3A_19 = arith.muli %arg1, %mul3A_18 : i32
    %add3A_20 = arith.constant 0 : i32
    %add3A_21 = arith.addi %mul3A_19, %add3A_20 : i32
    %dma_start3A_22 = arith.constant 1 : i32
    %dma_start3A_23 = arith.constant 0 : i32
    %dma_start3A_24 = arith.constant 0 : i32
    %dma_start3A_25 = tpu.memref_slice %arg8[%dma_start3A_22, %dma_start3A_23, %dma_start3A_24] : memref<2x128x128xf32, #tpu.memory_space<vmem>> -> memref<1x128x128xf32, #tpu.memory_space<vmem>>
    %dma_start3A_26 = tpu.memref_squeeze %dma_start3A_25 : memref<1x128x128xf32, #tpu.memory_space<vmem>> -> memref<128x128xf32, #tpu.memory_space<vmem>>
    %dma_start3A_27 = arith.constant 0 : i32
    %dma_start3A_28 = tpu.memref_slice %arg9[%add3A_21, %dma_start3A_27] : memref<10240x128xf32, #tpu.memory_space<vmem_shared>> -> memref<128x128xf32, #tpu.memory_space<vmem_shared>>
    %dma_start3A_29 = arith.constant 0 : i32
    %dma_start3A_30 = tpu.memref_slice %arg9[%add3A_21, %dma_start3A_29] : memref<10240x128xf32, #tpu.memory_space<vmem_shared>> -> memref<128x128xf32, #tpu.memory_space<vmem_shared>>
    %dma_start3A_31 = arith.constant 0 : i32
    %dma_start3A_32 = arith.constant 0 : i32
    %dma_start3A_33 = tpu.memref_slice %arg8[%dma_start3A_22, %dma_start3A_31, %dma_start3A_32] : memref<2x128x128xf32, #tpu.memory_space<vmem>> -> memref<1x128x128xf32, #tpu.memory_space<vmem>>
    %dma_start3A_34 = tpu.memref_squeeze %dma_start3A_33 : memref<1x128x128xf32, #tpu.memory_space<vmem>> -> memref<128x128xf32, #tpu.memory_space<vmem>>
    tpu.enqueue_dma source(%dma_start3A_34 : memref<128x128xf32, #tpu.memory_space<vmem>>) target(%dma_start3A_30 : memref<128x128xf32, #tpu.memory_space<vmem_shared>>) target_semaphore(%arg12 : memref<!tpu.dma_semaphore, #tpu.memory_space<semaphore_mem>>)
    %add3A_35 = arith.constant 128 : i32
    %add3A_36 = arith.addi %mul3A_19, %add3A_35 : i32
    %dma_start3A_37 = arith.constant 1 : i32
    %dma_start3A_38 = arith.constant 0 : i32
    %dma_start3A_39 = arith.constant 0 : i32
    %dma_start3A_40 = tpu.memref_slice %arg8[%dma_start3A_37, %dma_start3A_38, %dma_start3A_39] : memref<2x128x128xf32, #tpu.memory_space<vmem>> -> memref<1x128x128xf32, #tpu.memory_space<vmem>>
    %dma_start3A_41 = tpu.memref_squeeze %dma_start3A_40 : memref<1x128x128xf32, #tpu.memory_space<vmem>> -> memref<128x128xf32, #tpu.memory_space<vmem>>
    %dma_start3A_42 = arith.constant 0 : i32
    %dma_start3A_43 = tpu.memref_slice %arg9[%add3A_36, %dma_start3A_42] : memref<10240x128xf32, #tpu.memory_space<vmem_shared>> -> memref<128x128xf32, #tpu.memory_space<vmem_shared>>
    %dma_start3A_44 = arith.constant 0 : i32
    %dma_start3A_45 = tpu.memref_slice %arg9[%add3A_36, %dma_start3A_44] : memref<10240x128xf32, #tpu.memory_space<vmem_shared>> -> memref<128x128xf32, #tpu.memory_space<vmem_shared>>
    %dma_start3A_46 = arith.constant 0 : i32
    %dma_start3A_47 = arith.constant 0 : i32
    %dma_start3A_48 = tpu.memref_slice %arg8[%dma_start3A_37, %dma_start3A_46, %dma_start3A_47] : memref<2x128x128xf32, #tpu.memory_space<vmem>> -> memref<1x128x128xf32, #tpu.memory_space<vmem>>
    %dma_start3A_49 = tpu.memref_squeeze %dma_start3A_48 : memref<1x128x128xf32, #tpu.memory_space<vmem>> -> memref<128x128xf32, #tpu.memory_space<vmem>>
    tpu.enqueue_dma source(%dma_start3A_49 : memref<128x128xf32, #tpu.memory_space<vmem>>) target(%dma_start3A_45 : memref<128x128xf32, #tpu.memory_space<vmem_shared>>) target_semaphore(%arg12 : memref<!tpu.dma_semaphore, #tpu.memory_space<semaphore_mem>>)
    %add3A_50 = arith.constant 256 : i32
    %add3A_51 = arith.addi %mul3A_19, %add3A_50 : i32
    %dma_start3A_52 = arith.constant 1 : i32
    %dma_start3A_53 = arith.constant 0 : i32
    %dma_start3A_54 = arith.constant 0 : i32
    %dma_start3A_55 = tpu.memref_slice %arg8[%dma_start3A_52, %dma_start3A_53, %dma_start3A_54] : memref<2x128x128xf32, #tpu.memory_space<vmem>> -> memref<1x128x128xf32, #tpu.memory_space<vmem>>
    %dma_start3A_56 = tpu.memref_squeeze %dma_start3A_55 : memref<1x128x128xf32, #tpu.memory_space<vmem>> -> memref<128x128xf32, #tpu.memory_space<vmem>>
    %dma_start3A_57 = arith.constant 0 : i32
    %dma_start3A_58 = tpu.memref_slice %arg9[%add3A_51, %dma_start3A_57] : memref<10240x128xf32, #tpu.memory_space<vmem_shared>> -> memref<128x128xf32, #tpu.memory_space<vmem_shared>>
    %dma_start3A_59 = arith.constant 0 : i32
    %dma_start3A_60 = tpu.memref_slice %arg9[%add3A_51, %dma_start3A_59] : memref<10240x128xf32, #tpu.memory_space<vmem_shared>> -> memref<128x128xf32, #tpu.memory_space<vmem_shared>>
    %dma_start3A_61 = arith.constant 0 : i32
    %dma_start3A_62 = arith.constant 0 : i32
    %dma_start3A_63 = tpu.memref_slice %arg8[%dma_start3A_52, %dma_start3A_61, %dma_start3A_62] : memref<2x128x128xf32, #tpu.memory_space<vmem>> -> memref<1x128x128xf32, #tpu.memory_space<vmem>>
    %dma_start3A_64 = tpu.memref_squeeze %dma_start3A_63 : memref<1x128x128xf32, #tpu.memory_space<vmem>> -> memref<128x128xf32, #tpu.memory_space<vmem>>
    tpu.enqueue_dma source(%dma_start3A_64 : memref<128x128xf32, #tpu.memory_space<vmem>>) target(%dma_start3A_60 : memref<128x128xf32, #tpu.memory_space<vmem_shared>>) target_semaphore(%arg12 : memref<!tpu.dma_semaphore, #tpu.memory_space<semaphore_mem>>)
    %add3A_65 = arith.constant 384 : i32
    %add3A_66 = arith.addi %mul3A_19, %add3A_65 : i32
    %dma_start3A_67 = arith.constant 1 : i32
    %dma_start3A_68 = arith.constant 0 : i32
    %dma_start3A_69 = arith.constant 0 : i32
    %dma_start3A_70 = tpu.memref_slice %arg8[%dma_start3A_67, %dma_start3A_68, %dma_start3A_69] : memref<2x128x128xf32, #tpu.memory_space<vmem>> -> memref<1x128x128xf32, #tpu.memory_space<vmem>>
    %dma_start3A_71 = tpu.memref_squeeze %dma_start3A_70 : memref<1x128x128xf32, #tpu.memory_space<vmem>> -> memref<128x128xf32, #tpu.memory_space<vmem>>
    %dma_start3A_72 = arith.constant 0 : i32
    %dma_start3A_73 = tpu.memref_slice %arg9[%add3A_66, %dma_start3A_72] : memref<10240x128xf32, #tpu.memory_space<vmem_shared>> -> memref<128x128xf32, #tpu.memory_space<vmem_shared>>
    %dma_start3A_74 = arith.constant 0 : i32
    %dma_start3A_75 = tpu.memref_slice %arg9[%add3A_66, %dma_start3A_74] : memref<10240x128xf32, #tpu.memory_space<vmem_shared>> -> memref<128x128xf32, #tpu.memory_space<vmem_shared>>
    %dma_start3A_76 = arith.constant 0 : i32
    %dma_start3A_77 = arith.constant 0 : i32
    %dma_start3A_78 = tpu.memref_slice %arg8[%dma_start3A_67, %dma_start3A_76, %dma_start3A_77] : memref<2x128x128xf32, #tpu.memory_space<vmem>> -> memref<1x128x128xf32, #tpu.memory_space<vmem>>
    %dma_start3A_79 = tpu.memref_squeeze %dma_start3A_78 : memref<1x128x128xf32, #tpu.memory_space<vmem>> -> memref<128x128xf32, #tpu.memory_space<vmem>>
    tpu.enqueue_dma source(%dma_start3A_79 : memref<128x128xf32, #tpu.memory_space<vmem>>) target(%dma_start3A_75 : memref<128x128xf32, #tpu.memory_space<vmem_shared>>) target_semaphore(%arg12 : memref<!tpu.dma_semaphore, #tpu.memory_space<semaphore_mem>>)
    %add3A_80 = arith.constant 512 : i32
    %add3A_81 = arith.addi %mul3A_19, %add3A_80 : i32
    %dma_start3A_82 = arith.constant 1 : i32
    %dma_start3A_83 = arith.constant 0 : i32
    %dma_start3A_84 = arith.constant 0 : i32
    %dma_start3A_85 = tpu.memref_slice %arg8[%dma_start3A_82, %dma_start3A_83, %dma_start3A_84] : memref<2x128x128xf32, #tpu.memory_space<vmem>> -> memref<1x128x128xf32, #tpu.memory_space<vmem>>
    %dma_start3A_86 = tpu.memref_squeeze %dma_start3A_85 : memref<1x128x128xf32, #tpu.memory_space<vmem>> -> memref<128x128xf32, #tpu.memory_space<vmem>>
    %dma_start3A_87 = arith.constant 0 : i32
    %dma_start3A_88 = tpu.memref_slice %arg9[%add3A_81, %dma_start3A_87] : memref<10240x128xf32, #tpu.memory_space<vmem_shared>> -> memref<128x128xf32, #tpu.memory_space<vmem_shared>>
    %dma_start3A_89 = arith.constant 0 : i32
    %dma_start3A_90 = tpu.memref_slice %arg9[%add3A_81, %dma_start3A_89] : memref<10240x128xf32, #tpu.memory_space<vmem_shared>> -> memref<128x128xf32, #tpu.memory_space<vmem_shared>>
    %dma_start3A_91 = arith.constant 0 : i32
    %dma_start3A_92 = arith.constant 0 : i32
    %dma_start3A_93 = tpu.memref_slice %arg8[%dma_start3A_82, %dma_start3A_91, %dma_start3A_92] : memref<2x128x128xf32, #tpu.memory_space<vmem>> -> memref<1x128x128xf32, #tpu.memory_space<vmem>>
    %dma_start3A_94 = tpu.memref_squeeze %dma_start3A_93 : memref<1x128x128xf32, #tpu.memory_space<vmem>> -> memref<128x128xf32, #tpu.memory_space<vmem>>
    tpu.enqueue_dma source(%dma_start3A_94 : memref<128x128xf32, #tpu.memory_space<vmem>>) target(%dma_start3A_90 : memref<128x128xf32, #tpu.memory_space<vmem_shared>>) target_semaphore(%arg12 : memref<!tpu.dma_semaphore, #tpu.memory_space<semaphore_mem>>)
    %add3A_95 = arith.constant 0 : i32
    %add3A_96 = arith.addi %mul3A_19, %add3A_95 : i32
    %dma_wait3A = arith.constant 1 : i32
    %dma_wait3A_97 = arith.constant 0 : i32
    %dma_wait3A_98 = arith.constant 0 : i32
    %dma_wait3A_99 = tpu.memref_slice %arg8[%dma_wait3A, %dma_wait3A_97, %dma_wait3A_98] : memref<2x128x128xf32, #tpu.memory_space<vmem>> -> memref<1x128x128xf32, #tpu.memory_space<vmem>>
    %dma_wait3A_100 = tpu.memref_squeeze %dma_wait3A_99 : memref<1x128x128xf32, #tpu.memory_space<vmem>> -> memref<128x128xf32, #tpu.memory_space<vmem>>
    %dma_wait3A_101 = arith.constant 0 : i32
    %dma_wait3A_102 = tpu.memref_slice %arg9[%add3A_96, %dma_wait3A_101] : memref<10240x128xf32, #tpu.memory_space<vmem_shared>> -> memref<128x128xf32, #tpu.memory_space<vmem_shared>>
    %dma_wait3A_103 = arith.constant 0 : i32
    %dma_wait3A_104 = tpu.memref_slice %arg9[%add3A_96, %dma_wait3A_103] : memref<10240x128xf32, #tpu.memory_space<vmem_shared>> -> memref<128x128xf32, #tpu.memory_space<vmem_shared>>
    %dma_wait3A_105 = arith.constant 0 : i32
    %dma_wait3A_106 = arith.constant 0 : i32
    %dma_wait3A_107 = tpu.memref_slice %arg8[%dma_wait3A, %dma_wait3A_105, %dma_wait3A_106] : memref<2x128x128xf32, #tpu.memory_space<vmem>> -> memref<1x128x128xf32, #tpu.memory_space<vmem>>
    %dma_wait3A_108 = tpu.memref_squeeze %dma_wait3A_107 : memref<1x128x128xf32, #tpu.memory_space<vmem>> -> memref<128x128xf32, #tpu.memory_space<vmem>>
    tpu.wait_dma2 semaphore(%arg12 : memref<!tpu.dma_semaphore, #tpu.memory_space<semaphore_mem>>) src(%dma_wait3A_108 : memref<128x128xf32, #tpu.memory_space<vmem>>) dst(%dma_wait3A_104 : memref<128x128xf32, #tpu.memory_space<vmem_shared>>)
    %add3A_109 = arith.constant 128 : i32
    %add3A_110 = arith.addi %mul3A_19, %add3A_109 : i32
    %dma_wait3A_111 = arith.constant 1 : i32
    %dma_wait3A_112 = arith.constant 0 : i32
    %dma_wait3A_113 = arith.constant 0 : i32
    %dma_wait3A_114 = tpu.memref_slice %arg8[%dma_wait3A_111, %dma_wait3A_112, %dma_wait3A_113] : memref<2x128x128xf32, #tpu.memory_space<vmem>> -> memref<1x128x128xf32, #tpu.memory_space<vmem>>
    %dma_wait3A_115 = tpu.memref_squeeze %dma_wait3A_114 : memref<1x128x128xf32, #tpu.memory_space<vmem>> -> memref<128x128xf32, #tpu.memory_space<vmem>>
    %dma_wait3A_116 = arith.constant 0 : i32
    %dma_wait3A_117 = tpu.memref_slice %arg9[%add3A_110, %dma_wait3A_116] : memref<10240x128xf32, #tpu.memory_space<vmem_shared>> -> memref<128x128xf32, #tpu.memory_space<vmem_shared>>
    %dma_wait3A_118 = arith.constant 0 : i32
    %dma_wait3A_119 = tpu.memref_slice %arg9[%add3A_110, %dma_wait3A_118] : memref<10240x128xf32, #tpu.memory_space<vmem_shared>> -> memref<128x128xf32, #tpu.memory_space<vmem_shared>>
    %dma_wait3A_120 = arith.constant 0 : i32
    %dma_wait3A_121 = arith.constant 0 : i32
    %dma_wait3A_122 = tpu.memref_slice %arg8[%dma_wait3A_111, %dma_wait3A_120, %dma_wait3A_121] : memref<2x128x128xf32, #tpu.memory_space<vmem>> -> memref<1x128x128xf32, #tpu.memory_space<vmem>>
    %dma_wait3A_123 = tpu.memref_squeeze %dma_wait3A_122 : memref<1x128x128xf32, #tpu.memory_space<vmem>> -> memref<128x128xf32, #tpu.memory_space<vmem>>
    tpu.wait_dma2 semaphore(%arg12 : memref<!tpu.dma_semaphore, #tpu.memory_space<semaphore_mem>>) src(%dma_wait3A_123 : memref<128x128xf32, #tpu.memory_space<vmem>>) dst(%dma_wait3A_119 : memref<128x128xf32, #tpu.memory_space<vmem_shared>>)
    %add3A_124 = arith.constant 256 : i32
    %add3A_125 = arith.addi %mul3A_19, %add3A_124 : i32
    %dma_wait3A_126 = arith.constant 1 : i32
    %dma_wait3A_127 = arith.constant 0 : i32
    %dma_wait3A_128 = arith.constant 0 : i32
    %dma_wait3A_129 = tpu.memref_slice %arg8[%dma_wait3A_126, %dma_wait3A_127, %dma_wait3A_128] : memref<2x128x128xf32, #tpu.memory_space<vmem>> -> memref<1x128x128xf32, #tpu.memory_space<vmem>>
    %dma_wait3A_130 = tpu.memref_squeeze %dma_wait3A_129 : memref<1x128x128xf32, #tpu.memory_space<vmem>> -> memref<128x128xf32, #tpu.memory_space<vmem>>
    %dma_wait3A_131 = arith.constant 0 : i32
    %dma_wait3A_132 = tpu.memref_slice %arg9[%add3A_125, %dma_wait3A_131] : memref<10240x128xf32, #tpu.memory_space<vmem_shared>> -> memref<128x128xf32, #tpu.memory_space<vmem_shared>>
    %dma_wait3A_133 = arith.constant 0 : i32
    %dma_wait3A_134 = tpu.memref_slice %arg9[%add3A_125, %dma_wait3A_133] : memref<10240x128xf32, #tpu.memory_space<vmem_shared>> -> memref<128x128xf32, #tpu.memory_space<vmem_shared>>
    %dma_wait3A_135 = arith.constant 0 : i32
    %dma_wait3A_136 = arith.constant 0 : i32
    %dma_wait3A_137 = tpu.memref_slice %arg8[%dma_wait3A_126, %dma_wait3A_135, %dma_wait3A_136] : memref<2x128x128xf32, #tpu.memory_space<vmem>> -> memref<1x128x128xf32, #tpu.memory_space<vmem>>
    %dma_wait3A_138 = tpu.memref_squeeze %dma_wait3A_137 : memref<1x128x128xf32, #tpu.memory_space<vmem>> -> memref<128x128xf32, #tpu.memory_space<vmem>>
    tpu.wait_dma2 semaphore(%arg12 : memref<!tpu.dma_semaphore, #tpu.memory_space<semaphore_mem>>) src(%dma_wait3A_138 : memref<128x128xf32, #tpu.memory_space<vmem>>) dst(%dma_wait3A_134 : memref<128x128xf32, #tpu.memory_space<vmem_shared>>)
    %add3A_139 = arith.constant 384 : i32
    %add3A_140 = arith.addi %mul3A_19, %add3A_139 : i32
    %dma_wait3A_141 = arith.constant 1 : i32
    %dma_wait3A_142 = arith.constant 0 : i32
    %dma_wait3A_143 = arith.constant 0 : i32
    %dma_wait3A_144 = tpu.memref_slice %arg8[%dma_wait3A_141, %dma_wait3A_142, %dma_wait3A_143] : memref<2x128x128xf32, #tpu.memory_space<vmem>> -> memref<1x128x128xf32, #tpu.memory_space<vmem>>
    %dma_wait3A_145 = tpu.memref_squeeze %dma_wait3A_144 : memref<1x128x128xf32, #tpu.memory_space<vmem>> -> memref<128x128xf32, #tpu.memory_space<vmem>>
    %dma_wait3A_146 = arith.constant 0 : i32
    %dma_wait3A_147 = tpu.memref_slice %arg9[%add3A_140, %dma_wait3A_146] : memref<10240x128xf32, #tpu.memory_space<vmem_shared>> -> memref<128x128xf32, #tpu.memory_space<vmem_shared>>
    %dma_wait3A_148 = arith.constant 0 : i32
    %dma_wait3A_149 = tpu.memref_slice %arg9[%add3A_140, %dma_wait3A_148] : memref<10240x128xf32, #tpu.memory_space<vmem_shared>> -> memref<128x128xf32, #tpu.memory_space<vmem_shared>>
    %dma_wait3A_150 = arith.constant 0 : i32
    %dma_wait3A_151 = arith.constant 0 : i32
    %dma_wait3A_152 = tpu.memref_slice %arg8[%dma_wait3A_141, %dma_wait3A_150, %dma_wait3A_151] : memref<2x128x128xf32, #tpu.memory_space<vmem>> -> memref<1x128x128xf32, #tpu.memory_space<vmem>>
    %dma_wait3A_153 = tpu.memref_squeeze %dma_wait3A_152 : memref<1x128x128xf32, #tpu.memory_space<vmem>> -> memref<128x128xf32, #tpu.memory_space<vmem>>
    tpu.wait_dma2 semaphore(%arg12 : memref<!tpu.dma_semaphore, #tpu.memory_space<semaphore_mem>>) src(%dma_wait3A_153 : memref<128x128xf32, #tpu.memory_space<vmem>>) dst(%dma_wait3A_149 : memref<128x128xf32, #tpu.memory_space<vmem_shared>>)
    %add3A_154 = arith.constant 512 : i32
    %add3A_155 = arith.addi %mul3A_19, %add3A_154 : i32
    %dma_wait3A_156 = arith.constant 1 : i32
    %dma_wait3A_157 = arith.constant 0 : i32
    %dma_wait3A_158 = arith.constant 0 : i32
    %dma_wait3A_159 = tpu.memref_slice %arg8[%dma_wait3A_156, %dma_wait3A_157, %dma_wait3A_158] : memref<2x128x128xf32, #tpu.memory_space<vmem>> -> memref<1x128x128xf32, #tpu.memory_space<vmem>>
    %dma_wait3A_160 = tpu.memref_squeeze %dma_wait3A_159 : memref<1x128x128xf32, #tpu.memory_space<vmem>> -> memref<128x128xf32, #tpu.memory_space<vmem>>
    %dma_wait3A_161 = arith.constant 0 : i32
    %dma_wait3A_162 = tpu.memref_slice %arg9[%add3A_155, %dma_wait3A_161] : memref<10240x128xf32, #tpu.memory_space<vmem_shared>> -> memref<128x128xf32, #tpu.memory_space<vmem_shared>>
    %dma_wait3A_163 = arith.constant 0 : i32
    %dma_wait3A_164 = tpu.memref_slice %arg9[%add3A_155, %dma_wait3A_163] : memref<10240x128xf32, #tpu.memory_space<vmem_shared>> -> memref<128x128xf32, #tpu.memory_space<vmem_shared>>
    %dma_wait3A_165 = arith.constant 0 : i32
    %dma_wait3A_166 = arith.constant 0 : i32
    %dma_wait3A_167 = tpu.memref_slice %arg8[%dma_wait3A_156, %dma_wait3A_165, %dma_wait3A_166] : memref<2x128x128xf32, #tpu.memory_space<vmem>> -> memref<1x128x128xf32, #tpu.memory_space<vmem>>
    %dma_wait3A_168 = tpu.memref_squeeze %dma_wait3A_167 : memref<1x128x128xf32, #tpu.memory_space<vmem>> -> memref<128x128xf32, #tpu.memory_space<vmem>>
    tpu.wait_dma2 semaphore(%arg12 : memref<!tpu.dma_semaphore, #tpu.memory_space<semaphore_mem>>) src(%dma_wait3A_168 : memref<128x128xf32, #tpu.memory_space<vmem>>) dst(%dma_wait3A_164 : memref<128x128xf32, #tpu.memory_space<vmem_shared>>)
    %barrier3A = arith.constant 0 : index
    tpu.barrier barrier_id(%barrier3A)
    %dma_start3A_169 = arith.constant 1 : i32
    %dma_start3A_170 = arith.constant 0 : i32
    %dma_start3A_171 = arith.constant 0 : i32
    %dma_start3A_172 = tpu.memref_slice %arg8[%dma_start3A_169, %dma_start3A_170, %dma_start3A_171] : memref<2x128x128xf32, #tpu.memory_space<vmem>> -> memref<1x128x128xf32, #tpu.memory_space<vmem>>
    %dma_start3A_173 = tpu.memref_squeeze %dma_start3A_172 : memref<1x128x128xf32, #tpu.memory_space<vmem>> -> memref<128x128xf32, #tpu.memory_space<vmem>>
    %dma_start3A_174 = arith.constant 128 : i32
    %dma_start3A_175 = tpu.memref_slice %arg6[%dma_start3A_174] : memref<10240xi32, #tpu.memory_space<vmem>> -> memref<128xi32, #tpu.memory_space<vmem>>
    %dma_start3A_176 = arith.constant 0 : i32
    %dma_start3A_177 = arith.constant 0 : i32
    %dma_start3A_178 = tpu.memref_slice %arg2[%dma_start3A_176, %dma_start3A_177] : memref<10240x128xf32, #tpu.memory_space<hbm>> -> memref<10240x128xf32, #tpu.memory_space<hbm>>
    tpu.enqueue_indirect_dma source(%dma_start3A_178 : memref<10240x128xf32, #tpu.memory_space<hbm>>) target(%dma_start3A_173 : memref<128x128xf32, #tpu.memory_space<vmem>>) offsets(%dma_start3A_175 : memref<128xi32, #tpu.memory_space<vmem>>) semaphore(%arg11 : memref<!tpu.dma_semaphore, #tpu.memory_space<semaphore_mem>>)
    %scan3A_179 = arith.constant 0 : i32
    %scan3A_180 = arith.constant 40 : i32
    %scan3A_181 = arith.addi %scan3A_179, %scan3A_180 : i32
    %scan3A_182 = arith.constant 1 : i32
    scf.for %scan3A_371 = %scan3A_179 to %scan3A_181 step %scan3A_182  : i32 {
      %mul3A_372 = arith.constant 1 : i32
      %mul3A_373 = arith.muli %scan3A_371, %mul3A_372 : i32
      %add3A_374 = arith.constant 0 : i32
      %add3A_375 = arith.addi %add3A_374, %mul3A_373 : i32
      %mul3A_376 = arith.constant 2 : i32
      %mul3A_377 = arith.muli %mul3A_376, %add3A_375 : i32
      %eq3A = arith.constant 20 : i32
      %eq3A_378 = arith.cmpi eq, %add3A_375, %eq3A : i32
      %convert_element_type3A = arith.extui %eq3A_378 : i1 to i32
      %cond3A = arith.constant 0 : i32
      %cond3A_379 = arith.cmpi ne, %convert_element_type3A, %cond3A : i32
      scf.if %cond3A_379 {
        "tpu.region"() ({
          %run_scoped3A_472 = tpu.sem_alloc : memref<!tpu.dma_semaphore, #tpu.memory_space<semaphore_mem>>
          %dma_start3A_473 = arith.constant 40 : i32
          %dma_start3A_474 = arith.constant 0 : i32
          %dma_start3A_475 = tpu.memref_slice %arg4[%add3A, %dma_start3A_473, %dma_start3A_474] : memref<32x80x128xi32, #tpu.memory_space<hbm>> -> memref<1x40x128xi32, #tpu.memory_space<hbm>>
          %dma_start3A_476 = tpu.memref_squeeze %dma_start3A_475 : memref<1x40x128xi32, #tpu.memory_space<hbm>> -> memref<40x128xi32, #tpu.memory_space<hbm>>
          %dma_start3A_477 = arith.constant 40 : i32
          %dma_start3A_478 = arith.constant 0 : i32
          %dma_start3A_479 = tpu.memref_slice %arg4[%add3A, %dma_start3A_477, %dma_start3A_478] : memref<32x80x128xi32, #tpu.memory_space<hbm>> -> memref<1x40x128xi32, #tpu.memory_space<hbm>>
          %dma_start3A_480 = tpu.memref_squeeze %dma_start3A_479 : memref<1x40x128xi32, #tpu.memory_space<hbm>> -> memref<40x128xi32, #tpu.memory_space<hbm>>
          tpu.enqueue_dma source(%dma_start3A_480 : memref<40x128xi32, #tpu.memory_space<hbm>>) target(%arg7 : memref<40x128xi32, #tpu.memory_space<vmem>>) target_semaphore(%run_scoped3A_472 : memref<!tpu.dma_semaphore, #tpu.memory_space<semaphore_mem>>)
          %dma_wait3A_481 = arith.constant 40 : i32
          %dma_wait3A_482 = arith.constant 0 : i32
          %dma_wait3A_483 = tpu.memref_slice %arg4[%add3A, %dma_wait3A_481, %dma_wait3A_482] : memref<32x80x128xi32, #tpu.memory_space<hbm>> -> memref<1x40x128xi32, #tpu.memory_space<hbm>>
          %dma_wait3A_484 = tpu.memref_squeeze %dma_wait3A_483 : memref<1x40x128xi32, #tpu.memory_space<hbm>> -> memref<40x128xi32, #tpu.memory_space<hbm>>
          %dma_wait3A_485 = arith.constant 40 : i32
          %dma_wait3A_486 = arith.constant 0 : i32
          %dma_wait3A_487 = tpu.memref_slice %arg4[%add3A, %dma_wait3A_485, %dma_wait3A_486] : memref<32x80x128xi32, #tpu.memory_space<hbm>> -> memref<1x40x128xi32, #tpu.memory_space<hbm>>
          %dma_wait3A_488 = tpu.memref_squeeze %dma_wait3A_487 : memref<1x40x128xi32, #tpu.memory_space<hbm>> -> memref<40x128xi32, #tpu.memory_space<hbm>>
          tpu.wait_dma2 semaphore(%run_scoped3A_472 : memref<!tpu.dma_semaphore, #tpu.memory_space<semaphore_mem>>) src(%dma_wait3A_488 : memref<40x128xi32, #tpu.memory_space<hbm>>) dst(%arg7 : memref<40x128xi32, #tpu.memory_space<vmem>>)
          tpu.yield
        }) : () -> ()
      } else {
      }
      %mul3A_380 = arith.constant 128 : i32
      %mul3A_381 = arith.muli %mul3A_377, %mul3A_380 : i32
      %dma_wait3A_382 = arith.constant 0 : i32
      %dma_wait3A_383 = arith.constant 0 : i32
      %dma_wait3A_384 = arith.constant 0 : i32
      %dma_wait3A_385 = tpu.memref_slice %arg8[%dma_wait3A_382, %dma_wait3A_383, %dma_wait3A_384] : memref<2x128x128xf32, #tpu.memory_space<vmem>> -> memref<1x128x128xf32, #tpu.memory_space<vmem>>
      %dma_wait3A_386 = tpu.memref_squeeze %dma_wait3A_385 : memref<1x128x128xf32, #tpu.memory_space<vmem>> -> memref<128x128xf32, #tpu.memory_space<vmem>>
      %dma_wait3A_387 = tpu.memref_slice %arg6[%mul3A_381] : memref<10240xi32, #tpu.memory_space<vmem>> -> memref<128xi32, #tpu.memory_space<vmem>>
      %dma_wait3A_388 = arith.constant 0 : i32
      %dma_wait3A_389 = arith.constant 0 : i32
      %dma_wait3A_390 = tpu.memref_slice %arg2[%dma_wait3A_388, %dma_wait3A_389] : memref<10240x128xf32, #tpu.memory_space<hbm>> -> memref<10240x128xf32, #tpu.memory_space<hbm>>
      tpu.wait_indirect_dma semaphore(%arg10 : memref<!tpu.dma_semaphore, #tpu.memory_space<semaphore_mem>>) src(%dma_wait3A_390 : memref<10240x128xf32, #tpu.memory_space<hbm>>) dst(%dma_wait3A_386 : memref<128x128xf32, #tpu.memory_space<vmem>>)
      %rem3A = arith.constant 40 : i32
      %rem3A_391 = arith.remsi %mul3A_377, %rem3A : i32
      %dma_start3A_392 = arith.constant 0 : i32
      %dma_start3A_393 = arith.constant 0 : i32
      %dma_start3A_394 = arith.constant 0 : i32
      %dma_start3A_395 = tpu.memref_slice %arg8[%dma_start3A_392, %dma_start3A_393, %dma_start3A_394] : memref<2x128x128xf32, #tpu.memory_space<vmem>> -> memref<1x128x128xf32, #tpu.memory_space<vmem>>
      %dma_start3A_396 = tpu.memref_squeeze %dma_start3A_395 : memref<1x128x128xf32, #tpu.memory_space<vmem>> -> memref<128x128xf32, #tpu.memory_space<vmem>>
      %dma_start3A_397 = arith.constant 0 : i32
      %dma_start3A_398 = tpu.memref_slice %arg7[%rem3A_391, %dma_start3A_397] : memref<40x128xi32, #tpu.memory_space<vmem>> -> memref<1x128xi32, #tpu.memory_space<vmem>>
      %dma_start3A_399 = tpu.memref_squeeze %dma_start3A_398 : memref<1x128xi32, #tpu.memory_space<vmem>> -> memref<128xi32, #tpu.memory_space<vmem>>
      %dma_start3A_400 = arith.constant 0 : i32
      %dma_start3A_401 = arith.constant 0 : i32
      %dma_start3A_402 = tpu.memref_slice %arg9[%dma_start3A_400, %dma_start3A_401] : memref<10240x128xf32, #tpu.memory_space<vmem_shared>> -> memref<10240x128xf32, #tpu.memory_space<vmem_shared>>
      tpu.enqueue_indirect_dma source(%dma_start3A_396 : memref<128x128xf32, #tpu.memory_space<vmem>>) target(%dma_start3A_402 : memref<10240x128xf32, #tpu.memory_space<vmem_shared>>) offsets(%dma_start3A_399 : memref<128xi32, #tpu.memory_space<vmem>>) semaphore(%arg12 : memref<!tpu.dma_semaphore, #tpu.memory_space<semaphore_mem>>) {add = true}
      %rem3A_403 = arith.constant 40 : i32
      %rem3A_404 = arith.remsi %mul3A_377, %rem3A_403 : i32
      %dma_wait3A_405 = arith.constant 0 : i32
      %dma_wait3A_406 = arith.constant 0 : i32
      %dma_wait3A_407 = arith.constant 0 : i32
      %dma_wait3A_408 = tpu.memref_slice %arg8[%dma_wait3A_405, %dma_wait3A_406, %dma_wait3A_407] : memref<2x128x128xf32, #tpu.memory_space<vmem>> -> memref<1x128x128xf32, #tpu.memory_space<vmem>>
      %dma_wait3A_409 = tpu.memref_squeeze %dma_wait3A_408 : memref<1x128x128xf32, #tpu.memory_space<vmem>> -> memref<128x128xf32, #tpu.memory_space<vmem>>
      %dma_wait3A_410 = arith.constant 0 : i32
      %dma_wait3A_411 = tpu.memref_slice %arg7[%rem3A_404, %dma_wait3A_410] : memref<40x128xi32, #tpu.memory_space<vmem>> -> memref<1x128xi32, #tpu.memory_space<vmem>>
      %dma_wait3A_412 = tpu.memref_squeeze %dma_wait3A_411 : memref<1x128xi32, #tpu.memory_space<vmem>> -> memref<128xi32, #tpu.memory_space<vmem>>
      %dma_wait3A_413 = arith.constant 0 : i32
      %dma_wait3A_414 = arith.constant 0 : i32
      %dma_wait3A_415 = tpu.memref_slice %arg9[%dma_wait3A_413, %dma_wait3A_414] : memref<10240x128xf32, #tpu.memory_space<vmem_shared>> -> memref<10240x128xf32, #tpu.memory_space<vmem_shared>>
      tpu.wait_indirect_dma semaphore(%arg12 : memref<!tpu.dma_semaphore, #tpu.memory_space<semaphore_mem>>) src(%dma_wait3A_409 : memref<128x128xf32, #tpu.memory_space<vmem>>) dst(%dma_wait3A_415 : memref<10240x128xf32, #tpu.memory_space<vmem_shared>>)
      %add3A_416 = arith.constant 2 : i32
      %add3A_417 = arith.addi %mul3A_377, %add3A_416 : i32
      %lt3A = arith.constant 80 : i32
      %lt3A_418 = arith.cmpi slt, %add3A_417, %lt3A : i32
      %convert_element_type3A_419 = arith.extui %lt3A_418 : i1 to i32
      %cond3A_420 = arith.constant 0 : i32
      %cond3A_421 = arith.cmpi ne, %convert_element_type3A_419, %cond3A_420 : i32
      scf.if %cond3A_421 {
        %add3A_472 = arith.constant 2 : i32
        %add3A_473 = arith.addi %mul3A_377, %add3A_472 : i32
        %mul3A_474 = arith.constant 128 : i32
        %mul3A_475 = arith.muli %add3A_473, %mul3A_474 : i32
        %dma_start3A_476 = arith.constant 0 : i32
        %dma_start3A_477 = arith.constant 0 : i32
        %dma_start3A_478 = arith.constant 0 : i32
        %dma_start3A_479 = tpu.memref_slice %arg8[%dma_start3A_476, %dma_start3A_477, %dma_start3A_478] : memref<2x128x128xf32, #tpu.memory_space<vmem>> -> memref<1x128x128xf32, #tpu.memory_space<vmem>>
        %dma_start3A_480 = tpu.memref_squeeze %dma_start3A_479 : memref<1x128x128xf32, #tpu.memory_space<vmem>> -> memref<128x128xf32, #tpu.memory_space<vmem>>
        %dma_start3A_481 = tpu.memref_slice %arg6[%mul3A_475] : memref<10240xi32, #tpu.memory_space<vmem>> -> memref<128xi32, #tpu.memory_space<vmem>>
        %dma_start3A_482 = arith.constant 0 : i32
        %dma_start3A_483 = arith.constant 0 : i32
        %dma_start3A_484 = tpu.memref_slice %arg2[%dma_start3A_482, %dma_start3A_483] : memref<10240x128xf32, #tpu.memory_space<hbm>> -> memref<10240x128xf32, #tpu.memory_space<hbm>>
        tpu.enqueue_indirect_dma source(%dma_start3A_484 : memref<10240x128xf32, #tpu.memory_space<hbm>>) target(%dma_start3A_480 : memref<128x128xf32, #tpu.memory_space<vmem>>) offsets(%dma_start3A_481 : memref<128xi32, #tpu.memory_space<vmem>>) semaphore(%arg10 : memref<!tpu.dma_semaphore, #tpu.memory_space<semaphore_mem>>)
      } else {
      }
      %add3A_422 = arith.constant 1 : i32
      %add3A_423 = arith.addi %mul3A_377, %add3A_422 : i32
      %mul3A_424 = arith.constant 128 : i32
      %mul3A_425 = arith.muli %add3A_423, %mul3A_424 : i32
      %dma_wait3A_426 = arith.constant 1 : i32
      %dma_wait3A_427 = arith.constant 0 : i32
      %dma_wait3A_428 = arith.constant 0 : i32
      %dma_wait3A_429 = tpu.memref_slice %arg8[%dma_wait3A_426, %dma_wait3A_427, %dma_wait3A_428] : memref<2x128x128xf32, #tpu.memory_space<vmem>> -> memref<1x128x128xf32, #tpu.memory_space<vmem>>
      %dma_wait3A_430 = tpu.memref_squeeze %dma_wait3A_429 : memref<1x128x128xf32, #tpu.memory_space<vmem>> -> memref<128x128xf32, #tpu.memory_space<vmem>>
      %dma_wait3A_431 = tpu.memref_slice %arg6[%mul3A_425] : memref<10240xi32, #tpu.memory_space<vmem>> -> memref<128xi32, #tpu.memory_space<vmem>>
      %dma_wait3A_432 = arith.constant 0 : i32
      %dma_wait3A_433 = arith.constant 0 : i32
      %dma_wait3A_434 = tpu.memref_slice %arg2[%dma_wait3A_432, %dma_wait3A_433] : memref<10240x128xf32, #tpu.memory_space<hbm>> -> memref<10240x128xf32, #tpu.memory_space<hbm>>
      tpu.wait_indirect_dma semaphore(%arg11 : memref<!tpu.dma_semaphore, #tpu.memory_space<semaphore_mem>>) src(%dma_wait3A_434 : memref<10240x128xf32, #tpu.memory_space<hbm>>) dst(%dma_wait3A_430 : memref<128x128xf32, #tpu.memory_space<vmem>>)
      %add3A_435 = arith.constant 1 : i32
      %add3A_436 = arith.addi %mul3A_377, %add3A_435 : i32
      %rem3A_437 = arith.constant 40 : i32
      %rem3A_438 = arith.remsi %add3A_436, %rem3A_437 : i32
      %dma_start3A_439 = arith.constant 1 : i32
      %dma_start3A_440 = arith.constant 0 : i32
      %dma_start3A_441 = arith.constant 0 : i32
      %dma_start3A_442 = tpu.memref_slice %arg8[%dma_start3A_439, %dma_start3A_440, %dma_start3A_441] : memref<2x128x128xf32, #tpu.memory_space<vmem>> -> memref<1x128x128xf32, #tpu.memory_space<vmem>>
      %dma_start3A_443 = tpu.memref_squeeze %dma_start3A_442 : memref<1x128x128xf32, #tpu.memory_space<vmem>> -> memref<128x128xf32, #tpu.memory_space<vmem>>
      %dma_start3A_444 = arith.constant 0 : i32
      %dma_start3A_445 = tpu.memref_slice %arg7[%rem3A_438, %dma_start3A_444] : memref<40x128xi32, #tpu.memory_space<vmem>> -> memref<1x128xi32, #tpu.memory_space<vmem>>
      %dma_start3A_446 = tpu.memref_squeeze %dma_start3A_445 : memref<1x128xi32, #tpu.memory_space<vmem>> -> memref<128xi32, #tpu.memory_space<vmem>>
      %dma_start3A_447 = arith.constant 0 : i32
      %dma_start3A_448 = arith.constant 0 : i32
      %dma_start3A_449 = tpu.memref_slice %arg9[%dma_start3A_447, %dma_start3A_448] : memref<10240x128xf32, #tpu.memory_space<vmem_shared>> -> memref<10240x128xf32, #tpu.memory_space<vmem_shared>>
      tpu.enqueue_indirect_dma source(%dma_start3A_443 : memref<128x128xf32, #tpu.memory_space<vmem>>) target(%dma_start3A_449 : memref<10240x128xf32, #tpu.memory_space<vmem_shared>>) offsets(%dma_start3A_446 : memref<128xi32, #tpu.memory_space<vmem>>) semaphore(%arg13 : memref<!tpu.dma_semaphore, #tpu.memory_space<semaphore_mem>>) {add = true}
      %add3A_450 = arith.constant 1 : i32
      %add3A_451 = arith.addi %mul3A_377, %add3A_450 : i32
      %rem3A_452 = arith.constant 40 : i32
      %rem3A_453 = arith.remsi %add3A_451, %rem3A_452 : i32
      %dma_wait3A_454 = arith.constant 1 : i32
      %dma_wait3A_455 = arith.constant 0 : i32
      %dma_wait3A_456 = arith.constant 0 : i32
      %dma_wait3A_457 = tpu.memref_slice %arg8[%dma_wait3A_454, %dma_wait3A_455, %dma_wait3A_456] : memref<2x128x128xf32, #tpu.memory_space<vmem>> -> memref<1x128x128xf32, #tpu.memory_space<vmem>>
      %dma_wait3A_458 = tpu.memref_squeeze %dma_wait3A_457 : memref<1x128x128xf32, #tpu.memory_space<vmem>> -> memref<128x128xf32, #tpu.memory_space<vmem>>
      %dma_wait3A_459 = arith.constant 0 : i32
      %dma_wait3A_460 = tpu.memref_slice %arg7[%rem3A_453, %dma_wait3A_459] : memref<40x128xi32, #tpu.memory_space<vmem>> -> memref<1x128xi32, #tpu.memory_space<vmem>>
      %dma_wait3A_461 = tpu.memref_squeeze %dma_wait3A_460 : memref<1x128xi32, #tpu.memory_space<vmem>> -> memref<128xi32, #tpu.memory_space<vmem>>
      %dma_wait3A_462 = arith.constant 0 : i32
      %dma_wait3A_463 = arith.constant 0 : i32
      %dma_wait3A_464 = tpu.memref_slice %arg9[%dma_wait3A_462, %dma_wait3A_463] : memref<10240x128xf32, #tpu.memory_space<vmem_shared>> -> memref<10240x128xf32, #tpu.memory_space<vmem_shared>>
      tpu.wait_indirect_dma semaphore(%arg13 : memref<!tpu.dma_semaphore, #tpu.memory_space<semaphore_mem>>) src(%dma_wait3A_458 : memref<128x128xf32, #tpu.memory_space<vmem>>) dst(%dma_wait3A_464 : memref<10240x128xf32, #tpu.memory_space<vmem_shared>>)
      %add3A_465 = arith.constant 3 : i32
      %add3A_466 = arith.addi %mul3A_377, %add3A_465 : i32
      %lt3A_467 = arith.constant 80 : i32
      %lt3A_468 = arith.cmpi slt, %add3A_466, %lt3A_467 : i32
      %convert_element_type3A_469 = arith.extui %lt3A_468 : i1 to i32
      %cond3A_470 = arith.constant 0 : i32
      %cond3A_471 = arith.cmpi ne, %convert_element_type3A_469, %cond3A_470 : i32
      scf.if %cond3A_471 {
        %add3A_472 = arith.constant 3 : i32
        %add3A_473 = arith.addi %mul3A_377, %add3A_472 : i32
        %mul3A_474 = arith.constant 128 : i32
        %mul3A_475 = arith.muli %add3A_473, %mul3A_474 : i32
        %dma_start3A_476 = arith.constant 1 : i32
        %dma_start3A_477 = arith.constant 0 : i32
        %dma_start3A_478 = arith.constant 0 : i32
        %dma_start3A_479 = tpu.memref_slice %arg8[%dma_start3A_476, %dma_start3A_477, %dma_start3A_478] : memref<2x128x128xf32, #tpu.memory_space<vmem>> -> memref<1x128x128xf32, #tpu.memory_space<vmem>>
        %dma_start3A_480 = tpu.memref_squeeze %dma_start3A_479 : memref<1x128x128xf32, #tpu.memory_space<vmem>> -> memref<128x128xf32, #tpu.memory_space<vmem>>
        %dma_start3A_481 = tpu.memref_slice %arg6[%mul3A_475] : memref<10240xi32, #tpu.memory_space<vmem>> -> memref<128xi32, #tpu.memory_space<vmem>>
        %dma_start3A_482 = arith.constant 0 : i32
        %dma_start3A_483 = arith.constant 0 : i32
        %dma_start3A_484 = tpu.memref_slice %arg2[%dma_start3A_482, %dma_start3A_483] : memref<10240x128xf32, #tpu.memory_space<hbm>> -> memref<10240x128xf32, #tpu.memory_space<hbm>>
        tpu.enqueue_indirect_dma source(%dma_start3A_484 : memref<10240x128xf32, #tpu.memory_space<hbm>>) target(%dma_start3A_480 : memref<128x128xf32, #tpu.memory_space<vmem>>) offsets(%dma_start3A_481 : memref<128xi32, #tpu.memory_space<vmem>>) semaphore(%arg11 : memref<!tpu.dma_semaphore, #tpu.memory_space<semaphore_mem>>)
      } else {
      }
    }
    %scan3A_183 = arith.constant 40 : i32
    %barrier3A_184 = arith.constant 0 : index
    tpu.barrier barrier_id(%barrier3A_184)
    %mul3A_185 = arith.constant 640 : i32
    %mul3A_186 = arith.muli %arg1, %mul3A_185 : i32
    %add3A_187 = arith.constant 0 : i32
    %add3A_188 = arith.addi %mul3A_186, %add3A_187 : i32
    %run_scoped3A = arith.constant 0 : i32
    "tpu.region"() ({
      %run_scoped3A_371 = tpu.sem_alloc : memref<!tpu.dma_semaphore, #tpu.memory_space<semaphore_mem>>
      %dma_start3A_372 = arith.constant 0 : i32
      %dma_start3A_373 = arith.constant 0 : i32
      %dma_start3A_374 = tpu.memref_slice %arg8[%run_scoped3A, %dma_start3A_372, %dma_start3A_373] : memref<2x128x128xf32, #tpu.memory_space<vmem>> -> memref<1x128x128xf32, #tpu.memory_space<vmem>>
      %dma_start3A_375 = tpu.memref_squeeze %dma_start3A_374 : memref<1x128x128xf32, #tpu.memory_space<vmem>> -> memref<128x128xf32, #tpu.memory_space<vmem>>
      %dma_start3A_376 = arith.constant 0 : i32
      %dma_start3A_377 = tpu.memref_slice %arg9[%add3A_188, %dma_start3A_376] : memref<10240x128xf32, #tpu.memory_space<vmem_shared>> -> memref<128x128xf32, #tpu.memory_space<vmem_shared>>
      %dma_start3A_378 = arith.constant 0 : i32
      %dma_start3A_379 = arith.constant 0 : i32
      %dma_start3A_380 = tpu.memref_slice %arg8[%run_scoped3A, %dma_start3A_378, %dma_start3A_379] : memref<2x128x128xf32, #tpu.memory_space<vmem>> -> memref<1x128x128xf32, #tpu.memory_space<vmem>>
      %dma_start3A_381 = tpu.memref_squeeze %dma_start3A_380 : memref<1x128x128xf32, #tpu.memory_space<vmem>> -> memref<128x128xf32, #tpu.memory_space<vmem>>
      %dma_start3A_382 = arith.constant 0 : i32
      %dma_start3A_383 = tpu.memref_slice %arg9[%add3A_188, %dma_start3A_382] : memref<10240x128xf32, #tpu.memory_space<vmem_shared>> -> memref<128x128xf32, #tpu.memory_space<vmem_shared>>
      tpu.enqueue_dma source(%dma_start3A_383 : memref<128x128xf32, #tpu.memory_space<vmem_shared>>) target(%dma_start3A_381 : memref<128x128xf32, #tpu.memory_space<vmem>>) target_semaphore(%run_scoped3A_371 : memref<!tpu.dma_semaphore, #tpu.memory_space<semaphore_mem>>)
      %dma_wait3A_384 = arith.constant 0 : i32
      %dma_wait3A_385 = arith.constant 0 : i32
      %dma_wait3A_386 = tpu.memref_slice %arg8[%run_scoped3A, %dma_wait3A_384, %dma_wait3A_385] : memref<2x128x128xf32, #tpu.memory_space<vmem>> -> memref<1x128x128xf32, #tpu.memory_space<vmem>>
      %dma_wait3A_387 = tpu.memref_squeeze %dma_wait3A_386 : memref<1x128x128xf32, #tpu.memory_space<vmem>> -> memref<128x128xf32, #tpu.memory_space<vmem>>
      %dma_wait3A_388 = arith.constant 0 : i32
      %dma_wait3A_389 = tpu.memref_slice %arg9[%add3A_188, %dma_wait3A_388] : memref<10240x128xf32, #tpu.memory_space<vmem_shared>> -> memref<128x128xf32, #tpu.memory_space<vmem_shared>>
      %dma_wait3A_390 = arith.constant 0 : i32
      %dma_wait3A_391 = arith.constant 0 : i32
      %dma_wait3A_392 = tpu.memref_slice %arg8[%run_scoped3A, %dma_wait3A_390, %dma_wait3A_391] : memref<2x128x128xf32, #tpu.memory_space<vmem>> -> memref<1x128x128xf32, #tpu.memory_space<vmem>>
      %dma_wait3A_393 = tpu.memref_squeeze %dma_wait3A_392 : memref<1x128x128xf32, #tpu.memory_space<vmem>> -> memref<128x128xf32, #tpu.memory_space<vmem>>
      %dma_wait3A_394 = arith.constant 0 : i32
      %dma_wait3A_395 = tpu.memref_slice %arg9[%add3A_188, %dma_wait3A_394] : memref<10240x128xf32, #tpu.memory_space<vmem_shared>> -> memref<128x128xf32, #tpu.memory_space<vmem_shared>>
      tpu.wait_dma2 semaphore(%run_scoped3A_371 : memref<!tpu.dma_semaphore, #tpu.memory_space<semaphore_mem>>) src(%dma_wait3A_395 : memref<128x128xf32, #tpu.memory_space<vmem_shared>>) dst(%dma_wait3A_393 : memref<128x128xf32, #tpu.memory_space<vmem>>)
      tpu.yield
    }) : () -> ()
    %add3A_189 = arith.constant 0 : i32
    %add3A_190 = arith.addi %mul3A_186, %add3A_189 : i32
    %dma_start3A_191 = arith.constant 0 : i32
    %dma_start3A_192 = arith.constant 0 : i32
    %dma_start3A_193 = arith.constant 0 : i32
    %dma_start3A_194 = tpu.memref_slice %arg8[%dma_start3A_191, %dma_start3A_192, %dma_start3A_193] : memref<2x128x128xf32, #tpu.memory_space<vmem>> -> memref<1x128x128xf32, #tpu.memory_space<vmem>>
    %dma_start3A_195 = tpu.memref_squeeze %dma_start3A_194 : memref<1x128x128xf32, #tpu.memory_space<vmem>> -> memref<128x128xf32, #tpu.memory_space<vmem>>
    %dma_start3A_196 = arith.constant 0 : i32
    %dma_start3A_197 = tpu.memref_slice %arg5[%arg0, %add3A_190, %dma_start3A_196] : memref<2x10240x128xf32, #tpu.memory_space<hbm>> -> memref<1x128x128xf32, #tpu.memory_space<hbm>>
    %dma_start3A_198 = tpu.memref_squeeze %dma_start3A_197 : memref<1x128x128xf32, #tpu.memory_space<hbm>> -> memref<128x128xf32, #tpu.memory_space<hbm>>
    %dma_start3A_199 = arith.constant 0 : i32
    %dma_start3A_200 = tpu.memref_slice %arg5[%arg0, %add3A_190, %dma_start3A_199] : memref<2x10240x128xf32, #tpu.memory_space<hbm>> -> memref<1x128x128xf32, #tpu.memory_space<hbm>>
    %dma_start3A_201 = tpu.memref_squeeze %dma_start3A_200 : memref<1x128x128xf32, #tpu.memory_space<hbm>> -> memref<128x128xf32, #tpu.memory_space<hbm>>
    %dma_start3A_202 = arith.constant 0 : i32
    %dma_start3A_203 = arith.constant 0 : i32
    %dma_start3A_204 = tpu.memref_slice %arg8[%dma_start3A_191, %dma_start3A_202, %dma_start3A_203] : memref<2x128x128xf32, #tpu.memory_space<vmem>> -> memref<1x128x128xf32, #tpu.memory_space<vmem>>
    %dma_start3A_205 = tpu.memref_squeeze %dma_start3A_204 : memref<1x128x128xf32, #tpu.memory_space<vmem>> -> memref<128x128xf32, #tpu.memory_space<vmem>>
    tpu.enqueue_dma source(%dma_start3A_205 : memref<128x128xf32, #tpu.memory_space<vmem>>) target(%dma_start3A_201 : memref<128x128xf32, #tpu.memory_space<hbm>>) target_semaphore(%arg10 : memref<!tpu.dma_semaphore, #tpu.memory_space<semaphore_mem>>)
    %add3A_206 = arith.constant 128 : i32
    %add3A_207 = arith.addi %mul3A_186, %add3A_206 : i32
    %run_scoped3A_208 = arith.constant 1 : i32
    "tpu.region"() ({
      %run_scoped3A_371 = tpu.sem_alloc : memref<!tpu.dma_semaphore, #tpu.memory_space<semaphore_mem>>
      %dma_start3A_372 = arith.constant 0 : i32
      %dma_start3A_373 = arith.constant 0 : i32
      %dma_start3A_374 = tpu.memref_slice %arg8[%run_scoped3A_208, %dma_start3A_372, %dma_start3A_373] : memref<2x128x128xf32, #tpu.memory_space<vmem>> -> memref<1x128x128xf32, #tpu.memory_space<vmem>>
      %dma_start3A_375 = tpu.memref_squeeze %dma_start3A_374 : memref<1x128x128xf32, #tpu.memory_space<vmem>> -> memref<128x128xf32, #tpu.memory_space<vmem>>
      %dma_start3A_376 = arith.constant 0 : i32
      %dma_start3A_377 = tpu.memref_slice %arg9[%add3A_207, %dma_start3A_376] : memref<10240x128xf32, #tpu.memory_space<vmem_shared>> -> memref<128x128xf32, #tpu.memory_space<vmem_shared>>
      %dma_start3A_378 = arith.constant 0 : i32
      %dma_start3A_379 = arith.constant 0 : i32
      %dma_start3A_380 = tpu.memref_slice %arg8[%run_scoped3A_208, %dma_start3A_378, %dma_start3A_379] : memref<2x128x128xf32, #tpu.memory_space<vmem>> -> memref<1x128x128xf32, #tpu.memory_space<vmem>>
      %dma_start3A_381 = tpu.memref_squeeze %dma_start3A_380 : memref<1x128x128xf32, #tpu.memory_space<vmem>> -> memref<128x128xf32, #tpu.memory_space<vmem>>
      %dma_start3A_382 = arith.constant 0 : i32
      %dma_start3A_383 = tpu.memref_slice %arg9[%add3A_207, %dma_start3A_382] : memref<10240x128xf32, #tpu.memory_space<vmem_shared>> -> memref<128x128xf32, #tpu.memory_space<vmem_shared>>
      tpu.enqueue_dma source(%dma_start3A_383 : memref<128x128xf32, #tpu.memory_space<vmem_shared>>) target(%dma_start3A_381 : memref<128x128xf32, #tpu.memory_space<vmem>>) target_semaphore(%run_scoped3A_371 : memref<!tpu.dma_semaphore, #tpu.memory_space<semaphore_mem>>)
      %dma_wait3A_384 = arith.constant 0 : i32
      %dma_wait3A_385 = arith.constant 0 : i32
      %dma_wait3A_386 = tpu.memref_slice %arg8[%run_scoped3A_208, %dma_wait3A_384, %dma_wait3A_385] : memref<2x128x128xf32, #tpu.memory_space<vmem>> -> memref<1x128x128xf32, #tpu.memory_space<vmem>>
      %dma_wait3A_387 = tpu.memref_squeeze %dma_wait3A_386 : memref<1x128x128xf32, #tpu.memory_space<vmem>> -> memref<128x128xf32, #tpu.memory_space<vmem>>
      %dma_wait3A_388 = arith.constant 0 : i32
      %dma_wait3A_389 = tpu.memref_slice %arg9[%add3A_207, %dma_wait3A_388] : memref<10240x128xf32, #tpu.memory_space<vmem_shared>> -> memref<128x128xf32, #tpu.memory_space<vmem_shared>>
      %dma_wait3A_390 = arith.constant 0 : i32
      %dma_wait3A_391 = arith.constant 0 : i32
      %dma_wait3A_392 = tpu.memref_slice %arg8[%run_scoped3A_208, %dma_wait3A_390, %dma_wait3A_391] : memref<2x128x128xf32, #tpu.memory_space<vmem>> -> memref<1x128x128xf32, #tpu.memory_space<vmem>>
      %dma_wait3A_393 = tpu.memref_squeeze %dma_wait3A_392 : memref<1x128x128xf32, #tpu.memory_space<vmem>> -> memref<128x128xf32, #tpu.memory_space<vmem>>
      %dma_wait3A_394 = arith.constant 0 : i32
      %dma_wait3A_395 = tpu.memref_slice %arg9[%add3A_207, %dma_wait3A_394] : memref<10240x128xf32, #tpu.memory_space<vmem_shared>> -> memref<128x128xf32, #tpu.memory_space<vmem_shared>>
      tpu.wait_dma2 semaphore(%run_scoped3A_371 : memref<!tpu.dma_semaphore, #tpu.memory_space<semaphore_mem>>) src(%dma_wait3A_395 : memref<128x128xf32, #tpu.memory_space<vmem_shared>>) dst(%dma_wait3A_393 : memref<128x128xf32, #tpu.memory_space<vmem>>)
      tpu.yield
    }) : () -> ()
    %add3A_209 = arith.constant 128 : i32
    %add3A_210 = arith.addi %mul3A_186, %add3A_209 : i32
    %dma_start3A_211 = arith.constant 1 : i32
    %dma_start3A_212 = arith.constant 0 : i32
    %dma_start3A_213 = arith.constant 0 : i32
    %dma_start3A_214 = tpu.memref_slice %arg8[%dma_start3A_211, %dma_start3A_212, %dma_start3A_213] : memref<2x128x128xf32, #tpu.memory_space<vmem>> -> memref<1x128x128xf32, #tpu.memory_space<vmem>>
    %dma_start3A_215 = tpu.memref_squeeze %dma_start3A_214 : memref<1x128x128xf32, #tpu.memory_space<vmem>> -> memref<128x128xf32, #tpu.memory_space<vmem>>
    %dma_start3A_216 = arith.constant 0 : i32
    %dma_start3A_217 = tpu.memref_slice %arg5[%arg0, %add3A_210, %dma_start3A_216] : memref<2x10240x128xf32, #tpu.memory_space<hbm>> -> memref<1x128x128xf32, #tpu.memory_space<hbm>>
    %dma_start3A_218 = tpu.memref_squeeze %dma_start3A_217 : memref<1x128x128xf32, #tpu.memory_space<hbm>> -> memref<128x128xf32, #tpu.memory_space<hbm>>
    %dma_start3A_219 = arith.constant 0 : i32
    %dma_start3A_220 = tpu.memref_slice %arg5[%arg0, %add3A_210, %dma_start3A_219] : memref<2x10240x128xf32, #tpu.memory_space<hbm>> -> memref<1x128x128xf32, #tpu.memory_space<hbm>>
    %dma_start3A_221 = tpu.memref_squeeze %dma_start3A_220 : memref<1x128x128xf32, #tpu.memory_space<hbm>> -> memref<128x128xf32, #tpu.memory_space<hbm>>
    %dma_start3A_222 = arith.constant 0 : i32
    %dma_start3A_223 = arith.constant 0 : i32
    %dma_start3A_224 = tpu.memref_slice %arg8[%dma_start3A_211, %dma_start3A_222, %dma_start3A_223] : memref<2x128x128xf32, #tpu.memory_space<vmem>> -> memref<1x128x128xf32, #tpu.memory_space<vmem>>
    %dma_start3A_225 = tpu.memref_squeeze %dma_start3A_224 : memref<1x128x128xf32, #tpu.memory_space<vmem>> -> memref<128x128xf32, #tpu.memory_space<vmem>>
    tpu.enqueue_dma source(%dma_start3A_225 : memref<128x128xf32, #tpu.memory_space<vmem>>) target(%dma_start3A_221 : memref<128x128xf32, #tpu.memory_space<hbm>>) target_semaphore(%arg11 : memref<!tpu.dma_semaphore, #tpu.memory_space<semaphore_mem>>)
    %add3A_226 = arith.constant 0 : i32
    %add3A_227 = arith.addi %mul3A_186, %add3A_226 : i32
    %dma_wait3A_228 = arith.constant 0 : i32
    %dma_wait3A_229 = arith.constant 0 : i32
    %dma_wait3A_230 = arith.constant 0 : i32
    %dma_wait3A_231 = tpu.memref_slice %arg8[%dma_wait3A_228, %dma_wait3A_229, %dma_wait3A_230] : memref<2x128x128xf32, #tpu.memory_space<vmem>> -> memref<1x128x128xf32, #tpu.memory_space<vmem>>
    %dma_wait3A_232 = tpu.memref_squeeze %dma_wait3A_231 : memref<1x128x128xf32, #tpu.memory_space<vmem>> -> memref<128x128xf32, #tpu.memory_space<vmem>>
    %dma_wait3A_233 = arith.constant 0 : i32
    %dma_wait3A_234 = tpu.memref_slice %arg5[%arg0, %add3A_227, %dma_wait3A_233] : memref<2x10240x128xf32, #tpu.memory_space<hbm>> -> memref<1x128x128xf32, #tpu.memory_space<hbm>>
    %dma_wait3A_235 = tpu.memref_squeeze %dma_wait3A_234 : memref<1x128x128xf32, #tpu.memory_space<hbm>> -> memref<128x128xf32, #tpu.memory_space<hbm>>
    %dma_wait3A_236 = arith.constant 0 : i32
    %dma_wait3A_237 = tpu.memref_slice %arg5[%arg0, %add3A_227, %dma_wait3A_236] : memref<2x10240x128xf32, #tpu.memory_space<hbm>> -> memref<1x128x128xf32, #tpu.memory_space<hbm>>
    %dma_wait3A_238 = tpu.memref_squeeze %dma_wait3A_237 : memref<1x128x128xf32, #tpu.memory_space<hbm>> -> memref<128x128xf32, #tpu.memory_space<hbm>>
    %dma_wait3A_239 = arith.constant 0 : i32
    %dma_wait3A_240 = arith.constant 0 : i32
    %dma_wait3A_241 = tpu.memref_slice %arg8[%dma_wait3A_228, %dma_wait3A_239, %dma_wait3A_240] : memref<2x128x128xf32, #tpu.memory_space<vmem>> -> memref<1x128x128xf32, #tpu.memory_space<vmem>>
    %dma_wait3A_242 = tpu.memref_squeeze %dma_wait3A_241 : memref<1x128x128xf32, #tpu.memory_space<vmem>> -> memref<128x128xf32, #tpu.memory_space<vmem>>
    tpu.wait_dma2 semaphore(%arg10 : memref<!tpu.dma_semaphore, #tpu.memory_space<semaphore_mem>>) src(%dma_wait3A_242 : memref<128x128xf32, #tpu.memory_space<vmem>>) dst(%dma_wait3A_238 : memref<128x128xf32, #tpu.memory_space<hbm>>)
    %add3A_243 = arith.constant 256 : i32
    %add3A_244 = arith.addi %mul3A_186, %add3A_243 : i32
    %run_scoped3A_245 = arith.constant 0 : i32
    "tpu.region"() ({
      %run_scoped3A_371 = tpu.sem_alloc : memref<!tpu.dma_semaphore, #tpu.memory_space<semaphore_mem>>
      %dma_start3A_372 = arith.constant 0 : i32
      %dma_start3A_373 = arith.constant 0 : i32
      %dma_start3A_374 = tpu.memref_slice %arg8[%run_scoped3A_245, %dma_start3A_372, %dma_start3A_373] : memref<2x128x128xf32, #tpu.memory_space<vmem>> -> memref<1x128x128xf32, #tpu.memory_space<vmem>>
      %dma_start3A_375 = tpu.memref_squeeze %dma_start3A_374 : memref<1x128x128xf32, #tpu.memory_space<vmem>> -> memref<128x128xf32, #tpu.memory_space<vmem>>
      %dma_start3A_376 = arith.constant 0 : i32
      %dma_start3A_377 = tpu.memref_slice %arg9[%add3A_244, %dma_start3A_376] : memref<10240x128xf32, #tpu.memory_space<vmem_shared>> -> memref<128x128xf32, #tpu.memory_space<vmem_shared>>
      %dma_start3A_378 = arith.constant 0 : i32
      %dma_start3A_379 = arith.constant 0 : i32
      %dma_start3A_380 = tpu.memref_slice %arg8[%run_scoped3A_245, %dma_start3A_378, %dma_start3A_379] : memref<2x128x128xf32, #tpu.memory_space<vmem>> -> memref<1x128x128xf32, #tpu.memory_space<vmem>>
      %dma_start3A_381 = tpu.memref_squeeze %dma_start3A_380 : memref<1x128x128xf32, #tpu.memory_space<vmem>> -> memref<128x128xf32, #tpu.memory_space<vmem>>
      %dma_start3A_382 = arith.constant 0 : i32
      %dma_start3A_383 = tpu.memref_slice %arg9[%add3A_244, %dma_start3A_382] : memref<10240x128xf32, #tpu.memory_space<vmem_shared>> -> memref<128x128xf32, #tpu.memory_space<vmem_shared>>
      tpu.enqueue_dma source(%dma_start3A_383 : memref<128x128xf32, #tpu.memory_space<vmem_shared>>) target(%dma_start3A_381 : memref<128x128xf32, #tpu.memory_space<vmem>>) target_semaphore(%run_scoped3A_371 : memref<!tpu.dma_semaphore, #tpu.memory_space<semaphore_mem>>)
      %dma_wait3A_384 = arith.constant 0 : i32
      %dma_wait3A_385 = arith.constant 0 : i32
      %dma_wait3A_386 = tpu.memref_slice %arg8[%run_scoped3A_245, %dma_wait3A_384, %dma_wait3A_385] : memref<2x128x128xf32, #tpu.memory_space<vmem>> -> memref<1x128x128xf32, #tpu.memory_space<vmem>>
      %dma_wait3A_387 = tpu.memref_squeeze %dma_wait3A_386 : memref<1x128x128xf32, #tpu.memory_space<vmem>> -> memref<128x128xf32, #tpu.memory_space<vmem>>
      %dma_wait3A_388 = arith.constant 0 : i32
      %dma_wait3A_389 = tpu.memref_slice %arg9[%add3A_244, %dma_wait3A_388] : memref<10240x128xf32, #tpu.memory_space<vmem_shared>> -> memref<128x128xf32, #tpu.memory_space<vmem_shared>>
      %dma_wait3A_390 = arith.constant 0 : i32
      %dma_wait3A_391 = arith.constant 0 : i32
      %dma_wait3A_392 = tpu.memref_slice %arg8[%run_scoped3A_245, %dma_wait3A_390, %dma_wait3A_391] : memref<2x128x128xf32, #tpu.memory_space<vmem>> -> memref<1x128x128xf32, #tpu.memory_space<vmem>>
      %dma_wait3A_393 = tpu.memref_squeeze %dma_wait3A_392 : memref<1x128x128xf32, #tpu.memory_space<vmem>> -> memref<128x128xf32, #tpu.memory_space<vmem>>
      %dma_wait3A_394 = arith.constant 0 : i32
      %dma_wait3A_395 = tpu.memref_slice %arg9[%add3A_244, %dma_wait3A_394] : memref<10240x128xf32, #tpu.memory_space<vmem_shared>> -> memref<128x128xf32, #tpu.memory_space<vmem_shared>>
      tpu.wait_dma2 semaphore(%run_scoped3A_371 : memref<!tpu.dma_semaphore, #tpu.memory_space<semaphore_mem>>) src(%dma_wait3A_395 : memref<128x128xf32, #tpu.memory_space<vmem_shared>>) dst(%dma_wait3A_393 : memref<128x128xf32, #tpu.memory_space<vmem>>)
      tpu.yield
    }) : () -> ()
    %add3A_246 = arith.constant 256 : i32
    %add3A_247 = arith.addi %mul3A_186, %add3A_246 : i32
    %dma_start3A_248 = arith.constant 0 : i32
    %dma_start3A_249 = arith.constant 0 : i32
    %dma_start3A_250 = arith.constant 0 : i32
    %dma_start3A_251 = tpu.memref_slice %arg8[%dma_start3A_248, %dma_start3A_249, %dma_start3A_250] : memref<2x128x128xf32, #tpu.memory_space<vmem>> -> memref<1x128x128xf32, #tpu.memory_space<vmem>>
    %dma_start3A_252 = tpu.memref_squeeze %dma_start3A_251 : memref<1x128x128xf32, #tpu.memory_space<vmem>> -> memref<128x128xf32, #tpu.memory_space<vmem>>
    %dma_start3A_253 = arith.constant 0 : i32
    %dma_start3A_254 = tpu.memref_slice %arg5[%arg0, %add3A_247, %dma_start3A_253] : memref<2x10240x128xf32, #tpu.memory_space<hbm>> -> memref<1x128x128xf32, #tpu.memory_space<hbm>>
    %dma_start3A_255 = tpu.memref_squeeze %dma_start3A_254 : memref<1x128x128xf32, #tpu.memory_space<hbm>> -> memref<128x128xf32, #tpu.memory_space<hbm>>
    %dma_start3A_256 = arith.constant 0 : i32
    %dma_start3A_257 = tpu.memref_slice %arg5[%arg0, %add3A_247, %dma_start3A_256] : memref<2x10240x128xf32, #tpu.memory_space<hbm>> -> memref<1x128x128xf32, #tpu.memory_space<hbm>>
    %dma_start3A_258 = tpu.memref_squeeze %dma_start3A_257 : memref<1x128x128xf32, #tpu.memory_space<hbm>> -> memref<128x128xf32, #tpu.memory_space<hbm>>
    %dma_start3A_259 = arith.constant 0 : i32
    %dma_start3A_260 = arith.constant 0 : i32
    %dma_start3A_261 = tpu.memref_slice %arg8[%dma_start3A_248, %dma_start3A_259, %dma_start3A_260] : memref<2x128x128xf32, #tpu.memory_space<vmem>> -> memref<1x128x128xf32, #tpu.memory_space<vmem>>
    %dma_start3A_262 = tpu.memref_squeeze %dma_start3A_261 : memref<1x128x128xf32, #tpu.memory_space<vmem>> -> memref<128x128xf32, #tpu.memory_space<vmem>>
    tpu.enqueue_dma source(%dma_start3A_262 : memref<128x128xf32, #tpu.memory_space<vmem>>) target(%dma_start3A_258 : memref<128x128xf32, #tpu.memory_space<hbm>>) target_semaphore(%arg10 : memref<!tpu.dma_semaphore, #tpu.memory_space<semaphore_mem>>)
    %add3A_263 = arith.constant 128 : i32
    %add3A_264 = arith.addi %mul3A_186, %add3A_263 : i32
    %dma_wait3A_265 = arith.constant 1 : i32
    %dma_wait3A_266 = arith.constant 0 : i32
    %dma_wait3A_267 = arith.constant 0 : i32
    %dma_wait3A_268 = tpu.memref_slice %arg8[%dma_wait3A_265, %dma_wait3A_266, %dma_wait3A_267] : memref<2x128x128xf32, #tpu.memory_space<vmem>> -> memref<1x128x128xf32, #tpu.memory_space<vmem>>
    %dma_wait3A_269 = tpu.memref_squeeze %dma_wait3A_268 : memref<1x128x128xf32, #tpu.memory_space<vmem>> -> memref<128x128xf32, #tpu.memory_space<vmem>>
    %dma_wait3A_270 = arith.constant 0 : i32
    %dma_wait3A_271 = tpu.memref_slice %arg5[%arg0, %add3A_264, %dma_wait3A_270] : memref<2x10240x128xf32, #tpu.memory_space<hbm>> -> memref<1x128x128xf32, #tpu.memory_space<hbm>>
    %dma_wait3A_272 = tpu.memref_squeeze %dma_wait3A_271 : memref<1x128x128xf32, #tpu.memory_space<hbm>> -> memref<128x128xf32, #tpu.memory_space<hbm>>
    %dma_wait3A_273 = arith.constant 0 : i32
    %dma_wait3A_274 = tpu.memref_slice %arg5[%arg0, %add3A_264, %dma_wait3A_273] : memref<2x10240x128xf32, #tpu.memory_space<hbm>> -> memref<1x128x128xf32, #tpu.memory_space<hbm>>
    %dma_wait3A_275 = tpu.memref_squeeze %dma_wait3A_274 : memref<1x128x128xf32, #tpu.memory_space<hbm>> -> memref<128x128xf32, #tpu.memory_space<hbm>>
    %dma_wait3A_276 = arith.constant 0 : i32
    %dma_wait3A_277 = arith.constant 0 : i32
    %dma_wait3A_278 = tpu.memref_slice %arg8[%dma_wait3A_265, %dma_wait3A_276, %dma_wait3A_277] : memref<2x128x128xf32, #tpu.memory_space<vmem>> -> memref<1x128x128xf32, #tpu.memory_space<vmem>>
    %dma_wait3A_279 = tpu.memref_squeeze %dma_wait3A_278 : memref<1x128x128xf32, #tpu.memory_space<vmem>> -> memref<128x128xf32, #tpu.memory_space<vmem>>
    tpu.wait_dma2 semaphore(%arg11 : memref<!tpu.dma_semaphore, #tpu.memory_space<semaphore_mem>>) src(%dma_wait3A_279 : memref<128x128xf32, #tpu.memory_space<vmem>>) dst(%dma_wait3A_275 : memref<128x128xf32, #tpu.memory_space<hbm>>)
    %add3A_280 = arith.constant 384 : i32
    %add3A_281 = arith.addi %mul3A_186, %add3A_280 : i32
    %run_scoped3A_282 = arith.constant 1 : i32
    "tpu.region"() ({
      %run_scoped3A_371 = tpu.sem_alloc : memref<!tpu.dma_semaphore, #tpu.memory_space<semaphore_mem>>
      %dma_start3A_372 = arith.constant 0 : i32
      %dma_start3A_373 = arith.constant 0 : i32
      %dma_start3A_374 = tpu.memref_slice %arg8[%run_scoped3A_282, %dma_start3A_372, %dma_start3A_373] : memref<2x128x128xf32, #tpu.memory_space<vmem>> -> memref<1x128x128xf32, #tpu.memory_space<vmem>>
      %dma_start3A_375 = tpu.memref_squeeze %dma_start3A_374 : memref<1x128x128xf32, #tpu.memory_space<vmem>> -> memref<128x128xf32, #tpu.memory_space<vmem>>
      %dma_start3A_376 = arith.constant 0 : i32
      %dma_start3A_377 = tpu.memref_slice %arg9[%add3A_281, %dma_start3A_376] : memref<10240x128xf32, #tpu.memory_space<vmem_shared>> -> memref<128x128xf32, #tpu.memory_space<vmem_shared>>
      %dma_start3A_378 = arith.constant 0 : i32
      %dma_start3A_379 = arith.constant 0 : i32
      %dma_start3A_380 = tpu.memref_slice %arg8[%run_scoped3A_282, %dma_start3A_378, %dma_start3A_379] : memref<2x128x128xf32, #tpu.memory_space<vmem>> -> memref<1x128x128xf32, #tpu.memory_space<vmem>>
      %dma_start3A_381 = tpu.memref_squeeze %dma_start3A_380 : memref<1x128x128xf32, #tpu.memory_space<vmem>> -> memref<128x128xf32, #tpu.memory_space<vmem>>
      %dma_start3A_382 = arith.constant 0 : i32
      %dma_start3A_383 = tpu.memref_slice %arg9[%add3A_281, %dma_start3A_382] : memref<10240x128xf32, #tpu.memory_space<vmem_shared>> -> memref<128x128xf32, #tpu.memory_space<vmem_shared>>
      tpu.enqueue_dma source(%dma_start3A_383 : memref<128x128xf32, #tpu.memory_space<vmem_shared>>) target(%dma_start3A_381 : memref<128x128xf32, #tpu.memory_space<vmem>>) target_semaphore(%run_scoped3A_371 : memref<!tpu.dma_semaphore, #tpu.memory_space<semaphore_mem>>)
      %dma_wait3A_384 = arith.constant 0 : i32
      %dma_wait3A_385 = arith.constant 0 : i32
      %dma_wait3A_386 = tpu.memref_slice %arg8[%run_scoped3A_282, %dma_wait3A_384, %dma_wait3A_385] : memref<2x128x128xf32, #tpu.memory_space<vmem>> -> memref<1x128x128xf32, #tpu.memory_space<vmem>>
      %dma_wait3A_387 = tpu.memref_squeeze %dma_wait3A_386 : memref<1x128x128xf32, #tpu.memory_space<vmem>> -> memref<128x128xf32, #tpu.memory_space<vmem>>
      %dma_wait3A_388 = arith.constant 0 : i32
      %dma_wait3A_389 = tpu.memref_slice %arg9[%add3A_281, %dma_wait3A_388] : memref<10240x128xf32, #tpu.memory_space<vmem_shared>> -> memref<128x128xf32, #tpu.memory_space<vmem_shared>>
      %dma_wait3A_390 = arith.constant 0 : i32
      %dma_wait3A_391 = arith.constant 0 : i32
      %dma_wait3A_392 = tpu.memref_slice %arg8[%run_scoped3A_282, %dma_wait3A_390, %dma_wait3A_391] : memref<2x128x128xf32, #tpu.memory_space<vmem>> -> memref<1x128x128xf32, #tpu.memory_space<vmem>>
      %dma_wait3A_393 = tpu.memref_squeeze %dma_wait3A_392 : memref<1x128x128xf32, #tpu.memory_space<vmem>> -> memref<128x128xf32, #tpu.memory_space<vmem>>
      %dma_wait3A_394 = arith.constant 0 : i32
      %dma_wait3A_395 = tpu.memref_slice %arg9[%add3A_281, %dma_wait3A_394] : memref<10240x128xf32, #tpu.memory_space<vmem_shared>> -> memref<128x128xf32, #tpu.memory_space<vmem_shared>>
      tpu.wait_dma2 semaphore(%run_scoped3A_371 : memref<!tpu.dma_semaphore, #tpu.memory_space<semaphore_mem>>) src(%dma_wait3A_395 : memref<128x128xf32, #tpu.memory_space<vmem_shared>>) dst(%dma_wait3A_393 : memref<128x128xf32, #tpu.memory_space<vmem>>)
      tpu.yield
    }) : () -> ()
    %add3A_283 = arith.constant 384 : i32
    %add3A_284 = arith.addi %mul3A_186, %add3A_283 : i32
    %dma_start3A_285 = arith.constant 1 : i32
    %dma_start3A_286 = arith.constant 0 : i32
    %dma_start3A_287 = arith.constant 0 : i32
    %dma_start3A_288 = tpu.memref_slice %arg8[%dma_start3A_285, %dma_start3A_286, %dma_start3A_287] : memref<2x128x128xf32, #tpu.memory_space<vmem>> -> memref<1x128x128xf32, #tpu.memory_space<vmem>>
    %dma_start3A_289 = tpu.memref_squeeze %dma_start3A_288 : memref<1x128x128xf32, #tpu.memory_space<vmem>> -> memref<128x128xf32, #tpu.memory_space<vmem>>
    %dma_start3A_290 = arith.constant 0 : i32
    %dma_start3A_291 = tpu.memref_slice %arg5[%arg0, %add3A_284, %dma_start3A_290] : memref<2x10240x128xf32, #tpu.memory_space<hbm>> -> memref<1x128x128xf32, #tpu.memory_space<hbm>>
    %dma_start3A_292 = tpu.memref_squeeze %dma_start3A_291 : memref<1x128x128xf32, #tpu.memory_space<hbm>> -> memref<128x128xf32, #tpu.memory_space<hbm>>
    %dma_start3A_293 = arith.constant 0 : i32
    %dma_start3A_294 = tpu.memref_slice %arg5[%arg0, %add3A_284, %dma_start3A_293] : memref<2x10240x128xf32, #tpu.memory_space<hbm>> -> memref<1x128x128xf32, #tpu.memory_space<hbm>>
    %dma_start3A_295 = tpu.memref_squeeze %dma_start3A_294 : memref<1x128x128xf32, #tpu.memory_space<hbm>> -> memref<128x128xf32, #tpu.memory_space<hbm>>
    %dma_start3A_296 = arith.constant 0 : i32
    %dma_start3A_297 = arith.constant 0 : i32
    %dma_start3A_298 = tpu.memref_slice %arg8[%dma_start3A_285, %dma_start3A_296, %dma_start3A_297] : memref<2x128x128xf32, #tpu.memory_space<vmem>> -> memref<1x128x128xf32, #tpu.memory_space<vmem>>
    %dma_start3A_299 = tpu.memref_squeeze %dma_start3A_298 : memref<1x128x128xf32, #tpu.memory_space<vmem>> -> memref<128x128xf32, #tpu.memory_space<vmem>>
    tpu.enqueue_dma source(%dma_start3A_299 : memref<128x128xf32, #tpu.memory_space<vmem>>) target(%dma_start3A_295 : memref<128x128xf32, #tpu.memory_space<hbm>>) target_semaphore(%arg11 : memref<!tpu.dma_semaphore, #tpu.memory_space<semaphore_mem>>)
    %add3A_300 = arith.constant 256 : i32
    %add3A_301 = arith.addi %mul3A_186, %add3A_300 : i32
    %dma_wait3A_302 = arith.constant 0 : i32
    %dma_wait3A_303 = arith.constant 0 : i32
    %dma_wait3A_304 = arith.constant 0 : i32
    %dma_wait3A_305 = tpu.memref_slice %arg8[%dma_wait3A_302, %dma_wait3A_303, %dma_wait3A_304] : memref<2x128x128xf32, #tpu.memory_space<vmem>> -> memref<1x128x128xf32, #tpu.memory_space<vmem>>
    %dma_wait3A_306 = tpu.memref_squeeze %dma_wait3A_305 : memref<1x128x128xf32, #tpu.memory_space<vmem>> -> memref<128x128xf32, #tpu.memory_space<vmem>>
    %dma_wait3A_307 = arith.constant 0 : i32
    %dma_wait3A_308 = tpu.memref_slice %arg5[%arg0, %add3A_301, %dma_wait3A_307] : memref<2x10240x128xf32, #tpu.memory_space<hbm>> -> memref<1x128x128xf32, #tpu.memory_space<hbm>>
    %dma_wait3A_309 = tpu.memref_squeeze %dma_wait3A_308 : memref<1x128x128xf32, #tpu.memory_space<hbm>> -> memref<128x128xf32, #tpu.memory_space<hbm>>
    %dma_wait3A_310 = arith.constant 0 : i32
    %dma_wait3A_311 = tpu.memref_slice %arg5[%arg0, %add3A_301, %dma_wait3A_310] : memref<2x10240x128xf32, #tpu.memory_space<hbm>> -> memref<1x128x128xf32, #tpu.memory_space<hbm>>
    %dma_wait3A_312 = tpu.memref_squeeze %dma_wait3A_311 : memref<1x128x128xf32, #tpu.memory_space<hbm>> -> memref<128x128xf32, #tpu.memory_space<hbm>>
    %dma_wait3A_313 = arith.constant 0 : i32
    %dma_wait3A_314 = arith.constant 0 : i32
    %dma_wait3A_315 = tpu.memref_slice %arg8[%dma_wait3A_302, %dma_wait3A_313, %dma_wait3A_314] : memref<2x128x128xf32, #tpu.memory_space<vmem>> -> memref<1x128x128xf32, #tpu.memory_space<vmem>>
    %dma_wait3A_316 = tpu.memref_squeeze %dma_wait3A_315 : memref<1x128x128xf32, #tpu.memory_space<vmem>> -> memref<128x128xf32, #tpu.memory_space<vmem>>
    tpu.wait_dma2 semaphore(%arg10 : memref<!tpu.dma_semaphore, #tpu.memory_space<semaphore_mem>>) src(%dma_wait3A_316 : memref<128x128xf32, #tpu.memory_space<vmem>>) dst(%dma_wait3A_312 : memref<128x128xf32, #tpu.memory_space<hbm>>)
    %add3A_317 = arith.constant 512 : i32
    %add3A_318 = arith.addi %mul3A_186, %add3A_317 : i32
    %run_scoped3A_319 = arith.constant 0 : i32
    "tpu.region"() ({
      %run_scoped3A_371 = tpu.sem_alloc : memref<!tpu.dma_semaphore, #tpu.memory_space<semaphore_mem>>
      %dma_start3A_372 = arith.constant 0 : i32
      %dma_start3A_373 = arith.constant 0 : i32
      %dma_start3A_374 = tpu.memref_slice %arg8[%run_scoped3A_319, %dma_start3A_372, %dma_start3A_373] : memref<2x128x128xf32, #tpu.memory_space<vmem>> -> memref<1x128x128xf32, #tpu.memory_space<vmem>>
      %dma_start3A_375 = tpu.memref_squeeze %dma_start3A_374 : memref<1x128x128xf32, #tpu.memory_space<vmem>> -> memref<128x128xf32, #tpu.memory_space<vmem>>
      %dma_start3A_376 = arith.constant 0 : i32
      %dma_start3A_377 = tpu.memref_slice %arg9[%add3A_318, %dma_start3A_376] : memref<10240x128xf32, #tpu.memory_space<vmem_shared>> -> memref<128x128xf32, #tpu.memory_space<vmem_shared>>
      %dma_start3A_378 = arith.constant 0 : i32
      %dma_start3A_379 = arith.constant 0 : i32
      %dma_start3A_380 = tpu.memref_slice %arg8[%run_scoped3A_319, %dma_start3A_378, %dma_start3A_379] : memref<2x128x128xf32, #tpu.memory_space<vmem>> -> memref<1x128x128xf32, #tpu.memory_space<vmem>>
      %dma_start3A_381 = tpu.memref_squeeze %dma_start3A_380 : memref<1x128x128xf32, #tpu.memory_space<vmem>> -> memref<128x128xf32, #tpu.memory_space<vmem>>
      %dma_start3A_382 = arith.constant 0 : i32
      %dma_start3A_383 = tpu.memref_slice %arg9[%add3A_318, %dma_start3A_382] : memref<10240x128xf32, #tpu.memory_space<vmem_shared>> -> memref<128x128xf32, #tpu.memory_space<vmem_shared>>
      tpu.enqueue_dma source(%dma_start3A_383 : memref<128x128xf32, #tpu.memory_space<vmem_shared>>) target(%dma_start3A_381 : memref<128x128xf32, #tpu.memory_space<vmem>>) target_semaphore(%run_scoped3A_371 : memref<!tpu.dma_semaphore, #tpu.memory_space<semaphore_mem>>)
      %dma_wait3A_384 = arith.constant 0 : i32
      %dma_wait3A_385 = arith.constant 0 : i32
      %dma_wait3A_386 = tpu.memref_slice %arg8[%run_scoped3A_319, %dma_wait3A_384, %dma_wait3A_385] : memref<2x128x128xf32, #tpu.memory_space<vmem>> -> memref<1x128x128xf32, #tpu.memory_space<vmem>>
      %dma_wait3A_387 = tpu.memref_squeeze %dma_wait3A_386 : memref<1x128x128xf32, #tpu.memory_space<vmem>> -> memref<128x128xf32, #tpu.memory_space<vmem>>
      %dma_wait3A_388 = arith.constant 0 : i32
      %dma_wait3A_389 = tpu.memref_slice %arg9[%add3A_318, %dma_wait3A_388] : memref<10240x128xf32, #tpu.memory_space<vmem_shared>> -> memref<128x128xf32, #tpu.memory_space<vmem_shared>>
      %dma_wait3A_390 = arith.constant 0 : i32
      %dma_wait3A_391 = arith.constant 0 : i32
      %dma_wait3A_392 = tpu.memref_slice %arg8[%run_scoped3A_319, %dma_wait3A_390, %dma_wait3A_391] : memref<2x128x128xf32, #tpu.memory_space<vmem>> -> memref<1x128x128xf32, #tpu.memory_space<vmem>>
      %dma_wait3A_393 = tpu.memref_squeeze %dma_wait3A_392 : memref<1x128x128xf32, #tpu.memory_space<vmem>> -> memref<128x128xf32, #tpu.memory_space<vmem>>
      %dma_wait3A_394 = arith.constant 0 : i32
      %dma_wait3A_395 = tpu.memref_slice %arg9[%add3A_318, %dma_wait3A_394] : memref<10240x128xf32, #tpu.memory_space<vmem_shared>> -> memref<128x128xf32, #tpu.memory_space<vmem_shared>>
      tpu.wait_dma2 semaphore(%run_scoped3A_371 : memref<!tpu.dma_semaphore, #tpu.memory_space<semaphore_mem>>) src(%dma_wait3A_395 : memref<128x128xf32, #tpu.memory_space<vmem_shared>>) dst(%dma_wait3A_393 : memref<128x128xf32, #tpu.memory_space<vmem>>)
      tpu.yield
    }) : () -> ()
    %add3A_320 = arith.constant 512 : i32
    %add3A_321 = arith.addi %mul3A_186, %add3A_320 : i32
    %dma_start3A_322 = arith.constant 0 : i32
    %dma_start3A_323 = arith.constant 0 : i32
    %dma_start3A_324 = arith.constant 0 : i32
    %dma_start3A_325 = tpu.memref_slice %arg8[%dma_start3A_322, %dma_start3A_323, %dma_start3A_324] : memref<2x128x128xf32, #tpu.memory_space<vmem>> -> memref<1x128x128xf32, #tpu.memory_space<vmem>>
    %dma_start3A_326 = tpu.memref_squeeze %dma_start3A_325 : memref<1x128x128xf32, #tpu.memory_space<vmem>> -> memref<128x128xf32, #tpu.memory_space<vmem>>
    %dma_start3A_327 = arith.constant 0 : i32
    %dma_start3A_328 = tpu.memref_slice %arg5[%arg0, %add3A_321, %dma_start3A_327] : memref<2x10240x128xf32, #tpu.memory_space<hbm>> -> memref<1x128x128xf32, #tpu.memory_space<hbm>>
    %dma_start3A_329 = tpu.memref_squeeze %dma_start3A_328 : memref<1x128x128xf32, #tpu.memory_space<hbm>> -> memref<128x128xf32, #tpu.memory_space<hbm>>
    %dma_start3A_330 = arith.constant 0 : i32
    %dma_start3A_331 = tpu.memref_slice %arg5[%arg0, %add3A_321, %dma_start3A_330] : memref<2x10240x128xf32, #tpu.memory_space<hbm>> -> memref<1x128x128xf32, #tpu.memory_space<hbm>>
    %dma_start3A_332 = tpu.memref_squeeze %dma_start3A_331 : memref<1x128x128xf32, #tpu.memory_space<hbm>> -> memref<128x128xf32, #tpu.memory_space<hbm>>
    %dma_start3A_333 = arith.constant 0 : i32
    %dma_start3A_334 = arith.constant 0 : i32
    %dma_start3A_335 = tpu.memref_slice %arg8[%dma_start3A_322, %dma_start3A_333, %dma_start3A_334] : memref<2x128x128xf32, #tpu.memory_space<vmem>> -> memref<1x128x128xf32, #tpu.memory_space<vmem>>
    %dma_start3A_336 = tpu.memref_squeeze %dma_start3A_335 : memref<1x128x128xf32, #tpu.memory_space<vmem>> -> memref<128x128xf32, #tpu.memory_space<vmem>>
    tpu.enqueue_dma source(%dma_start3A_336 : memref<128x128xf32, #tpu.memory_space<vmem>>) target(%dma_start3A_332 : memref<128x128xf32, #tpu.memory_space<hbm>>) target_semaphore(%arg10 : memref<!tpu.dma_semaphore, #tpu.memory_space<semaphore_mem>>)
    %add3A_337 = arith.constant 384 : i32
    %add3A_338 = arith.addi %mul3A_186, %add3A_337 : i32
    %dma_wait3A_339 = arith.constant 1 : i32
    %dma_wait3A_340 = arith.constant 0 : i32
    %dma_wait3A_341 = arith.constant 0 : i32
    %dma_wait3A_342 = tpu.memref_slice %arg8[%dma_wait3A_339, %dma_wait3A_340, %dma_wait3A_341] : memref<2x128x128xf32, #tpu.memory_space<vmem>> -> memref<1x128x128xf32, #tpu.memory_space<vmem>>
    %dma_wait3A_343 = tpu.memref_squeeze %dma_wait3A_342 : memref<1x128x128xf32, #tpu.memory_space<vmem>> -> memref<128x128xf32, #tpu.memory_space<vmem>>
    %dma_wait3A_344 = arith.constant 0 : i32
    %dma_wait3A_345 = tpu.memref_slice %arg5[%arg0, %add3A_338, %dma_wait3A_344] : memref<2x10240x128xf32, #tpu.memory_space<hbm>> -> memref<1x128x128xf32, #tpu.memory_space<hbm>>
    %dma_wait3A_346 = tpu.memref_squeeze %dma_wait3A_345 : memref<1x128x128xf32, #tpu.memory_space<hbm>> -> memref<128x128xf32, #tpu.memory_space<hbm>>
    %dma_wait3A_347 = arith.constant 0 : i32
    %dma_wait3A_348 = tpu.memref_slice %arg5[%arg0, %add3A_338, %dma_wait3A_347] : memref<2x10240x128xf32, #tpu.memory_space<hbm>> -> memref<1x128x128xf32, #tpu.memory_space<hbm>>
    %dma_wait3A_349 = tpu.memref_squeeze %dma_wait3A_348 : memref<1x128x128xf32, #tpu.memory_space<hbm>> -> memref<128x128xf32, #tpu.memory_space<hbm>>
    %dma_wait3A_350 = arith.constant 0 : i32
    %dma_wait3A_351 = arith.constant 0 : i32
    %dma_wait3A_352 = tpu.memref_slice %arg8[%dma_wait3A_339, %dma_wait3A_350, %dma_wait3A_351] : memref<2x128x128xf32, #tpu.memory_space<vmem>> -> memref<1x128x128xf32, #tpu.memory_space<vmem>>
    %dma_wait3A_353 = tpu.memref_squeeze %dma_wait3A_352 : memref<1x128x128xf32, #tpu.memory_space<vmem>> -> memref<128x128xf32, #tpu.memory_space<vmem>>
    tpu.wait_dma2 semaphore(%arg11 : memref<!tpu.dma_semaphore, #tpu.memory_space<semaphore_mem>>) src(%dma_wait3A_353 : memref<128x128xf32, #tpu.memory_space<vmem>>) dst(%dma_wait3A_349 : memref<128x128xf32, #tpu.memory_space<hbm>>)
    %add3A_354 = arith.constant 512 : i32
    %add3A_355 = arith.addi %mul3A_186, %add3A_354 : i32
    %dma_wait3A_356 = arith.constant 0 : i32
    %dma_wait3A_357 = arith.constant 0 : i32
    %dma_wait3A_358 = arith.constant 0 : i32
    %dma_wait3A_359 = tpu.memref_slice %arg8[%dma_wait3A_356, %dma_wait3A_357, %dma_wait3A_358] : memref<2x128x128xf32, #tpu.memory_space<vmem>> -> memref<1x128x128xf32, #tpu.memory_space<vmem>>
    %dma_wait3A_360 = tpu.memref_squeeze %dma_wait3A_359 : memref<1x128x128xf32, #tpu.memory_space<vmem>> -> memref<128x128xf32, #tpu.memory_space<vmem>>
    %dma_wait3A_361 = arith.constant 0 : i32
    %dma_wait3A_362 = tpu.memref_slice %arg5[%arg0, %add3A_355, %dma_wait3A_361] : memref<2x10240x128xf32, #tpu.memory_space<hbm>> -> memref<1x128x128xf32, #tpu.memory_space<hbm>>
    %dma_wait3A_363 = tpu.memref_squeeze %dma_wait3A_362 : memref<1x128x128xf32, #tpu.memory_space<hbm>> -> memref<128x128xf32, #tpu.memory_space<hbm>>
    %dma_wait3A_364 = arith.constant 0 : i32
    %dma_wait3A_365 = tpu.memref_slice %arg5[%arg0, %add3A_355, %dma_wait3A_364] : memref<2x10240x128xf32, #tpu.memory_space<hbm>> -> memref<1x128x128xf32, #tpu.memory_space<hbm>>
    %dma_wait3A_366 = tpu.memref_squeeze %dma_wait3A_365 : memref<1x128x128xf32, #tpu.memory_space<hbm>> -> memref<128x128xf32, #tpu.memory_space<hbm>>
    %dma_wait3A_367 = arith.constant 0 : i32
    %dma_wait3A_368 = arith.constant 0 : i32
    %dma_wait3A_369 = tpu.memref_slice %arg8[%dma_wait3A_356, %dma_wait3A_367, %dma_wait3A_368] : memref<2x128x128xf32, #tpu.memory_space<vmem>> -> memref<1x128x128xf32, #tpu.memory_space<vmem>>
    %dma_wait3A_370 = tpu.memref_squeeze %dma_wait3A_369 : memref<1x128x128xf32, #tpu.memory_space<vmem>> -> memref<128x128xf32, #tpu.memory_space<vmem>>
    tpu.wait_dma2 semaphore(%arg10 : memref<!tpu.dma_semaphore, #tpu.memory_space<semaphore_mem>>) src(%dma_wait3A_370 : memref<128x128xf32, #tpu.memory_space<vmem>>) dst(%dma_wait3A_366 : memref<128x128xf32, #tpu.memory_space<hbm>>)
    return
  }
}

#map = affine_map<(d0, d1) -> (0, 0)>
#map1 = affine_map<(d0, d1) -> (0)>
#map2 = affine_map<(d0, d1) -> (0, 0, 0)>
module attributes {stable_mosaic.version = 14 : i64} {
  func.func @_gather_seg_sum(%arg0: i32, %arg1: i32, %arg2: memref<10240x128xf32, #tpu.memory_space<hbm>>, %arg3: memref<327680xi32, #tpu.memory_space<hbm>>, %arg4: memref<32x80x128xi32, #tpu.memory_space<hbm>>, %arg5: memref<2x10240x128xf32, #tpu.memory_space<hbm>>, %arg6: memref<10240xi32, #tpu.memory_space<vmem>>, %arg7: memref<40x128xi32, #tpu.memory_space<vmem>>, %arg8: memref<2x128x128xf32, #tpu.memory_space<vmem>>, %arg9: memref<10240x128xf32, #tpu.memory_space<vmem_shared>>, %arg10: memref<!tpu.dma_semaphore, #tpu.memory_space<semaphore_mem>>, %arg11: memref<!tpu.dma_semaphore, #tpu.memory_space<semaphore_mem>>, %arg12: memref<!tpu.dma_semaphore, #tpu.memory_space<semaphore_mem>>, %arg13: memref<!tpu.dma_semaphore, #tpu.memory_space<semaphore_mem>>) attributes {dimension_semantics = [#tpu.dimension_semantics<core_parallel>, #tpu.dimension_semantics<subcore_parallel>], iteration_bounds = array<i64: 2, 16>, scalar_prefetch = 0 : i64, scratch_operands = 8 : i64, tpu.core_type = #tpu.core_type<sc_vector_subcore>, window_params = [{transform_indices = #map}, {transform_indices = #map1}, {transform_indices = #map2}, {transform_indices = #map2}]} {
    %mul3A = arith.constant 16 : i32
    %mul3A_0 = arith.muli %arg0, %mul3A : i32
    %add3A = arith.addi %mul3A_0, %arg1 : i32
    %mul3A_1 = arith.constant 10240 : i32
    %mul3A_2 = arith.muli %add3A, %mul3A_1 : i32
    "tpu.region"() ({
      %run_scoped3A_371 = tpu.sem_alloc : memref<!tpu.dma_semaphore, #tpu.memory_space<semaphore_mem>>
      %dma_start3A_372 = tpu.memref_slice %arg3[%mul3A_2] : memref<327680xi32, #tpu.memory_space<hbm>> -> memref<10240xi32, #tpu.memory_space<hbm>>
      %dma_start3A_373 = tpu.memref_slice %arg3[%mul3A_2] : memref<327680xi32, #tpu.memory_space<hbm>> -> memref<10240xi32, #tpu.memory_space<hbm>>
      tpu.enqueue_dma source(%dma_start3A_373 : memref<10240xi32, #tpu.memory_space<hbm>>) target(%arg6 : memref<10240xi32, #tpu.memory_space<vmem>>) target_semaphore(%run_scoped3A_371 : memref<!tpu.dma_semaphore, #tpu.memory_space<semaphore_mem>>)
      %dma_wait3A_374 = tpu.memref_slice %arg3[%mul3A_2] : memref<327680xi32, #tpu.memory_space<hbm>> -> memref<10240xi32, #tpu.memory_space<hbm>>
      %dma_wait3A_375 = tpu.memref_slice %arg3[%mul3A_2] : memref<327680xi32, #tpu.memory_space<hbm>> -> memref<10240xi32, #tpu.memory_space<hbm>>
      tpu.wait_dma2 semaphore(%run_scoped3A_371 : memref<!tpu.dma_semaphore, #tpu.memory_space<semaphore_mem>>) src(%dma_wait3A_375 : memref<10240xi32, #tpu.memory_space<hbm>>) dst(%arg6 : memref<10240xi32, #tpu.memory_space<vmem>>)
      tpu.yield
    }) : () -> ()
    "tpu.region"() ({
      %run_scoped3A_371 = tpu.sem_alloc : memref<!tpu.dma_semaphore, #tpu.memory_space<semaphore_mem>>
      %dma_start3A_372 = arith.constant 0 : i32
      %dma_start3A_373 = arith.constant 0 : i32
      %dma_start3A_374 = tpu.memref_slice %arg4[%add3A, %dma_start3A_372, %dma_start3A_373] : memref<32x80x128xi32, #tpu.memory_space<hbm>> -> memref<1x40x128xi32, #tpu.memory_space<hbm>>
      %dma_start3A_375 = tpu.memref_squeeze %dma_start3A_374 : memref<1x40x128xi32, #tpu.memory_space<hbm>> -> memref<40x128xi32, #tpu.memory_space<hbm>>
      %dma_start3A_376 = arith.constant 0 : i32
      %dma_start3A_377 = arith.constant 0 : i32
      %dma_start3A_378 = tpu.memref_slice %arg4[%add3A, %dma_start3A_376, %dma_start3A_377] : memref<32x80x128xi32, #tpu.memory_space<hbm>> -> memref<1x40x128xi32, #tpu.memory_space<hbm>>
      %dma_start3A_379 = tpu.memref_squeeze %dma_start3A_378 : memref<1x40x128xi32, #tpu.memory_space<hbm>> -> memref<40x128xi32, #tpu.memory_space<hbm>>
      tpu.enqueue_dma source(%dma_start3A_379 : memref<40x128xi32, #tpu.memory_space<hbm>>) target(%arg7 : memref<40x128xi32, #tpu.memory_space<vmem>>) target_semaphore(%run_scoped3A_371 : memref<!tpu.dma_semaphore, #tpu.memory_space<semaphore_mem>>)
      %dma_wait3A_380 = arith.constant 0 : i32
      %dma_wait3A_381 = arith.constant 0 : i32
      %dma_wait3A_382 = tpu.memref_slice %arg4[%add3A, %dma_wait3A_380, %dma_wait3A_381] : memref<32x80x128xi32, #tpu.memory_space<hbm>> -> memref<1x40x128xi32, #tpu.memory_space<hbm>>
      %dma_wait3A_383 = tpu.memref_squeeze %dma_wait3A_382 : memref<1x40x128xi32, #tpu.memory_space<hbm>> -> memref<40x128xi32, #tpu.memory_space<hbm>>
      %dma_wait3A_384 = arith.constant 0 : i32
      %dma_wait3A_385 = arith.constant 0 : i32
      %dma_wait3A_386 = tpu.memref_slice %arg4[%add3A, %dma_wait3A_384, %dma_wait3A_385] : memref<32x80x128xi32, #tpu.memory_space<hbm>> -> memref<1x40x128xi32, #tpu.memory_space<hbm>>
      %dma_wait3A_387 = tpu.memref_squeeze %dma_wait3A_386 : memref<1x40x128xi32, #tpu.memory_space<hbm>> -> memref<40x128xi32, #tpu.memory_space<hbm>>
      tpu.wait_dma2 semaphore(%run_scoped3A_371 : memref<!tpu.dma_semaphore, #tpu.memory_space<semaphore_mem>>) src(%dma_wait3A_387 : memref<40x128xi32, #tpu.memory_space<hbm>>) dst(%arg7 : memref<40x128xi32, #tpu.memory_space<vmem>>)
      tpu.yield
    }) : () -> ()
    %dma_start3A = arith.constant 0 : i32
    %dma_start3A_3 = arith.constant 0 : i32
    %dma_start3A_4 = arith.constant 0 : i32
    %dma_start3A_5 = tpu.memref_slice %arg8[%dma_start3A, %dma_start3A_3, %dma_start3A_4] : memref<2x128x128xf32, #tpu.memory_space<vmem>> -> memref<1x128x128xf32, #tpu.memory_space<vmem>>
    %dma_start3A_6 = tpu.memref_squeeze %dma_start3A_5 : memref<1x128x128xf32, #tpu.memory_space<vmem>> -> memref<128x128xf32, #tpu.memory_space<vmem>>
    %dma_start3A_7 = arith.constant 0 : i32
    %dma_start3A_8 = tpu.memref_slice %arg6[%dma_start3A_7] : memref<10240xi32, #tpu.memory_space<vmem>> -> memref<128xi32, #tpu.memory_space<vmem>>
    %dma_start3A_9 = arith.constant 0 : i32
    %dma_start3A_10 = arith.constant 0 : i32
    %dma_start3A_11 = tpu.memref_slice %arg2[%dma_start3A_9, %dma_start3A_10] : memref<10240x128xf32, #tpu.memory_space<hbm>> -> memref<10240x128xf32, #tpu.memory_space<hbm>>
    tpu.enqueue_indirect_dma source(%dma_start3A_11 : memref<10240x128xf32, #tpu.memory_space<hbm>>) target(%dma_start3A_6 : memref<128x128xf32, #tpu.memory_space<vmem>>) offsets(%dma_start3A_8 : memref<128xi32, #tpu.memory_space<vmem>>) semaphore(%arg10 : memref<!tpu.dma_semaphore, #tpu.memory_space<semaphore_mem>>)
    %broadcast_in_dim3A = arith.constant 0.000000e+00 : f32
    %broadcast_in_dim3A_12 = vector.broadcast %broadcast_in_dim3A : f32 to vector<16xf32>
    %scan3A = arith.constant 1 : i32
    %scan3A_13 = arith.constant 0 : i32
    %scan3A_14 = arith.constant 128 : i32
    %scan3A_15 = arith.addi %scan3A_13, %scan3A_14 : i32
    %scan3A_16 = arith.constant 1 : i32
    scf.for %scan3A_371 = %scan3A_13 to %scan3A_15 step %scan3A_16  : i32 {
      %mul3A_372 = arith.constant 1 : i32
      %mul3A_373 = arith.muli %scan3A_371, %mul3A_372 : i32
      %add3A_374 = arith.constant 0 : i32
      %add3A_375 = arith.addi %add3A_374, %mul3A_373 : i32
      %swap3A = arith.constant 0 : i32
      %swap3A_376 = arith.constant 0 : i32
      %swap3A_377 = tpu.memref_slice %arg8[%scan3A, %swap3A, %swap3A_376] : memref<2x128x128xf32, #tpu.memory_space<vmem>> -> memref<1x128x128xf32, #tpu.memory_space<vmem>>
      %swap3A_378 = tpu.memref_squeeze %swap3A_377 : memref<1x128x128xf32, #tpu.memory_space<vmem>> -> memref<128x128xf32, #tpu.memory_space<vmem>>
      %swap3A_379 = arith.index_cast %add3A_375 : i32 to index
      %swap3A_380 = arith.constant 0 : index
      %swap3A_381 = tpu.vector_load %swap3A_378[%swap3A_379, %swap3A_380] {strides = array<i32>} : memref<128x128xf32, #tpu.memory_space<vmem>>, vector<1x16xf32>,
      %swap3A_382 = vector.shape_cast %swap3A_381 : vector<1x16xf32> to vector<16xf32>
      %swap3A_383 = vector.shape_cast %broadcast_in_dim3A_12 : vector<16xf32> to vector<1x16xf32>
      tpu.vector_store %swap3A_378[%swap3A_379, %swap3A_380], %swap3A_383 {strides = array<i32>} : memref<128x128xf32, #tpu.memory_space<vmem>>, vector<1x16xf32>,
      %swap3A_384 = arith.constant 0 : i32
      %swap3A_385 = arith.constant 0 : i32
      %swap3A_386 = tpu.memref_slice %arg8[%scan3A, %swap3A_384, %swap3A_385] : memref<2x128x128xf32, #tpu.memory_space<vmem>> -> memref<1x128x128xf32, #tpu.memory_space<vmem>>
      %swap3A_387 = tpu.memref_squeeze %swap3A_386 : memref<1x128x128xf32, #tpu.memory_space<vmem>> -> memref<128x128xf32, #tpu.memory_space<vmem>>
      %swap3A_388 = arith.index_cast %add3A_375 : i32 to index
      %swap3A_389 = arith.constant 16 : index
      %swap3A_390 = tpu.vector_load %swap3A_387[%swap3A_388, %swap3A_389] {strides = array<i32>} : memref<128x128xf32, #tpu.memory_space<vmem>>, vector<1x16xf32>,
      %swap3A_391 = vector.shape_cast %swap3A_390 : vector<1x16xf32> to vector<16xf32>
      %swap3A_392 = vector.shape_cast %broadcast_in_dim3A_12 : vector<16xf32> to vector<1x16xf32>
      tpu.vector_store %swap3A_387[%swap3A_388, %swap3A_389], %swap3A_392 {strides = array<i32>} : memref<128x128xf32, #tpu.memory_space<vmem>>, vector<1x16xf32>,
      %swap3A_393 = arith.constant 0 : i32
      %swap3A_394 = arith.constant 0 : i32
      %swap3A_395 = tpu.memref_slice %arg8[%scan3A, %swap3A_393, %swap3A_394] : memref<2x128x128xf32, #tpu.memory_space<vmem>> -> memref<1x128x128xf32, #tpu.memory_space<vmem>>
      %swap3A_396 = tpu.memref_squeeze %swap3A_395 : memref<1x128x128xf32, #tpu.memory_space<vmem>> -> memref<128x128xf32, #tpu.memory_space<vmem>>
      %swap3A_397 = arith.index_cast %add3A_375 : i32 to index
      %swap3A_398 = arith.constant 32 : index
      %swap3A_399 = tpu.vector_load %swap3A_396[%swap3A_397, %swap3A_398] {strides = array<i32>} : memref<128x128xf32, #tpu.memory_space<vmem>>, vector<1x16xf32>,
      %swap3A_400 = vector.shape_cast %swap3A_399 : vector<1x16xf32> to vector<16xf32>
      %swap3A_401 = vector.shape_cast %broadcast_in_dim3A_12 : vector<16xf32> to vector<1x16xf32>
      tpu.vector_store %swap3A_396[%swap3A_397, %swap3A_398], %swap3A_401 {strides = array<i32>} : memref<128x128xf32, #tpu.memory_space<vmem>>, vector<1x16xf32>,
      %swap3A_402 = arith.constant 0 : i32
      %swap3A_403 = arith.constant 0 : i32
      %swap3A_404 = tpu.memref_slice %arg8[%scan3A, %swap3A_402, %swap3A_403] : memref<2x128x128xf32, #tpu.memory_space<vmem>> -> memref<1x128x128xf32, #tpu.memory_space<vmem>>
      %swap3A_405 = tpu.memref_squeeze %swap3A_404 : memref<1x128x128xf32, #tpu.memory_space<vmem>> -> memref<128x128xf32, #tpu.memory_space<vmem>>
      %swap3A_406 = arith.index_cast %add3A_375 : i32 to index
      %swap3A_407 = arith.constant 48 : index
      %swap3A_408 = tpu.vector_load %swap3A_405[%swap3A_406, %swap3A_407] {strides = array<i32>} : memref<128x128xf32, #tpu.memory_space<vmem>>, vector<1x16xf32>,
      %swap3A_409 = vector.shape_cast %swap3A_408 : vector<1x16xf32> to vector<16xf32>
      %swap3A_410 = vector.shape_cast %broadcast_in_dim3A_12 : vector<16xf32> to vector<1x16xf32>
      tpu.vector_store %swap3A_405[%swap3A_406, %swap3A_407], %swap3A_410 {strides = array<i32>} : memref<128x128xf32, #tpu.memory_space<vmem>>, vector<1x16xf32>,
      %swap3A_411 = arith.constant 0 : i32
      %swap3A_412 = arith.constant 0 : i32
      %swap3A_413 = tpu.memref_slice %arg8[%scan3A, %swap3A_411, %swap3A_412] : memref<2x128x128xf32, #tpu.memory_space<vmem>> -> memref<1x128x128xf32, #tpu.memory_space<vmem>>
      %swap3A_414 = tpu.memref_squeeze %swap3A_413 : memref<1x128x128xf32, #tpu.memory_space<vmem>> -> memref<128x128xf32, #tpu.memory_space<vmem>>
      %swap3A_415 = arith.index_cast %add3A_375 : i32 to index
      %swap3A_416 = arith.constant 64 : index
      %swap3A_417 = tpu.vector_load %swap3A_414[%swap3A_415, %swap3A_416] {strides = array<i32>} : memref<128x128xf32, #tpu.memory_space<vmem>>, vector<1x16xf32>,
      %swap3A_418 = vector.shape_cast %swap3A_417 : vector<1x16xf32> to vector<16xf32>
      %swap3A_419 = vector.shape_cast %broadcast_in_dim3A_12 : vector<16xf32> to vector<1x16xf32>
      tpu.vector_store %swap3A_414[%swap3A_415, %swap3A_416], %swap3A_419 {strides = array<i32>} : memref<128x128xf32, #tpu.memory_space<vmem>>, vector<1x16xf32>,
      %swap3A_420 = arith.constant 0 : i32
      %swap3A_421 = arith.constant 0 : i32
      %swap3A_422 = tpu.memref_slice %arg8[%scan3A, %swap3A_420, %swap3A_421] : memref<2x128x128xf32, #tpu.memory_space<vmem>> -> memref<1x128x128xf32, #tpu.memory_space<vmem>>
      %swap3A_423 = tpu.memref_squeeze %swap3A_422 : memref<1x128x128xf32, #tpu.memory_space<vmem>> -> memref<128x128xf32, #tpu.memory_space<vmem>>
      %swap3A_424 = arith.index_cast %add3A_375 : i32 to index
      %swap3A_425 = arith.constant 80 : index
      %swap3A_426 = tpu.vector_load %swap3A_423[%swap3A_424, %swap3A_425] {strides = array<i32>} : memref<128x128xf32, #tpu.memory_space<vmem>>, vector<1x16xf32>,
      %swap3A_427 = vector.shape_cast %swap3A_426 : vector<1x16xf32> to vector<16xf32>
      %swap3A_428 = vector.shape_cast %broadcast_in_dim3A_12 : vector<16xf32> to vector<1x16xf32>
      tpu.vector_store %swap3A_423[%swap3A_424, %swap3A_425], %swap3A_428 {strides = array<i32>} : memref<128x128xf32, #tpu.memory_space<vmem>>, vector<1x16xf32>,
      %swap3A_429 = arith.constant 0 : i32
      %swap3A_430 = arith.constant 0 : i32
      %swap3A_431 = tpu.memref_slice %arg8[%scan3A, %swap3A_429, %swap3A_430] : memref<2x128x128xf32, #tpu.memory_space<vmem>> -> memref<1x128x128xf32, #tpu.memory_space<vmem>>
      %swap3A_432 = tpu.memref_squeeze %swap3A_431 : memref<1x128x128xf32, #tpu.memory_space<vmem>> -> memref<128x128xf32, #tpu.memory_space<vmem>>
      %swap3A_433 = arith.index_cast %add3A_375 : i32 to index
      %swap3A_434 = arith.constant 96 : index
      %swap3A_435 = tpu.vector_load %swap3A_432[%swap3A_433, %swap3A_434] {strides = array<i32>} : memref<128x128xf32, #tpu.memory_space<vmem>>, vector<1x16xf32>,
      %swap3A_436 = vector.shape_cast %swap3A_435 : vector<1x16xf32> to vector<16xf32>
      %swap3A_437 = vector.shape_cast %broadcast_in_dim3A_12 : vector<16xf32> to vector<1x16xf32>
      tpu.vector_store %swap3A_432[%swap3A_433, %swap3A_434], %swap3A_437 {strides = array<i32>} : memref<128x128xf32, #tpu.memory_space<vmem>>, vector<1x16xf32>,
      %swap3A_438 = arith.constant 0 : i32
      %swap3A_439 = arith.constant 0 : i32
      %swap3A_440 = tpu.memref_slice %arg8[%scan3A, %swap3A_438, %swap3A_439] : memref<2x128x128xf32, #tpu.memory_space<vmem>> -> memref<1x128x128xf32, #tpu.memory_space<vmem>>
      %swap3A_441 = tpu.memref_squeeze %swap3A_440 : memref<1x128x128xf32, #tpu.memory_space<vmem>> -> memref<128x128xf32, #tpu.memory_space<vmem>>
      %swap3A_442 = arith.index_cast %add3A_375 : i32 to index
      %swap3A_443 = arith.constant 112 : index
      %swap3A_444 = tpu.vector_load %swap3A_441[%swap3A_442, %swap3A_443] {strides = array<i32>} : memref<128x128xf32, #tpu.memory_space<vmem>>, vector<1x16xf32>,
      %swap3A_445 = vector.shape_cast %swap3A_444 : vector<1x16xf32> to vector<16xf32>
      %swap3A_446 = vector.shape_cast %broadcast_in_dim3A_12 : vector<16xf32> to vector<1x16xf32>
      tpu.vector_store %swap3A_441[%swap3A_442, %swap3A_443], %swap3A_446 {strides = array<i32>} : memref<128x128xf32, #tpu.memory_space<vmem>>, vector<1x16xf32>,
    }
    %scan3A_17 = arith.constant 128 : i32
    %mul3A_18 = arith.constant 640 : i32
    %mul3A_19 = arith.muli %arg1, %mul3A_18 : i32
    %add3A_20 = arith.constant 0 : i32
    %add3A_21 = arith.addi %mul3A_19, %add3A_20 : i32
    %dma_start3A_22 = arith.constant 1 : i32
    %dma_start3A_23 = arith.constant 0 : i32
    %dma_start3A_24 = arith.constant 0 : i32
    %dma_start3A_25 = tpu.memref_slice %arg8[%dma_start3A_22, %dma_start3A_23, %dma_start3A_24] : memref<2x128x128xf32, #tpu.memory_space<vmem>> -> memref<1x128x128xf32, #tpu.memory_space<vmem>>
    %dma_start3A_26 = tpu.memref_squeeze %dma_start3A_25 : memref<1x128x128xf32, #tpu.memory_space<vmem>> -> memref<128x128xf32, #tpu.memory_space<vmem>>
    %dma_start3A_27 = arith.constant 0 : i32
    %dma_start3A_28 = tpu.memref_slice %arg9[%add3A_21, %dma_start3A_27] : memref<10240x128xf32, #tpu.memory_space<vmem_shared>> -> memref<128x128xf32, #tpu.memory_space<vmem_shared>>
    %dma_start3A_29 = arith.constant 0 : i32
    %dma_start3A_30 = tpu.memref_slice %arg9[%add3A_21, %dma_start3A_29] : memref<10240x128xf32, #tpu.memory_space<vmem_shared>> -> memref<128x128xf32, #tpu.memory_space<vmem_shared>>
    %dma_start3A_31 = arith.constant 0 : i32
    %dma_start3A_32 = arith.constant 0 : i32
    %dma_start3A_33 = tpu.memref_slice %arg8[%dma_start3A_22, %dma_start3A_31, %dma_start3A_32] : memref<2x128x128xf32, #tpu.memory_space<vmem>> -> memref<1x128x128xf32, #tpu.memory_space<vmem>>
    %dma_start3A_34 = tpu.memref_squeeze %dma_start3A_33 : memref<1x128x128xf32, #tpu.memory_space<vmem>> -> memref<128x128xf32, #tpu.memory_space<vmem>>
    tpu.enqueue_dma source(%dma_start3A_34 : memref<128x128xf32, #tpu.memory_space<vmem>>) target(%dma_start3A_30 : memref<128x128xf32, #tpu.memory_space<vmem_shared>>) target_semaphore(%arg12 : memref<!tpu.dma_semaphore, #tpu.memory_space<semaphore_mem>>)
    %add3A_35 = arith.constant 128 : i32
    %add3A_36 = arith.addi %mul3A_19, %add3A_35 : i32
    %dma_start3A_37 = arith.constant 1 : i32
    %dma_start3A_38 = arith.constant 0 : i32
    %dma_start3A_39 = arith.constant 0 : i32
    %dma_start3A_40 = tpu.memref_slice %arg8[%dma_start3A_37, %dma_start3A_38, %dma_start3A_39] : memref<2x128x128xf32, #tpu.memory_space<vmem>> -> memref<1x128x128xf32, #tpu.memory_space<vmem>>
    %dma_start3A_41 = tpu.memref_squeeze %dma_start3A_40 : memref<1x128x128xf32, #tpu.memory_space<vmem>> -> memref<128x128xf32, #tpu.memory_space<vmem>>
    %dma_start3A_42 = arith.constant 0 : i32
    %dma_start3A_43 = tpu.memref_slice %arg9[%add3A_36, %dma_start3A_42] : memref<10240x128xf32, #tpu.memory_space<vmem_shared>> -> memref<128x128xf32, #tpu.memory_space<vmem_shared>>
    %dma_start3A_44 = arith.constant 0 : i32
    %dma_start3A_45 = tpu.memref_slice %arg9[%add3A_36, %dma_start3A_44] : memref<10240x128xf32, #tpu.memory_space<vmem_shared>> -> memref<128x128xf32, #tpu.memory_space<vmem_shared>>
    %dma_start3A_46 = arith.constant 0 : i32
    %dma_start3A_47 = arith.constant 0 : i32
    %dma_start3A_48 = tpu.memref_slice %arg8[%dma_start3A_37, %dma_start3A_46, %dma_start3A_47] : memref<2x128x128xf32, #tpu.memory_space<vmem>> -> memref<1x128x128xf32, #tpu.memory_space<vmem>>
    %dma_start3A_49 = tpu.memref_squeeze %dma_start3A_48 : memref<1x128x128xf32, #tpu.memory_space<vmem>> -> memref<128x128xf32, #tpu.memory_space<vmem>>
    tpu.enqueue_dma source(%dma_start3A_49 : memref<128x128xf32, #tpu.memory_space<vmem>>) target(%dma_start3A_45 : memref<128x128xf32, #tpu.memory_space<vmem_shared>>) target_semaphore(%arg12 : memref<!tpu.dma_semaphore, #tpu.memory_space<semaphore_mem>>)
    %add3A_50 = arith.constant 256 : i32
    %add3A_51 = arith.addi %mul3A_19, %add3A_50 : i32
    %dma_start3A_52 = arith.constant 1 : i32
    %dma_start3A_53 = arith.constant 0 : i32
    %dma_start3A_54 = arith.constant 0 : i32
    %dma_start3A_55 = tpu.memref_slice %arg8[%dma_start3A_52, %dma_start3A_53, %dma_start3A_54] : memref<2x128x128xf32, #tpu.memory_space<vmem>> -> memref<1x128x128xf32, #tpu.memory_space<vmem>>
    %dma_start3A_56 = tpu.memref_squeeze %dma_start3A_55 : memref<1x128x128xf32, #tpu.memory_space<vmem>> -> memref<128x128xf32, #tpu.memory_space<vmem>>
    %dma_start3A_57 = arith.constant 0 : i32
    %dma_start3A_58 = tpu.memref_slice %arg9[%add3A_51, %dma_start3A_57] : memref<10240x128xf32, #tpu.memory_space<vmem_shared>> -> memref<128x128xf32, #tpu.memory_space<vmem_shared>>
    %dma_start3A_59 = arith.constant 0 : i32
    %dma_start3A_60 = tpu.memref_slice %arg9[%add3A_51, %dma_start3A_59] : memref<10240x128xf32, #tpu.memory_space<vmem_shared>> -> memref<128x128xf32, #tpu.memory_space<vmem_shared>>
    %dma_start3A_61 = arith.constant 0 : i32
    %dma_start3A_62 = arith.constant 0 : i32
    %dma_start3A_63 = tpu.memref_slice %arg8[%dma_start3A_52, %dma_start3A_61, %dma_start3A_62] : memref<2x128x128xf32, #tpu.memory_space<vmem>> -> memref<1x128x128xf32, #tpu.memory_space<vmem>>
    %dma_start3A_64 = tpu.memref_squeeze %dma_start3A_63 : memref<1x128x128xf32, #tpu.memory_space<vmem>> -> memref<128x128xf32, #tpu.memory_space<vmem>>
    tpu.enqueue_dma source(%dma_start3A_64 : memref<128x128xf32, #tpu.memory_space<vmem>>) target(%dma_start3A_60 : memref<128x128xf32, #tpu.memory_space<vmem_shared>>) target_semaphore(%arg12 : memref<!tpu.dma_semaphore, #tpu.memory_space<semaphore_mem>>)
    %add3A_65 = arith.constant 384 : i32
    %add3A_66 = arith.addi %mul3A_19, %add3A_65 : i32
    %dma_start3A_67 = arith.constant 1 : i32
    %dma_start3A_68 = arith.constant 0 : i32
    %dma_start3A_69 = arith.constant 0 : i32
    %dma_start3A_70 = tpu.memref_slice %arg8[%dma_start3A_67, %dma_start3A_68, %dma_start3A_69] : memref<2x128x128xf32, #tpu.memory_space<vmem>> -> memref<1x128x128xf32, #tpu.memory_space<vmem>>
    %dma_start3A_71 = tpu.memref_squeeze %dma_start3A_70 : memref<1x128x128xf32, #tpu.memory_space<vmem>> -> memref<128x128xf32, #tpu.memory_space<vmem>>
    %dma_start3A_72 = arith.constant 0 : i32
    %dma_start3A_73 = tpu.memref_slice %arg9[%add3A_66, %dma_start3A_72] : memref<10240x128xf32, #tpu.memory_space<vmem_shared>> -> memref<128x128xf32, #tpu.memory_space<vmem_shared>>
    %dma_start3A_74 = arith.constant 0 : i32
    %dma_start3A_75 = tpu.memref_slice %arg9[%add3A_66, %dma_start3A_74] : memref<10240x128xf32, #tpu.memory_space<vmem_shared>> -> memref<128x128xf32, #tpu.memory_space<vmem_shared>>
    %dma_start3A_76 = arith.constant 0 : i32
    %dma_start3A_77 = arith.constant 0 : i32
    %dma_start3A_78 = tpu.memref_slice %arg8[%dma_start3A_67, %dma_start3A_76, %dma_start3A_77] : memref<2x128x128xf32, #tpu.memory_space<vmem>> -> memref<1x128x128xf32, #tpu.memory_space<vmem>>
    %dma_start3A_79 = tpu.memref_squeeze %dma_start3A_78 : memref<1x128x128xf32, #tpu.memory_space<vmem>> -> memref<128x128xf32, #tpu.memory_space<vmem>>
    tpu.enqueue_dma source(%dma_start3A_79 : memref<128x128xf32, #tpu.memory_space<vmem>>) target(%dma_start3A_75 : memref<128x128xf32, #tpu.memory_space<vmem_shared>>) target_semaphore(%arg12 : memref<!tpu.dma_semaphore, #tpu.memory_space<semaphore_mem>>)
    %add3A_80 = arith.constant 512 : i32
    %add3A_81 = arith.addi %mul3A_19, %add3A_80 : i32
    %dma_start3A_82 = arith.constant 1 : i32
    %dma_start3A_83 = arith.constant 0 : i32
    %dma_start3A_84 = arith.constant 0 : i32
    %dma_start3A_85 = tpu.memref_slice %arg8[%dma_start3A_82, %dma_start3A_83, %dma_start3A_84] : memref<2x128x128xf32, #tpu.memory_space<vmem>> -> memref<1x128x128xf32, #tpu.memory_space<vmem>>
    %dma_start3A_86 = tpu.memref_squeeze %dma_start3A_85 : memref<1x128x128xf32, #tpu.memory_space<vmem>> -> memref<128x128xf32, #tpu.memory_space<vmem>>
    %dma_start3A_87 = arith.constant 0 : i32
    %dma_start3A_88 = tpu.memref_slice %arg9[%add3A_81, %dma_start3A_87] : memref<10240x128xf32, #tpu.memory_space<vmem_shared>> -> memref<128x128xf32, #tpu.memory_space<vmem_shared>>
    %dma_start3A_89 = arith.constant 0 : i32
    %dma_start3A_90 = tpu.memref_slice %arg9[%add3A_81, %dma_start3A_89] : memref<10240x128xf32, #tpu.memory_space<vmem_shared>> -> memref<128x128xf32, #tpu.memory_space<vmem_shared>>
    %dma_start3A_91 = arith.constant 0 : i32
    %dma_start3A_92 = arith.constant 0 : i32
    %dma_start3A_93 = tpu.memref_slice %arg8[%dma_start3A_82, %dma_start3A_91, %dma_start3A_92] : memref<2x128x128xf32, #tpu.memory_space<vmem>> -> memref<1x128x128xf32, #tpu.memory_space<vmem>>
    %dma_start3A_94 = tpu.memref_squeeze %dma_start3A_93 : memref<1x128x128xf32, #tpu.memory_space<vmem>> -> memref<128x128xf32, #tpu.memory_space<vmem>>
    tpu.enqueue_dma source(%dma_start3A_94 : memref<128x128xf32, #tpu.memory_space<vmem>>) target(%dma_start3A_90 : memref<128x128xf32, #tpu.memory_space<vmem_shared>>) target_semaphore(%arg12 : memref<!tpu.dma_semaphore, #tpu.memory_space<semaphore_mem>>)
    %add3A_95 = arith.constant 0 : i32
    %add3A_96 = arith.addi %mul3A_19, %add3A_95 : i32
    %dma_wait3A = arith.constant 1 : i32
    %dma_wait3A_97 = arith.constant 0 : i32
    %dma_wait3A_98 = arith.constant 0 : i32
    %dma_wait3A_99 = tpu.memref_slice %arg8[%dma_wait3A, %dma_wait3A_97, %dma_wait3A_98] : memref<2x128x128xf32, #tpu.memory_space<vmem>> -> memref<1x128x128xf32, #tpu.memory_space<vmem>>
    %dma_wait3A_100 = tpu.memref_squeeze %dma_wait3A_99 : memref<1x128x128xf32, #tpu.memory_space<vmem>> -> memref<128x128xf32, #tpu.memory_space<vmem>>
    %dma_wait3A_101 = arith.constant 0 : i32
    %dma_wait3A_102 = tpu.memref_slice %arg9[%add3A_96, %dma_wait3A_101] : memref<10240x128xf32, #tpu.memory_space<vmem_shared>> -> memref<128x128xf32, #tpu.memory_space<vmem_shared>>
    %dma_wait3A_103 = arith.constant 0 : i32
    %dma_wait3A_104 = tpu.memref_slice %arg9[%add3A_96, %dma_wait3A_103] : memref<10240x128xf32, #tpu.memory_space<vmem_shared>> -> memref<128x128xf32, #tpu.memory_space<vmem_shared>>
    %dma_wait3A_105 = arith.constant 0 : i32
    %dma_wait3A_106 = arith.constant 0 : i32
    %dma_wait3A_107 = tpu.memref_slice %arg8[%dma_wait3A, %dma_wait3A_105, %dma_wait3A_106] : memref<2x128x128xf32, #tpu.memory_space<vmem>> -> memref<1x128x128xf32, #tpu.memory_space<vmem>>
    %dma_wait3A_108 = tpu.memref_squeeze %dma_wait3A_107 : memref<1x128x128xf32, #tpu.memory_space<vmem>> -> memref<128x128xf32, #tpu.memory_space<vmem>>
    tpu.wait_dma2 semaphore(%arg12 : memref<!tpu.dma_semaphore, #tpu.memory_space<semaphore_mem>>) src(%dma_wait3A_108 : memref<128x128xf32, #tpu.memory_space<vmem>>) dst(%dma_wait3A_104 : memref<128x128xf32, #tpu.memory_space<vmem_shared>>)
    %add3A_109 = arith.constant 128 : i32
    %add3A_110 = arith.addi %mul3A_19, %add3A_109 : i32
    %dma_wait3A_111 = arith.constant 1 : i32
    %dma_wait3A_112 = arith.constant 0 : i32
    %dma_wait3A_113 = arith.constant 0 : i32
    %dma_wait3A_114 = tpu.memref_slice %arg8[%dma_wait3A_111, %dma_wait3A_112, %dma_wait3A_113] : memref<2x128x128xf32, #tpu.memory_space<vmem>> -> memref<1x128x128xf32, #tpu.memory_space<vmem>>
    %dma_wait3A_115 = tpu.memref_squeeze %dma_wait3A_114 : memref<1x128x128xf32, #tpu.memory_space<vmem>> -> memref<128x128xf32, #tpu.memory_space<vmem>>
    %dma_wait3A_116 = arith.constant 0 : i32
    %dma_wait3A_117 = tpu.memref_slice %arg9[%add3A_110, %dma_wait3A_116] : memref<10240x128xf32, #tpu.memory_space<vmem_shared>> -> memref<128x128xf32, #tpu.memory_space<vmem_shared>>
    %dma_wait3A_118 = arith.constant 0 : i32
    %dma_wait3A_119 = tpu.memref_slice %arg9[%add3A_110, %dma_wait3A_118] : memref<10240x128xf32, #tpu.memory_space<vmem_shared>> -> memref<128x128xf32, #tpu.memory_space<vmem_shared>>
    %dma_wait3A_120 = arith.constant 0 : i32
    %dma_wait3A_121 = arith.constant 0 : i32
    %dma_wait3A_122 = tpu.memref_slice %arg8[%dma_wait3A_111, %dma_wait3A_120, %dma_wait3A_121] : memref<2x128x128xf32, #tpu.memory_space<vmem>> -> memref<1x128x128xf32, #tpu.memory_space<vmem>>
    %dma_wait3A_123 = tpu.memref_squeeze %dma_wait3A_122 : memref<1x128x128xf32, #tpu.memory_space<vmem>> -> memref<128x128xf32, #tpu.memory_space<vmem>>
    tpu.wait_dma2 semaphore(%arg12 : memref<!tpu.dma_semaphore, #tpu.memory_space<semaphore_mem>>) src(%dma_wait3A_123 : memref<128x128xf32, #tpu.memory_space<vmem>>) dst(%dma_wait3A_119 : memref<128x128xf32, #tpu.memory_space<vmem_shared>>)
    %add3A_124 = arith.constant 256 : i32
    %add3A_125 = arith.addi %mul3A_19, %add3A_124 : i32
    %dma_wait3A_126 = arith.constant 1 : i32
    %dma_wait3A_127 = arith.constant 0 : i32
    %dma_wait3A_128 = arith.constant 0 : i32
    %dma_wait3A_129 = tpu.memref_slice %arg8[%dma_wait3A_126, %dma_wait3A_127, %dma_wait3A_128] : memref<2x128x128xf32, #tpu.memory_space<vmem>> -> memref<1x128x128xf32, #tpu.memory_space<vmem>>
    %dma_wait3A_130 = tpu.memref_squeeze %dma_wait3A_129 : memref<1x128x128xf32, #tpu.memory_space<vmem>> -> memref<128x128xf32, #tpu.memory_space<vmem>>
    %dma_wait3A_131 = arith.constant 0 : i32
    %dma_wait3A_132 = tpu.memref_slice %arg9[%add3A_125, %dma_wait3A_131] : memref<10240x128xf32, #tpu.memory_space<vmem_shared>> -> memref<128x128xf32, #tpu.memory_space<vmem_shared>>
    %dma_wait3A_133 = arith.constant 0 : i32
    %dma_wait3A_134 = tpu.memref_slice %arg9[%add3A_125, %dma_wait3A_133] : memref<10240x128xf32, #tpu.memory_space<vmem_shared>> -> memref<128x128xf32, #tpu.memory_space<vmem_shared>>
    %dma_wait3A_135 = arith.constant 0 : i32
    %dma_wait3A_136 = arith.constant 0 : i32
    %dma_wait3A_137 = tpu.memref_slice %arg8[%dma_wait3A_126, %dma_wait3A_135, %dma_wait3A_136] : memref<2x128x128xf32, #tpu.memory_space<vmem>> -> memref<1x128x128xf32, #tpu.memory_space<vmem>>
    %dma_wait3A_138 = tpu.memref_squeeze %dma_wait3A_137 : memref<1x128x128xf32, #tpu.memory_space<vmem>> -> memref<128x128xf32, #tpu.memory_space<vmem>>
    tpu.wait_dma2 semaphore(%arg12 : memref<!tpu.dma_semaphore, #tpu.memory_space<semaphore_mem>>) src(%dma_wait3A_138 : memref<128x128xf32, #tpu.memory_space<vmem>>) dst(%dma_wait3A_134 : memref<128x128xf32, #tpu.memory_space<vmem_shared>>)
    %add3A_139 = arith.constant 384 : i32
    %add3A_140 = arith.addi %mul3A_19, %add3A_139 : i32
    %dma_wait3A_141 = arith.constant 1 : i32
    %dma_wait3A_142 = arith.constant 0 : i32
    %dma_wait3A_143 = arith.constant 0 : i32
    %dma_wait3A_144 = tpu.memref_slice %arg8[%dma_wait3A_141, %dma_wait3A_142, %dma_wait3A_143] : memref<2x128x128xf32, #tpu.memory_space<vmem>> -> memref<1x128x128xf32, #tpu.memory_space<vmem>>
    %dma_wait3A_145 = tpu.memref_squeeze %dma_wait3A_144 : memref<1x128x128xf32, #tpu.memory_space<vmem>> -> memref<128x128xf32, #tpu.memory_space<vmem>>
    %dma_wait3A_146 = arith.constant 0 : i32
    %dma_wait3A_147 = tpu.memref_slice %arg9[%add3A_140, %dma_wait3A_146] : memref<10240x128xf32, #tpu.memory_space<vmem_shared>> -> memref<128x128xf32, #tpu.memory_space<vmem_shared>>
    %dma_wait3A_148 = arith.constant 0 : i32
    %dma_wait3A_149 = tpu.memref_slice %arg9[%add3A_140, %dma_wait3A_148] : memref<10240x128xf32, #tpu.memory_space<vmem_shared>> -> memref<128x128xf32, #tpu.memory_space<vmem_shared>>
    %dma_wait3A_150 = arith.constant 0 : i32
    %dma_wait3A_151 = arith.constant 0 : i32
    %dma_wait3A_152 = tpu.memref_slice %arg8[%dma_wait3A_141, %dma_wait3A_150, %dma_wait3A_151] : memref<2x128x128xf32, #tpu.memory_space<vmem>> -> memref<1x128x128xf32, #tpu.memory_space<vmem>>
    %dma_wait3A_153 = tpu.memref_squeeze %dma_wait3A_152 : memref<1x128x128xf32, #tpu.memory_space<vmem>> -> memref<128x128xf32, #tpu.memory_space<vmem>>
    tpu.wait_dma2 semaphore(%arg12 : memref<!tpu.dma_semaphore, #tpu.memory_space<semaphore_mem>>) src(%dma_wait3A_153 : memref<128x128xf32, #tpu.memory_space<vmem>>) dst(%dma_wait3A_149 : memref<128x128xf32, #tpu.memory_space<vmem_shared>>)
    %add3A_154 = arith.constant 512 : i32
    %add3A_155 = arith.addi %mul3A_19, %add3A_154 : i32
    %dma_wait3A_156 = arith.constant 1 : i32
    %dma_wait3A_157 = arith.constant 0 : i32
    %dma_wait3A_158 = arith.constant 0 : i32
    %dma_wait3A_159 = tpu.memref_slice %arg8[%dma_wait3A_156, %dma_wait3A_157, %dma_wait3A_158] : memref<2x128x128xf32, #tpu.memory_space<vmem>> -> memref<1x128x128xf32, #tpu.memory_space<vmem>>
    %dma_wait3A_160 = tpu.memref_squeeze %dma_wait3A_159 : memref<1x128x128xf32, #tpu.memory_space<vmem>> -> memref<128x128xf32, #tpu.memory_space<vmem>>
    %dma_wait3A_161 = arith.constant 0 : i32
    %dma_wait3A_162 = tpu.memref_slice %arg9[%add3A_155, %dma_wait3A_161] : memref<10240x128xf32, #tpu.memory_space<vmem_shared>> -> memref<128x128xf32, #tpu.memory_space<vmem_shared>>
    %dma_wait3A_163 = arith.constant 0 : i32
    %dma_wait3A_164 = tpu.memref_slice %arg9[%add3A_155, %dma_wait3A_163] : memref<10240x128xf32, #tpu.memory_space<vmem_shared>> -> memref<128x128xf32, #tpu.memory_space<vmem_shared>>
    %dma_wait3A_165 = arith.constant 0 : i32
    %dma_wait3A_166 = arith.constant 0 : i32
    %dma_wait3A_167 = tpu.memref_slice %arg8[%dma_wait3A_156, %dma_wait3A_165, %dma_wait3A_166] : memref<2x128x128xf32, #tpu.memory_space<vmem>> -> memref<1x128x128xf32, #tpu.memory_space<vmem>>
    %dma_wait3A_168 = tpu.memref_squeeze %dma_wait3A_167 : memref<1x128x128xf32, #tpu.memory_space<vmem>> -> memref<128x128xf32, #tpu.memory_space<vmem>>
    tpu.wait_dma2 semaphore(%arg12 : memref<!tpu.dma_semaphore, #tpu.memory_space<semaphore_mem>>) src(%dma_wait3A_168 : memref<128x128xf32, #tpu.memory_space<vmem>>) dst(%dma_wait3A_164 : memref<128x128xf32, #tpu.memory_space<vmem_shared>>)
    %barrier3A = arith.constant 0 : index
    tpu.barrier barrier_id(%barrier3A)
    %dma_start3A_169 = arith.constant 1 : i32
    %dma_start3A_170 = arith.constant 0 : i32
    %dma_start3A_171 = arith.constant 0 : i32
    %dma_start3A_172 = tpu.memref_slice %arg8[%dma_start3A_169, %dma_start3A_170, %dma_start3A_171] : memref<2x128x128xf32, #tpu.memory_space<vmem>> -> memref<1x128x128xf32, #tpu.memory_space<vmem>>
    %dma_start3A_173 = tpu.memref_squeeze %dma_start3A_172 : memref<1x128x128xf32, #tpu.memory_space<vmem>> -> memref<128x128xf32, #tpu.memory_space<vmem>>
    %dma_start3A_174 = arith.constant 128 : i32
    %dma_start3A_175 = tpu.memref_slice %arg6[%dma_start3A_174] : memref<10240xi32, #tpu.memory_space<vmem>> -> memref<128xi32, #tpu.memory_space<vmem>>
    %dma_start3A_176 = arith.constant 0 : i32
    %dma_start3A_177 = arith.constant 0 : i32
    %dma_start3A_178 = tpu.memref_slice %arg2[%dma_start3A_176, %dma_start3A_177] : memref<10240x128xf32, #tpu.memory_space<hbm>> -> memref<10240x128xf32, #tpu.memory_space<hbm>>
    tpu.enqueue_indirect_dma source(%dma_start3A_178 : memref<10240x128xf32, #tpu.memory_space<hbm>>) target(%dma_start3A_173 : memref<128x128xf32, #tpu.memory_space<vmem>>) offsets(%dma_start3A_175 : memref<128xi32, #tpu.memory_space<vmem>>) semaphore(%arg11 : memref<!tpu.dma_semaphore, #tpu.memory_space<semaphore_mem>>)
    %scan3A_179 = arith.constant 0 : i32
    %scan3A_180 = arith.constant 40 : i32
    %scan3A_181 = arith.addi %scan3A_179, %scan3A_180 : i32
    %scan3A_182 = arith.constant 1 : i32
    scf.for %scan3A_371 = %scan3A_179 to %scan3A_181 step %scan3A_182  : i32 {
      %mul3A_372 = arith.constant 1 : i32
      %mul3A_373 = arith.muli %scan3A_371, %mul3A_372 : i32
      %add3A_374 = arith.constant 0 : i32
      %add3A_375 = arith.addi %add3A_374, %mul3A_373 : i32
      %mul3A_376 = arith.constant 2 : i32
      %mul3A_377 = arith.muli %mul3A_376, %add3A_375 : i32
      %eq3A = arith.constant 20 : i32
      %eq3A_378 = arith.cmpi eq, %add3A_375, %eq3A : i32
      %convert_element_type3A = arith.extui %eq3A_378 : i1 to i32
      %cond3A = arith.constant 0 : i32
      %cond3A_379 = arith.cmpi ne, %convert_element_type3A, %cond3A : i32
      scf.if %cond3A_379 {
        "tpu.region"() ({
          %run_scoped3A_472 = tpu.sem_alloc : memref<!tpu.dma_semaphore, #tpu.memory_space<semaphore_mem>>
          %dma_start3A_473 = arith.constant 40 : i32
          %dma_start3A_474 = arith.constant 0 : i32
          %dma_start3A_475 = tpu.memref_slice %arg4[%add3A, %dma_start3A_473, %dma_start3A_474] : memref<32x80x128xi32, #tpu.memory_space<hbm>> -> memref<1x40x128xi32, #tpu.memory_space<hbm>>
          %dma_start3A_476 = tpu.memref_squeeze %dma_start3A_475 : memref<1x40x128xi32, #tpu.memory_space<hbm>> -> memref<40x128xi32, #tpu.memory_space<hbm>>
          %dma_start3A_477 = arith.constant 40 : i32
          %dma_start3A_478 = arith.constant 0 : i32
          %dma_start3A_479 = tpu.memref_slice %arg4[%add3A, %dma_start3A_477, %dma_start3A_478] : memref<32x80x128xi32, #tpu.memory_space<hbm>> -> memref<1x40x128xi32, #tpu.memory_space<hbm>>
          %dma_start3A_480 = tpu.memref_squeeze %dma_start3A_479 : memref<1x40x128xi32, #tpu.memory_space<hbm>> -> memref<40x128xi32, #tpu.memory_space<hbm>>
          tpu.enqueue_dma source(%dma_start3A_480 : memref<40x128xi32, #tpu.memory_space<hbm>>) target(%arg7 : memref<40x128xi32, #tpu.memory_space<vmem>>) target_semaphore(%run_scoped3A_472 : memref<!tpu.dma_semaphore, #tpu.memory_space<semaphore_mem>>)
          %dma_wait3A_481 = arith.constant 40 : i32
          %dma_wait3A_482 = arith.constant 0 : i32
          %dma_wait3A_483 = tpu.memref_slice %arg4[%add3A, %dma_wait3A_481, %dma_wait3A_482] : memref<32x80x128xi32, #tpu.memory_space<hbm>> -> memref<1x40x128xi32, #tpu.memory_space<hbm>>
          %dma_wait3A_484 = tpu.memref_squeeze %dma_wait3A_483 : memref<1x40x128xi32, #tpu.memory_space<hbm>> -> memref<40x128xi32, #tpu.memory_space<hbm>>
          %dma_wait3A_485 = arith.constant 40 : i32
          %dma_wait3A_486 = arith.constant 0 : i32
          %dma_wait3A_487 = tpu.memref_slice %arg4[%add3A, %dma_wait3A_485, %dma_wait3A_486] : memref<32x80x128xi32, #tpu.memory_space<hbm>> -> memref<1x40x128xi32, #tpu.memory_space<hbm>>
          %dma_wait3A_488 = tpu.memref_squeeze %dma_wait3A_487 : memref<1x40x128xi32, #tpu.memory_space<hbm>> -> memref<40x128xi32, #tpu.memory_space<hbm>>
          tpu.wait_dma2 semaphore(%run_scoped3A_472 : memref<!tpu.dma_semaphore, #tpu.memory_space<semaphore_mem>>) src(%dma_wait3A_488 : memref<40x128xi32, #tpu.memory_space<hbm>>) dst(%arg7 : memref<40x128xi32, #tpu.memory_space<vmem>>)
          tpu.yield
        }) : () -> ()
      } else {
      }
      %mul3A_380 = arith.constant 128 : i32
      %mul3A_381 = arith.muli %mul3A_377, %mul3A_380 : i32
      %dma_wait3A_382 = arith.constant 0 : i32
      %dma_wait3A_383 = arith.constant 0 : i32
      %dma_wait3A_384 = arith.constant 0 : i32
      %dma_wait3A_385 = tpu.memref_slice %arg8[%dma_wait3A_382, %dma_wait3A_383, %dma_wait3A_384] : memref<2x128x128xf32, #tpu.memory_space<vmem>> -> memref<1x128x128xf32, #tpu.memory_space<vmem>>
      %dma_wait3A_386 = tpu.memref_squeeze %dma_wait3A_385 : memref<1x128x128xf32, #tpu.memory_space<vmem>> -> memref<128x128xf32, #tpu.memory_space<vmem>>
      %dma_wait3A_387 = tpu.memref_slice %arg6[%mul3A_381] : memref<10240xi32, #tpu.memory_space<vmem>> -> memref<128xi32, #tpu.memory_space<vmem>>
      %dma_wait3A_388 = arith.constant 0 : i32
      %dma_wait3A_389 = arith.constant 0 : i32
      %dma_wait3A_390 = tpu.memref_slice %arg2[%dma_wait3A_388, %dma_wait3A_389] : memref<10240x128xf32, #tpu.memory_space<hbm>> -> memref<10240x128xf32, #tpu.memory_space<hbm>>
      tpu.wait_indirect_dma semaphore(%arg10 : memref<!tpu.dma_semaphore, #tpu.memory_space<semaphore_mem>>) src(%dma_wait3A_390 : memref<10240x128xf32, #tpu.memory_space<hbm>>) dst(%dma_wait3A_386 : memref<128x128xf32, #tpu.memory_space<vmem>>)
      %rem3A = arith.constant 40 : i32
      %rem3A_391 = arith.remsi %mul3A_377, %rem3A : i32
      %dma_start3A_392 = arith.constant 0 : i32
      %dma_start3A_393 = arith.constant 0 : i32
      %dma_start3A_394 = arith.constant 0 : i32
      %dma_start3A_395 = tpu.memref_slice %arg8[%dma_start3A_392, %dma_start3A_393, %dma_start3A_394] : memref<2x128x128xf32, #tpu.memory_space<vmem>> -> memref<1x128x128xf32, #tpu.memory_space<vmem>>
      %dma_start3A_396 = tpu.memref_squeeze %dma_start3A_395 : memref<1x128x128xf32, #tpu.memory_space<vmem>> -> memref<128x128xf32, #tpu.memory_space<vmem>>
      %dma_start3A_397 = arith.constant 0 : i32
      %dma_start3A_398 = tpu.memref_slice %arg7[%rem3A_391, %dma_start3A_397] : memref<40x128xi32, #tpu.memory_space<vmem>> -> memref<1x128xi32, #tpu.memory_space<vmem>>
      %dma_start3A_399 = tpu.memref_squeeze %dma_start3A_398 : memref<1x128xi32, #tpu.memory_space<vmem>> -> memref<128xi32, #tpu.memory_space<vmem>>
      %dma_start3A_400 = arith.constant 0 : i32
      %dma_start3A_401 = arith.constant 0 : i32
      %dma_start3A_402 = tpu.memref_slice %arg9[%dma_start3A_400, %dma_start3A_401] : memref<10240x128xf32, #tpu.memory_space<vmem_shared>> -> memref<10240x128xf32, #tpu.memory_space<vmem_shared>>
      tpu.enqueue_indirect_dma source(%dma_start3A_396 : memref<128x128xf32, #tpu.memory_space<vmem>>) target(%dma_start3A_402 : memref<10240x128xf32, #tpu.memory_space<vmem_shared>>) offsets(%dma_start3A_399 : memref<128xi32, #tpu.memory_space<vmem>>) semaphore(%arg12 : memref<!tpu.dma_semaphore, #tpu.memory_space<semaphore_mem>>) {add = true}
      %rem3A_403 = arith.constant 40 : i32
      %rem3A_404 = arith.remsi %mul3A_377, %rem3A_403 : i32
      %dma_wait3A_405 = arith.constant 0 : i32
      %dma_wait3A_406 = arith.constant 0 : i32
      %dma_wait3A_407 = arith.constant 0 : i32
      %dma_wait3A_408 = tpu.memref_slice %arg8[%dma_wait3A_405, %dma_wait3A_406, %dma_wait3A_407] : memref<2x128x128xf32, #tpu.memory_space<vmem>> -> memref<1x128x128xf32, #tpu.memory_space<vmem>>
      %dma_wait3A_409 = tpu.memref_squeeze %dma_wait3A_408 : memref<1x128x128xf32, #tpu.memory_space<vmem>> -> memref<128x128xf32, #tpu.memory_space<vmem>>
      %dma_wait3A_410 = arith.constant 0 : i32
      %dma_wait3A_411 = tpu.memref_slice %arg7[%rem3A_404, %dma_wait3A_410] : memref<40x128xi32, #tpu.memory_space<vmem>> -> memref<1x128xi32, #tpu.memory_space<vmem>>
      %dma_wait3A_412 = tpu.memref_squeeze %dma_wait3A_411 : memref<1x128xi32, #tpu.memory_space<vmem>> -> memref<128xi32, #tpu.memory_space<vmem>>
      %dma_wait3A_413 = arith.constant 0 : i32
      %dma_wait3A_414 = arith.constant 0 : i32
      %dma_wait3A_415 = tpu.memref_slice %arg9[%dma_wait3A_413, %dma_wait3A_414] : memref<10240x128xf32, #tpu.memory_space<vmem_shared>> -> memref<10240x128xf32, #tpu.memory_space<vmem_shared>>
      tpu.wait_indirect_dma semaphore(%arg12 : memref<!tpu.dma_semaphore, #tpu.memory_space<semaphore_mem>>) src(%dma_wait3A_409 : memref<128x128xf32, #tpu.memory_space<vmem>>) dst(%dma_wait3A_415 : memref<10240x128xf32, #tpu.memory_space<vmem_shared>>)
      %add3A_416 = arith.constant 2 : i32
      %add3A_417 = arith.addi %mul3A_377, %add3A_416 : i32
      %lt3A = arith.constant 80 : i32
      %lt3A_418 = arith.cmpi slt, %add3A_417, %lt3A : i32
      %convert_element_type3A_419 = arith.extui %lt3A_418 : i1 to i32
      %cond3A_420 = arith.constant 0 : i32
      %cond3A_421 = arith.cmpi ne, %convert_element_type3A_419, %cond3A_420 : i32
      scf.if %cond3A_421 {
        %add3A_472 = arith.constant 2 : i32
        %add3A_473 = arith.addi %mul3A_377, %add3A_472 : i32
        %mul3A_474 = arith.constant 128 : i32
        %mul3A_475 = arith.muli %add3A_473, %mul3A_474 : i32
        %dma_start3A_476 = arith.constant 0 : i32
        %dma_start3A_477 = arith.constant 0 : i32
        %dma_start3A_478 = arith.constant 0 : i32
        %dma_start3A_479 = tpu.memref_slice %arg8[%dma_start3A_476, %dma_start3A_477, %dma_start3A_478] : memref<2x128x128xf32, #tpu.memory_space<vmem>> -> memref<1x128x128xf32, #tpu.memory_space<vmem>>
        %dma_start3A_480 = tpu.memref_squeeze %dma_start3A_479 : memref<1x128x128xf32, #tpu.memory_space<vmem>> -> memref<128x128xf32, #tpu.memory_space<vmem>>
        %dma_start3A_481 = tpu.memref_slice %arg6[%mul3A_475] : memref<10240xi32, #tpu.memory_space<vmem>> -> memref<128xi32, #tpu.memory_space<vmem>>
        %dma_start3A_482 = arith.constant 0 : i32
        %dma_start3A_483 = arith.constant 0 : i32
        %dma_start3A_484 = tpu.memref_slice %arg2[%dma_start3A_482, %dma_start3A_483] : memref<10240x128xf32, #tpu.memory_space<hbm>> -> memref<10240x128xf32, #tpu.memory_space<hbm>>
        tpu.enqueue_indirect_dma source(%dma_start3A_484 : memref<10240x128xf32, #tpu.memory_space<hbm>>) target(%dma_start3A_480 : memref<128x128xf32, #tpu.memory_space<vmem>>) offsets(%dma_start3A_481 : memref<128xi32, #tpu.memory_space<vmem>>) semaphore(%arg10 : memref<!tpu.dma_semaphore, #tpu.memory_space<semaphore_mem>>)
      } else {
      }
      %add3A_422 = arith.constant 1 : i32
      %add3A_423 = arith.addi %mul3A_377, %add3A_422 : i32
      %mul3A_424 = arith.constant 128 : i32
      %mul3A_425 = arith.muli %add3A_423, %mul3A_424 : i32
      %dma_wait3A_426 = arith.constant 1 : i32
      %dma_wait3A_427 = arith.constant 0 : i32
      %dma_wait3A_428 = arith.constant 0 : i32
      %dma_wait3A_429 = tpu.memref_slice %arg8[%dma_wait3A_426, %dma_wait3A_427, %dma_wait3A_428] : memref<2x128x128xf32, #tpu.memory_space<vmem>> -> memref<1x128x128xf32, #tpu.memory_space<vmem>>
      %dma_wait3A_430 = tpu.memref_squeeze %dma_wait3A_429 : memref<1x128x128xf32, #tpu.memory_space<vmem>> -> memref<128x128xf32, #tpu.memory_space<vmem>>
      %dma_wait3A_431 = tpu.memref_slice %arg6[%mul3A_425] : memref<10240xi32, #tpu.memory_space<vmem>> -> memref<128xi32, #tpu.memory_space<vmem>>
      %dma_wait3A_432 = arith.constant 0 : i32
      %dma_wait3A_433 = arith.constant 0 : i32
      %dma_wait3A_434 = tpu.memref_slice %arg2[%dma_wait3A_432, %dma_wait3A_433] : memref<10240x128xf32, #tpu.memory_space<hbm>> -> memref<10240x128xf32, #tpu.memory_space<hbm>>
      tpu.wait_indirect_dma semaphore(%arg11 : memref<!tpu.dma_semaphore, #tpu.memory_space<semaphore_mem>>) src(%dma_wait3A_434 : memref<10240x128xf32, #tpu.memory_space<hbm>>) dst(%dma_wait3A_430 : memref<128x128xf32, #tpu.memory_space<vmem>>)
      %add3A_435 = arith.constant 1 : i32
      %add3A_436 = arith.addi %mul3A_377, %add3A_435 : i32
      %rem3A_437 = arith.constant 40 : i32
      %rem3A_438 = arith.remsi %add3A_436, %rem3A_437 : i32
      %dma_start3A_439 = arith.constant 1 : i32
      %dma_start3A_440 = arith.constant 0 : i32
      %dma_start3A_441 = arith.constant 0 : i32
      %dma_start3A_442 = tpu.memref_slice %arg8[%dma_start3A_439, %dma_start3A_440, %dma_start3A_441] : memref<2x128x128xf32, #tpu.memory_space<vmem>> -> memref<1x128x128xf32, #tpu.memory_space<vmem>>
      %dma_start3A_443 = tpu.memref_squeeze %dma_start3A_442 : memref<1x128x128xf32, #tpu.memory_space<vmem>> -> memref<128x128xf32, #tpu.memory_space<vmem>>
      %dma_start3A_444 = arith.constant 0 : i32
      %dma_start3A_445 = tpu.memref_slice %arg7[%rem3A_438, %dma_start3A_444] : memref<40x128xi32, #tpu.memory_space<vmem>> -> memref<1x128xi32, #tpu.memory_space<vmem>>
      %dma_start3A_446 = tpu.memref_squeeze %dma_start3A_445 : memref<1x128xi32, #tpu.memory_space<vmem>> -> memref<128xi32, #tpu.memory_space<vmem>>
      %dma_start3A_447 = arith.constant 0 : i32
      %dma_start3A_448 = arith.constant 0 : i32
      %dma_start3A_449 = tpu.memref_slice %arg9[%dma_start3A_447, %dma_start3A_448] : memref<10240x128xf32, #tpu.memory_space<vmem_shared>> -> memref<10240x128xf32, #tpu.memory_space<vmem_shared>>
      tpu.enqueue_indirect_dma source(%dma_start3A_443 : memref<128x128xf32, #tpu.memory_space<vmem>>) target(%dma_start3A_449 : memref<10240x128xf32, #tpu.memory_space<vmem_shared>>) offsets(%dma_start3A_446 : memref<128xi32, #tpu.memory_space<vmem>>) semaphore(%arg13 : memref<!tpu.dma_semaphore, #tpu.memory_space<semaphore_mem>>) {add = true}
      %add3A_450 = arith.constant 1 : i32
      %add3A_451 = arith.addi %mul3A_377, %add3A_450 : i32
      %rem3A_452 = arith.constant 40 : i32
      %rem3A_453 = arith.remsi %add3A_451, %rem3A_452 : i32
      %dma_wait3A_454 = arith.constant 1 : i32
      %dma_wait3A_455 = arith.constant 0 : i32
      %dma_wait3A_456 = arith.constant 0 : i32
      %dma_wait3A_457 = tpu.memref_slice %arg8[%dma_wait3A_454, %dma_wait3A_455, %dma_wait3A_456] : memref<2x128x128xf32, #tpu.memory_space<vmem>> -> memref<1x128x128xf32, #tpu.memory_space<vmem>>
      %dma_wait3A_458 = tpu.memref_squeeze %dma_wait3A_457 : memref<1x128x128xf32, #tpu.memory_space<vmem>> -> memref<128x128xf32, #tpu.memory_space<vmem>>
      %dma_wait3A_459 = arith.constant 0 : i32
      %dma_wait3A_460 = tpu.memref_slice %arg7[%rem3A_453, %dma_wait3A_459] : memref<40x128xi32, #tpu.memory_space<vmem>> -> memref<1x128xi32, #tpu.memory_space<vmem>>
      %dma_wait3A_461 = tpu.memref_squeeze %dma_wait3A_460 : memref<1x128xi32, #tpu.memory_space<vmem>> -> memref<128xi32, #tpu.memory_space<vmem>>
      %dma_wait3A_462 = arith.constant 0 : i32
      %dma_wait3A_463 = arith.constant 0 : i32
      %dma_wait3A_464 = tpu.memref_slice %arg9[%dma_wait3A_462, %dma_wait3A_463] : memref<10240x128xf32, #tpu.memory_space<vmem_shared>> -> memref<10240x128xf32, #tpu.memory_space<vmem_shared>>
      tpu.wait_indirect_dma semaphore(%arg13 : memref<!tpu.dma_semaphore, #tpu.memory_space<semaphore_mem>>) src(%dma_wait3A_458 : memref<128x128xf32, #tpu.memory_space<vmem>>) dst(%dma_wait3A_464 : memref<10240x128xf32, #tpu.memory_space<vmem_shared>>)
      %add3A_465 = arith.constant 3 : i32
      %add3A_466 = arith.addi %mul3A_377, %add3A_465 : i32
      %lt3A_467 = arith.constant 80 : i32
      %lt3A_468 = arith.cmpi slt, %add3A_466, %lt3A_467 : i32
      %convert_element_type3A_469 = arith.extui %lt3A_468 : i1 to i32
      %cond3A_470 = arith.constant 0 : i32
      %cond3A_471 = arith.cmpi ne, %convert_element_type3A_469, %cond3A_470 : i32
      scf.if %cond3A_471 {
        %add3A_472 = arith.constant 3 : i32
        %add3A_473 = arith.addi %mul3A_377, %add3A_472 : i32
        %mul3A_474 = arith.constant 128 : i32
        %mul3A_475 = arith.muli %add3A_473, %mul3A_474 : i32
        %dma_start3A_476 = arith.constant 1 : i32
        %dma_start3A_477 = arith.constant 0 : i32
        %dma_start3A_478 = arith.constant 0 : i32
        %dma_start3A_479 = tpu.memref_slice %arg8[%dma_start3A_476, %dma_start3A_477, %dma_start3A_478] : memref<2x128x128xf32, #tpu.memory_space<vmem>> -> memref<1x128x128xf32, #tpu.memory_space<vmem>>
        %dma_start3A_480 = tpu.memref_squeeze %dma_start3A_479 : memref<1x128x128xf32, #tpu.memory_space<vmem>> -> memref<128x128xf32, #tpu.memory_space<vmem>>
        %dma_start3A_481 = tpu.memref_slice %arg6[%mul3A_475] : memref<10240xi32, #tpu.memory_space<vmem>> -> memref<128xi32, #tpu.memory_space<vmem>>
        %dma_start3A_482 = arith.constant 0 : i32
        %dma_start3A_483 = arith.constant 0 : i32
        %dma_start3A_484 = tpu.memref_slice %arg2[%dma_start3A_482, %dma_start3A_483] : memref<10240x128xf32, #tpu.memory_space<hbm>> -> memref<10240x128xf32, #tpu.memory_space<hbm>>
        tpu.enqueue_indirect_dma source(%dma_start3A_484 : memref<10240x128xf32, #tpu.memory_space<hbm>>) target(%dma_start3A_480 : memref<128x128xf32, #tpu.memory_space<vmem>>) offsets(%dma_start3A_481 : memref<128xi32, #tpu.memory_space<vmem>>) semaphore(%arg11 : memref<!tpu.dma_semaphore, #tpu.memory_space<semaphore_mem>>)
      } else {
      }
    }
    %scan3A_183 = arith.constant 40 : i32
    %barrier3A_184 = arith.constant 0 : index
    tpu.barrier barrier_id(%barrier3A_184)
    %mul3A_185 = arith.constant 640 : i32
    %mul3A_186 = arith.muli %arg1, %mul3A_185 : i32
    %add3A_187 = arith.constant 0 : i32
    %add3A_188 = arith.addi %mul3A_186, %add3A_187 : i32
    %run_scoped3A = arith.constant 0 : i32
    "tpu.region"() ({
      %run_scoped3A_371 = tpu.sem_alloc : memref<!tpu.dma_semaphore, #tpu.memory_space<semaphore_mem>>
      %dma_start3A_372 = arith.constant 0 : i32
      %dma_start3A_373 = arith.constant 0 : i32
      %dma_start3A_374 = tpu.memref_slice %arg8[%run_scoped3A, %dma_start3A_372, %dma_start3A_373] : memref<2x128x128xf32, #tpu.memory_space<vmem>> -> memref<1x128x128xf32, #tpu.memory_space<vmem>>
      %dma_start3A_375 = tpu.memref_squeeze %dma_start3A_374 : memref<1x128x128xf32, #tpu.memory_space<vmem>> -> memref<128x128xf32, #tpu.memory_space<vmem>>
      %dma_start3A_376 = arith.constant 0 : i32
      %dma_start3A_377 = tpu.memref_slice %arg9[%add3A_188, %dma_start3A_376] : memref<10240x128xf32, #tpu.memory_space<vmem_shared>> -> memref<128x128xf32, #tpu.memory_space<vmem_shared>>
      %dma_start3A_378 = arith.constant 0 : i32
      %dma_start3A_379 = arith.constant 0 : i32
      %dma_start3A_380 = tpu.memref_slice %arg8[%run_scoped3A, %dma_start3A_378, %dma_start3A_379] : memref<2x128x128xf32, #tpu.memory_space<vmem>> -> memref<1x128x128xf32, #tpu.memory_space<vmem>>
      %dma_start3A_381 = tpu.memref_squeeze %dma_start3A_380 : memref<1x128x128xf32, #tpu.memory_space<vmem>> -> memref<128x128xf32, #tpu.memory_space<vmem>>
      %dma_start3A_382 = arith.constant 0 : i32
      %dma_start3A_383 = tpu.memref_slice %arg9[%add3A_188, %dma_start3A_382] : memref<10240x128xf32, #tpu.memory_space<vmem_shared>> -> memref<128x128xf32, #tpu.memory_space<vmem_shared>>
      tpu.enqueue_dma source(%dma_start3A_383 : memref<128x128xf32, #tpu.memory_space<vmem_shared>>) target(%dma_start3A_381 : memref<128x128xf32, #tpu.memory_space<vmem>>) target_semaphore(%run_scoped3A_371 : memref<!tpu.dma_semaphore, #tpu.memory_space<semaphore_mem>>)
      %dma_wait3A_384 = arith.constant 0 : i32
      %dma_wait3A_385 = arith.constant 0 : i32
      %dma_wait3A_386 = tpu.memref_slice %arg8[%run_scoped3A, %dma_wait3A_384, %dma_wait3A_385] : memref<2x128x128xf32, #tpu.memory_space<vmem>> -> memref<1x128x128xf32, #tpu.memory_space<vmem>>
      %dma_wait3A_387 = tpu.memref_squeeze %dma_wait3A_386 : memref<1x128x128xf32, #tpu.memory_space<vmem>> -> memref<128x128xf32, #tpu.memory_space<vmem>>
      %dma_wait3A_388 = arith.constant 0 : i32
      %dma_wait3A_389 = tpu.memref_slice %arg9[%add3A_188, %dma_wait3A_388] : memref<10240x128xf32, #tpu.memory_space<vmem_shared>> -> memref<128x128xf32, #tpu.memory_space<vmem_shared>>
      %dma_wait3A_390 = arith.constant 0 : i32
      %dma_wait3A_391 = arith.constant 0 : i32
      %dma_wait3A_392 = tpu.memref_slice %arg8[%run_scoped3A, %dma_wait3A_390, %dma_wait3A_391] : memref<2x128x128xf32, #tpu.memory_space<vmem>> -> memref<1x128x128xf32, #tpu.memory_space<vmem>>
      %dma_wait3A_393 = tpu.memref_squeeze %dma_wait3A_392 : memref<1x128x128xf32, #tpu.memory_space<vmem>> -> memref<128x128xf32, #tpu.memory_space<vmem>>
      %dma_wait3A_394 = arith.constant 0 : i32
      %dma_wait3A_395 = tpu.memref_slice %arg9[%add3A_188, %dma_wait3A_394] : memref<10240x128xf32, #tpu.memory_space<vmem_shared>> -> memref<128x128xf32, #tpu.memory_space<vmem_shared>>
      tpu.wait_dma2 semaphore(%run_scoped3A_371 : memref<!tpu.dma_semaphore, #tpu.memory_space<semaphore_mem>>) src(%dma_wait3A_395 : memref<128x128xf32, #tpu.memory_space<vmem_shared>>) dst(%dma_wait3A_393 : memref<128x128xf32, #tpu.memory_space<vmem>>)
      tpu.yield
    }) : () -> ()
    %add3A_189 = arith.constant 0 : i32
    %add3A_190 = arith.addi %mul3A_186, %add3A_189 : i32
    %dma_start3A_191 = arith.constant 0 : i32
    %dma_start3A_192 = arith.constant 0 : i32
    %dma_start3A_193 = arith.constant 0 : i32
    %dma_start3A_194 = tpu.memref_slice %arg8[%dma_start3A_191, %dma_start3A_192, %dma_start3A_193] : memref<2x128x128xf32, #tpu.memory_space<vmem>> -> memref<1x128x128xf32, #tpu.memory_space<vmem>>
    %dma_start3A_195 = tpu.memref_squeeze %dma_start3A_194 : memref<1x128x128xf32, #tpu.memory_space<vmem>> -> memref<128x128xf32, #tpu.memory_space<vmem>>
    %dma_start3A_196 = arith.constant 0 : i32
    %dma_start3A_197 = tpu.memref_slice %arg5[%arg0, %add3A_190, %dma_start3A_196] : memref<2x10240x128xf32, #tpu.memory_space<hbm>> -> memref<1x128x128xf32, #tpu.memory_space<hbm>>
    %dma_start3A_198 = tpu.memref_squeeze %dma_start3A_197 : memref<1x128x128xf32, #tpu.memory_space<hbm>> -> memref<128x128xf32, #tpu.memory_space<hbm>>
    %dma_start3A_199 = arith.constant 0 : i32
    %dma_start3A_200 = tpu.memref_slice %arg5[%arg0, %add3A_190, %dma_start3A_199] : memref<2x10240x128xf32, #tpu.memory_space<hbm>> -> memref<1x128x128xf32, #tpu.memory_space<hbm>>
    %dma_start3A_201 = tpu.memref_squeeze %dma_start3A_200 : memref<1x128x128xf32, #tpu.memory_space<hbm>> -> memref<128x128xf32, #tpu.memory_space<hbm>>
    %dma_start3A_202 = arith.constant 0 : i32
    %dma_start3A_203 = arith.constant 0 : i32
    %dma_start3A_204 = tpu.memref_slice %arg8[%dma_start3A_191, %dma_start3A_202, %dma_start3A_203] : memref<2x128x128xf32, #tpu.memory_space<vmem>> -> memref<1x128x128xf32, #tpu.memory_space<vmem>>
    %dma_start3A_205 = tpu.memref_squeeze %dma_start3A_204 : memref<1x128x128xf32, #tpu.memory_space<vmem>> -> memref<128x128xf32, #tpu.memory_space<vmem>>
    tpu.enqueue_dma source(%dma_start3A_205 : memref<128x128xf32, #tpu.memory_space<vmem>>) target(%dma_start3A_201 : memref<128x128xf32, #tpu.memory_space<hbm>>) target_semaphore(%arg10 : memref<!tpu.dma_semaphore, #tpu.memory_space<semaphore_mem>>)
    %add3A_206 = arith.constant 128 : i32
    %add3A_207 = arith.addi %mul3A_186, %add3A_206 : i32
    %run_scoped3A_208 = arith.constant 1 : i32
    "tpu.region"() ({
      %run_scoped3A_371 = tpu.sem_alloc : memref<!tpu.dma_semaphore, #tpu.memory_space<semaphore_mem>>
      %dma_start3A_372 = arith.constant 0 : i32
      %dma_start3A_373 = arith.constant 0 : i32
      %dma_start3A_374 = tpu.memref_slice %arg8[%run_scoped3A_208, %dma_start3A_372, %dma_start3A_373] : memref<2x128x128xf32, #tpu.memory_space<vmem>> -> memref<1x128x128xf32, #tpu.memory_space<vmem>>
      %dma_start3A_375 = tpu.memref_squeeze %dma_start3A_374 : memref<1x128x128xf32, #tpu.memory_space<vmem>> -> memref<128x128xf32, #tpu.memory_space<vmem>>
      %dma_start3A_376 = arith.constant 0 : i32
      %dma_start3A_377 = tpu.memref_slice %arg9[%add3A_207, %dma_start3A_376] : memref<10240x128xf32, #tpu.memory_space<vmem_shared>> -> memref<128x128xf32, #tpu.memory_space<vmem_shared>>
      %dma_start3A_378 = arith.constant 0 : i32
      %dma_start3A_379 = arith.constant 0 : i32
      %dma_start3A_380 = tpu.memref_slice %arg8[%run_scoped3A_208, %dma_start3A_378, %dma_start3A_379] : memref<2x128x128xf32, #tpu.memory_space<vmem>> -> memref<1x128x128xf32, #tpu.memory_space<vmem>>
      %dma_start3A_381 = tpu.memref_squeeze %dma_start3A_380 : memref<1x128x128xf32, #tpu.memory_space<vmem>> -> memref<128x128xf32, #tpu.memory_space<vmem>>
      %dma_start3A_382 = arith.constant 0 : i32
      %dma_start3A_383 = tpu.memref_slice %arg9[%add3A_207, %dma_start3A_382] : memref<10240x128xf32, #tpu.memory_space<vmem_shared>> -> memref<128x128xf32, #tpu.memory_space<vmem_shared>>
      tpu.enqueue_dma source(%dma_start3A_383 : memref<128x128xf32, #tpu.memory_space<vmem_shared>>) target(%dma_start3A_381 : memref<128x128xf32, #tpu.memory_space<vmem>>) target_semaphore(%run_scoped3A_371 : memref<!tpu.dma_semaphore, #tpu.memory_space<semaphore_mem>>)
      %dma_wait3A_384 = arith.constant 0 : i32
      %dma_wait3A_385 = arith.constant 0 : i32
      %dma_wait3A_386 = tpu.memref_slice %arg8[%run_scoped3A_208, %dma_wait3A_384, %dma_wait3A_385] : memref<2x128x128xf32, #tpu.memory_space<vmem>> -> memref<1x128x128xf32, #tpu.memory_space<vmem>>
      %dma_wait3A_387 = tpu.memref_squeeze %dma_wait3A_386 : memref<1x128x128xf32, #tpu.memory_space<vmem>> -> memref<128x128xf32, #tpu.memory_space<vmem>>
      %dma_wait3A_388 = arith.constant 0 : i32
      %dma_wait3A_389 = tpu.memref_slice %arg9[%add3A_207, %dma_wait3A_388] : memref<10240x128xf32, #tpu.memory_space<vmem_shared>> -> memref<128x128xf32, #tpu.memory_space<vmem_shared>>
      %dma_wait3A_390 = arith.constant 0 : i32
      %dma_wait3A_391 = arith.constant 0 : i32
      %dma_wait3A_392 = tpu.memref_slice %arg8[%run_scoped3A_208, %dma_wait3A_390, %dma_wait3A_391] : memref<2x128x128xf32, #tpu.memory_space<vmem>> -> memref<1x128x128xf32, #tpu.memory_space<vmem>>
      %dma_wait3A_393 = tpu.memref_squeeze %dma_wait3A_392 : memref<1x128x128xf32, #tpu.memory_space<vmem>> -> memref<128x128xf32, #tpu.memory_space<vmem>>
      %dma_wait3A_394 = arith.constant 0 : i32
      %dma_wait3A_395 = tpu.memref_slice %arg9[%add3A_207, %dma_wait3A_394] : memref<10240x128xf32, #tpu.memory_space<vmem_shared>> -> memref<128x128xf32, #tpu.memory_space<vmem_shared>>
      tpu.wait_dma2 semaphore(%run_scoped3A_371 : memref<!tpu.dma_semaphore, #tpu.memory_space<semaphore_mem>>) src(%dma_wait3A_395 : memref<128x128xf32, #tpu.memory_space<vmem_shared>>) dst(%dma_wait3A_393 : memref<128x128xf32, #tpu.memory_space<vmem>>)
      tpu.yield
    }) : () -> ()
    %add3A_209 = arith.constant 128 : i32
    %add3A_210 = arith.addi %mul3A_186, %add3A_209 : i32
    %dma_start3A_211 = arith.constant 1 : i32
    %dma_start3A_212 = arith.constant 0 : i32
    %dma_start3A_213 = arith.constant 0 : i32
    %dma_start3A_214 = tpu.memref_slice %arg8[%dma_start3A_211, %dma_start3A_212, %dma_start3A_213] : memref<2x128x128xf32, #tpu.memory_space<vmem>> -> memref<1x128x128xf32, #tpu.memory_space<vmem>>
    %dma_start3A_215 = tpu.memref_squeeze %dma_start3A_214 : memref<1x128x128xf32, #tpu.memory_space<vmem>> -> memref<128x128xf32, #tpu.memory_space<vmem>>
    %dma_start3A_216 = arith.constant 0 : i32
    %dma_start3A_217 = tpu.memref_slice %arg5[%arg0, %add3A_210, %dma_start3A_216] : memref<2x10240x128xf32, #tpu.memory_space<hbm>> -> memref<1x128x128xf32, #tpu.memory_space<hbm>>
    %dma_start3A_218 = tpu.memref_squeeze %dma_start3A_217 : memref<1x128x128xf32, #tpu.memory_space<hbm>> -> memref<128x128xf32, #tpu.memory_space<hbm>>
    %dma_start3A_219 = arith.constant 0 : i32
    %dma_start3A_220 = tpu.memref_slice %arg5[%arg0, %add3A_210, %dma_start3A_219] : memref<2x10240x128xf32, #tpu.memory_space<hbm>> -> memref<1x128x128xf32, #tpu.memory_space<hbm>>
    %dma_start3A_221 = tpu.memref_squeeze %dma_start3A_220 : memref<1x128x128xf32, #tpu.memory_space<hbm>> -> memref<128x128xf32, #tpu.memory_space<hbm>>
    %dma_start3A_222 = arith.constant 0 : i32
    %dma_start3A_223 = arith.constant 0 : i32
    %dma_start3A_224 = tpu.memref_slice %arg8[%dma_start3A_211, %dma_start3A_222, %dma_start3A_223] : memref<2x128x128xf32, #tpu.memory_space<vmem>> -> memref<1x128x128xf32, #tpu.memory_space<vmem>>
    %dma_start3A_225 = tpu.memref_squeeze %dma_start3A_224 : memref<1x128x128xf32, #tpu.memory_space<vmem>> -> memref<128x128xf32, #tpu.memory_space<vmem>>
    tpu.enqueue_dma source(%dma_start3A_225 : memref<128x128xf32, #tpu.memory_space<vmem>>) target(%dma_start3A_221 : memref<128x128xf32, #tpu.memory_space<hbm>>) target_semaphore(%arg11 : memref<!tpu.dma_semaphore, #tpu.memory_space<semaphore_mem>>)
    %add3A_226 = arith.constant 0 : i32
    %add3A_227 = arith.addi %mul3A_186, %add3A_226 : i32
    %dma_wait3A_228 = arith.constant 0 : i32
    %dma_wait3A_229 = arith.constant 0 : i32
    %dma_wait3A_230 = arith.constant 0 : i32
    %dma_wait3A_231 = tpu.memref_slice %arg8[%dma_wait3A_228, %dma_wait3A_229, %dma_wait3A_230] : memref<2x128x128xf32, #tpu.memory_space<vmem>> -> memref<1x128x128xf32, #tpu.memory_space<vmem>>
    %dma_wait3A_232 = tpu.memref_squeeze %dma_wait3A_231 : memref<1x128x128xf32, #tpu.memory_space<vmem>> -> memref<128x128xf32, #tpu.memory_space<vmem>>
    %dma_wait3A_233 = arith.constant 0 : i32
    %dma_wait3A_234 = tpu.memref_slice %arg5[%arg0, %add3A_227, %dma_wait3A_233] : memref<2x10240x128xf32, #tpu.memory_space<hbm>> -> memref<1x128x128xf32, #tpu.memory_space<hbm>>
    %dma_wait3A_235 = tpu.memref_squeeze %dma_wait3A_234 : memref<1x128x128xf32, #tpu.memory_space<hbm>> -> memref<128x128xf32, #tpu.memory_space<hbm>>
    %dma_wait3A_236 = arith.constant 0 : i32
    %dma_wait3A_237 = tpu.memref_slice %arg5[%arg0, %add3A_227, %dma_wait3A_236] : memref<2x10240x128xf32, #tpu.memory_space<hbm>> -> memref<1x128x128xf32, #tpu.memory_space<hbm>>
    %dma_wait3A_238 = tpu.memref_squeeze %dma_wait3A_237 : memref<1x128x128xf32, #tpu.memory_space<hbm>> -> memref<128x128xf32, #tpu.memory_space<hbm>>
    %dma_wait3A_239 = arith.constant 0 : i32
    %dma_wait3A_240 = arith.constant 0 : i32
    %dma_wait3A_241 = tpu.memref_slice %arg8[%dma_wait3A_228, %dma_wait3A_239, %dma_wait3A_240] : memref<2x128x128xf32, #tpu.memory_space<vmem>> -> memref<1x128x128xf32, #tpu.memory_space<vmem>>
    %dma_wait3A_242 = tpu.memref_squeeze %dma_wait3A_241 : memref<1x128x128xf32, #tpu.memory_space<vmem>> -> memref<128x128xf32, #tpu.memory_space<vmem>>
    tpu.wait_dma2 semaphore(%arg10 : memref<!tpu.dma_semaphore, #tpu.memory_space<semaphore_mem>>) src(%dma_wait3A_242 : memref<128x128xf32, #tpu.memory_space<vmem>>) dst(%dma_wait3A_238 : memref<128x128xf32, #tpu.memory_space<hbm>>)
    %add3A_243 = arith.constant 256 : i32
    %add3A_244 = arith.addi %mul3A_186, %add3A_243 : i32
    %run_scoped3A_245 = arith.constant 0 : i32
    "tpu.region"() ({
      %run_scoped3A_371 = tpu.sem_alloc : memref<!tpu.dma_semaphore, #tpu.memory_space<semaphore_mem>>
      %dma_start3A_372 = arith.constant 0 : i32
      %dma_start3A_373 = arith.constant 0 : i32
      %dma_start3A_374 = tpu.memref_slice %arg8[%run_scoped3A_245, %dma_start3A_372, %dma_start3A_373] : memref<2x128x128xf32, #tpu.memory_space<vmem>> -> memref<1x128x128xf32, #tpu.memory_space<vmem>>
      %dma_start3A_375 = tpu.memref_squeeze %dma_start3A_374 : memref<1x128x128xf32, #tpu.memory_space<vmem>> -> memref<128x128xf32, #tpu.memory_space<vmem>>
      %dma_start3A_376 = arith.constant 0 : i32
      %dma_start3A_377 = tpu.memref_slice %arg9[%add3A_244, %dma_start3A_376] : memref<10240x128xf32, #tpu.memory_space<vmem_shared>> -> memref<128x128xf32, #tpu.memory_space<vmem_shared>>
      %dma_start3A_378 = arith.constant 0 : i32
      %dma_start3A_379 = arith.constant 0 : i32
      %dma_start3A_380 = tpu.memref_slice %arg8[%run_scoped3A_245, %dma_start3A_378, %dma_start3A_379] : memref<2x128x128xf32, #tpu.memory_space<vmem>> -> memref<1x128x128xf32, #tpu.memory_space<vmem>>
      %dma_start3A_381 = tpu.memref_squeeze %dma_start3A_380 : memref<1x128x128xf32, #tpu.memory_space<vmem>> -> memref<128x128xf32, #tpu.memory_space<vmem>>
      %dma_start3A_382 = arith.constant 0 : i32
      %dma_start3A_383 = tpu.memref_slice %arg9[%add3A_244, %dma_start3A_382] : memref<10240x128xf32, #tpu.memory_space<vmem_shared>> -> memref<128x128xf32, #tpu.memory_space<vmem_shared>>
      tpu.enqueue_dma source(%dma_start3A_383 : memref<128x128xf32, #tpu.memory_space<vmem_shared>>) target(%dma_start3A_381 : memref<128x128xf32, #tpu.memory_space<vmem>>) target_semaphore(%run_scoped3A_371 : memref<!tpu.dma_semaphore, #tpu.memory_space<semaphore_mem>>)
      %dma_wait3A_384 = arith.constant 0 : i32
      %dma_wait3A_385 = arith.constant 0 : i32
      %dma_wait3A_386 = tpu.memref_slice %arg8[%run_scoped3A_245, %dma_wait3A_384, %dma_wait3A_385] : memref<2x128x128xf32, #tpu.memory_space<vmem>> -> memref<1x128x128xf32, #tpu.memory_space<vmem>>
      %dma_wait3A_387 = tpu.memref_squeeze %dma_wait3A_386 : memref<1x128x128xf32, #tpu.memory_space<vmem>> -> memref<128x128xf32, #tpu.memory_space<vmem>>
      %dma_wait3A_388 = arith.constant 0 : i32
      %dma_wait3A_389 = tpu.memref_slice %arg9[%add3A_244, %dma_wait3A_388] : memref<10240x128xf32, #tpu.memory_space<vmem_shared>> -> memref<128x128xf32, #tpu.memory_space<vmem_shared>>
      %dma_wait3A_390 = arith.constant 0 : i32
      %dma_wait3A_391 = arith.constant 0 : i32
      %dma_wait3A_392 = tpu.memref_slice %arg8[%run_scoped3A_245, %dma_wait3A_390, %dma_wait3A_391] : memref<2x128x128xf32, #tpu.memory_space<vmem>> -> memref<1x128x128xf32, #tpu.memory_space<vmem>>
      %dma_wait3A_393 = tpu.memref_squeeze %dma_wait3A_392 : memref<1x128x128xf32, #tpu.memory_space<vmem>> -> memref<128x128xf32, #tpu.memory_space<vmem>>
      %dma_wait3A_394 = arith.constant 0 : i32
      %dma_wait3A_395 = tpu.memref_slice %arg9[%add3A_244, %dma_wait3A_394] : memref<10240x128xf32, #tpu.memory_space<vmem_shared>> -> memref<128x128xf32, #tpu.memory_space<vmem_shared>>
      tpu.wait_dma2 semaphore(%run_scoped3A_371 : memref<!tpu.dma_semaphore, #tpu.memory_space<semaphore_mem>>) src(%dma_wait3A_395 : memref<128x128xf32, #tpu.memory_space<vmem_shared>>) dst(%dma_wait3A_393 : memref<128x128xf32, #tpu.memory_space<vmem>>)
      tpu.yield
    }) : () -> ()
    %add3A_246 = arith.constant 256 : i32
    %add3A_247 = arith.addi %mul3A_186, %add3A_246 : i32
    %dma_start3A_248 = arith.constant 0 : i32
    %dma_start3A_249 = arith.constant 0 : i32
    %dma_start3A_250 = arith.constant 0 : i32
    %dma_start3A_251 = tpu.memref_slice %arg8[%dma_start3A_248, %dma_start3A_249, %dma_start3A_250] : memref<2x128x128xf32, #tpu.memory_space<vmem>> -> memref<1x128x128xf32, #tpu.memory_space<vmem>>
    %dma_start3A_252 = tpu.memref_squeeze %dma_start3A_251 : memref<1x128x128xf32, #tpu.memory_space<vmem>> -> memref<128x128xf32, #tpu.memory_space<vmem>>
    %dma_start3A_253 = arith.constant 0 : i32
    %dma_start3A_254 = tpu.memref_slice %arg5[%arg0, %add3A_247, %dma_start3A_253] : memref<2x10240x128xf32, #tpu.memory_space<hbm>> -> memref<1x128x128xf32, #tpu.memory_space<hbm>>
    %dma_start3A_255 = tpu.memref_squeeze %dma_start3A_254 : memref<1x128x128xf32, #tpu.memory_space<hbm>> -> memref<128x128xf32, #tpu.memory_space<hbm>>
    %dma_start3A_256 = arith.constant 0 : i32
    %dma_start3A_257 = tpu.memref_slice %arg5[%arg0, %add3A_247, %dma_start3A_256] : memref<2x10240x128xf32, #tpu.memory_space<hbm>> -> memref<1x128x128xf32, #tpu.memory_space<hbm>>
    %dma_start3A_258 = tpu.memref_squeeze %dma_start3A_257 : memref<1x128x128xf32, #tpu.memory_space<hbm>> -> memref<128x128xf32, #tpu.memory_space<hbm>>
    %dma_start3A_259 = arith.constant 0 : i32
    %dma_start3A_260 = arith.constant 0 : i32
    %dma_start3A_261 = tpu.memref_slice %arg8[%dma_start3A_248, %dma_start3A_259, %dma_start3A_260] : memref<2x128x128xf32, #tpu.memory_space<vmem>> -> memref<1x128x128xf32, #tpu.memory_space<vmem>>
    %dma_start3A_262 = tpu.memref_squeeze %dma_start3A_261 : memref<1x128x128xf32, #tpu.memory_space<vmem>> -> memref<128x128xf32, #tpu.memory_space<vmem>>
    tpu.enqueue_dma source(%dma_start3A_262 : memref<128x128xf32, #tpu.memory_space<vmem>>) target(%dma_start3A_258 : memref<128x128xf32, #tpu.memory_space<hbm>>) target_semaphore(%arg10 : memref<!tpu.dma_semaphore, #tpu.memory_space<semaphore_mem>>)
    %add3A_263 = arith.constant 128 : i32
    %add3A_264 = arith.addi %mul3A_186, %add3A_263 : i32
    %dma_wait3A_265 = arith.constant 1 : i32
    %dma_wait3A_266 = arith.constant 0 : i32
    %dma_wait3A_267 = arith.constant 0 : i32
    %dma_wait3A_268 = tpu.memref_slice %arg8[%dma_wait3A_265, %dma_wait3A_266, %dma_wait3A_267] : memref<2x128x128xf32, #tpu.memory_space<vmem>> -> memref<1x128x128xf32, #tpu.memory_space<vmem>>
    %dma_wait3A_269 = tpu.memref_squeeze %dma_wait3A_268 : memref<1x128x128xf32, #tpu.memory_space<vmem>> -> memref<128x128xf32, #tpu.memory_space<vmem>>
    %dma_wait3A_270 = arith.constant 0 : i32
    %dma_wait3A_271 = tpu.memref_slice %arg5[%arg0, %add3A_264, %dma_wait3A_270] : memref<2x10240x128xf32, #tpu.memory_space<hbm>> -> memref<1x128x128xf32, #tpu.memory_space<hbm>>
    %dma_wait3A_272 = tpu.memref_squeeze %dma_wait3A_271 : memref<1x128x128xf32, #tpu.memory_space<hbm>> -> memref<128x128xf32, #tpu.memory_space<hbm>>
    %dma_wait3A_273 = arith.constant 0 : i32
    %dma_wait3A_274 = tpu.memref_slice %arg5[%arg0, %add3A_264, %dma_wait3A_273] : memref<2x10240x128xf32, #tpu.memory_space<hbm>> -> memref<1x128x128xf32, #tpu.memory_space<hbm>>
    %dma_wait3A_275 = tpu.memref_squeeze %dma_wait3A_274 : memref<1x128x128xf32, #tpu.memory_space<hbm>> -> memref<128x128xf32, #tpu.memory_space<hbm>>
    %dma_wait3A_276 = arith.constant 0 : i32
    %dma_wait3A_277 = arith.constant 0 : i32
    %dma_wait3A_278 = tpu.memref_slice %arg8[%dma_wait3A_265, %dma_wait3A_276, %dma_wait3A_277] : memref<2x128x128xf32, #tpu.memory_space<vmem>> -> memref<1x128x128xf32, #tpu.memory_space<vmem>>
    %dma_wait3A_279 = tpu.memref_squeeze %dma_wait3A_278 : memref<1x128x128xf32, #tpu.memory_space<vmem>> -> memref<128x128xf32, #tpu.memory_space<vmem>>
    tpu.wait_dma2 semaphore(%arg11 : memref<!tpu.dma_semaphore, #tpu.memory_space<semaphore_mem>>) src(%dma_wait3A_279 : memref<128x128xf32, #tpu.memory_space<vmem>>) dst(%dma_wait3A_275 : memref<128x128xf32, #tpu.memory_space<hbm>>)
    %add3A_280 = arith.constant 384 : i32
    %add3A_281 = arith.addi %mul3A_186, %add3A_280 : i32
    %run_scoped3A_282 = arith.constant 1 : i32
    "tpu.region"() ({
      %run_scoped3A_371 = tpu.sem_alloc : memref<!tpu.dma_semaphore, #tpu.memory_space<semaphore_mem>>
      %dma_start3A_372 = arith.constant 0 : i32
      %dma_start3A_373 = arith.constant 0 : i32
      %dma_start3A_374 = tpu.memref_slice %arg8[%run_scoped3A_282, %dma_start3A_372, %dma_start3A_373] : memref<2x128x128xf32, #tpu.memory_space<vmem>> -> memref<1x128x128xf32, #tpu.memory_space<vmem>>
      %dma_start3A_375 = tpu.memref_squeeze %dma_start3A_374 : memref<1x128x128xf32, #tpu.memory_space<vmem>> -> memref<128x128xf32, #tpu.memory_space<vmem>>
      %dma_start3A_376 = arith.constant 0 : i32
      %dma_start3A_377 = tpu.memref_slice %arg9[%add3A_281, %dma_start3A_376] : memref<10240x128xf32, #tpu.memory_space<vmem_shared>> -> memref<128x128xf32, #tpu.memory_space<vmem_shared>>
      %dma_start3A_378 = arith.constant 0 : i32
      %dma_start3A_379 = arith.constant 0 : i32
      %dma_start3A_380 = tpu.memref_slice %arg8[%run_scoped3A_282, %dma_start3A_378, %dma_start3A_379] : memref<2x128x128xf32, #tpu.memory_space<vmem>> -> memref<1x128x128xf32, #tpu.memory_space<vmem>>
      %dma_start3A_381 = tpu.memref_squeeze %dma_start3A_380 : memref<1x128x128xf32, #tpu.memory_space<vmem>> -> memref<128x128xf32, #tpu.memory_space<vmem>>
      %dma_start3A_382 = arith.constant 0 : i32
      %dma_start3A_383 = tpu.memref_slice %arg9[%add3A_281, %dma_start3A_382] : memref<10240x128xf32, #tpu.memory_space<vmem_shared>> -> memref<128x128xf32, #tpu.memory_space<vmem_shared>>
      tpu.enqueue_dma source(%dma_start3A_383 : memref<128x128xf32, #tpu.memory_space<vmem_shared>>) target(%dma_start3A_381 : memref<128x128xf32, #tpu.memory_space<vmem>>) target_semaphore(%run_scoped3A_371 : memref<!tpu.dma_semaphore, #tpu.memory_space<semaphore_mem>>)
      %dma_wait3A_384 = arith.constant 0 : i32
      %dma_wait3A_385 = arith.constant 0 : i32
      %dma_wait3A_386 = tpu.memref_slice %arg8[%run_scoped3A_282, %dma_wait3A_384, %dma_wait3A_385] : memref<2x128x128xf32, #tpu.memory_space<vmem>> -> memref<1x128x128xf32, #tpu.memory_space<vmem>>
      %dma_wait3A_387 = tpu.memref_squeeze %dma_wait3A_386 : memref<1x128x128xf32, #tpu.memory_space<vmem>> -> memref<128x128xf32, #tpu.memory_space<vmem>>
      %dma_wait3A_388 = arith.constant 0 : i32
      %dma_wait3A_389 = tpu.memref_slice %arg9[%add3A_281, %dma_wait3A_388] : memref<10240x128xf32, #tpu.memory_space<vmem_shared>> -> memref<128x128xf32, #tpu.memory_space<vmem_shared>>
      %dma_wait3A_390 = arith.constant 0 : i32
      %dma_wait3A_391 = arith.constant 0 : i32
      %dma_wait3A_392 = tpu.memref_slice %arg8[%run_scoped3A_282, %dma_wait3A_390, %dma_wait3A_391] : memref<2x128x128xf32, #tpu.memory_space<vmem>> -> memref<1x128x128xf32, #tpu.memory_space<vmem>>
      %dma_wait3A_393 = tpu.memref_squeeze %dma_wait3A_392 : memref<1x128x128xf32, #tpu.memory_space<vmem>> -> memref<128x128xf32, #tpu.memory_space<vmem>>
      %dma_wait3A_394 = arith.constant 0 : i32
      %dma_wait3A_395 = tpu.memref_slice %arg9[%add3A_281, %dma_wait3A_394] : memref<10240x128xf32, #tpu.memory_space<vmem_shared>> -> memref<128x128xf32, #tpu.memory_space<vmem_shared>>
      tpu.wait_dma2 semaphore(%run_scoped3A_371 : memref<!tpu.dma_semaphore, #tpu.memory_space<semaphore_mem>>) src(%dma_wait3A_395 : memref<128x128xf32, #tpu.memory_space<vmem_shared>>) dst(%dma_wait3A_393 : memref<128x128xf32, #tpu.memory_space<vmem>>)
      tpu.yield
    }) : () -> ()
    %add3A_283 = arith.constant 384 : i32
    %add3A_284 = arith.addi %mul3A_186, %add3A_283 : i32
    %dma_start3A_285 = arith.constant 1 : i32
    %dma_start3A_286 = arith.constant 0 : i32
    %dma_start3A_287 = arith.constant 0 : i32
    %dma_start3A_288 = tpu.memref_slice %arg8[%dma_start3A_285, %dma_start3A_286, %dma_start3A_287] : memref<2x128x128xf32, #tpu.memory_space<vmem>> -> memref<1x128x128xf32, #tpu.memory_space<vmem>>
    %dma_start3A_289 = tpu.memref_squeeze %dma_start3A_288 : memref<1x128x128xf32, #tpu.memory_space<vmem>> -> memref<128x128xf32, #tpu.memory_space<vmem>>
    %dma_start3A_290 = arith.constant 0 : i32
    %dma_start3A_291 = tpu.memref_slice %arg5[%arg0, %add3A_284, %dma_start3A_290] : memref<2x10240x128xf32, #tpu.memory_space<hbm>> -> memref<1x128x128xf32, #tpu.memory_space<hbm>>
    %dma_start3A_292 = tpu.memref_squeeze %dma_start3A_291 : memref<1x128x128xf32, #tpu.memory_space<hbm>> -> memref<128x128xf32, #tpu.memory_space<hbm>>
    %dma_start3A_293 = arith.constant 0 : i32
    %dma_start3A_294 = tpu.memref_slice %arg5[%arg0, %add3A_284, %dma_start3A_293] : memref<2x10240x128xf32, #tpu.memory_space<hbm>> -> memref<1x128x128xf32, #tpu.memory_space<hbm>>
    %dma_start3A_295 = tpu.memref_squeeze %dma_start3A_294 : memref<1x128x128xf32, #tpu.memory_space<hbm>> -> memref<128x128xf32, #tpu.memory_space<hbm>>
    %dma_start3A_296 = arith.constant 0 : i32
    %dma_start3A_297 = arith.constant 0 : i32
    %dma_start3A_298 = tpu.memref_slice %arg8[%dma_start3A_285, %dma_start3A_296, %dma_start3A_297] : memref<2x128x128xf32, #tpu.memory_space<vmem>> -> memref<1x128x128xf32, #tpu.memory_space<vmem>>
    %dma_start3A_299 = tpu.memref_squeeze %dma_start3A_298 : memref<1x128x128xf32, #tpu.memory_space<vmem>> -> memref<128x128xf32, #tpu.memory_space<vmem>>
    tpu.enqueue_dma source(%dma_start3A_299 : memref<128x128xf32, #tpu.memory_space<vmem>>) target(%dma_start3A_295 : memref<128x128xf32, #tpu.memory_space<hbm>>) target_semaphore(%arg11 : memref<!tpu.dma_semaphore, #tpu.memory_space<semaphore_mem>>)
    %add3A_300 = arith.constant 256 : i32
    %add3A_301 = arith.addi %mul3A_186, %add3A_300 : i32
    %dma_wait3A_302 = arith.constant 0 : i32
    %dma_wait3A_303 = arith.constant 0 : i32
    %dma_wait3A_304 = arith.constant 0 : i32
    %dma_wait3A_305 = tpu.memref_slice %arg8[%dma_wait3A_302, %dma_wait3A_303, %dma_wait3A_304] : memref<2x128x128xf32, #tpu.memory_space<vmem>> -> memref<1x128x128xf32, #tpu.memory_space<vmem>>
    %dma_wait3A_306 = tpu.memref_squeeze %dma_wait3A_305 : memref<1x128x128xf32, #tpu.memory_space<vmem>> -> memref<128x128xf32, #tpu.memory_space<vmem>>
    %dma_wait3A_307 = arith.constant 0 : i32
    %dma_wait3A_308 = tpu.memref_slice %arg5[%arg0, %add3A_301, %dma_wait3A_307] : memref<2x10240x128xf32, #tpu.memory_space<hbm>> -> memref<1x128x128xf32, #tpu.memory_space<hbm>>
    %dma_wait3A_309 = tpu.memref_squeeze %dma_wait3A_308 : memref<1x128x128xf32, #tpu.memory_space<hbm>> -> memref<128x128xf32, #tpu.memory_space<hbm>>
    %dma_wait3A_310 = arith.constant 0 : i32
    %dma_wait3A_311 = tpu.memref_slice %arg5[%arg0, %add3A_301, %dma_wait3A_310] : memref<2x10240x128xf32, #tpu.memory_space<hbm>> -> memref<1x128x128xf32, #tpu.memory_space<hbm>>
    %dma_wait3A_312 = tpu.memref_squeeze %dma_wait3A_311 : memref<1x128x128xf32, #tpu.memory_space<hbm>> -> memref<128x128xf32, #tpu.memory_space<hbm>>
    %dma_wait3A_313 = arith.constant 0 : i32
    %dma_wait3A_314 = arith.constant 0 : i32
    %dma_wait3A_315 = tpu.memref_slice %arg8[%dma_wait3A_302, %dma_wait3A_313, %dma_wait3A_314] : memref<2x128x128xf32, #tpu.memory_space<vmem>> -> memref<1x128x128xf32, #tpu.memory_space<vmem>>
    %dma_wait3A_316 = tpu.memref_squeeze %dma_wait3A_315 : memref<1x128x128xf32, #tpu.memory_space<vmem>> -> memref<128x128xf32, #tpu.memory_space<vmem>>
    tpu.wait_dma2 semaphore(%arg10 : memref<!tpu.dma_semaphore, #tpu.memory_space<semaphore_mem>>) src(%dma_wait3A_316 : memref<128x128xf32, #tpu.memory_space<vmem>>) dst(%dma_wait3A_312 : memref<128x128xf32, #tpu.memory_space<hbm>>)
    %add3A_317 = arith.constant 512 : i32
    %add3A_318 = arith.addi %mul3A_186, %add3A_317 : i32
    %run_scoped3A_319 = arith.constant 0 : i32
    "tpu.region"() ({
      %run_scoped3A_371 = tpu.sem_alloc : memref<!tpu.dma_semaphore, #tpu.memory_space<semaphore_mem>>
      %dma_start3A_372 = arith.constant 0 : i32
      %dma_start3A_373 = arith.constant 0 : i32
      %dma_start3A_374 = tpu.memref_slice %arg8[%run_scoped3A_319, %dma_start3A_372, %dma_start3A_373] : memref<2x128x128xf32, #tpu.memory_space<vmem>> -> memref<1x128x128xf32, #tpu.memory_space<vmem>>
      %dma_start3A_375 = tpu.memref_squeeze %dma_start3A_374 : memref<1x128x128xf32, #tpu.memory_space<vmem>> -> memref<128x128xf32, #tpu.memory_space<vmem>>
      %dma_start3A_376 = arith.constant 0 : i32
      %dma_start3A_377 = tpu.memref_slice %arg9[%add3A_318, %dma_start3A_376] : memref<10240x128xf32, #tpu.memory_space<vmem_shared>> -> memref<128x128xf32, #tpu.memory_space<vmem_shared>>
      %dma_start3A_378 = arith.constant 0 : i32
      %dma_start3A_379 = arith.constant 0 : i32
      %dma_start3A_380 = tpu.memref_slice %arg8[%run_scoped3A_319, %dma_start3A_378, %dma_start3A_379] : memref<2x128x128xf32, #tpu.memory_space<vmem>> -> memref<1x128x128xf32, #tpu.memory_space<vmem>>
      %dma_start3A_381 = tpu.memref_squeeze %dma_start3A_380 : memref<1x128x128xf32, #tpu.memory_space<vmem>> -> memref<128x128xf32, #tpu.memory_space<vmem>>
      %dma_start3A_382 = arith.constant 0 : i32
      %dma_start3A_383 = tpu.memref_slice %arg9[%add3A_318, %dma_start3A_382] : memref<10240x128xf32, #tpu.memory_space<vmem_shared>> -> memref<128x128xf32, #tpu.memory_space<vmem_shared>>
      tpu.enqueue_dma source(%dma_start3A_383 : memref<128x128xf32, #tpu.memory_space<vmem_shared>>) target(%dma_start3A_381 : memref<128x128xf32, #tpu.memory_space<vmem>>) target_semaphore(%run_scoped3A_371 : memref<!tpu.dma_semaphore, #tpu.memory_space<semaphore_mem>>)
      %dma_wait3A_384 = arith.constant 0 : i32
      %dma_wait3A_385 = arith.constant 0 : i32
      %dma_wait3A_386 = tpu.memref_slice %arg8[%run_scoped3A_319, %dma_wait3A_384, %dma_wait3A_385] : memref<2x128x128xf32, #tpu.memory_space<vmem>> -> memref<1x128x128xf32, #tpu.memory_space<vmem>>
      %dma_wait3A_387 = tpu.memref_squeeze %dma_wait3A_386 : memref<1x128x128xf32, #tpu.memory_space<vmem>> -> memref<128x128xf32, #tpu.memory_space<vmem>>
      %dma_wait3A_388 = arith.constant 0 : i32
      %dma_wait3A_389 = tpu.memref_slice %arg9[%add3A_318, %dma_wait3A_388] : memref<10240x128xf32, #tpu.memory_space<vmem_shared>> -> memref<128x128xf32, #tpu.memory_space<vmem_shared>>
      %dma_wait3A_390 = arith.constant 0 : i32
      %dma_wait3A_391 = arith.constant 0 : i32
      %dma_wait3A_392 = tpu.memref_slice %arg8[%run_scoped3A_319, %dma_wait3A_390, %dma_wait3A_391] : memref<2x128x128xf32, #tpu.memory_space<vmem>> -> memref<1x128x128xf32, #tpu.memory_space<vmem>>
      %dma_wait3A_393 = tpu.memref_squeeze %dma_wait3A_392 : memref<1x128x128xf32, #tpu.memory_space<vmem>> -> memref<128x128xf32, #tpu.memory_space<vmem>>
      %dma_wait3A_394 = arith.constant 0 : i32
      %dma_wait3A_395 = tpu.memref_slice %arg9[%add3A_318, %dma_wait3A_394] : memref<10240x128xf32, #tpu.memory_space<vmem_shared>> -> memref<128x128xf32, #tpu.memory_space<vmem_shared>>
      tpu.wait_dma2 semaphore(%run_scoped3A_371 : memref<!tpu.dma_semaphore, #tpu.memory_space<semaphore_mem>>) src(%dma_wait3A_395 : memref<128x128xf32, #tpu.memory_space<vmem_shared>>) dst(%dma_wait3A_393 : memref<128x128xf32, #tpu.memory_space<vmem>>)
      tpu.yield
    }) : () -> ()
    %add3A_320 = arith.constant 512 : i32
    %add3A_321 = arith.addi %mul3A_186, %add3A_320 : i32
    %dma_start3A_322 = arith.constant 0 : i32
    %dma_start3A_323 = arith.constant 0 : i32
    %dma_start3A_324 = arith.constant 0 : i32
    %dma_start3A_325 = tpu.memref_slice %arg8[%dma_start3A_322, %dma_start3A_323, %dma_start3A_324] : memref<2x128x128xf32, #tpu.memory_space<vmem>> -> memref<1x128x128xf32, #tpu.memory_space<vmem>>
    %dma_start3A_326 = tpu.memref_squeeze %dma_start3A_325 : memref<1x128x128xf32, #tpu.memory_space<vmem>> -> memref<128x128xf32, #tpu.memory_space<vmem>>
    %dma_start3A_327 = arith.constant 0 : i32
    %dma_start3A_328 = tpu.memref_slice %arg5[%arg0, %add3A_321, %dma_start3A_327] : memref<2x10240x128xf32, #tpu.memory_space<hbm>> -> memref<1x128x128xf32, #tpu.memory_space<hbm>>
    %dma_start3A_329 = tpu.memref_squeeze %dma_start3A_328 : memref<1x128x128xf32, #tpu.memory_space<hbm>> -> memref<128x128xf32, #tpu.memory_space<hbm>>
    %dma_start3A_330 = arith.constant 0 : i32
    %dma_start3A_331 = tpu.memref_slice %arg5[%arg0, %add3A_321, %dma_start3A_330] : memref<2x10240x128xf32, #tpu.memory_space<hbm>> -> memref<1x128x128xf32, #tpu.memory_space<hbm>>
    %dma_start3A_332 = tpu.memref_squeeze %dma_start3A_331 : memref<1x128x128xf32, #tpu.memory_space<hbm>> -> memref<128x128xf32, #tpu.memory_space<hbm>>
    %dma_start3A_333 = arith.constant 0 : i32
    %dma_start3A_334 = arith.constant 0 : i32
    %dma_start3A_335 = tpu.memref_slice %arg8[%dma_start3A_322, %dma_start3A_333, %dma_start3A_334] : memref<2x128x128xf32, #tpu.memory_space<vmem>> -> memref<1x128x128xf32, #tpu.memory_space<vmem>>
    %dma_start3A_336 = tpu.memref_squeeze %dma_start3A_335 : memref<1x128x128xf32, #tpu.memory_space<vmem>> -> memref<128x128xf32, #tpu.memory_space<vmem>>
    tpu.enqueue_dma source(%dma_start3A_336 : memref<128x128xf32, #tpu.memory_space<vmem>>) target(%dma_start3A_332 : memref<128x128xf32, #tpu.memory_space<hbm>>) target_semaphore(%arg10 : memref<!tpu.dma_semaphore, #tpu.memory_space<semaphore_mem>>)
    %add3A_337 = arith.constant 384 : i32
    %add3A_338 = arith.addi %mul3A_186, %add3A_337 : i32
    %dma_wait3A_339 = arith.constant 1 : i32
    %dma_wait3A_340 = arith.constant 0 : i32
    %dma_wait3A_341 = arith.constant 0 : i32
    %dma_wait3A_342 = tpu.memref_slice %arg8[%dma_wait3A_339, %dma_wait3A_340, %dma_wait3A_341] : memref<2x128x128xf32, #tpu.memory_space<vmem>> -> memref<1x128x128xf32, #tpu.memory_space<vmem>>
    %dma_wait3A_343 = tpu.memref_squeeze %dma_wait3A_342 : memref<1x128x128xf32, #tpu.memory_space<vmem>> -> memref<128x128xf32, #tpu.memory_space<vmem>>
    %dma_wait3A_344 = arith.constant 0 : i32
    %dma_wait3A_345 = tpu.memref_slice %arg5[%arg0, %add3A_338, %dma_wait3A_344] : memref<2x10240x128xf32, #tpu.memory_space<hbm>> -> memref<1x128x128xf32, #tpu.memory_space<hbm>>
    %dma_wait3A_346 = tpu.memref_squeeze %dma_wait3A_345 : memref<1x128x128xf32, #tpu.memory_space<hbm>> -> memref<128x128xf32, #tpu.memory_space<hbm>>
    %dma_wait3A_347 = arith.constant 0 : i32
    %dma_wait3A_348 = tpu.memref_slice %arg5[%arg0, %add3A_338, %dma_wait3A_347] : memref<2x10240x128xf32, #tpu.memory_space<hbm>> -> memref<1x128x128xf32, #tpu.memory_space<hbm>>
    %dma_wait3A_349 = tpu.memref_squeeze %dma_wait3A_348 : memref<1x128x128xf32, #tpu.memory_space<hbm>> -> memref<128x128xf32, #tpu.memory_space<hbm>>
    %dma_wait3A_350 = arith.constant 0 : i32
    %dma_wait3A_351 = arith.constant 0 : i32
    %dma_wait3A_352 = tpu.memref_slice %arg8[%dma_wait3A_339, %dma_wait3A_350, %dma_wait3A_351] : memref<2x128x128xf32, #tpu.memory_space<vmem>> -> memref<1x128x128xf32, #tpu.memory_space<vmem>>
    %dma_wait3A_353 = tpu.memref_squeeze %dma_wait3A_352 : memref<1x128x128xf32, #tpu.memory_space<vmem>> -> memref<128x128xf32, #tpu.memory_space<vmem>>
    tpu.wait_dma2 semaphore(%arg11 : memref<!tpu.dma_semaphore, #tpu.memory_space<semaphore_mem>>) src(%dma_wait3A_353 : memref<128x128xf32, #tpu.memory_space<vmem>>) dst(%dma_wait3A_349 : memref<128x128xf32, #tpu.memory_space<hbm>>)
    %add3A_354 = arith.constant 512 : i32
    %add3A_355 = arith.addi %mul3A_186, %add3A_354 : i32
    %dma_wait3A_356 = arith.constant 0 : i32
    %dma_wait3A_357 = arith.constant 0 : i32
    %dma_wait3A_358 = arith.constant 0 : i32
    %dma_wait3A_359 = tpu.memref_slice %arg8[%dma_wait3A_356, %dma_wait3A_357, %dma_wait3A_358] : memref<2x128x128xf32, #tpu.memory_space<vmem>> -> memref<1x128x128xf32, #tpu.memory_space<vmem>>
    %dma_wait3A_360 = tpu.memref_squeeze %dma_wait3A_359 : memref<1x128x128xf32, #tpu.memory_space<vmem>> -> memref<128x128xf32, #tpu.memory_space<vmem>>
    %dma_wait3A_361 = arith.constant 0 : i32
    %dma_wait3A_362 = tpu.memref_slice %arg5[%arg0, %add3A_355, %dma_wait3A_361] : memref<2x10240x128xf32, #tpu.memory_space<hbm>> -> memref<1x128x128xf32, #tpu.memory_space<hbm>>
    %dma_wait3A_363 = tpu.memref_squeeze %dma_wait3A_362 : memref<1x128x128xf32, #tpu.memory_space<hbm>> -> memref<128x128xf32, #tpu.memory_space<hbm>>
    %dma_wait3A_364 = arith.constant 0 : i32
    %dma_wait3A_365 = tpu.memref_slice %arg5[%arg0, %add3A_355, %dma_wait3A_364] : memref<2x10240x128xf32, #tpu.memory_space<hbm>> -> memref<1x128x128xf32, #tpu.memory_space<hbm>>
    %dma_wait3A_366 = tpu.memref_squeeze %dma_wait3A_365 : memref<1x128x128xf32, #tpu.memory_space<hbm>> -> memref<128x128xf32, #tpu.memory_space<hbm>>
    %dma_wait3A_367 = arith.constant 0 : i32
    %dma_wait3A_368 = arith.constant 0 : i32
    %dma_wait3A_369 = tpu.memref_slice %arg8[%dma_wait3A_356, %dma_wait3A_367, %dma_wait3A_368] : memref<2x128x128xf32, #tpu.memory_space<vmem>> -> memref<1x128x128xf32, #tpu.memory_space<vmem>>
    %dma_wait3A_370 = tpu.memref_squeeze %dma_wait3A_369 : memref<1x128x128xf32, #tpu.memory_space<vmem>> -> memref<128x128xf32, #tpu.memory_space<vmem>>
    tpu.wait_dma2 semaphore(%arg10 : memref<!tpu.dma_semaphore, #tpu.memory_space<semaphore_mem>>) src(%dma_wait3A_370 : memref<128x128xf32, #tpu.memory_space<vmem>>) dst(%dma_wait3A_366 : memref<128x128xf32, #tpu.memory_space<hbm>>)
    return
  }
}

module attributes {stable_mosaic.version = 14 : i64} {
  func.func @_edge_linear_body(%arg0: i32, %arg1: memref<16x12800xf32, #tpu.memory_space<vmem>>, %arg2: memref<128x16xbf16, #tpu.memory_space<vmem>>, %arg3: memref<12800x128xf32, #tpu.memory_space<vmem>>) attributes {dimension_semantics = [#tpu.dimension_semantics<arbitrary>], iteration_bounds = array<i64: 25>, scalar_prefetch = 0 : i64, scratch_operands = 0 : i64, tpu.core_type = #tpu.core_type<tc>, window_params = [{transform_indices = @transform_0, window_bounds = array<i64: 16, 12800>}, {pipeline_mode = #tpu.pipeline_mode<synchronous>, transform_indices = @transform_1, window_bounds = array<i64: 128, 16>}, {transform_indices = @transform_2, window_bounds = array<i64: 12800, 128>}]} {
    %get3A = arith.constant 0 : index
    %get3A_0 = arith.constant 0 : index
    %get3A_1 = vector.load %arg1[%get3A, %get3A_0] : memref<16x12800xf32, #tpu.memory_space<vmem>>, vector<16x12800xf32>
    %convert_element_type3A = arith.truncf %get3A_1 : vector<16x12800xf32> to vector<16x12800xbf16>
    %get3A_2 = arith.constant 0 : index
    %get3A_3 = arith.constant 0 : index
    %get3A_4 = vector.load %arg2[%get3A_2, %get3A_3] : memref<128x16xbf16, #tpu.memory_space<vmem>>, vector<128x16xbf16>
    %dot_general3A = arith.constant dense<0.000000e+00> : vector<12800x128xf32>
    %dot_general3A_5 = tpu.matmul %convert_element_type3A, %get3A_4, %dot_general3A {dimension_numbers = #tpu.dot_dimension_numbers<[0], [1], [1], [0], [0, 1, 1, 0], [], []>, transpose_lhs_hint = false} : vector<16x12800xbf16>, vector<128x16xbf16>, vector<12800x128xf32> -> vector<12800x128xf32>
    %max3A = arith.constant 0.000000e+00 : f32
    %max3A_6 = vector.broadcast %max3A : f32 to vector<12800x128xf32>
    %max3A_7 = arith.maximumf %dot_general3A_5, %max3A_6 : vector<12800x128xf32>
    %swap3A = arith.constant 0 : index
    %swap3A_8 = arith.constant 0 : index
    %swap3A_9 = vector.load %arg3[%swap3A, %swap3A_8] : memref<12800x128xf32, #tpu.memory_space<vmem>>, vector<12800x128xf32>
    tpu.vector_store %arg3[%swap3A, %swap3A_8], %max3A_7 {strides = array<i32>} : memref<12800x128xf32, #tpu.memory_space<vmem>>, vector<12800x128xf32>,
    return
  }
  func.func @transform_0(%arg0: i32) -> (i32, i32) {
    %c0_i32 = arith.constant 0 : i32
    %c0_i32_0 = arith.constant 0 : i32
    return %c0_i32, %arg0 : i32, i32
  }
  func.func @transform_1(%arg0: i32) -> (i32, i32) {
    %c0_i32 = arith.constant 0 : i32
    %c0_i32_0 = arith.constant 0 : i32
    %c0_i32_1 = arith.constant 0 : i32
    return %c0_i32, %c0_i32_0 : i32, i32
  }
  func.func @transform_2(%arg0: i32) -> (i32, i32) {
    %c0_i32 = arith.constant 0 : i32
    %c0_i32_0 = arith.constant 0 : i32
    return %arg0, %c0_i32 : i32, i32
  }
}

module attributes {stable_mosaic.version = 14 : i64} {
  func.func @_static_body(%arg0: i32, %arg1: memref<2x2048x128xf32, #tpu.memory_space<vmem>>, %arg2: memref<128x128xf32, #tpu.memory_space<vmem>>, %arg3: memref<2048x128xf32, #tpu.memory_space<vmem>>, %arg4: memref<2048x128xf32, #tpu.memory_space<vmem>>) attributes {dimension_semantics = [#tpu.dimension_semantics<arbitrary>], iteration_bounds = array<i64: 5>, scalar_prefetch = 0 : i64, scratch_operands = 0 : i64, tpu.core_type = #tpu.core_type<tc>, window_params = [{transform_indices = @transform_0, window_bounds = array<i64: 2, 2048, 128>}, {pipeline_mode = #tpu.pipeline_mode<synchronous>, transform_indices = @transform_1, window_bounds = array<i64: 128, 128>}, {transform_indices = @transform_2, window_bounds = array<i64: 2048, 128>}, {transform_indices = @transform_3, window_bounds = array<i64: 2048, 128>}]} {
    %get3A = arith.constant 0 : index
    %get3A_0 = arith.constant 0 : index
    %get3A_1 = arith.constant 0 : index
    %get3A_2 = vector.load %arg1[%get3A, %get3A_0, %get3A_1] : memref<2x2048x128xf32, #tpu.memory_space<vmem>>, vector<1x2048x128xf32>
    %get3A_3 = vector.shape_cast %get3A_2 : vector<1x2048x128xf32> to vector<2048x128xf32>
    %get3A_4 = arith.constant 1 : index
    %get3A_5 = arith.constant 0 : index
    %get3A_6 = arith.constant 0 : index
    %get3A_7 = vector.load %arg1[%get3A_4, %get3A_5, %get3A_6] : memref<2x2048x128xf32, #tpu.memory_space<vmem>>, vector<1x2048x128xf32>
    %get3A_8 = vector.shape_cast %get3A_7 : vector<1x2048x128xf32> to vector<2048x128xf32>
    %add3A = arith.addf %get3A_3, %get3A_8 : vector<2048x128xf32>
    %get3A_9 = arith.constant 0 : index
    %get3A_10 = arith.constant 0 : index
    %get3A_11 = vector.load %arg2[%get3A_9, %get3A_10] : memref<128x128xf32, #tpu.memory_space<vmem>>, vector<128x128xf32>
    %dot_general3A = arith.constant dense<0.000000e+00> : vector<2048x128xf32>
    %dot_general3A_12 = tpu.matmul %add3A, %get3A_11, %dot_general3A {dimension_numbers = #tpu.dot_dimension_numbers<[1], [1], [0], [0], [0, 0, 1, 0], [], []>, transpose_lhs_hint = false} : vector<2048x128xf32>, vector<128x128xf32>, vector<2048x128xf32> -> vector<2048x128xf32>
    %swap3A = arith.constant 0 : index
    %swap3A_13 = arith.constant 0 : index
    %swap3A_14 = vector.load %arg3[%swap3A, %swap3A_13] : memref<2048x128xf32, #tpu.memory_space<vmem>>, vector<2048x128xf32>
    tpu.vector_store %arg3[%swap3A, %swap3A_13], %dot_general3A_12 {strides = array<i32>} : memref<2048x128xf32, #tpu.memory_space<vmem>>, vector<2048x128xf32>,
    %max3A = arith.constant 0.000000e+00 : f32
    %max3A_15 = vector.broadcast %max3A : f32 to vector<2048x128xf32>
    %max3A_16 = arith.maximumf %dot_general3A_12, %max3A_15 : vector<2048x128xf32>
    %swap3A_17 = arith.constant 0 : index
    %swap3A_18 = arith.constant 0 : index
    %swap3A_19 = vector.load %arg4[%swap3A_17, %swap3A_18] : memref<2048x128xf32, #tpu.memory_space<vmem>>, vector<2048x128xf32>
    tpu.vector_store %arg4[%swap3A_17, %swap3A_18], %max3A_16 {strides = array<i32>} : memref<2048x128xf32, #tpu.memory_space<vmem>>, vector<2048x128xf32>,
    return
  }
  func.func @transform_0(%arg0: i32) -> (i32, i32, i32) {
    %c0_i32 = arith.constant 0 : i32
    %c0_i32_0 = arith.constant 0 : i32
    %c0_i32_1 = arith.constant 0 : i32
    return %c0_i32, %arg0, %c0_i32_0 : i32, i32, i32
  }
  func.func @transform_1(%arg0: i32) -> (i32, i32) {
    %c0_i32 = arith.constant 0 : i32
    %c0_i32_0 = arith.constant 0 : i32
    %c0_i32_1 = arith.constant 0 : i32
    return %c0_i32, %c0_i32_0 : i32, i32
  }
  func.func @transform_2(%arg0: i32) -> (i32, i32) {
    %c0_i32 = arith.constant 0 : i32
    %c0_i32_0 = arith.constant 0 : i32
    return %arg0, %c0_i32 : i32, i32
  }
  func.func @transform_3(%arg0: i32) -> (i32, i32) {
    %c0_i32 = arith.constant 0 : i32
    %c0_i32_0 = arith.constant 0 : i32
    return %arg0, %c0_i32 : i32, i32
  }
}

module attributes {stable_mosaic.version = 14 : i64} {
  func.func @_merge_body(%arg0: i32, %arg1: memref<2048x128xf32, #tpu.memory_space<vmem>>, %arg2: memref<2048x128xf32, #tpu.memory_space<vmem>>, %arg3: memref<2x2048x128xf32, #tpu.memory_space<vmem>>, %arg4: memref<128x128xf32, #tpu.memory_space<vmem>>, %arg5: memref<128x128xf32, #tpu.memory_space<vmem>>, %arg6: memref<2048x128xf32, #tpu.memory_space<vmem>>) attributes {dimension_semantics = [#tpu.dimension_semantics<arbitrary>], iteration_bounds = array<i64: 5>, scalar_prefetch = 0 : i64, scratch_operands = 0 : i64, tpu.core_type = #tpu.core_type<tc>, window_params = [{transform_indices = @transform_0, window_bounds = array<i64: 2048, 128>}, {transform_indices = @transform_1, window_bounds = array<i64: 2048, 128>}, {transform_indices = @transform_2, window_bounds = array<i64: 2, 2048, 128>}, {pipeline_mode = #tpu.pipeline_mode<synchronous>, transform_indices = @transform_3, window_bounds = array<i64: 128, 128>}, {pipeline_mode = #tpu.pipeline_mode<synchronous>, transform_indices = @transform_4, window_bounds = array<i64: 128, 128>}, {transform_indices = @transform_5, window_bounds = array<i64: 2048, 128>}]} {
    %get3A = arith.constant 0 : index
    %get3A_0 = arith.constant 0 : index
    %get3A_1 = vector.load %arg1[%get3A, %get3A_0] : memref<2048x128xf32, #tpu.memory_space<vmem>>, vector<2048x128xf32>
    %get3A_2 = arith.constant 0 : index
    %get3A_3 = arith.constant 0 : index
    %get3A_4 = vector.load %arg2[%get3A_2, %get3A_3] : memref<2048x128xf32, #tpu.memory_space<vmem>>, vector<2048x128xf32>
    %get3A_5 = arith.constant 0 : index
    %get3A_6 = arith.constant 0 : index
    %get3A_7 = vector.load %arg4[%get3A_5, %get3A_6] : memref<128x128xf32, #tpu.memory_space<vmem>>, vector<128x128xf32>
    %dot_general3A = arith.constant dense<0.000000e+00> : vector<2048x128xf32>
    %dot_general3A_8 = tpu.matmul %get3A_4, %get3A_7, %dot_general3A {dimension_numbers = #tpu.dot_dimension_numbers<[1], [1], [0], [0], [0, 0, 1, 0], [], []>, transpose_lhs_hint = false} : vector<2048x128xf32>, vector<128x128xf32>, vector<2048x128xf32> -> vector<2048x128xf32>
    %add3A = arith.addf %get3A_1, %dot_general3A_8 : vector<2048x128xf32>
    %get3A_9 = arith.constant 0 : index
    %get3A_10 = arith.constant 0 : index
    %get3A_11 = arith.constant 0 : index
    %get3A_12 = vector.load %arg3[%get3A_9, %get3A_10, %get3A_11] : memref<2x2048x128xf32, #tpu.memory_space<vmem>>, vector<1x2048x128xf32>
    %get3A_13 = vector.shape_cast %get3A_12 : vector<1x2048x128xf32> to vector<2048x128xf32>
    %get3A_14 = arith.constant 1 : index
    %get3A_15 = arith.constant 0 : index
    %get3A_16 = arith.constant 0 : index
    %get3A_17 = vector.load %arg3[%get3A_14, %get3A_15, %get3A_16] : memref<2x2048x128xf32, #tpu.memory_space<vmem>>, vector<1x2048x128xf32>
    %get3A_18 = vector.shape_cast %get3A_17 : vector<1x2048x128xf32> to vector<2048x128xf32>
    %add3A_19 = arith.addf %get3A_13, %get3A_18 : vector<2048x128xf32>
    %get3A_20 = arith.constant 0 : index
    %get3A_21 = arith.constant 0 : index
    %get3A_22 = vector.load %arg5[%get3A_20, %get3A_21] : memref<128x128xf32, #tpu.memory_space<vmem>>, vector<128x128xf32>
    %dot_general3A_23 = arith.constant dense<0.000000e+00> : vector<2048x128xf32>
    %dot_general3A_24 = tpu.matmul %add3A_19, %get3A_22, %dot_general3A_23 {dimension_numbers = #tpu.dot_dimension_numbers<[1], [1], [0], [0], [0, 0, 1, 0], [], []>, transpose_lhs_hint = false} : vector<2048x128xf32>, vector<128x128xf32>, vector<2048x128xf32> -> vector<2048x128xf32>
    %add3A_25 = arith.addf %add3A, %dot_general3A_24 : vector<2048x128xf32>
    %max3A = arith.constant 0.000000e+00 : f32
    %max3A_26 = vector.broadcast %max3A : f32 to vector<2048x128xf32>
    %max3A_27 = arith.maximumf %add3A_25, %max3A_26 : vector<2048x128xf32>
    %swap3A = arith.constant 0 : index
    %swap3A_28 = arith.constant 0 : index
    %swap3A_29 = vector.load %arg6[%swap3A, %swap3A_28] : memref<2048x128xf32, #tpu.memory_space<vmem>>, vector<2048x128xf32>
    tpu.vector_store %arg6[%swap3A, %swap3A_28], %max3A_27 {strides = array<i32>} : memref<2048x128xf32, #tpu.memory_space<vmem>>, vector<2048x128xf32>,
    return
  }
  func.func @transform_0(%arg0: i32) -> (i32, i32) {
    %c0_i32 = arith.constant 0 : i32
    %c0_i32_0 = arith.constant 0 : i32
    return %arg0, %c0_i32 : i32, i32
  }
  func.func @transform_1(%arg0: i32) -> (i32, i32) {
    %c0_i32 = arith.constant 0 : i32
    %c0_i32_0 = arith.constant 0 : i32
    return %arg0, %c0_i32 : i32, i32
  }
  func.func @transform_2(%arg0: i32) -> (i32, i32, i32) {
    %c0_i32 = arith.constant 0 : i32
    %c0_i32_0 = arith.constant 0 : i32
    %c0_i32_1 = arith.constant 0 : i32
    return %c0_i32, %arg0, %c0_i32_0 : i32, i32, i32
  }
  func.func @transform_3(%arg0: i32) -> (i32, i32) {
    %c0_i32 = arith.constant 0 : i32
    %c0_i32_0 = arith.constant 0 : i32
    %c0_i32_1 = arith.constant 0 : i32
    return %c0_i32, %c0_i32_0 : i32, i32
  }
  func.func @transform_4(%arg0: i32) -> (i32, i32) {
    %c0_i32 = arith.constant 0 : i32
    %c0_i32_0 = arith.constant 0 : i32
    %c0_i32_1 = arith.constant 0 : i32
    return %c0_i32, %c0_i32_0 : i32, i32
  }
  func.func @transform_5(%arg0: i32) -> (i32, i32) {
    %c0_i32 = arith.constant 0 : i32
    %c0_i32_0 = arith.constant 0 : i32
    return %arg0, %c0_i32 : i32, i32
  }
}

module attributes {stable_mosaic.version = 14 : i64} {
  func.func @_merge_body(%arg0: i32, %arg1: memref<2000x128xf32, #tpu.memory_space<vmem>>, %arg2: memref<2000x128xf32, #tpu.memory_space<vmem>>, %arg3: memref<2x2000x128xf32, #tpu.memory_space<vmem>>, %arg4: memref<128x128xf32, #tpu.memory_space<vmem>>, %arg5: memref<128x128xf32, #tpu.memory_space<vmem>>, %arg6: memref<2000x128xf32, #tpu.memory_space<vmem>>) attributes {dimension_semantics = [#tpu.dimension_semantics<arbitrary>], iteration_bounds = array<i64: 5>, scalar_prefetch = 0 : i64, scratch_operands = 0 : i64, tpu.core_type = #tpu.core_type<tc>, window_params = [{transform_indices = @transform_0, window_bounds = array<i64: 2000, 128>}, {transform_indices = @transform_1, window_bounds = array<i64: 2000, 128>}, {transform_indices = @transform_2, window_bounds = array<i64: 2, 2000, 128>}, {pipeline_mode = #tpu.pipeline_mode<synchronous>, transform_indices = @transform_3, window_bounds = array<i64: 128, 128>}, {pipeline_mode = #tpu.pipeline_mode<synchronous>, transform_indices = @transform_4, window_bounds = array<i64: 128, 128>}, {transform_indices = @transform_5, window_bounds = array<i64: 2000, 128>}]} {
    %get3A = arith.constant 0 : index
    %get3A_0 = arith.constant 0 : index
    %get3A_1 = vector.load %arg1[%get3A, %get3A_0] : memref<2000x128xf32, #tpu.memory_space<vmem>>, vector<2000x128xf32>
    %get3A_2 = arith.constant 0 : index
    %get3A_3 = arith.constant 0 : index
    %get3A_4 = vector.load %arg2[%get3A_2, %get3A_3] : memref<2000x128xf32, #tpu.memory_space<vmem>>, vector<2000x128xf32>
    %get3A_5 = arith.constant 0 : index
    %get3A_6 = arith.constant 0 : index
    %get3A_7 = vector.load %arg4[%get3A_5, %get3A_6] : memref<128x128xf32, #tpu.memory_space<vmem>>, vector<128x128xf32>
    %dot_general3A = arith.constant dense<0.000000e+00> : vector<2000x128xf32>
    %dot_general3A_8 = tpu.matmul %get3A_4, %get3A_7, %dot_general3A {dimension_numbers = #tpu.dot_dimension_numbers<[1], [1], [0], [0], [0, 0, 1, 0], [], []>, transpose_lhs_hint = false} : vector<2000x128xf32>, vector<128x128xf32>, vector<2000x128xf32> -> vector<2000x128xf32>
    %add3A = arith.addf %get3A_1, %dot_general3A_8 : vector<2000x128xf32>
    %get3A_9 = arith.constant 0 : index
    %get3A_10 = arith.constant 0 : index
    %get3A_11 = arith.constant 0 : index
    %get3A_12 = vector.load %arg3[%get3A_9, %get3A_10, %get3A_11] : memref<2x2000x128xf32, #tpu.memory_space<vmem>>, vector<1x2000x128xf32>
    %get3A_13 = vector.shape_cast %get3A_12 : vector<1x2000x128xf32> to vector<2000x128xf32>
    %get3A_14 = arith.constant 1 : index
    %get3A_15 = arith.constant 0 : index
    %get3A_16 = arith.constant 0 : index
    %get3A_17 = vector.load %arg3[%get3A_14, %get3A_15, %get3A_16] : memref<2x2000x128xf32, #tpu.memory_space<vmem>>, vector<1x2000x128xf32>
    %get3A_18 = vector.shape_cast %get3A_17 : vector<1x2000x128xf32> to vector<2000x128xf32>
    %add3A_19 = arith.addf %get3A_13, %get3A_18 : vector<2000x128xf32>
    %get3A_20 = arith.constant 0 : index
    %get3A_21 = arith.constant 0 : index
    %get3A_22 = vector.load %arg5[%get3A_20, %get3A_21] : memref<128x128xf32, #tpu.memory_space<vmem>>, vector<128x128xf32>
    %dot_general3A_23 = arith.constant dense<0.000000e+00> : vector<2000x128xf32>
    %dot_general3A_24 = tpu.matmul %add3A_19, %get3A_22, %dot_general3A_23 {dimension_numbers = #tpu.dot_dimension_numbers<[1], [1], [0], [0], [0, 0, 1, 0], [], []>, transpose_lhs_hint = false} : vector<2000x128xf32>, vector<128x128xf32>, vector<2000x128xf32> -> vector<2000x128xf32>
    %add3A_25 = arith.addf %add3A, %dot_general3A_24 : vector<2000x128xf32>
    %max3A = arith.constant 0.000000e+00 : f32
    %max3A_26 = vector.broadcast %max3A : f32 to vector<2000x128xf32>
    %max3A_27 = arith.maximumf %add3A_25, %max3A_26 : vector<2000x128xf32>
    %swap3A = arith.constant 0 : index
    %swap3A_28 = arith.constant 0 : index
    %swap3A_29 = vector.load %arg6[%swap3A, %swap3A_28] : memref<2000x128xf32, #tpu.memory_space<vmem>>, vector<2000x128xf32>
    tpu.vector_store %arg6[%swap3A, %swap3A_28], %max3A_27 {strides = array<i32>} : memref<2000x128xf32, #tpu.memory_space<vmem>>, vector<2000x128xf32>,
    return
  }
  func.func @transform_0(%arg0: i32) -> (i32, i32) {
    %c0_i32 = arith.constant 0 : i32
    %c0_i32_0 = arith.constant 0 : i32
    return %arg0, %c0_i32 : i32, i32
  }
  func.func @transform_1(%arg0: i32) -> (i32, i32) {
    %c0_i32 = arith.constant 0 : i32
    %c0_i32_0 = arith.constant 0 : i32
    return %arg0, %c0_i32 : i32, i32
  }
  func.func @transform_2(%arg0: i32) -> (i32, i32, i32) {
    %c0_i32 = arith.constant 0 : i32
    %c0_i32_0 = arith.constant 0 : i32
    %c0_i32_1 = arith.constant 0 : i32
    return %c0_i32, %arg0, %c0_i32_0 : i32, i32, i32
  }
  func.func @transform_3(%arg0: i32) -> (i32, i32) {
    %c0_i32 = arith.constant 0 : i32
    %c0_i32_0 = arith.constant 0 : i32
    %c0_i32_1 = arith.constant 0 : i32
    return %c0_i32, %c0_i32_0 : i32, i32
  }
  func.func @transform_4(%arg0: i32) -> (i32, i32) {
    %c0_i32 = arith.constant 0 : i32
    %c0_i32_0 = arith.constant 0 : i32
    %c0_i32_1 = arith.constant 0 : i32
    return %c0_i32, %c0_i32_0 : i32, i32
  }
  func.func @transform_5(%arg0: i32) -> (i32, i32) {
    %c0_i32 = arith.constant 0 : i32
    %c0_i32_0 = arith.constant 0 : i32
    return %arg0, %c0_i32 : i32, i32
  }
}

</mosaic_0001>

<sc_bundles>
// kernel: kernel.12.cloned.1.call-start
scs
__scs_entry_jumppad:
0x0: {  	(pc) =	sbr.rel $0x88, $3  }
0x1: {  	(tag) =	ssettag $0x0;
	lr =	simm.s32 $0x1  }
0x2: {  	[smem:$0x3F9B] =	sst lr;
	_ =	strace $0xD0000000  }
0x3: {  	_ = 	snop  }
0x4: {  	_ = 	snop  }
0x5: {  	_ = 	snop  }
0x6: {  	_ = 	snop  }
0x7: {  	_ = 	snop  }
__scs_overlays_trampoline_lowered:
0x8: {  	[smem:$0x3FAA] =	sst s0  }
0x9: {  	[smem:$0x3FAB] =	sst s1  }
0xa: {  	[smem:$0x3FAC] =	sst s2  }
0xb: {  	[smem:$0x3FAD] =	sst s3  }
0xc: {  	[smem:$0x3FAE] =	sst s4  }
0xd: {  	[smem:$0x3FAF] =	sst s5  }
0xe: {  	[smem:$0x3FB0] =	sst s6  }
0xf: {  	[smem:$0x3FB1] =	sst s7  }
0x10: {  	[smem:$0x3FB2] =	sst s8  }
0x11: {  	[smem:$0x3FB3] =	sst s9;
	s0 =	simm.s32 @!p0 $0x0  }
0x12: {  	s1 =	sld [smem:$0x3F99];
	s0 =	simm.s32 @p0 $0x1  }
0x13: {  	[smem:$0x3FB4] =	sst s0;
	s0 =	simm.s32 @!p1 $0x0  }
0x14: {  	s2 =	sld [smem:$0x3F98];
	s0 =	simm.s32 @p1 $0x1  }
0x15: {  	[smem:$0x3FB5] =	sst s0;
	s0 =	simm.s32 @!p2 $0x0  }
0x16: {  	s3 =	sld [smem:$0x3FDB];
	s0 =	simm.s32 @p2 $0x1  }
0x17: {  	s4 =	simm.s32 $0x1BF5;
	[smem:$0x3FB7] =	sst s0  }
0x18: {  	s0 =	sld [smem:$0x3F9A];
	_ =	swait.ge [sflag:s4], $0x0  }
0x19: {  	s7 =	sld [smem:$0x3F9B]  }
0x1a: {  	s8 =	sadd.s32 $0xFFFFE003, lr  }
0x1b: {  	s9 =	sadd.s32 $0xFFFFFEF7, lr;
	s5 =	simm.s32 $0xFFFFFFFF;
	p2 =	slt.u32 s8, $0xFFFFF086  }
0x1c: {  	p1 =	slt.u32 s9, $0xF7A;
	s5 =	simm.s32 @!p2 $0x0  }
0x1d: {  	s5 =	simm.s32 @p1 $0x1;
	p0 =	seq.s32 s7, s2  }
0x1e: {  	s7 =	smul.u32 @!p0 $0xF7A, s2;
	p2 =	seq.s32 @!p0 s5, $0x0  }
0x1f: {  	s9 =	smul.u32 $0xF7A, s1;
	s8 =	simm.s32 @!p0 $0x1BF5;
	p2 =	por !p2, p0  }
0x20: {  	[sflag:s8] =	ssyncset.s32 @!p0 $0xFFFFF086;
	s6 =	sadd.s32 @!p0 s3, s7;
	s7 =	simm.s32 @!p0 $0x108  }
0x21: {  	s3 =	sadd.s32 s3, s9;
	s6 =	sadd.s32 @!p0 $0x88, s6;
	s7 =	simm.s32 @p2 $0x1082  }
0x22: {  	[simem:s7], [sflag:s8] =	dma.local @!p0 [hbm:s6], $0xF7A  }
0x23: {  	s9 =	sor.u32 $0xD0000000, s2;
	s6 =	simm.s32 $0x108;
	_ =	swait.ge @!p0 [sflag:s8], $0x0  }
0x24: {  	s3 =	sadd.s32 $0x88, s3;
	s6 =	simm.s32 @!p1 $0x1082;
	[sflag:s4] =	ssyncset.s32 $0xFFFFF086  }
0x25: {  	[simem:s6], [sflag:s4] =	dma.local [hbm:s3], $0xF7A  }
0x26: {  	[smem:$0x3F9B] =	sst s1;
	(tag) =	ssettag s2;
	_ =	strace s9  }
0x27: {  	s1 =	sld [smem:$0x3FAB]  }
0x28: {  	s2 =	sld [smem:$0x3FAC]  }
0x29: {  	s4 =	sld [smem:$0x3FAE]  }
0x2a: {  	p0 =	seq.s32 s5, $0x0;
	s5 =	sld [smem:$0x3FAF]  }
0x2b: {  	s6 =	sld [smem:$0x3FB0]  }
0x2c: {  	s7 =	sld [smem:$0x3FB1]  }
0x2d: {  	s3 =	simm.s32 $0x108;
	s8 =	sld [smem:$0x3FB2]  }
0x2e: {  	s3 =	simm.s32 @!p0 $0x1082;
	s9 =	sld [smem:$0x3FB3]  }
0x2f: {  	lr =	sadd.s32 s0, s3;
	s0 =	sld [smem:$0x3FAA]  }
0x30: {  	s3 =	sld [smem:$0x3FAD]  }
0x31: {  	[smem:$0x3FB6] =	sst s10  }
0x32: {  	s10 =	sld [smem:$0x3FB4];
	_ =	sdelay $0x3  }
0x33: {  	p0 =	seq.s32 s10, $0x1;
	s10 =	sld [smem:$0x3FB6];
	_ =	sdelay $0x3  }
0x34: {  	[smem:$0x3FB6] =	sst s10  }
0x35: {  	s10 =	sld [smem:$0x3FB5];
	_ =	sdelay $0x3  }
0x36: {  	p1 =	seq.s32 s10, $0x1;
	s10 =	sld [smem:$0x3FB6];
	_ =	sdelay $0x3  }
0x37: {  	[smem:$0x3FB6] =	sst s10  }
0x38: {  	s10 =	sld [smem:$0x3FB7]  }
0x39: {  	_ = 	snop;
	(pc) =	sbr.ind lr, $3  }
0x3a: {  	_ = 	snop  }
0x3b: {  	_ = 	snop  }
0x3c: {  	p2 =	seq.s32 s10, $0x1;
	s10 =	sld [smem:$0x3FB6]  }
0x3d: {  	_ =	shalt  }
0x3e: {  	_ =	shalt  }
0x3f: {  	_ =	shalt  }
0x40: {  	_ =	shalt  }
0x41: {  	_ =	shalt  }
0x42: {  	_ =	shalt  }
0x43: {  	_ =	shalt  }
0x44: {  	_ =	shalt  }
0x45: {  	_ =	shalt  }
0x46: {  	_ =	shalt  }
0x47: {  	_ =	shalt  }
0x48: {  	_ =	shalt  }
0x49: {  	_ =	shalt  }
0x4a: {  	_ =	shalt  }
0x4b: {  	_ =	shalt  }
0x4c: {  	_ =	shalt  }
0x4d: {  	_ =	shalt  }
0x4e: {  	_ =	shalt  }
0x4f: {  	_ =	shalt  }
0x50: {  	_ =	shalt  }
0x51: {  	_ =	shalt  }
0x52: {  	_ =	shalt  }
0x53: {  	_ =	shalt  }
0x54: {  	_ =	shalt  }
0x55: {  	_ =	shalt  }
0x56: {  	_ =	shalt  }
0x57: {  	_ =	shalt  }
0x58: {  	_ =	shalt  }
0x59: {  	_ =	shalt  }
0x5a: {  	_ =	shalt  }
0x5b: {  	_ =	shalt  }
0x5c: {  	_ =	shalt  }
0x5d: {  	_ =	shalt  }
0x5e: {  	_ =	shalt  }
0x5f: {  	_ =	shalt  }
0x60: {  	_ =	shalt  }
0x61: {  	_ =	shalt  }
0x62: {  	_ =	shalt  }
0x63: {  	_ =	shalt  }
0x64: {  	_ =	shalt  }
0x65: {  	_ =	shalt  }
0x66: {  	_ =	shalt  }
0x67: {  	_ =	shalt  }
0x68: {  	_ =	shalt  }
0x69: {  	_ =	shalt  }
0x6a: {  	_ =	shalt  }
0x6b: {  	_ =	shalt  }
0x6c: {  	_ =	shalt  }
0x6d: {  	_ =	shalt  }
0x6e: {  	_ =	shalt  }
0x6f: {  	_ =	shalt  }
0x70: {  	_ =	shalt  }
0x71: {  	_ =	shalt  }
0x72: {  	_ =	shalt  }
0x73: {  	_ =	shalt  }
0x74: {  	_ =	shalt  }
0x75: {  	_ =	shalt  }
0x76: {  	_ =	shalt  }
0x77: {  	_ =	shalt  }
0x78: {  	_ =	shalt  }
0x79: {  	_ =	shalt  }
0x7a: {  	_ =	shalt  }
0x7b: {  	_ =	shalt  }
0x7c: {  	_ =	shalt  }
0x7d: {  	_ =	shalt  }
0x7e: {  	_ =	shalt  }
0x7f: {  	_ =	shalt  }
0x80: {  	_ =	shalt  }
0x81: {  	_ =	shalt  }
0x82: {  	_ =	shalt  }
0x83: {  	_ =	shalt  }
0x84: {  	_ =	shalt  }
0x85: {  	_ =	shalt  }
0x86: {  	_ =	shalt  }
0x87: {  	_ =	shalt  }
.Lfunc_end0:
.L_simem_size_0:
called_computation.1_lowered:
.L_overlay_start_0:
0x88: {  	s2 =	sld [smem:$0x3FD9]  }
0x89: {  	s3 =	sld [smem:$0x3FFE];
	_ =	sdelay $0x1  }
0x8a: {  	s1 =	srdreg.scid  }
0x8b: {  	s0 =	sand.u32 $0x1, s1  }
0x8c: {  	s17 =	sshll.u32 s0, $0xA;
	s2 =	sadd.s32 s3, s2  }
0x8d: {  	s2 =	sadd.s32 s2, s17  }
0x8e: {  	[smem:$0x3FC2] =	sst s2  }
0x8f: {  	_ = 	snop  }
0x90: {  	s2 =	sld [smem:$0x3FD0];
	(tm) =	ssettm $0x1  }
0x91: {  	s18 =	sld [smem:$0x3FFB];
	_ =	sdelay $0x3  }
0x92: {  	_ =	strace s18  }
0x93: {  	s3 =	sld [smem:$0x3FFC];
	_ =	sdelay $0x3  }
0x94: {  	_ =	strace s3  }
0x95: {  	s3 =	sld [smem:$0x3FFD];
	_ =	sdelay $0x3  }
0x96: {  	_ =	strace s3  }
0x97: {  	_ =	strace $0x8FFFFFFF  }
0x98: {  	s19 =	sld [smem:$0x3FDB];
	_ =	sdelay $0x1  }
0x99: {  	s4 =	simm.s32 $_scs_section_size  }
0x9a: {  	s5 =	simm.s32 $_size__tile_overlayer_lowered;
	s6 =	simm.s32 $_tile_overlayer_lowered  }
0x9b: {  	s22 =	simm.s32 $0x1BFF;
	s21 =	sshll.u32 s6, $0x1;
	s3 =	sadd.s32 s4, s19  }
0x9c: {  	s7 =	simm.s32 $0x0;
	s20 =	sshll.u32 s5, $0x1;
	s5 =	sadd.s32 s21, s3  }
0x9d: {  	[timem:s7], [sflag:s22] =	dma.local [hbm:s5], s20  }
0x9e: {  	_ =	swait.ge [sflag:s22], s20  }
0x9f: {  	s4 =	ssub.s32 $0x0, s20;
	[sflag:s22] =	ssyncset.done $0x0  }
0xa0: {  	[sflag:s22] =	ssyncadd.s32 s4;
	_ =	sdelay $0x1  }
0xa1: {  	s23 =	simm.s32 $0x1B8B  }
0xa2: {  	_ =	swait.ge [sflag:s23], $0x1  }
0xa3: {  	[sflag:s23] =	ssyncset.done $0x0  }
0xa4: {  	s25 =	simm.s32 $0x1B8E;
	s24 =	sld [smem:$0x3FFE];
	[sflag:s23] =	ssyncadd.s32 $0xFFFFFFFF  }
0xa5: {  	s26 =	simm.s32 $execute0_lowered;
	[smem:$0x3FD2] =	sst s25  }
0xa6: {  	s5 =	sshll.u32 s26, $0x1;
	_ =	strace $0x80000049;
	[dreg:$0x1] =	wrdreg $0xFFFFFFFF  }
0xa7: {  	s28 =	simm.s32 $_size_execute0_lowered;
	s3 =	sadd.s32 s3, s5;
	[dreg:$0x0] =	wrdreg $0x0  }
0xa8: {  	s5 =	sshll.u32 s28, $0x1;
	[dreg:$0x2] =	wrdreg s3  }
0xa9: {  	[dreg:$0x3] =	wrdreg s5  }
0xaa: {  	[dreg:$0x4] =	wrdreg $0xC0  }
0xab: {  	_ =	task [dreg:s7], $0x5FFFF  }
0xac: {  	[dreg:$0x1] =	wrdreg $0xFFFFFFFF  }
0xad: {  	[dreg:$0x0] =	wrdreg $0x60  }
0xae: {  	[dreg:$0x2] =	wrdreg s24  }
0xaf: {  	[dreg:$0x3] =	wrdreg s2  }
0xb0: {  	[dreg:$0x4] =	wrdreg $0xBC000  }
0xb1: {  	[dreg:$0x5] =	wrdreg $0x9  }
0xb2: {  	_ =	task.clear_ibuf [dreg:s7], $0x6FFFF;
	_ =	strace $0x90000049  }
0xb3: {  	s29 =	simm.s32 $0x9;
	_ =	strace $0x8000004B  }
0xb4: {  	_ =	swait.ge [sflag:s29], $0x1  }
0xb5: {  	[sflag:s29] =	ssyncadd.s32 $0xFFFFFFFF  }
0xb6: {  	_ =	strace $0x9000004B  }
0xb7: {  	_ =	sfence  }
0xb8: {  	s30 =	sld [smem:$0x0];
	_ =	sdelay $0x2  }
0xb9: {  	s31 =	sshll.u32 s1, $0xD;
	s1 =	sshrl.u32 s1, $0x2  }
0xba: {  	s3 =	sand.u32 $0x4000, s31;
	s1 =	sadd.s32 s1, s30  }
0xbb: {  	s0 =	sor.u32 s3, s0;
	s1 =	sshll.u32 s1, $0x11  }
0xbc: {  	s0 =	sor.u32 s1, s0  }
0xbd: {  	s0 =	sadd.s32 $0x8F2B, s0  }
0xbe: {  	[sflag:s0] =	ssyncadd.remote.s32 $0x1  }
0xbf: {  	_ =	sfence.sel $0xFFFF  }
0xc0: {  	[dreg:$0x0] =	wrdreg $0xFFFFFFFF;
	(pc) =	sbr.abs _section_cstart, $3  }
0xc1: {  	[dreg:$0x1] =	wrdreg $0xFFFFFFFF  }
0xc2: {  	_ =	task.clear_ibuf [dreg:s7], $0x2FFFF;
	_ =	strace $0x9FFFFFFF  }
0xc3: {  	(tm) =	ssettm $0x7FFFFFFF  }
tec
execute0_lowered:
.L_overlay_start_1:
0x0: {  	(tag) =	ssettag $0x1  }
0x1: {  	s0 =	rddreg [dreg:$0x0]  }
0x2: {  	s2 =	rddreg [dreg:$0x1]  }
0x3: {  	s1 =	rddreg [dreg:$0x2]  }
0x4: {  	s3 =	srdreg.scid;
	s10 =	stileid.u32;
	s28 =	simm.s32 $0x4  }
0x5: {  	s31 =	simm.s32 $0x0;
	s9 =	sand.u32 $0x1, s3;
	s7 =	smul.u32 $0x50000, s10  }
0x6: {  	s3 =	simm.s32 $0x0;
	s12 =	smul.u32 $0x14000, s10;
	s4 =	sshll.u32 s9, $0x4  }
0x7: {  	[smem:$0x7FF] =	sst s3;
	s6 =	ssub.s32 $0x2, s9;
	s16 =	smul.u32 $0x140000, s9  }
0x8: {  	s4 =	sor.u32 s10, s4;
	_ =	strace $0x8000004A;
	s21 =	sshrl.u32 s6, $0x1  }
0x9: {  	s7 =	sshrl.u32 s7, $0x2;
	s13 =	sadd.s32 $0x4000, s12;
	s25 =	sadd.s32 $0x8000, s12  }
0xa: {  	s15 =	sadd.s32 $0xC000, s12;
	s17 =	sadd.s32 $0x10000, s12;
	s5 =	smul.u32 $0x2800, s4  }
0xb: {  	s4 =	sadd.s32 $0x2200, s0;
	s18 =	ssub.s32 s6, s21;
	s7 =	sadd.s32 s7, s1  }
0xc: {  	s9 =	sadd.s32 s25, s1;
	s10 =	sadd.s32 s15, s1;
	s11 =	sadd.s32 s17, s1  }
0xd: {  	s14 =	sadd.s32 s12, s16;
	s29 =	sadd.s32 s16, s15;
	s21 =	simm.s32 $0x80  }
0xe: {  	s14 =	sshrl.u32 s14, $0x3;
	s30 =	sshrl.u32 s29, $0x3;
	s8 =	sshrl.u32 s5, $0x3  }
0xf: {  	s18 =	smax.u32 s18, $0x1;
	s22 =	sadd.s32 s8, s0;
	s0 =	sadd.s32 $0x2A200, s0  }
0x10: {  	s24 =	sadd.s32 s2, s8;
	s8 =	sadd.s32 s13, s1;
	s13 =	sadd.s32 s16, s13  }
0x11: {  	s2 =	sadd.s32 s16, s25;
	s16 =	sadd.s32 s16, s17;
	s25 =	simm.s32 $0x1  }
0x12: {  	s23 =	sadd.s32 $0x4E4200, s22;
	[dreg:$0x5] =	wrdreg s24;
	s12 =	sadd.s32 $0x280, s24  }
0x13: {  	s19 =	sshrl.u32 s13, $0x3;
	s26 =	sadd.s32 s0, s14;
	s2 =	sshrl.u32 s2, $0x3  }
0x14: {  	s17 =	sshrl.u32 s16, $0x3;
	s16 =	sadd.s32 s0, s30;
	[dreg:$0x4] =	wrdreg s23  }
0x15: {  	s22 =	simm.s32 $0x3C00;
	s24 =	simm.s32 $0x3;
	[dreg:$0x6] =	wrdreg s26  }
0x16: {  	s14 =	sadd.s32 s0, s19;
	s15 =	sadd.s32 s0, s2;
	s17 =	sadd.s32 s0, s17  }
0x17: {  	v0 =	vimm.f32 $0.0e+00;
	s19 =	simm.s32 $0x5;
	s23 =	simm.s32 $0x7C00;
	s26 =	simm.s32 $0x2  }
.LBB2_1:
0x18: {  	s0 =	rddreg [dreg:$0x4]  }
0x19: {  	[tilespmem:s3], [sflag:$0x5] =	stream.linear.gather [hbm4b:s0+s3], $0x2800, $0x38;
	[tilespmem:$0x1FC00] =	vst v63  }
0x1a: {  	_ =	swait.ge [sflag:s19], $0x2800  }
0x1b: {  	[sflag:s19] =	ssyncset.done $0x0  }
0x1c: {  	s2 =	simm.s32 $0x2800;
	s30 =	rddreg [dreg:$0x5];
	[sflag:s19] =	ssyncadd.s32 $0xFFFFD800  }
0x1d: {  	[tilespmem:s2], [sflag:$0x5] =	stream.linear.gather [hbm4b:s30+s3], $0x1400, $0x38;
	[tilespmem:$0x1FC00] =	vst v63  }
0x1e: {  	_ =	swait.ge [sflag:s19], $0x1400  }
0x1f: {  	[sflag:s19] =	ssyncset.done $0x0  }
0x20: {  	s0 =	simm.s32 $0x0;
	s2 =	simm.s32 $0x200;
	[sflag:s19] =	ssyncadd.s32 $0xFFFFEC00  }
0x21: {  	[tilespmem:s22], [sflag:$0x1] =	stream.indirect.gather [hbm4b:s4+s21], $0x80, s3, s21, $0xb8;
	[tilespmem:$0x1FC00] =	vst v63  }
.LBB2_2:
0x22: {  	p0 =	sne.s32 s2, $0xFE00;
	[tilespmem:s0+$0x7C70] =	vst v0  }
0x23: {  	[tilespmem:s0+$0x7C00] =	vst v0  }
0x24: {  	[tilespmem:s0+$0x7C10] =	vst v0  }
.Ltmp0:
0x25: {  	[tilespmem:s0+$0x7C20] =	vst v0;
	(pc) =	sbr.rel @p0 .LBB2_2-.Ltmp0, $4  }
0x26: {  	[tilespmem:s0+$0x7C30] =	vst v0  }
0x27: {  	[tilespmem:s0+$0x7C40] =	vst v0  }
0x28: {  	[tilespmem:s0+$0x7C50] =	vst v0  }
0x29: {  	[tilespmem:s0+$0x7C60] =	vst v0;
	s0 =	sshra.s32 s2, $0x2;
	s2 =	sadd.s32 $0x200, s2  }
0x2a: {  	[tilespmem:s0+$0x7C70] =	vst v0  }
0x2b: {  	[tilespmem:s0+$0x7C00] =	vst v0  }
0x2c: {  	[tilespmem:s0+$0x7C10] =	vst v0  }
0x2d: {  	[tilespmem:s0+$0x7C20] =	vst v0  }
0x2e: {  	[tilespmem:s0+$0x7C30] =	vst v0  }
0x2f: {  	[tilespmem:s0+$0x7C40] =	vst v0  }
0x30: {  	[tilespmem:s0+$0x7C50] =	vst v0  }
0x31: {  	[tilespmem:s0+$0x7C60] =	vst v0  }
0x32: {  	[spmem:s7] =	stream.linear.scatter [tilespmem:s23], [sflag:$0x3], $0x4000, $0x38;
	[tilespmem:$0x1FC00] =	vst v63  }
0x33: {  	_ = 	snop  }
0x34: {  	[spmem:s8] =	stream.linear.scatter [tilespmem:s23], [sflag:$0x3], $0x4000, $0x38;
	[tilespmem:$0x1FC00] =	vst v63  }
0x35: {  	_ = 	snop  }
0x36: {  	[spmem:s9] =	stream.linear.scatter [tilespmem:s23], [sflag:$0x3], $0x4000, $0x38;
	[tilespmem:$0x1FC00] =	vst v63  }
0x37: {  	_ = 	snop  }
0x38: {  	[spmem:s10] =	stream.linear.scatter [tilespmem:s23], [sflag:$0x3], $0x4000, $0x38;
	[tilespmem:$0x1FC00] =	vst v63  }
0x39: {  	_ = 	snop  }
0x3a: {  	[spmem:s11] =	stream.linear.scatter [tilespmem:s23], [sflag:$0x3], $0x4000, $0x38;
	[tilespmem:$0x1FC00] =	vst v63  }
0x3b: {  	_ =	swait.ge [sflag:s24], $0x4000  }
0x3c: {  	[sflag:s24] =	ssyncset.done $0x0  }
0x3d: {  	[sflag:s24] =	ssyncadd.s32 $0xFFFFC000  }
0x3e: {  	_ =	swait.ge [sflag:s24], $0x4000  }
0x3f: {  	[sflag:s24] =	ssyncset.done $0x0  }
0x40: {  	[sflag:s24] =	ssyncadd.s32 $0xFFFFC000  }
0x41: {  	_ =	swait.ge [sflag:s24], $0x4000  }
0x42: {  	[sflag:s24] =	ssyncset.done $0x0  }
0x43: {  	[sflag:s24] =	ssyncadd.s32 $0xFFFFC000  }
0x44: {  	_ =	swait.ge [sflag:s24], $0x4000  }
0x45: {  	[sflag:s24] =	ssyncset.done $0x0  }
0x46: {  	[sflag:s24] =	ssyncadd.s32 $0xFFFFC000  }
0x47: {  	_ =	swait.ge [sflag:s24], $0x4000  }
0x48: {  	[sflag:s24] =	ssyncset.done $0x0  }
0x49: {  	p0 =	por $0x1, $0x1;
	[sflag:s24] =	ssyncadd.s32 $0xFFFFC000  }
0x4a: {  	p0 =	por p0, p0;
	[bflag:$0x0] =	sbarrier.arrive $0xFFFF  }
0x4b: {  	[tilespmem:s23], [sflag:$0x2] =	stream.indirect.gather [hbm4b:s4+s21], $0x80, s21, s21, $0xb8;
	[tilespmem:$0x1FC00] =	vst v63  }
0x4c: {  	s0 =	simm.s32 @!p0 $0x0;
	s2 =	simm.s32 @!p0 $0x2800;
	s20 =	simm.s32 @!p0 $0x5  }
0x4d: {  	[tilespmem:s2], [sflag:$0x5] =	stream.linear.gather @!p0 [hbm4b:s12+s0], $0x1400, $0x38;
	[tilespmem:$0x1FC00] =	vst v63  }
0x4e: {  	_ =	swait.ge @!p0 [sflag:s20], $0x1400  }
0x4f: {  	s0 =	simm.s32 $0x0;
	[sflag:s20] =	ssyncset.done @!p0 $0x0  }
0x50: {  	s2 =	simm.s32 $0xFFFFB000;
	[sflag:s20] =	ssyncadd.s32 @!p0 $0xFFFFEC00;
	p0 =	por $0x1, $0x1  }
0x51: {  	_ =	swait.ge [sflag:s25], $0x4000;
	s2 =	smov.u32 @p0 s0  }
0x52: {  	[sflag:s25] =	ssyncset.done $0x0;
	s0 =	sshra.s32 s2, $0x2  }
0x53: {  	[sflag:s25] =	ssyncadd.s32 $0xFFFFC000;
	s0 =	sadd.s32 $0x2800, s0  }
0x54: {  	[spmem:s1] =	stream.indirect.scatter.add.f32 [tilespmem:s22], [sflag:$0x3], $0x80, s0, s21, $0xb8;
	[tilespmem:$0x1FC00] =	vst v63  }
0x55: {  	_ =	swait.ge [sflag:s24], $0x4000  }
0x56: {  	s2 =	simm.s32 $0xFFFFFFD9;
	s0 =	simm.s32 $0x1;
	[sflag:s24] =	ssyncset.done $0x0  }
0x57: {  	s13 =	simm.s32 $0x100;
	s2 =	smov.u32 @p0 s0;
	[sflag:s24] =	ssyncadd.s32 $0xFFFFC000  }
0x58: {  	[tilespmem:s22], [sflag:$0x1] =	stream.indirect.gather [hbm4b:s4+s21], $0x80, s13, s21, $0xb8;
	[tilespmem:$0x1FC00] =	vst v63  }
0x59: {  	s20 =	sshll.u32 s2, $0x7;
	_ =	swait.ge [sflag:s26], $0x4000  }
0x5a: {  	s2 =	sand.u32 $0x3FFFFF80, s20;
	[sflag:s26] =	ssyncset.done $0x0  }
0x5b: {  	p6 =	por $0x1, $0x1;
	s2 =	sadd.s32 $0x2800, s2;
	[sflag:s26] =	ssyncadd.s32 $0xFFFFC000  }
0x5c: {  	[spmem:s1] =	stream.indirect.scatter.add.f32 [tilespmem:s23], [sflag:$0x4], $0x80, s2, s21, $0xb8;
	[tilespmem:$0x1FC00] =	vst v63  }
0x5d: {  	s29 =	simm.s32 $0x800;
	s30 =	simm.s32 $0x180;
	_ =	swait.ge [sflag:s28], $0x4000  }
0x5e: {  	s0 =	simm.s32 $0x400;
	p0 =	por p6, p6;
	[sflag:s28] =	ssyncset.done $0x0  }
0x5f: {  	s20 =	simm.s32 $0x1;
	s2 =	simm.s32 $0x3;
	[sflag:s28] =	ssyncadd.s32 $0xFFFFC000  }
.LBB2_4:
0x60: {  	[tilespmem:s23], [sflag:$0x2] =	stream.indirect.gather [hbm4b:s4+s21], $0x80, s30, s21, $0xb8;
	[tilespmem:$0x1FC00] =	vst v63  }
0x61: {  	s30 =	smov.u32 s29  }
0x62: {  	s5 =	simm.s32 @!p0 $0x0;
	s6 =	simm.s32 @!p0 $0x2800;
	s13 =	simm.s32 @!p0 $0x5  }
0x63: {  	[tilespmem:s6], [sflag:$0x5] =	stream.linear.gather @!p0 [hbm4b:s12+s5], $0x1400, $0x38;
	[tilespmem:$0x1FC00] =	vst v63  }
0x64: {  	s29 =	sadd.s32 $0x400, s29;
	p2 =	sne.s32 s30, $0x5000;
	_ =	swait.ge @!p0 [sflag:s13], $0x1400  }
0x65: {  	p1 =	sne.s32 s29, $0x9C00;
	s5 =	sadd.s32 $0xFFFFFFD8, s2;
	[sflag:s13] =	ssyncset.done @!p0 $0x0  }
0x66: {  	s6 =	sadd.s32 $0xFFFFB000, s0;
	[sflag:s13] =	ssyncadd.s32 @!p0 $0xFFFFEC00;
	p0 =	slt.u32 s20, $0x14  }
0x67: {  	_ =	swait.ge [sflag:s25], $0x4000;
	s6 =	smov.u32 @p0 s0;
	s5 =	smov.u32 @p0 s2  }
0x68: {  	[sflag:s25] =	ssyncset.done $0x0;
	s6 =	sshra.s32 s6, $0x2;
	s5 =	sshll.u32 s5, $0x7  }
0x69: {  	[sflag:s25] =	ssyncadd.s32 $0xFFFFC000;
	s6 =	sadd.s32 $0x2800, s6;
	s5 =	sand.u32 $0x3FFFFF80, s5  }
0x6a: {  	[spmem:s1] =	stream.indirect.scatter.add.f32 [tilespmem:s22], [sflag:$0x3], $0x80, s6, s21, $0xb8;
	[tilespmem:$0x1FC00] =	vst v63  }
0x6b: {  	p0 =	por p2, p2;
	_ =	swait.ge [sflag:s24], $0x4000  }
0x6c: {  	s6 =	sshra.s32 s0, $0x2;
	s0 =	smov.u32 s30;
	[sflag:s24] =	ssyncset.done $0x0  }
0x6d: {  	s13 =	sadd.s32 $0x100, s6;
	[sflag:s24] =	ssyncadd.s32 $0xFFFFC000  }
0x6e: {  	[tilespmem:s22], [sflag:$0x1] =	stream.indirect.gather [hbm4b:s4+s21], $0x80, s13, s21, $0xb8;
	[tilespmem:$0x1FC00] =	vst v63  }
0x6f: {  	_ =	swait.ge [sflag:s26], $0x4000  }
0x70: {  	[sflag:s26] =	ssyncset.done $0x0  }
.Ltmp1:
0x71: {  	s5 =	sadd.s32 $0x2800, s5;
	[sflag:s26] =	ssyncadd.s32 $0xFFFFC000;
	(pc) =	sbr.rel @p1 .LBB2_4-.Ltmp1, $4  }
0x72: {  	[spmem:s1] =	stream.indirect.scatter.add.f32 [tilespmem:s23], [sflag:$0x4], $0x80, s5, s21, $0xb8;
	[tilespmem:$0x1FC00] =	vst v63  }
0x73: {  	_ =	swait.ge [sflag:s28], $0x4000  }
0x74: {  	s2 =	sadd.s32 $0x2, s2;
	[sflag:s28] =	ssyncset.done $0x0  }
0x75: {  	s20 =	sadd.s32 $0x1, s20;
	s30 =	sadd.s32 $0x180, s6;
	[sflag:s28] =	ssyncadd.s32 $0xFFFFC000  }
0x76: {  	[tilespmem:s23], [sflag:$0x2] =	stream.indirect.gather [hbm4b:s4+s21], $0x80, s30, s21, $0xb8;
	[tilespmem:$0x1FC00] =	vst v63  }
0x77: {  	s5 =	simm.s32 @!p0 $0x0;
	s6 =	simm.s32 @!p0 $0x2800  }
0x78: {  	[tilespmem:s6], [sflag:$0x5] =	stream.linear.gather @!p0 [hbm4b:s12+s5], $0x1400, $0x38;
	[tilespmem:$0x1FC00] =	vst v63  }
0x79: {  	s5 =	simm.s32 @!p0 $0x5  }
0x7a: {  	_ =	swait.ge @!p0 [sflag:s5], $0x1400  }
0x7b: {  	[sflag:s5] =	ssyncset.done @!p0 $0x0  }
0x7c: {  	[sflag:s5] =	ssyncadd.s32 @!p0 $0xFFFFEC00;
	p0 =	slt.u32 s20, $0x14;
	s5 =	sadd.s32 $0xFFFFB000, s0  }
0x7d: {  	_ =	swait.ge [sflag:s25], $0x4000;
	s5 =	smov.u32 @p0 s0  }
0x7e: {  	[sflag:s25] =	ssyncset.done $0x0;
	s5 =	sshra.s32 s5, $0x2  }
0x7f: {  	[sflag:s25] =	ssyncadd.s32 $0xFFFFC000;
	s5 =	sadd.s32 $0x2800, s5  }
0x80: {  	[spmem:s1] =	stream.indirect.scatter.add.f32 [tilespmem:s22], [sflag:$0x3], $0x80, s5, s21, $0xb8;
	[tilespmem:$0x1FC00] =	vst v63  }
0x81: {  	_ =	swait.ge [sflag:s24], $0x4000  }
0x82: {  	s30 =	sshra.s32 s0, $0x2;
	s5 =	sadd.s32 $0xFFFFFFD8, s2;
	[sflag:s24] =	ssyncset.done $0x0  }
0x83: {  	s6 =	sadd.s32 $0x100, s30;
	s5 =	smov.u32 @p0 s2;
	[sflag:s24] =	ssyncadd.s32 $0xFFFFC000  }
0x84: {  	[tilespmem:s22], [sflag:$0x1] =	stream.indirect.gather [hbm4b:s4+s21], $0x80, s6, s21, $0xb8;
	[tilespmem:$0x1FC00] =	vst v63  }
0x85: {  	s13 =	sshll.u32 s5, $0x7;
	_ =	swait.ge [sflag:s26], $0x4000  }
0x86: {  	s2 =	sand.u32 $0x3FFFFF80, s13;
	[sflag:s26] =	ssyncset.done $0x0  }
0x87: {  	s2 =	sadd.s32 $0x2800, s2;
	[sflag:s26] =	ssyncadd.s32 $0xFFFFC000  }
0x88: {  	[spmem:s1] =	stream.indirect.scatter.add.f32 [tilespmem:s23], [sflag:$0x4], $0x80, s2, s21, $0xb8;
	[tilespmem:$0x1FC00] =	vst v63  }
0x89: {  	_ =	swait.ge [sflag:s28], $0x4000  }
0x8a: {  	[sflag:s28] =	ssyncset.done $0x0  }
0x8b: {  	s0 =	sadd.s32 $0x180, s30;
	[sflag:s28] =	ssyncadd.s32 $0xFFFFC000  }
0x8c: {  	[tilespmem:s23], [sflag:$0x2] =	stream.indirect.gather [hbm4b:s4+s21], $0x80, s0, s21, $0xb8;
	[tilespmem:$0x1FC00] =	vst v63  }
0x8d: {  	_ =	swait.ge [sflag:s25], $0x4000  }
0x8e: {  	[sflag:s25] =	ssyncset.done $0x0  }
0x8f: {  	s20 =	simm.s32 $0x3B00;
	[sflag:s25] =	ssyncadd.s32 $0xFFFFC000  }
0x90: {  	[spmem:s1] =	stream.indirect.scatter.add.f32 [tilespmem:s22], [sflag:$0x3], $0x80, s20, s21, $0xb8;
	[tilespmem:$0x1FC00] =	vst v63  }
0x91: {  	_ =	swait.ge [sflag:s24], $0x4000  }
0x92: {  	[sflag:s24] =	ssyncset.done $0x0  }
0x93: {  	[sflag:s24] =	ssyncadd.s32 $0xFFFFC000  }
0x94: {  	_ =	swait.ge [sflag:s26], $0x4000  }
0x95: {  	[sflag:s26] =	ssyncset.done $0x0  }
0x96: {  	s29 =	simm.s32 $0x3B80;
	[sflag:s26] =	ssyncadd.s32 $0xFFFFC000  }
0x97: {  	[spmem:s1] =	stream.indirect.scatter.add.f32 [tilespmem:s23], [sflag:$0x4], $0x80, s29, s21, $0xb8;
	[tilespmem:$0x1FC00] =	vst v63  }
0x98: {  	_ =	swait.ge [sflag:s28], $0x4000  }
0x99: {  	[sflag:s28] =	ssyncset.done $0x0  }
0x9a: {  	[sflag:s28] =	ssyncadd.s32 $0xFFFFC000  }
0x9b: {  	[bflag:$0x0] =	sbarrier.arrive $0xFFFF  }
0x9c: {  	[tilespmem:s22], [sflag:$0x5] =	stream.linear.gather [spmem:s7], $0x4000, $0x38;
	[tilespmem:$0x1FC00] =	vst v63  }
0x9d: {  	_ =	swait.ge [sflag:s19], $0x4000  }
0x9e: {  	[sflag:s19] =	ssyncset.done $0x0  }
0x9f: {  	s30 =	rddreg [dreg:$0x6];
	[sflag:s19] =	ssyncadd.s32 $0xFFFFC000  }
0xa0: {  	[hbm4b:s30+s3] =	stream.linear.scatter [tilespmem:s22], [sflag:$0x1], $0x4000, $0x38;
	[tilespmem:$0x1FC00] =	vst v63  }
0xa1: {  	_ = 	snop  }
0xa2: {  	[tilespmem:s23], [sflag:$0x5] =	stream.linear.gather [spmem:s8], $0x4000, $0x38;
	[tilespmem:$0x1FC00] =	vst v63  }
0xa3: {  	_ =	swait.ge [sflag:s19], $0x4000  }
0xa4: {  	[sflag:s19] =	ssyncset.done $0x0  }
0xa5: {  	[sflag:s19] =	ssyncadd.s32 $0xFFFFC000  }
0xa6: {  	[hbm4b:s14+s3] =	stream.linear.scatter [tilespmem:s23], [sflag:$0x2], $0x4000, $0x38;
	[tilespmem:$0x1FC00] =	vst v63  }
0xa7: {  	_ =	swait.ge [sflag:s25], $0x4000  }
0xa8: {  	[sflag:s25] =	ssyncset.done $0x0  }
0xa9: {  	[sflag:s25] =	ssyncadd.s32 $0xFFFFC000  }
0xaa: {  	[tilespmem:s22], [sflag:$0x5] =	stream.linear.gather [spmem:s9], $0x4000, $0x38;
	[tilespmem:$0x1FC00] =	vst v63  }
0xab: {  	_ =	swait.ge [sflag:s19], $0x4000  }
0xac: {  	[sflag:s19] =	ssyncset.done $0x0  }
0xad: {  	[sflag:s19] =	ssyncadd.s32 $0xFFFFC000  }
0xae: {  	[hbm4b:s15+s3] =	stream.linear.scatter [tilespmem:s22], [sflag:$0x1], $0x4000, $0x38;
	[tilespmem:$0x1FC00] =	vst v63  }
0xaf: {  	_ =	swait.ge [sflag:s26], $0x4000  }
0xb0: {  	[sflag:s26] =	ssyncset.done $0x0  }
0xb1: {  	[sflag:s26] =	ssyncadd.s32 $0xFFFFC000  }
0xb2: {  	[tilespmem:s23], [sflag:$0x5] =	stream.linear.gather [spmem:s10], $0x4000, $0x38;
	[tilespmem:$0x1FC00] =	vst v63  }
0xb3: {  	_ =	swait.ge [sflag:s19], $0x4000  }
0xb4: {  	[sflag:s19] =	ssyncset.done $0x0  }
0xb5: {  	[sflag:s19] =	ssyncadd.s32 $0xFFFFC000  }
0xb6: {  	[hbm4b:s16+s3] =	stream.linear.scatter [tilespmem:s23], [sflag:$0x2], $0x4000, $0x38;
	[tilespmem:$0x1FC00] =	vst v63  }
0xb7: {  	_ =	swait.ge [sflag:s25], $0x4000  }
0xb8: {  	[sflag:s25] =	ssyncset.done $0x0  }
0xb9: {  	[sflag:s25] =	ssyncadd.s32 $0xFFFFC000  }
0xba: {  	[tilespmem:s22], [sflag:$0x5] =	stream.linear.gather [spmem:s11], $0x4000, $0x38;
	[tilespmem:$0x1FC00] =	vst v63  }
0xbb: {  	_ =	swait.ge [sflag:s19], $0x4000  }
0xbc: {  	[sflag:s19] =	ssyncset.done $0x0  }
0xbd: {  	s31 =	sadd.s32 $0x1, s31;
	[sflag:s19] =	ssyncadd.s32 $0xFFFFC000  }
0xbe: {  	[hbm4b:s17+s3] =	stream.linear.scatter [tilespmem:s22], [sflag:$0x1], $0x4000, $0x38;
	[tilespmem:$0x1FC00] =	vst v63  }
0xbf: {  	p0 =	sne.s32 s31, s18;
	_ =	swait.ge [sflag:s26], $0x4000  }
.Ltmp2:
0xc0: {  	[sflag:s26] =	ssyncset.done $0x0;
	(pc) =	sbr.rel @p0 .LBB2_1-.Ltmp2, $4  }
0xc1: {  	[sflag:s26] =	ssyncadd.s32 $0xFFFFC000  }
0xc2: {  	_ =	swait.ge [sflag:s25], $0x4000  }
0xc3: {  	[sflag:s25] =	ssyncset.done $0x0  }
0xc4: {  	[sflag:s25] =	ssyncadd.s32 $0xFFFFC000  }
0xc5: {  	_ =	sfence.sel $0x180000  }
0xc6: {  	[bflag:$0x0] =	sbarrier.arrive $0xFFFF  }
0xc7: {  	_ =	strace $0x9000004A  }
0xc8: {  	s0 =	stileid.u32;
	[bflag:$0x2] =	sbarrier.arrive $0xFFFF  }
0xc9: {  	p0 =	sne.s32 s0, $0x0;
	s0 =	rddreg [dreg:$0x3]  }
0xca: {  	s0 =	sadd.s32 @!p0 $0x100000, s0  }
0xcb: {  	[sflag:s0] =	ssyncadd.tile.s32 @!p0 $0x1;
	_ =	shalt  }
.Lfunc_end2:
_tile_overlayer_lowered:
.L_overlay_start_2:
0xcc: {  	(tag) =	ssettag $0x2  }
0xcd: {  	s0 =	rddreg [dreg:$0x0];
	s2 =	stileid.u32  }
0xce: {  	s1 =	rddreg [dreg:$0x1];
	p0 =	sne.s32 s2, $0x0  }
0xcf: {  	s3 =	rddreg [dreg:$0x2];
	[bflag:$0x3] =	sbarrier.arrive $0xFFFF;
	s2 =	simm.s32 @!p0 $0x1C05  }
0xd0: {  	[timem:s3], [sflag:s2] =	dma.local @!p0 [hbm:s0], s1  }
0xd1: {  	s0 =	simm.s32 @!p0 $0x5  }
0xd2: {  	_ =	swait.ge @!p0 [sflag:s0], s1  }
0xd3: {  	s1 =	ssub.s32 @!p0 $0x0, s1;
	[sflag:s0] =	ssyncset.done @!p0 $0x0  }
0xd4: {  	[sflag:s0] =	ssyncadd.s32 @!p0 s1  }
0xd5: {  	[bflag:$0x3] =	sbarrier.arrive $0xFFFF  }
0xd6: {  	_ =	shalt  }

// kernel: kernel.15.cloned.1.call-start
scs
__scs_entry_jumppad:
0x0: {  	(pc) =	sbr.rel $0x88, $3  }
0x1: {  	(tag) =	ssettag $0x0;
	lr =	simm.s32 $0x1  }
0x2: {  	[smem:$0x3F9B] =	sst lr;
	_ =	strace $0xD0000000  }
0x3: {  	_ = 	snop  }
0x4: {  	_ = 	snop  }
0x5: {  	_ = 	snop  }
0x6: {  	_ = 	snop  }
0x7: {  	_ = 	snop  }
__scs_overlays_trampoline_lowered:
0x8: {  	[smem:$0x3FAA] =	sst s0  }
0x9: {  	[smem:$0x3FAB] =	sst s1  }
0xa: {  	[smem:$0x3FAC] =	sst s2  }
0xb: {  	[smem:$0x3FAD] =	sst s3  }
0xc: {  	[smem:$0x3FAE] =	sst s4  }
0xd: {  	[smem:$0x3FAF] =	sst s5  }
0xe: {  	[smem:$0x3FB0] =	sst s6  }
0xf: {  	[smem:$0x3FB1] =	sst s7  }
0x10: {  	[smem:$0x3FB2] =	sst s8  }
0x11: {  	[smem:$0x3FB3] =	sst s9;
	s0 =	simm.s32 @!p0 $0x0  }
0x12: {  	s1 =	sld [smem:$0x3F99];
	s0 =	simm.s32 @p0 $0x1  }
0x13: {  	[smem:$0x3FB4] =	sst s0;
	s0 =	simm.s32 @!p1 $0x0  }
0x14: {  	s2 =	sld [smem:$0x3F98];
	s0 =	simm.s32 @p1 $0x1  }
0x15: {  	[smem:$0x3FB5] =	sst s0;
	s0 =	simm.s32 @!p2 $0x0  }
0x16: {  	s3 =	sld [smem:$0x3FDB];
	s0 =	simm.s32 @p2 $0x1  }
0x17: {  	s4 =	simm.s32 $0x1BF5;
	[smem:$0x3FB7] =	sst s0  }
0x18: {  	s0 =	sld [smem:$0x3F9A];
	_ =	swait.ge [sflag:s4], $0x0  }
0x19: {  	s7 =	sld [smem:$0x3F9B]  }
0x1a: {  	s8 =	sadd.s32 $0xFFFFE003, lr  }
0x1b: {  	s9 =	sadd.s32 $0xFFFFFEF7, lr;
	s5 =	simm.s32 $0xFFFFFFFF;
	p2 =	slt.u32 s8, $0xFFFFF086  }
0x1c: {  	p1 =	slt.u32 s9, $0xF7A;
	s5 =	simm.s32 @!p2 $0x0  }
0x1d: {  	s5 =	simm.s32 @p1 $0x1;
	p0 =	seq.s32 s7, s2  }
0x1e: {  	s7 =	smul.u32 @!p0 $0xF7A, s2;
	p2 =	seq.s32 @!p0 s5, $0x0  }
0x1f: {  	s9 =	smul.u32 $0xF7A, s1;
	s8 =	simm.s32 @!p0 $0x1BF5;
	p2 =	por !p2, p0  }
0x20: {  	[sflag:s8] =	ssyncset.s32 @!p0 $0xFFFFF086;
	s6 =	sadd.s32 @!p0 s3, s7;
	s7 =	simm.s32 @!p0 $0x108  }
0x21: {  	s3 =	sadd.s32 s3, s9;
	s6 =	sadd.s32 @!p0 $0x88, s6;
	s7 =	simm.s32 @p2 $0x1082  }
0x22: {  	[simem:s7], [sflag:s8] =	dma.local @!p0 [hbm:s6], $0xF7A  }
0x23: {  	s9 =	sor.u32 $0xD0000000, s2;
	s6 =	simm.s32 $0x108;
	_ =	swait.ge @!p0 [sflag:s8], $0x0  }
0x24: {  	s3 =	sadd.s32 $0x88, s3;
	s6 =	simm.s32 @!p1 $0x1082;
	[sflag:s4] =	ssyncset.s32 $0xFFFFF086  }
0x25: {  	[simem:s6], [sflag:s4] =	dma.local [hbm:s3], $0xF7A  }
0x26: {  	[smem:$0x3F9B] =	sst s1;
	(tag) =	ssettag s2;
	_ =	strace s9  }
0x27: {  	s1 =	sld [smem:$0x3FAB]  }
0x28: {  	s2 =	sld [smem:$0x3FAC]  }
0x29: {  	s4 =	sld [smem:$0x3FAE]  }
0x2a: {  	p0 =	seq.s32 s5, $0x0;
	s5 =	sld [smem:$0x3FAF]  }
0x2b: {  	s6 =	sld [smem:$0x3FB0]  }
0x2c: {  	s7 =	sld [smem:$0x3FB1]  }
0x2d: {  	s3 =	simm.s32 $0x108;
	s8 =	sld [smem:$0x3FB2]  }
0x2e: {  	s3 =	simm.s32 @!p0 $0x1082;
	s9 =	sld [smem:$0x3FB3]  }
0x2f: {  	lr =	sadd.s32 s0, s3;
	s0 =	sld [smem:$0x3FAA]  }
0x30: {  	s3 =	sld [smem:$0x3FAD]  }
0x31: {  	[smem:$0x3FB6] =	sst s10  }
0x32: {  	s10 =	sld [smem:$0x3FB4];
	_ =	sdelay $0x3  }
0x33: {  	p0 =	seq.s32 s10, $0x1;
	s10 =	sld [smem:$0x3FB6];
	_ =	sdelay $0x3  }
0x34: {  	[smem:$0x3FB6] =	sst s10  }
0x35: {  	s10 =	sld [smem:$0x3FB5];
	_ =	sdelay $0x3  }
0x36: {  	p1 =	seq.s32 s10, $0x1;
	s10 =	sld [smem:$0x3FB6];
	_ =	sdelay $0x3  }
0x37: {  	[smem:$0x3FB6] =	sst s10  }
0x38: {  	s10 =	sld [smem:$0x3FB7]  }
0x39: {  	_ = 	snop;
	(pc) =	sbr.ind lr, $3  }
0x3a: {  	_ = 	snop  }
0x3b: {  	_ = 	snop  }
0x3c: {  	p2 =	seq.s32 s10, $0x1;
	s10 =	sld [smem:$0x3FB6]  }
0x3d: {  	_ =	shalt  }
0x3e: {  	_ =	shalt  }
0x3f: {  	_ =	shalt  }
0x40: {  	_ =	shalt  }
0x41: {  	_ =	shalt  }
0x42: {  	_ =	shalt  }
0x43: {  	_ =	shalt  }
0x44: {  	_ =	shalt  }
0x45: {  	_ =	shalt  }
0x46: {  	_ =	shalt  }
0x47: {  	_ =	shalt  }
0x48: {  	_ =	shalt  }
0x49: {  	_ =	shalt  }
0x4a: {  	_ =	shalt  }
0x4b: {  	_ =	shalt  }
0x4c: {  	_ =	shalt  }
0x4d: {  	_ =	shalt  }
0x4e: {  	_ =	shalt  }
0x4f: {  	_ =	shalt  }
0x50: {  	_ =	shalt  }
0x51: {  	_ =	shalt  }
0x52: {  	_ =	shalt  }
0x53: {  	_ =	shalt  }
0x54: {  	_ =	shalt  }
0x55: {  	_ =	shalt  }
0x56: {  	_ =	shalt  }
0x57: {  	_ =	shalt  }
0x58: {  	_ =	shalt  }
0x59: {  	_ =	shalt  }
0x5a: {  	_ =	shalt  }
0x5b: {  	_ =	shalt  }
0x5c: {  	_ =	shalt  }
0x5d: {  	_ =	shalt  }
0x5e: {  	_ =	shalt  }
0x5f: {  	_ =	shalt  }
0x60: {  	_ =	shalt  }
0x61: {  	_ =	shalt  }
0x62: {  	_ =	shalt  }
0x63: {  	_ =	shalt  }
0x64: {  	_ =	shalt  }
0x65: {  	_ =	shalt  }
0x66: {  	_ =	shalt  }
0x67: {  	_ =	shalt  }
0x68: {  	_ =	shalt  }
0x69: {  	_ =	shalt  }
0x6a: {  	_ =	shalt  }
0x6b: {  	_ =	shalt  }
0x6c: {  	_ =	shalt  }
0x6d: {  	_ =	shalt  }
0x6e: {  	_ =	shalt  }
0x6f: {  	_ =	shalt  }
0x70: {  	_ =	shalt  }
0x71: {  	_ =	shalt  }
0x72: {  	_ =	shalt  }
0x73: {  	_ =	shalt  }
0x74: {  	_ =	shalt  }
0x75: {  	_ =	shalt  }
0x76: {  	_ =	shalt  }
0x77: {  	_ =	shalt  }
0x78: {  	_ =	shalt  }
0x79: {  	_ =	shalt  }
0x7a: {  	_ =	shalt  }
0x7b: {  	_ =	shalt  }
0x7c: {  	_ =	shalt  }
0x7d: {  	_ =	shalt  }
0x7e: {  	_ =	shalt  }
0x7f: {  	_ =	shalt  }
0x80: {  	_ =	shalt  }
0x81: {  	_ =	shalt  }
0x82: {  	_ =	shalt  }
0x83: {  	_ =	shalt  }
0x84: {  	_ =	shalt  }
0x85: {  	_ =	shalt  }
0x86: {  	_ =	shalt  }
0x87: {  	_ =	shalt  }
.Lfunc_end0:
.L_simem_size_0:
called_computation.2_lowered:
.L_overlay_start_0:
0x88: {  	s2 =	sld [smem:$0x3FD9]  }
0x89: {  	s3 =	sld [smem:$0x3FFE];
	_ =	sdelay $0x1  }
0x8a: {  	s1 =	srdreg.scid  }
0x8b: {  	s0 =	sand.u32 $0x1, s1  }
0x8c: {  	s17 =	sshll.u32 s0, $0xA;
	s2 =	sadd.s32 s3, s2  }
0x8d: {  	s2 =	sadd.s32 s2, s17  }
0x8e: {  	[smem:$0x3FC2] =	sst s2  }
0x8f: {  	_ = 	snop  }
0x90: {  	s2 =	sld [smem:$0x3FD0];
	(tm) =	ssettm $0x1  }
0x91: {  	s18 =	sld [smem:$0x3FFB];
	_ =	sdelay $0x3  }
0x92: {  	_ =	strace s18  }
0x93: {  	s3 =	sld [smem:$0x3FFC];
	_ =	sdelay $0x3  }
0x94: {  	_ =	strace s3  }
0x95: {  	s3 =	sld [smem:$0x3FFD];
	_ =	sdelay $0x3  }
0x96: {  	_ =	strace s3  }
0x97: {  	_ =	strace $0x8FFFFFFF  }
0x98: {  	s19 =	sld [smem:$0x3FDB];
	_ =	sdelay $0x1  }
0x99: {  	s4 =	simm.s32 $_scs_section_size  }
0x9a: {  	s5 =	simm.s32 $_size__tile_overlayer_lowered;
	s6 =	simm.s32 $_tile_overlayer_lowered  }
0x9b: {  	s22 =	simm.s32 $0x1BFF;
	s21 =	sshll.u32 s6, $0x1;
	s3 =	sadd.s32 s4, s19  }
0x9c: {  	s7 =	simm.s32 $0x0;
	s20 =	sshll.u32 s5, $0x1;
	s5 =	sadd.s32 s21, s3  }
0x9d: {  	[timem:s7], [sflag:s22] =	dma.local [hbm:s5], s20  }
0x9e: {  	_ =	swait.ge [sflag:s22], s20  }
0x9f: {  	s4 =	ssub.s32 $0x0, s20;
	[sflag:s22] =	ssyncset.done $0x0  }
0xa0: {  	[sflag:s22] =	ssyncadd.s32 s4;
	_ =	sdelay $0x1  }
0xa1: {  	s23 =	simm.s32 $0x1B8B  }
0xa2: {  	_ =	swait.ge [sflag:s23], $0x1  }
0xa3: {  	[sflag:s23] =	ssyncset.done $0x0  }
0xa4: {  	s25 =	simm.s32 $0x1B8E;
	s24 =	sld [smem:$0x3FFE];
	[sflag:s23] =	ssyncadd.s32 $0xFFFFFFFF  }
0xa5: {  	s26 =	simm.s32 $execute0_lowered;
	[smem:$0x3FD2] =	sst s25  }
0xa6: {  	s5 =	sshll.u32 s26, $0x1;
	_ =	strace $0x8000004C;
	[dreg:$0x1] =	wrdreg $0xFFFFFFFF  }
0xa7: {  	s28 =	simm.s32 $_size_execute0_lowered;
	s3 =	sadd.s32 s3, s5;
	[dreg:$0x0] =	wrdreg $0x0  }
0xa8: {  	s5 =	sshll.u32 s28, $0x1;
	[dreg:$0x2] =	wrdreg s3  }
0xa9: {  	[dreg:$0x3] =	wrdreg s5  }
0xaa: {  	[dreg:$0x4] =	wrdreg $0xC0  }
0xab: {  	_ =	task [dreg:s7], $0x5FFFF  }
0xac: {  	[dreg:$0x1] =	wrdreg $0xFFFFFFFF  }
0xad: {  	[dreg:$0x0] =	wrdreg $0x60  }
0xae: {  	[dreg:$0x2] =	wrdreg s24  }
0xaf: {  	[dreg:$0x3] =	wrdreg s2  }
0xb0: {  	[dreg:$0x4] =	wrdreg $0xBC000  }
0xb1: {  	[dreg:$0x5] =	wrdreg $0x9  }
0xb2: {  	_ =	task.clear_ibuf [dreg:s7], $0x6FFFF;
	_ =	strace $0x9000004C  }
0xb3: {  	s29 =	simm.s32 $0x9;
	_ =	strace $0x8000004E  }
0xb4: {  	_ =	swait.ge [sflag:s29], $0x1  }
0xb5: {  	[sflag:s29] =	ssyncadd.s32 $0xFFFFFFFF  }
0xb6: {  	_ =	strace $0x9000004E  }
0xb7: {  	_ =	sfence  }
0xb8: {  	s30 =	sld [smem:$0x0];
	_ =	sdelay $0x2  }
0xb9: {  	s31 =	sshll.u32 s1, $0xD;
	s1 =	sshrl.u32 s1, $0x2  }
0xba: {  	s3 =	sand.u32 $0x4000, s31;
	s1 =	sadd.s32 s1, s30  }
0xbb: {  	s0 =	sor.u32 s3, s0;
	s1 =	sshll.u32 s1, $0x11  }
0xbc: {  	s0 =	sor.u32 s1, s0  }
0xbd: {  	s0 =	sadd.s32 $0x8F2B, s0  }
0xbe: {  	[sflag:s0] =	ssyncadd.remote.s32 $0x1  }
0xbf: {  	_ =	sfence.sel $0xFFFF  }
0xc0: {  	[dreg:$0x0] =	wrdreg $0xFFFFFFFF;
	(pc) =	sbr.abs _section_cstart, $3  }
0xc1: {  	[dreg:$0x1] =	wrdreg $0xFFFFFFFF  }
0xc2: {  	_ =	task.clear_ibuf [dreg:s7], $0x2FFFF;
	_ =	strace $0x9FFFFFFF  }
0xc3: {  	(tm) =	ssettm $0x7FFFFFFF  }
tec
execute0_lowered:
.L_overlay_start_1:
0x0: {  	(tag) =	ssettag $0x1  }
0x1: {  	s0 =	rddreg [dreg:$0x0]  }
0x2: {  	s2 =	rddreg [dreg:$0x1]  }
0x3: {  	s1 =	rddreg [dreg:$0x2]  }
0x4: {  	s3 =	srdreg.scid;
	s10 =	stileid.u32;
	s28 =	simm.s32 $0x4  }
0x5: {  	s31 =	simm.s32 $0x0;
	s9 =	sand.u32 $0x1, s3;
	s7 =	smul.u32 $0x50000, s10  }
0x6: {  	s3 =	simm.s32 $0x0;
	s12 =	smul.u32 $0x14000, s10;
	s4 =	sshll.u32 s9, $0x4  }
0x7: {  	[smem:$0x7FF] =	sst s3;
	s6 =	ssub.s32 $0x2, s9;
	s16 =	smul.u32 $0x140000, s9  }
0x8: {  	s4 =	sor.u32 s10, s4;
	_ =	strace $0x8000004D;
	s21 =	sshrl.u32 s6, $0x1  }
0x9: {  	s7 =	sshrl.u32 s7, $0x2;
	s13 =	sadd.s32 $0x4000, s12;
	s25 =	sadd.s32 $0x8000, s12  }
0xa: {  	s15 =	sadd.s32 $0xC000, s12;
	s17 =	sadd.s32 $0x10000, s12;
	s5 =	smul.u32 $0x2800, s4  }
0xb: {  	s4 =	sadd.s32 $0x2200, s0;
	s18 =	ssub.s32 s6, s21;
	s7 =	sadd.s32 s7, s1  }
0xc: {  	s9 =	sadd.s32 s25, s1;
	s10 =	sadd.s32 s15, s1;
	s11 =	sadd.s32 s17, s1  }
0xd: {  	s14 =	sadd.s32 s12, s16;
	s29 =	sadd.s32 s16, s15;
	s21 =	simm.s32 $0x80  }
0xe: {  	s14 =	sshrl.u32 s14, $0x3;
	s30 =	sshrl.u32 s29, $0x3;
	s8 =	sshrl.u32 s5, $0x3  }
0xf: {  	s18 =	smax.u32 s18, $0x1;
	s22 =	sadd.s32 s8, s0;
	s0 =	sadd.s32 $0x2A200, s0  }
0x10: {  	s24 =	sadd.s32 s2, s8;
	s8 =	sadd.s32 s13, s1;
	s13 =	sadd.s32 s16, s13  }
0x11: {  	s2 =	sadd.s32 s16, s25;
	s16 =	sadd.s32 s16, s17;
	s25 =	simm.s32 $0x1  }
0x12: {  	s23 =	sadd.s32 $0x4E4200, s22;
	[dreg:$0x5] =	wrdreg s24;
	s12 =	sadd.s32 $0x280, s24  }
0x13: {  	s19 =	sshrl.u32 s13, $0x3;
	s26 =	sadd.s32 s0, s14;
	s2 =	sshrl.u32 s2, $0x3  }
0x14: {  	s17 =	sshrl.u32 s16, $0x3;
	s16 =	sadd.s32 s0, s30;
	[dreg:$0x4] =	wrdreg s23  }
0x15: {  	s22 =	simm.s32 $0x3C00;
	s24 =	simm.s32 $0x3;
	[dreg:$0x6] =	wrdreg s26  }
0x16: {  	s14 =	sadd.s32 s0, s19;
	s15 =	sadd.s32 s0, s2;
	s17 =	sadd.s32 s0, s17  }
0x17: {  	v0 =	vimm.f32 $0.0e+00;
	s19 =	simm.s32 $0x5;
	s23 =	simm.s32 $0x7C00;
	s26 =	simm.s32 $0x2  }
.LBB2_1:
0x18: {  	s0 =	rddreg [dreg:$0x4]  }
0x19: {  	[tilespmem:s3], [sflag:$0x5] =	stream.linear.gather [hbm4b:s0+s3], $0x2800, $0x38;
	[tilespmem:$0x1FC00] =	vst v63  }
0x1a: {  	_ =	swait.ge [sflag:s19], $0x2800  }
0x1b: {  	[sflag:s19] =	ssyncset.done $0x0  }
0x1c: {  	s2 =	simm.s32 $0x2800;
	s30 =	rddreg [dreg:$0x5];
	[sflag:s19] =	ssyncadd.s32 $0xFFFFD800  }
0x1d: {  	[tilespmem:s2], [sflag:$0x5] =	stream.linear.gather [hbm4b:s30+s3], $0x1400, $0x38;
	[tilespmem:$0x1FC00] =	vst v63  }
0x1e: {  	_ =	swait.ge [sflag:s19], $0x1400  }
0x1f: {  	[sflag:s19] =	ssyncset.done $0x0  }
0x20: {  	s0 =	simm.s32 $0x0;
	s2 =	simm.s32 $0x200;
	[sflag:s19] =	ssyncadd.s32 $0xFFFFEC00  }
0x21: {  	[tilespmem:s22], [sflag:$0x1] =	stream.indirect.gather [hbm4b:s4+s21], $0x80, s3, s21, $0xb8;
	[tilespmem:$0x1FC00] =	vst v63  }
.LBB2_2:
0x22: {  	p0 =	sne.s32 s2, $0xFE00;
	[tilespmem:s0+$0x7C70] =	vst v0  }
0x23: {  	[tilespmem:s0+$0x7C00] =	vst v0  }
0x24: {  	[tilespmem:s0+$0x7C10] =	vst v0  }
.Ltmp0:
0x25: {  	[tilespmem:s0+$0x7C20] =	vst v0;
	(pc) =	sbr.rel @p0 .LBB2_2-.Ltmp0, $4  }
0x26: {  	[tilespmem:s0+$0x7C30] =	vst v0  }
0x27: {  	[tilespmem:s0+$0x7C40] =	vst v0  }
0x28: {  	[tilespmem:s0+$0x7C50] =	vst v0  }
0x29: {  	[tilespmem:s0+$0x7C60] =	vst v0;
	s0 =	sshra.s32 s2, $0x2;
	s2 =	sadd.s32 $0x200, s2  }
0x2a: {  	[tilespmem:s0+$0x7C70] =	vst v0  }
0x2b: {  	[tilespmem:s0+$0x7C00] =	vst v0  }
0x2c: {  	[tilespmem:s0+$0x7C10] =	vst v0  }
0x2d: {  	[tilespmem:s0+$0x7C20] =	vst v0  }
0x2e: {  	[tilespmem:s0+$0x7C30] =	vst v0  }
0x2f: {  	[tilespmem:s0+$0x7C40] =	vst v0  }
0x30: {  	[tilespmem:s0+$0x7C50] =	vst v0  }
0x31: {  	[tilespmem:s0+$0x7C60] =	vst v0  }
0x32: {  	[spmem:s7] =	stream.linear.scatter [tilespmem:s23], [sflag:$0x3], $0x4000, $0x38;
	[tilespmem:$0x1FC00] =	vst v63  }
0x33: {  	_ = 	snop  }
0x34: {  	[spmem:s8] =	stream.linear.scatter [tilespmem:s23], [sflag:$0x3], $0x4000, $0x38;
	[tilespmem:$0x1FC00] =	vst v63  }
0x35: {  	_ = 	snop  }
0x36: {  	[spmem:s9] =	stream.linear.scatter [tilespmem:s23], [sflag:$0x3], $0x4000, $0x38;
	[tilespmem:$0x1FC00] =	vst v63  }
0x37: {  	_ = 	snop  }
0x38: {  	[spmem:s10] =	stream.linear.scatter [tilespmem:s23], [sflag:$0x3], $0x4000, $0x38;
	[tilespmem:$0x1FC00] =	vst v63  }
0x39: {  	_ = 	snop  }
0x3a: {  	[spmem:s11] =	stream.linear.scatter [tilespmem:s23], [sflag:$0x3], $0x4000, $0x38;
	[tilespmem:$0x1FC00] =	vst v63  }
0x3b: {  	_ =	swait.ge [sflag:s24], $0x4000  }
0x3c: {  	[sflag:s24] =	ssyncset.done $0x0  }
0x3d: {  	[sflag:s24] =	ssyncadd.s32 $0xFFFFC000  }
0x3e: {  	_ =	swait.ge [sflag:s24], $0x4000  }
0x3f: {  	[sflag:s24] =	ssyncset.done $0x0  }
0x40: {  	[sflag:s24] =	ssyncadd.s32 $0xFFFFC000  }
0x41: {  	_ =	swait.ge [sflag:s24], $0x4000  }
0x42: {  	[sflag:s24] =	ssyncset.done $0x0  }
0x43: {  	[sflag:s24] =	ssyncadd.s32 $0xFFFFC000  }
0x44: {  	_ =	swait.ge [sflag:s24], $0x4000  }
0x45: {  	[sflag:s24] =	ssyncset.done $0x0  }
0x46: {  	[sflag:s24] =	ssyncadd.s32 $0xFFFFC000  }
0x47: {  	_ =	swait.ge [sflag:s24], $0x4000  }
0x48: {  	[sflag:s24] =	ssyncset.done $0x0  }
0x49: {  	p0 =	por $0x1, $0x1;
	[sflag:s24] =	ssyncadd.s32 $0xFFFFC000  }
0x4a: {  	p0 =	por p0, p0;
	[bflag:$0x0] =	sbarrier.arrive $0xFFFF  }
0x4b: {  	[tilespmem:s23], [sflag:$0x2] =	stream.indirect.gather [hbm4b:s4+s21], $0x80, s21, s21, $0xb8;
	[tilespmem:$0x1FC00] =	vst v63  }
0x4c: {  	s0 =	simm.s32 @!p0 $0x0;
	s2 =	simm.s32 @!p0 $0x2800;
	s20 =	simm.s32 @!p0 $0x5  }
0x4d: {  	[tilespmem:s2], [sflag:$0x5] =	stream.linear.gather @!p0 [hbm4b:s12+s0], $0x1400, $0x38;
	[tilespmem:$0x1FC00] =	vst v63  }
0x4e: {  	_ =	swait.ge @!p0 [sflag:s20], $0x1400  }
0x4f: {  	s0 =	simm.s32 $0x0;
	[sflag:s20] =	ssyncset.done @!p0 $0x0  }
0x50: {  	s2 =	simm.s32 $0xFFFFB000;
	[sflag:s20] =	ssyncadd.s32 @!p0 $0xFFFFEC00;
	p0 =	por $0x1, $0x1  }
0x51: {  	_ =	swait.ge [sflag:s25], $0x4000;
	s2 =	smov.u32 @p0 s0  }
0x52: {  	[sflag:s25] =	ssyncset.done $0x0;
	s0 =	sshra.s32 s2, $0x2  }
0x53: {  	[sflag:s25] =	ssyncadd.s32 $0xFFFFC000;
	s0 =	sadd.s32 $0x2800, s0  }
0x54: {  	[spmem:s1] =	stream.indirect.scatter.add.f32 [tilespmem:s22], [sflag:$0x3], $0x80, s0, s21, $0xb8;
	[tilespmem:$0x1FC00] =	vst v63  }
0x55: {  	_ =	swait.ge [sflag:s24], $0x4000  }
0x56: {  	s2 =	simm.s32 $0xFFFFFFD9;
	s0 =	simm.s32 $0x1;
	[sflag:s24] =	ssyncset.done $0x0  }
0x57: {  	s13 =	simm.s32 $0x100;
	s2 =	smov.u32 @p0 s0;
	[sflag:s24] =	ssyncadd.s32 $0xFFFFC000  }
0x58: {  	[tilespmem:s22], [sflag:$0x1] =	stream.indirect.gather [hbm4b:s4+s21], $0x80, s13, s21, $0xb8;
	[tilespmem:$0x1FC00] =	vst v63  }
0x59: {  	s20 =	sshll.u32 s2, $0x7;
	_ =	swait.ge [sflag:s26], $0x4000  }
0x5a: {  	s2 =	sand.u32 $0x3FFFFF80, s20;
	[sflag:s26] =	ssyncset.done $0x0  }
0x5b: {  	p6 =	por $0x1, $0x1;
	s2 =	sadd.s32 $0x2800, s2;
	[sflag:s26] =	ssyncadd.s32 $0xFFFFC000  }
0x5c: {  	[spmem:s1] =	stream.indirect.scatter.add.f32 [tilespmem:s23], [sflag:$0x4], $0x80, s2, s21, $0xb8;
	[tilespmem:$0x1FC00] =	vst v63  }
0x5d: {  	s29 =	simm.s32 $0x800;
	s30 =	simm.s32 $0x180;
	_ =	swait.ge [sflag:s28], $0x4000  }
0x5e: {  	s0 =	simm.s32 $0x400;
	p0 =	por p6, p6;
	[sflag:s28] =	ssyncset.done $0x0  }
0x5f: {  	s20 =	simm.s32 $0x1;
	s2 =	simm.s32 $0x3;
	[sflag:s28] =	ssyncadd.s32 $0xFFFFC000  }
.LBB2_4:
0x60: {  	[tilespmem:s23], [sflag:$0x2] =	stream.indirect.gather [hbm4b:s4+s21], $0x80, s30, s21, $0xb8;
	[tilespmem:$0x1FC00] =	vst v63  }
0x61: {  	s30 =	smov.u32 s29  }
0x62: {  	s5 =	simm.s32 @!p0 $0x0;
	s6 =	simm.s32 @!p0 $0x2800;
	s13 =	simm.s32 @!p0 $0x5  }
0x63: {  	[tilespmem:s6], [sflag:$0x5] =	stream.linear.gather @!p0 [hbm4b:s12+s5], $0x1400, $0x38;
	[tilespmem:$0x1FC00] =	vst v63  }
0x64: {  	s29 =	sadd.s32 $0x400, s29;
	p2 =	sne.s32 s30, $0x5000;
	_ =	swait.ge @!p0 [sflag:s13], $0x1400  }
0x65: {  	p1 =	sne.s32 s29, $0x9C00;
	s5 =	sadd.s32 $0xFFFFFFD8, s2;
	[sflag:s13] =	ssyncset.done @!p0 $0x0  }
0x66: {  	s6 =	sadd.s32 $0xFFFFB000, s0;
	[sflag:s13] =	ssyncadd.s32 @!p0 $0xFFFFEC00;
	p0 =	slt.u32 s20, $0x14  }
0x67: {  	_ =	swait.ge [sflag:s25], $0x4000;
	s6 =	smov.u32 @p0 s0;
	s5 =	smov.u32 @p0 s2  }
0x68: {  	[sflag:s25] =	ssyncset.done $0x0;
	s6 =	sshra.s32 s6, $0x2;
	s5 =	sshll.u32 s5, $0x7  }
0x69: {  	[sflag:s25] =	ssyncadd.s32 $0xFFFFC000;
	s6 =	sadd.s32 $0x2800, s6;
	s5 =	sand.u32 $0x3FFFFF80, s5  }
0x6a: {  	[spmem:s1] =	stream.indirect.scatter.add.f32 [tilespmem:s22], [sflag:$0x3], $0x80, s6, s21, $0xb8;
	[tilespmem:$0x1FC00] =	vst v63  }
0x6b: {  	p0 =	por p2, p2;
	_ =	swait.ge [sflag:s24], $0x4000  }
0x6c: {  	s6 =	sshra.s32 s0, $0x2;
	s0 =	smov.u32 s30;
	[sflag:s24] =	ssyncset.done $0x0  }
0x6d: {  	s13 =	sadd.s32 $0x100, s6;
	[sflag:s24] =	ssyncadd.s32 $0xFFFFC000  }
0x6e: {  	[tilespmem:s22], [sflag:$0x1] =	stream.indirect.gather [hbm4b:s4+s21], $0x80, s13, s21, $0xb8;
	[tilespmem:$0x1FC00] =	vst v63  }
0x6f: {  	_ =	swait.ge [sflag:s26], $0x4000  }
0x70: {  	[sflag:s26] =	ssyncset.done $0x0  }
.Ltmp1:
0x71: {  	s5 =	sadd.s32 $0x2800, s5;
	[sflag:s26] =	ssyncadd.s32 $0xFFFFC000;
	(pc) =	sbr.rel @p1 .LBB2_4-.Ltmp1, $4  }
0x72: {  	[spmem:s1] =	stream.indirect.scatter.add.f32 [tilespmem:s23], [sflag:$0x4], $0x80, s5, s21, $0xb8;
	[tilespmem:$0x1FC00] =	vst v63  }
0x73: {  	_ =	swait.ge [sflag:s28], $0x4000  }
0x74: {  	s2 =	sadd.s32 $0x2, s2;
	[sflag:s28] =	ssyncset.done $0x0  }
0x75: {  	s20 =	sadd.s32 $0x1, s20;
	s30 =	sadd.s32 $0x180, s6;
	[sflag:s28] =	ssyncadd.s32 $0xFFFFC000  }
0x76: {  	[tilespmem:s23], [sflag:$0x2] =	stream.indirect.gather [hbm4b:s4+s21], $0x80, s30, s21, $0xb8;
	[tilespmem:$0x1FC00] =	vst v63  }
0x77: {  	s5 =	simm.s32 @!p0 $0x0;
	s6 =	simm.s32 @!p0 $0x2800  }
0x78: {  	[tilespmem:s6], [sflag:$0x5] =	stream.linear.gather @!p0 [hbm4b:s12+s5], $0x1400, $0x38;
	[tilespmem:$0x1FC00] =	vst v63  }
0x79: {  	s5 =	simm.s32 @!p0 $0x5  }
0x7a: {  	_ =	swait.ge @!p0 [sflag:s5], $0x1400  }
0x7b: {  	[sflag:s5] =	ssyncset.done @!p0 $0x0  }
0x7c: {  	[sflag:s5] =	ssyncadd.s32 @!p0 $0xFFFFEC00;
	p0 =	slt.u32 s20, $0x14;
	s5 =	sadd.s32 $0xFFFFB000, s0  }
0x7d: {  	_ =	swait.ge [sflag:s25], $0x4000;
	s5 =	smov.u32 @p0 s0  }
0x7e: {  	[sflag:s25] =	ssyncset.done $0x0;
	s5 =	sshra.s32 s5, $0x2  }
0x7f: {  	[sflag:s25] =	ssyncadd.s32 $0xFFFFC000;
	s5 =	sadd.s32 $0x2800, s5  }
0x80: {  	[spmem:s1] =	stream.indirect.scatter.add.f32 [tilespmem:s22], [sflag:$0x3], $0x80, s5, s21, $0xb8;
	[tilespmem:$0x1FC00] =	vst v63  }
0x81: {  	_ =	swait.ge [sflag:s24], $0x4000  }
0x82: {  	s30 =	sshra.s32 s0, $0x2;
	s5 =	sadd.s32 $0xFFFFFFD8, s2;
	[sflag:s24] =	ssyncset.done $0x0  }
0x83: {  	s6 =	sadd.s32 $0x100, s30;
	s5 =	smov.u32 @p0 s2;
	[sflag:s24] =	ssyncadd.s32 $0xFFFFC000  }
0x84: {  	[tilespmem:s22], [sflag:$0x1] =	stream.indirect.gather [hbm4b:s4+s21], $0x80, s6, s21, $0xb8;
	[tilespmem:$0x1FC00] =	vst v63  }
0x85: {  	s13 =	sshll.u32 s5, $0x7;
	_ =	swait.ge [sflag:s26], $0x4000  }
0x86: {  	s2 =	sand.u32 $0x3FFFFF80, s13;
	[sflag:s26] =	ssyncset.done $0x0  }
0x87: {  	s2 =	sadd.s32 $0x2800, s2;
	[sflag:s26] =	ssyncadd.s32 $0xFFFFC000  }
0x88: {  	[spmem:s1] =	stream.indirect.scatter.add.f32 [tilespmem:s23], [sflag:$0x4], $0x80, s2, s21, $0xb8;
	[tilespmem:$0x1FC00] =	vst v63  }
0x89: {  	_ =	swait.ge [sflag:s28], $0x4000  }
0x8a: {  	[sflag:s28] =	ssyncset.done $0x0  }
0x8b: {  	s0 =	sadd.s32 $0x180, s30;
	[sflag:s28] =	ssyncadd.s32 $0xFFFFC000  }
0x8c: {  	[tilespmem:s23], [sflag:$0x2] =	stream.indirect.gather [hbm4b:s4+s21], $0x80, s0, s21, $0xb8;
	[tilespmem:$0x1FC00] =	vst v63  }
0x8d: {  	_ =	swait.ge [sflag:s25], $0x4000  }
0x8e: {  	[sflag:s25] =	ssyncset.done $0x0  }
0x8f: {  	s20 =	simm.s32 $0x3B00;
	[sflag:s25] =	ssyncadd.s32 $0xFFFFC000  }
0x90: {  	[spmem:s1] =	stream.indirect.scatter.add.f32 [tilespmem:s22], [sflag:$0x3], $0x80, s20, s21, $0xb8;
	[tilespmem:$0x1FC00] =	vst v63  }
0x91: {  	_ =	swait.ge [sflag:s24], $0x4000  }
0x92: {  	[sflag:s24] =	ssyncset.done $0x0  }
0x93: {  	[sflag:s24] =	ssyncadd.s32 $0xFFFFC000  }
0x94: {  	_ =	swait.ge [sflag:s26], $0x4000  }
0x95: {  	[sflag:s26] =	ssyncset.done $0x0  }
0x96: {  	s29 =	simm.s32 $0x3B80;
	[sflag:s26] =	ssyncadd.s32 $0xFFFFC000  }
0x97: {  	[spmem:s1] =	stream.indirect.scatter.add.f32 [tilespmem:s23], [sflag:$0x4], $0x80, s29, s21, $0xb8;
	[tilespmem:$0x1FC00] =	vst v63  }
0x98: {  	_ =	swait.ge [sflag:s28], $0x4000  }
0x99: {  	[sflag:s28] =	ssyncset.done $0x0  }
0x9a: {  	[sflag:s28] =	ssyncadd.s32 $0xFFFFC000  }
0x9b: {  	[bflag:$0x0] =	sbarrier.arrive $0xFFFF  }
0x9c: {  	[tilespmem:s22], [sflag:$0x5] =	stream.linear.gather [spmem:s7], $0x4000, $0x38;
	[tilespmem:$0x1FC00] =	vst v63  }
0x9d: {  	_ =	swait.ge [sflag:s19], $0x4000  }
0x9e: {  	[sflag:s19] =	ssyncset.done $0x0  }
0x9f: {  	s30 =	rddreg [dreg:$0x6];
	[sflag:s19] =	ssyncadd.s32 $0xFFFFC000  }
0xa0: {  	[hbm4b:s30+s3] =	stream.linear.scatter [tilespmem:s22], [sflag:$0x1], $0x4000, $0x38;
	[tilespmem:$0x1FC00] =	vst v63  }
0xa1: {  	_ = 	snop  }
0xa2: {  	[tilespmem:s23], [sflag:$0x5] =	stream.linear.gather [spmem:s8], $0x4000, $0x38;
	[tilespmem:$0x1FC00] =	vst v63  }
0xa3: {  	_ =	swait.ge [sflag:s19], $0x4000  }
0xa4: {  	[sflag:s19] =	ssyncset.done $0x0  }
0xa5: {  	[sflag:s19] =	ssyncadd.s32 $0xFFFFC000  }
0xa6: {  	[hbm4b:s14+s3] =	stream.linear.scatter [tilespmem:s23], [sflag:$0x2], $0x4000, $0x38;
	[tilespmem:$0x1FC00] =	vst v63  }
0xa7: {  	_ =	swait.ge [sflag:s25], $0x4000  }
0xa8: {  	[sflag:s25] =	ssyncset.done $0x0  }
0xa9: {  	[sflag:s25] =	ssyncadd.s32 $0xFFFFC000  }
0xaa: {  	[tilespmem:s22], [sflag:$0x5] =	stream.linear.gather [spmem:s9], $0x4000, $0x38;
	[tilespmem:$0x1FC00] =	vst v63  }
0xab: {  	_ =	swait.ge [sflag:s19], $0x4000  }
0xac: {  	[sflag:s19] =	ssyncset.done $0x0  }
0xad: {  	[sflag:s19] =	ssyncadd.s32 $0xFFFFC000  }
0xae: {  	[hbm4b:s15+s3] =	stream.linear.scatter [tilespmem:s22], [sflag:$0x1], $0x4000, $0x38;
	[tilespmem:$0x1FC00] =	vst v63  }
0xaf: {  	_ =	swait.ge [sflag:s26], $0x4000  }
0xb0: {  	[sflag:s26] =	ssyncset.done $0x0  }
0xb1: {  	[sflag:s26] =	ssyncadd.s32 $0xFFFFC000  }
0xb2: {  	[tilespmem:s23], [sflag:$0x5] =	stream.linear.gather [spmem:s10], $0x4000, $0x38;
	[tilespmem:$0x1FC00] =	vst v63  }
0xb3: {  	_ =	swait.ge [sflag:s19], $0x4000  }
0xb4: {  	[sflag:s19] =	ssyncset.done $0x0  }
0xb5: {  	[sflag:s19] =	ssyncadd.s32 $0xFFFFC000  }
0xb6: {  	[hbm4b:s16+s3] =	stream.linear.scatter [tilespmem:s23], [sflag:$0x2], $0x4000, $0x38;
	[tilespmem:$0x1FC00] =	vst v63  }
0xb7: {  	_ =	swait.ge [sflag:s25], $0x4000  }
0xb8: {  	[sflag:s25] =	ssyncset.done $0x0  }
0xb9: {  	[sflag:s25] =	ssyncadd.s32 $0xFFFFC000  }
0xba: {  	[tilespmem:s22], [sflag:$0x5] =	stream.linear.gather [spmem:s11], $0x4000, $0x38;
	[tilespmem:$0x1FC00] =	vst v63  }
0xbb: {  	_ =	swait.ge [sflag:s19], $0x4000  }
0xbc: {  	[sflag:s19] =	ssyncset.done $0x0  }
0xbd: {  	s31 =	sadd.s32 $0x1, s31;
	[sflag:s19] =	ssyncadd.s32 $0xFFFFC000  }
0xbe: {  	[hbm4b:s17+s3] =	stream.linear.scatter [tilespmem:s22], [sflag:$0x1], $0x4000, $0x38;
	[tilespmem:$0x1FC00] =	vst v63  }
0xbf: {  	p0 =	sne.s32 s31, s18;
	_ =	swait.ge [sflag:s26], $0x4000  }
.Ltmp2:
0xc0: {  	[sflag:s26] =	ssyncset.done $0x0;
	(pc) =	sbr.rel @p0 .LBB2_1-.Ltmp2, $4  }
0xc1: {  	[sflag:s26] =	ssyncadd.s32 $0xFFFFC000  }
0xc2: {  	_ =	swait.ge [sflag:s25], $0x4000  }
0xc3: {  	[sflag:s25] =	ssyncset.done $0x0  }
0xc4: {  	[sflag:s25] =	ssyncadd.s32 $0xFFFFC000  }
0xc5: {  	_ =	sfence.sel $0x180000  }
0xc6: {  	[bflag:$0x0] =	sbarrier.arrive $0xFFFF  }
0xc7: {  	_ =	strace $0x9000004D  }
0xc8: {  	s0 =	stileid.u32;
	[bflag:$0x2] =	sbarrier.arrive $0xFFFF  }
0xc9: {  	p0 =	sne.s32 s0, $0x0;
	s0 =	rddreg [dreg:$0x3]  }
0xca: {  	s0 =	sadd.s32 @!p0 $0x100000, s0  }
0xcb: {  	[sflag:s0] =	ssyncadd.tile.s32 @!p0 $0x1;
	_ =	shalt  }
.Lfunc_end2:
_tile_overlayer_lowered:
.L_overlay_start_2:
0xcc: {  	(tag) =	ssettag $0x2  }
0xcd: {  	s0 =	rddreg [dreg:$0x0];
	s2 =	stileid.u32  }
0xce: {  	s1 =	rddreg [dreg:$0x1];
	p0 =	sne.s32 s2, $0x0  }
0xcf: {  	s3 =	rddreg [dreg:$0x2];
	[bflag:$0x3] =	sbarrier.arrive $0xFFFF;
	s2 =	simm.s32 @!p0 $0x1C05  }
0xd0: {  	[timem:s3], [sflag:s2] =	dma.local @!p0 [hbm:s0], s1  }
0xd1: {  	s0 =	simm.s32 @!p0 $0x5  }
0xd2: {  	_ =	swait.ge @!p0 [sflag:s0], s1  }
0xd3: {  	s1 =	ssub.s32 @!p0 $0x0, s1;
	[sflag:s0] =	ssyncset.done @!p0 $0x0  }
0xd4: {  	[sflag:s0] =	ssyncadd.s32 @!p0 s1  }
0xd5: {  	[bflag:$0x3] =	sbarrier.arrive $0xFFFF  }
0xd6: {  	_ =	shalt  }

// kernel: kernel.9.cloned.1.call-start
scs
__scs_entry_jumppad:
0x0: {  	(pc) =	sbr.rel $0x88, $3  }
0x1: {  	(tag) =	ssettag $0x0;
	lr =	simm.s32 $0x1  }
0x2: {  	[smem:$0x3F9B] =	sst lr;
	_ =	strace $0xD0000000  }
0x3: {  	_ = 	snop  }
0x4: {  	_ = 	snop  }
0x5: {  	_ = 	snop  }
0x6: {  	_ = 	snop  }
0x7: {  	_ = 	snop  }
__scs_overlays_trampoline_lowered:
0x8: {  	[smem:$0x3FAA] =	sst s0  }
0x9: {  	[smem:$0x3FAB] =	sst s1  }
0xa: {  	[smem:$0x3FAC] =	sst s2  }
0xb: {  	[smem:$0x3FAD] =	sst s3  }
0xc: {  	[smem:$0x3FAE] =	sst s4  }
0xd: {  	[smem:$0x3FAF] =	sst s5  }
0xe: {  	[smem:$0x3FB0] =	sst s6  }
0xf: {  	[smem:$0x3FB1] =	sst s7  }
0x10: {  	[smem:$0x3FB2] =	sst s8  }
0x11: {  	[smem:$0x3FB3] =	sst s9;
	s0 =	simm.s32 @!p0 $0x0  }
0x12: {  	s1 =	sld [smem:$0x3F99];
	s0 =	simm.s32 @p0 $0x1  }
0x13: {  	[smem:$0x3FB4] =	sst s0;
	s0 =	simm.s32 @!p1 $0x0  }
0x14: {  	s2 =	sld [smem:$0x3F98];
	s0 =	simm.s32 @p1 $0x1  }
0x15: {  	[smem:$0x3FB5] =	sst s0;
	s0 =	simm.s32 @!p2 $0x0  }
0x16: {  	s3 =	sld [smem:$0x3FDB];
	s0 =	simm.s32 @p2 $0x1  }
0x17: {  	s4 =	simm.s32 $0x1BF5;
	[smem:$0x3FB7] =	sst s0  }
0x18: {  	s0 =	sld [smem:$0x3F9A];
	_ =	swait.ge [sflag:s4], $0x0  }
0x19: {  	s7 =	sld [smem:$0x3F9B]  }
0x1a: {  	s8 =	sadd.s32 $0xFFFFE003, lr  }
0x1b: {  	s9 =	sadd.s32 $0xFFFFFEF7, lr;
	s5 =	simm.s32 $0xFFFFFFFF;
	p2 =	slt.u32 s8, $0xFFFFF086  }
0x1c: {  	p1 =	slt.u32 s9, $0xF7A;
	s5 =	simm.s32 @!p2 $0x0  }
0x1d: {  	s5 =	simm.s32 @p1 $0x1;
	p0 =	seq.s32 s7, s2  }
0x1e: {  	s7 =	smul.u32 @!p0 $0xF7A, s2;
	p2 =	seq.s32 @!p0 s5, $0x0  }
0x1f: {  	s9 =	smul.u32 $0xF7A, s1;
	s8 =	simm.s32 @!p0 $0x1BF5;
	p2 =	por !p2, p0  }
0x20: {  	[sflag:s8] =	ssyncset.s32 @!p0 $0xFFFFF086;
	s6 =	sadd.s32 @!p0 s3, s7;
	s7 =	simm.s32 @!p0 $0x108  }
0x21: {  	s3 =	sadd.s32 s3, s9;
	s6 =	sadd.s32 @!p0 $0x88, s6;
	s7 =	simm.s32 @p2 $0x1082  }
0x22: {  	[simem:s7], [sflag:s8] =	dma.local @!p0 [hbm:s6], $0xF7A  }
0x23: {  	s9 =	sor.u32 $0xD0000000, s2;
	s6 =	simm.s32 $0x108;
	_ =	swait.ge @!p0 [sflag:s8], $0x0  }
0x24: {  	s3 =	sadd.s32 $0x88, s3;
	s6 =	simm.s32 @!p1 $0x1082;
	[sflag:s4] =	ssyncset.s32 $0xFFFFF086  }
0x25: {  	[simem:s6], [sflag:s4] =	dma.local [hbm:s3], $0xF7A  }
0x26: {  	[smem:$0x3F9B] =	sst s1;
	(tag) =	ssettag s2;
	_ =	strace s9  }
0x27: {  	s1 =	sld [smem:$0x3FAB]  }
0x28: {  	s2 =	sld [smem:$0x3FAC]  }
0x29: {  	s4 =	sld [smem:$0x3FAE]  }
0x2a: {  	p0 =	seq.s32 s5, $0x0;
	s5 =	sld [smem:$0x3FAF]  }
0x2b: {  	s6 =	sld [smem:$0x3FB0]  }
0x2c: {  	s7 =	sld [smem:$0x3FB1]  }
0x2d: {  	s3 =	simm.s32 $0x108;
	s8 =	sld [smem:$0x3FB2]  }
0x2e: {  	s3 =	simm.s32 @!p0 $0x1082;
	s9 =	sld [smem:$0x3FB3]  }
0x2f: {  	lr =	sadd.s32 s0, s3;
	s0 =	sld [smem:$0x3FAA]  }
0x30: {  	s3 =	sld [smem:$0x3FAD]  }
0x31: {  	[smem:$0x3FB6] =	sst s10  }
0x32: {  	s10 =	sld [smem:$0x3FB4];
	_ =	sdelay $0x3  }
0x33: {  	p0 =	seq.s32 s10, $0x1;
	s10 =	sld [smem:$0x3FB6];
	_ =	sdelay $0x3  }
0x34: {  	[smem:$0x3FB6] =	sst s10  }
0x35: {  	s10 =	sld [smem:$0x3FB5];
	_ =	sdelay $0x3  }
0x36: {  	p1 =	seq.s32 s10, $0x1;
	s10 =	sld [smem:$0x3FB6];
	_ =	sdelay $0x3  }
0x37: {  	[smem:$0x3FB6] =	sst s10  }
0x38: {  	s10 =	sld [smem:$0x3FB7]  }
0x39: {  	_ = 	snop;
	(pc) =	sbr.ind lr, $3  }
0x3a: {  	_ = 	snop  }
0x3b: {  	_ = 	snop  }
0x3c: {  	p2 =	seq.s32 s10, $0x1;
	s10 =	sld [smem:$0x3FB6]  }
0x3d: {  	_ =	shalt  }
0x3e: {  	_ =	shalt  }
0x3f: {  	_ =	shalt  }
0x40: {  	_ =	shalt  }
0x41: {  	_ =	shalt  }
0x42: {  	_ =	shalt  }
0x43: {  	_ =	shalt  }
0x44: {  	_ =	shalt  }
0x45: {  	_ =	shalt  }
0x46: {  	_ =	shalt  }
0x47: {  	_ =	shalt  }
0x48: {  	_ =	shalt  }
0x49: {  	_ =	shalt  }
0x4a: {  	_ =	shalt  }
0x4b: {  	_ =	shalt  }
0x4c: {  	_ =	shalt  }
0x4d: {  	_ =	shalt  }
0x4e: {  	_ =	shalt  }
0x4f: {  	_ =	shalt  }
0x50: {  	_ =	shalt  }
0x51: {  	_ =	shalt  }
0x52: {  	_ =	shalt  }
0x53: {  	_ =	shalt  }
0x54: {  	_ =	shalt  }
0x55: {  	_ =	shalt  }
0x56: {  	_ =	shalt  }
0x57: {  	_ =	shalt  }
0x58: {  	_ =	shalt  }
0x59: {  	_ =	shalt  }
0x5a: {  	_ =	shalt  }
0x5b: {  	_ =	shalt  }
0x5c: {  	_ =	shalt  }
0x5d: {  	_ =	shalt  }
0x5e: {  	_ =	shalt  }
0x5f: {  	_ =	shalt  }
0x60: {  	_ =	shalt  }
0x61: {  	_ =	shalt  }
0x62: {  	_ =	shalt  }
0x63: {  	_ =	shalt  }
0x64: {  	_ =	shalt  }
0x65: {  	_ =	shalt  }
0x66: {  	_ =	shalt  }
0x67: {  	_ =	shalt  }
0x68: {  	_ =	shalt  }
0x69: {  	_ =	shalt  }
0x6a: {  	_ =	shalt  }
0x6b: {  	_ =	shalt  }
0x6c: {  	_ =	shalt  }
0x6d: {  	_ =	shalt  }
0x6e: {  	_ =	shalt  }
0x6f: {  	_ =	shalt  }
0x70: {  	_ =	shalt  }
0x71: {  	_ =	shalt  }
0x72: {  	_ =	shalt  }
0x73: {  	_ =	shalt  }
0x74: {  	_ =	shalt  }
0x75: {  	_ =	shalt  }
0x76: {  	_ =	shalt  }
0x77: {  	_ =	shalt  }
0x78: {  	_ =	shalt  }
0x79: {  	_ =	shalt  }
0x7a: {  	_ =	shalt  }
0x7b: {  	_ =	shalt  }
0x7c: {  	_ =	shalt  }
0x7d: {  	_ =	shalt  }
0x7e: {  	_ =	shalt  }
0x7f: {  	_ =	shalt  }
0x80: {  	_ =	shalt  }
0x81: {  	_ =	shalt  }
0x82: {  	_ =	shalt  }
0x83: {  	_ =	shalt  }
0x84: {  	_ =	shalt  }
0x85: {  	_ =	shalt  }
0x86: {  	_ =	shalt  }
0x87: {  	_ =	shalt  }
.Lfunc_end0:
.L_simem_size_0:
called_computation_lowered:
.L_overlay_start_0:
0x88: {  	s2 =	sld [smem:$0x3FD9]  }
0x89: {  	s3 =	sld [smem:$0x3FFE];
	_ =	sdelay $0x1  }
0x8a: {  	s1 =	srdreg.scid  }
0x8b: {  	s0 =	sand.u32 $0x1, s1  }
0x8c: {  	s17 =	sshll.u32 s0, $0xA;
	s2 =	sadd.s32 s3, s2  }
0x8d: {  	s2 =	sadd.s32 s2, s17  }
0x8e: {  	[smem:$0x3FC2] =	sst s2  }
0x8f: {  	_ = 	snop  }
0x90: {  	s2 =	sld [smem:$0x3FD0];
	(tm) =	ssettm $0x1  }
0x91: {  	s18 =	sld [smem:$0x3FFB];
	_ =	sdelay $0x3  }
0x92: {  	_ =	strace s18  }
0x93: {  	s3 =	sld [smem:$0x3FFC];
	_ =	sdelay $0x3  }
0x94: {  	_ =	strace s3  }
0x95: {  	s3 =	sld [smem:$0x3FFD];
	_ =	sdelay $0x3  }
0x96: {  	_ =	strace s3  }
0x97: {  	_ =	strace $0x8FFFFFFF  }
0x98: {  	s19 =	sld [smem:$0x3FDB];
	_ =	sdelay $0x1  }
0x99: {  	s4 =	simm.s32 $_scs_section_size  }
0x9a: {  	s5 =	simm.s32 $_size__tile_overlayer_lowered;
	s6 =	simm.s32 $_tile_overlayer_lowered  }
0x9b: {  	s22 =	simm.s32 $0x1BFF;
	s21 =	sshll.u32 s6, $0x1;
	s3 =	sadd.s32 s4, s19  }
0x9c: {  	s7 =	simm.s32 $0x0;
	s20 =	sshll.u32 s5, $0x1;
	s5 =	sadd.s32 s21, s3  }
0x9d: {  	[timem:s7], [sflag:s22] =	dma.local [hbm:s5], s20  }
0x9e: {  	_ =	swait.ge [sflag:s22], s20  }
0x9f: {  	s4 =	ssub.s32 $0x0, s20;
	[sflag:s22] =	ssyncset.done $0x0  }
0xa0: {  	[sflag:s22] =	ssyncadd.s32 s4;
	_ =	sdelay $0x1  }
0xa1: {  	s23 =	simm.s32 $0x1B8B  }
0xa2: {  	_ =	swait.ge [sflag:s23], $0x1  }
0xa3: {  	[sflag:s23] =	ssyncset.done $0x0  }
0xa4: {  	s25 =	simm.s32 $0x1B8E;
	s24 =	sld [smem:$0x3FFE];
	[sflag:s23] =	ssyncadd.s32 $0xFFFFFFFF  }
0xa5: {  	s26 =	simm.s32 $execute0_lowered;
	[smem:$0x3FD2] =	sst s25  }
0xa6: {  	s5 =	sshll.u32 s26, $0x1;
	_ =	strace $0x80000046;
	[dreg:$0x1] =	wrdreg $0xFFFFFFFF  }
0xa7: {  	s28 =	simm.s32 $_size_execute0_lowered;
	s3 =	sadd.s32 s3, s5;
	[dreg:$0x0] =	wrdreg $0x0  }
0xa8: {  	s5 =	sshll.u32 s28, $0x1;
	[dreg:$0x2] =	wrdreg s3  }
0xa9: {  	[dreg:$0x3] =	wrdreg s5  }
0xaa: {  	[dreg:$0x4] =	wrdreg $0xC0  }
0xab: {  	_ =	task [dreg:s7], $0x5FFFF  }
0xac: {  	[dreg:$0x1] =	wrdreg $0xFFFFFFFF  }
0xad: {  	[dreg:$0x0] =	wrdreg $0x60  }
0xae: {  	[dreg:$0x2] =	wrdreg s24  }
0xaf: {  	[dreg:$0x3] =	wrdreg s2  }
0xb0: {  	[dreg:$0x4] =	wrdreg $0xA8000  }
0xb1: {  	[dreg:$0x5] =	wrdreg $0x9  }
0xb2: {  	_ =	task.clear_ibuf [dreg:s7], $0x6FFFF;
	_ =	strace $0x90000046  }
0xb3: {  	s29 =	simm.s32 $0x9;
	_ =	strace $0x80000048  }
0xb4: {  	_ =	swait.ge [sflag:s29], $0x1  }
0xb5: {  	[sflag:s29] =	ssyncadd.s32 $0xFFFFFFFF  }
0xb6: {  	_ =	strace $0x90000048  }
0xb7: {  	_ =	sfence  }
0xb8: {  	s30 =	sld [smem:$0x0];
	_ =	sdelay $0x2  }
0xb9: {  	s31 =	sshll.u32 s1, $0xD;
	s1 =	sshrl.u32 s1, $0x2  }
0xba: {  	s3 =	sand.u32 $0x4000, s31;
	s1 =	sadd.s32 s1, s30  }
0xbb: {  	s0 =	sor.u32 s3, s0;
	s1 =	sshll.u32 s1, $0x11  }
0xbc: {  	s0 =	sor.u32 s1, s0  }
0xbd: {  	s0 =	sadd.s32 $0x8F2B, s0  }
0xbe: {  	[sflag:s0] =	ssyncadd.remote.s32 $0x1  }
0xbf: {  	_ =	sfence.sel $0xFFFF  }
0xc0: {  	[dreg:$0x0] =	wrdreg $0xFFFFFFFF;
	(pc) =	sbr.abs _section_cstart, $3  }
0xc1: {  	[dreg:$0x1] =	wrdreg $0xFFFFFFFF  }
0xc2: {  	_ =	task.clear_ibuf [dreg:s7], $0x2FFFF;
	_ =	strace $0x9FFFFFFF  }
0xc3: {  	(tm) =	ssettm $0x7FFFFFFF  }
tec
execute0_lowered:
.L_overlay_start_1:
0x0: {  	(tag) =	ssettag $0x1  }
0x1: {  	s0 =	rddreg [dreg:$0x0]  }
0x2: {  	s2 =	rddreg [dreg:$0x1]  }
0x3: {  	s1 =	rddreg [dreg:$0x2];
	s21 =	stileid.u32  }
0x4: {  	s3 =	srdreg.scid;
	s28 =	simm.s32 $0x4;
	s8 =	smul.u32 $0x50000, s21  }
0x5: {  	s31 =	simm.s32 $0x0;
	s15 =	sand.u32 $0x1, s3;
	s12 =	smul.u32 $0x14000, s21  }
0x6: {  	s3 =	simm.s32 $0x0;
	s26 =	smul.u32 $0x2800, s21;
	s4 =	sshll.u32 s15, $0x4  }
0x7: {  	[smem:$0x7FF] =	sst s3;
	s7 =	ssub.s32 $0x2, s15;
	s17 =	smul.u32 $0x140000, s15  }
0x8: {  	s25 =	smul.u32 $0x28000, s15;
	s5 =	sor.u32 s21, s4;
	_ =	strace $0x80000047  }
0x9: {  	s4 =	sadd.s32 $0x2200, s0;
	s0 =	sadd.s32 $0x4EE200, s0;
	s9 =	sshrl.u32 s7, $0x1  }
0xa: {  	s23 =	sshrl.u32 s8, $0x2;
	s13 =	sadd.s32 $0x4000, s12;
	s24 =	sadd.s32 $0x8000, s12  }
0xb: {  	s16 =	sadd.s32 $0xC000, s12;
	s19 =	sadd.s32 $0x10000, s12;
	s6 =	smul.u32 $0x2800, s5  }
0xc: {  	s21 =	simm.s32 $0x2800;
	s18 =	ssub.s32 s7, s9;
	s22 =	smul.u32 $0x28000, s5  }
0xd: {  	s7 =	sadd.s32 s23, s1;
	s8 =	sadd.s32 s13, s1;
	s9 =	sadd.s32 s24, s1  }
0xe: {  	s10 =	sadd.s32 s16, s1;
	s11 =	sadd.s32 s19, s1;
	s14 =	sadd.s32 s12, s17  }
0xf: {  	s13 =	sadd.s32 s17, s13;
	s16 =	sadd.s32 s17, s16;
	s30 =	sadd.s32 s26, s25  }
0x10: {  	s23 =	simm.s32 $0x3;
	s25 =	simm.s32 $0x80;
	s26 =	simm.s32 $0x2  }
0x11: {  	s14 =	sshrl.u32 s14, $0x3;
	s20 =	sshrl.u32 s13, $0x3;
	s16 =	sshrl.u32 s16, $0x3  }
0x12: {  	s18 =	smax.u32 s18, $0x1;
	s6 =	sshrl.u32 s6, $0x3;
	s13 =	sadd.s32 s0, s14  }
0x13: {  	s14 =	sadd.s32 s0, s20;
	s16 =	sadd.s32 s0, s16;
	s20 =	simm.s32 $0x5  }
0x14: {  	s5 =	sadd.s32 s2, s6;
	s6 =	sadd.s32 s4, s22;
	s2 =	sadd.s32 s17, s24  }
0x15: {  	s17 =	sadd.s32 s17, s19;
	s22 =	simm.s32 $0x6800;
	s24 =	simm.s32 $0x1  }
0x16: {  	s12 =	sadd.s32 $0x800, s6;
	s2 =	sshrl.u32 s2, $0x3;
	s29 =	sshrl.u32 s17, $0x3  }
0x17: {  	v0 =	vimm.f32 $0.0e+00;
	s15 =	sadd.s32 s0, s2;
	s17 =	sadd.s32 s0, s29;
	s2 =	sor.u32 $0x180, s30  }
.LBB2_1:
0x18: {  	[tilespmem:s3], [sflag:$0x5] =	stream.linear.gather [hbm4b:s5+s3], $0x2800, $0x38;
	[tilespmem:$0x1E800] =	vst v63  }
0x19: {  	_ =	swait.ge [sflag:s20], $0x2800  }
0x1a: {  	[sflag:s20] =	ssyncset.done $0x0  }
0x1b: {  	s0 =	simm.s32 $0x0;
	s19 =	simm.s32 $0x200;
	[sflag:s20] =	ssyncadd.s32 $0xFFFFD800  }
0x1c: {  	[tilespmem:s21], [sflag:$0x1] =	stream.linear.gather [hbm4b:s6+s3], $0x4000, $0x38;
	[tilespmem:$0x1E800] =	vst v63  }
.LBB2_2:
0x1d: {  	p0 =	sne.s32 s19, $0xFE00;
	[tilespmem:s0+$0x6870] =	vst v0  }
0x1e: {  	[tilespmem:s0+$0x6800] =	vst v0  }
0x1f: {  	[tilespmem:s0+$0x6810] =	vst v0  }
.Ltmp0:
0x20: {  	[tilespmem:s0+$0x6820] =	vst v0;
	(pc) =	sbr.rel @p0 .LBB2_2-.Ltmp0, $4  }
0x21: {  	[tilespmem:s0+$0x6830] =	vst v0  }
0x22: {  	[tilespmem:s0+$0x6840] =	vst v0  }
0x23: {  	[tilespmem:s0+$0x6850] =	vst v0  }
0x24: {  	[tilespmem:s0+$0x6860] =	vst v0;
	s0 =	sshra.s32 s19, $0x2;
	s19 =	sadd.s32 $0x200, s19  }
0x25: {  	[tilespmem:s0+$0x6870] =	vst v0  }
0x26: {  	[tilespmem:s0+$0x6800] =	vst v0  }
0x27: {  	[tilespmem:s0+$0x6810] =	vst v0  }
0x28: {  	[tilespmem:s0+$0x6820] =	vst v0  }
0x29: {  	[tilespmem:s0+$0x6830] =	vst v0  }
0x2a: {  	[tilespmem:s0+$0x6840] =	vst v0  }
0x2b: {  	[tilespmem:s0+$0x6850] =	vst v0  }
0x2c: {  	[tilespmem:s0+$0x6860] =	vst v0  }
0x2d: {  	[spmem:s7] =	stream.linear.scatter [tilespmem:s22], [sflag:$0x3], $0x4000, $0x38;
	[tilespmem:$0x1E800] =	vst v63  }
0x2e: {  	_ = 	snop  }
0x2f: {  	[spmem:s8] =	stream.linear.scatter [tilespmem:s22], [sflag:$0x3], $0x4000, $0x38;
	[tilespmem:$0x1E800] =	vst v63  }
0x30: {  	_ = 	snop  }
0x31: {  	[spmem:s9] =	stream.linear.scatter [tilespmem:s22], [sflag:$0x3], $0x4000, $0x38;
	[tilespmem:$0x1E800] =	vst v63  }
0x32: {  	_ = 	snop  }
0x33: {  	[spmem:s10] =	stream.linear.scatter [tilespmem:s22], [sflag:$0x3], $0x4000, $0x38;
	[tilespmem:$0x1E800] =	vst v63  }
0x34: {  	_ = 	snop  }
0x35: {  	[spmem:s11] =	stream.linear.scatter [tilespmem:s22], [sflag:$0x3], $0x4000, $0x38;
	[tilespmem:$0x1E800] =	vst v63  }
0x36: {  	_ =	swait.ge [sflag:s23], $0x4000  }
0x37: {  	[sflag:s23] =	ssyncset.done $0x0  }
0x38: {  	[sflag:s23] =	ssyncadd.s32 $0xFFFFC000  }
0x39: {  	_ =	swait.ge [sflag:s23], $0x4000  }
0x3a: {  	[sflag:s23] =	ssyncset.done $0x0  }
0x3b: {  	[sflag:s23] =	ssyncadd.s32 $0xFFFFC000  }
0x3c: {  	_ =	swait.ge [sflag:s23], $0x4000  }
0x3d: {  	[sflag:s23] =	ssyncset.done $0x0  }
0x3e: {  	[sflag:s23] =	ssyncadd.s32 $0xFFFFC000  }
0x3f: {  	_ =	swait.ge [sflag:s23], $0x4000  }
0x40: {  	[sflag:s23] =	ssyncset.done $0x0  }
0x41: {  	[sflag:s23] =	ssyncadd.s32 $0xFFFFC000  }
0x42: {  	_ =	swait.ge [sflag:s23], $0x4000  }
0x43: {  	[sflag:s23] =	ssyncset.done $0x0  }
0x44: {  	[sflag:s23] =	ssyncadd.s32 $0xFFFFC000  }
0x45: {  	s19 =	simm.s32 $0x0;
	[bflag:$0x0] =	sbarrier.arrive $0xFFFF  }
0x46: {  	[tilespmem:s22], [sflag:$0x2] =	stream.linear.gather [hbm4b:s12+s19], $0x4000, $0x38;
	[tilespmem:$0x1E800] =	vst v63  }
0x47: {  	_ =	swait.ge [sflag:s24], $0x4000  }
0x48: {  	s0 =	sadd.s32 $0xFFFFFF80, s2;
	[sflag:s24] =	ssyncset.done $0x0  }
0x49: {  	p0 =	slt.s32 s0, $0x4E180;
	s19 =	simm.s32 $0x0;
	[sflag:s24] =	ssyncadd.s32 $0xFFFFC000  }
0x4a: {  	[spmem:s1] =	stream.indirect.scatter.add.f32 [tilespmem:s21], [sflag:$0x3], $0x80, s19, s25, $0xb8;
	[tilespmem:$0x1E800] =	vst v63  }
0x4b: {  	s0 =	simm.s32 @!p0 $0x4E180;
	_ =	swait.ge [sflag:s23], $0x4000  }
0x4c: {  	s0 =	sshll.u32 s0, $0x4;
	[sflag:s23] =	ssyncset.done $0x0  }
0x4d: {  	s0 =	sadd.s32 s4, s0;
	[sflag:s23] =	ssyncadd.s32 $0xFFFFC000  }
0x4e: {  	[tilespmem:s21], [sflag:$0x1] =	stream.linear.gather [hbm4b:s0+s3], $0x4000, $0x38;
	[tilespmem:$0x1E800] =	vst v63  }
0x4f: {  	p0 =	slt.s32 s2, $0x4E180;
	s19 =	smov.u32 s2;
	_ =	swait.ge [sflag:s26], $0x4000  }
0x50: {  	s19 =	simm.s32 @!p0 $0x4E180;
	[sflag:s26] =	ssyncset.done $0x0  }
0x51: {  	s30 =	simm.s32 $0x80;
	s29 =	sshll.u32 s19, $0x4;
	[sflag:s26] =	ssyncadd.s32 $0xFFFFC000  }
0x52: {  	[spmem:s1] =	stream.indirect.scatter.add.f32 [tilespmem:s22], [sflag:$0x4], $0x80, s30, s25, $0xb8;
	[tilespmem:$0x1E800] =	vst v63  }
0x53: {  	s19 =	smov.u32 s2;
	s0 =	simm.s32 $0x400;
	_ =	swait.ge [sflag:s28], $0x4000  }
.LBB2_4:
0x54: {  	p0 =	sne.s32 s0, $0x9800  }
0x55: {  	[sflag:s28] =	ssyncset.done $0x0;
	s19 =	sadd.s32 $0x100, s19;
	s30 =	smov.u32 s0  }
0x56: {  	s0 =	sadd.s32 $0x400, s0;
	s29 =	sadd.s32 s4, s29;
	[sflag:s28] =	ssyncadd.s32 $0xFFFFC000  }
0x57: {  	[tilespmem:s22], [sflag:$0x2] =	stream.linear.gather [hbm4b:s29+s3], $0x4000, $0x38;
	[tilespmem:$0x1E800] =	vst v63  }
0x58: {  	s29 =	sshra.s32 s30, $0x2;
	s30 =	sadd.s32 $0xFFFFFF80, s19;
	_ =	swait.ge [sflag:s24], $0x4000  }
0x59: {  	p1 =	slt.s32 s30, $0x4E180;
	[sflag:s24] =	ssyncset.done $0x0  }
0x5a: {  	s30 =	simm.s32 @!p1 $0x4E180;
	[sflag:s24] =	ssyncadd.s32 $0xFFFFC000  }
0x5b: {  	[spmem:s1] =	stream.indirect.scatter.add.f32 [tilespmem:s21], [sflag:$0x3], $0x80, s29, s25, $0xb8;
	[tilespmem:$0x1E800] =	vst v63  }
0x5c: {  	s30 =	sshll.u32 s30, $0x4;
	_ =	swait.ge [sflag:s23], $0x4000  }
0x5d: {  	s30 =	sadd.s32 s4, s30;
	[sflag:s23] =	ssyncset.done $0x0  }
0x5e: {  	[sflag:s23] =	ssyncadd.s32 $0xFFFFC000  }
0x5f: {  	[tilespmem:s21], [sflag:$0x1] =	stream.linear.gather [hbm4b:s30+s3], $0x4000, $0x38;
	[tilespmem:$0x1E800] =	vst v63  }
.Ltmp1:
0x60: {  	s29 =	sadd.s32 $0x80, s29;
	_ =	swait.ge [sflag:s26], $0x4000;
	(pc) =	sbr.rel @p0 .LBB2_4-.Ltmp1, $4  }
0x61: {  	p1 =	slt.s32 s19, $0x4E180;
	s30 =	smov.u32 s19;
	[sflag:s26] =	ssyncset.done $0x0  }
0x62: {  	s30 =	simm.s32 @!p1 $0x4E180;
	[sflag:s26] =	ssyncadd.s32 $0xFFFFC000  }
0x63: {  	[spmem:s1] =	stream.indirect.scatter.add.f32 [tilespmem:s22], [sflag:$0x4], $0x80, s29, s25, $0xb8;
	[tilespmem:$0x1E800] =	vst v63  }
0x64: {  	s29 =	sshll.u32 s30, $0x4;
	_ =	swait.ge [sflag:s28], $0x4000  }
0x65: {  	[sflag:s28] =	ssyncset.done $0x0  }
0x66: {  	s0 =	sadd.s32 s4, s29;
	[sflag:s28] =	ssyncadd.s32 $0xFFFFC000  }
0x67: {  	[tilespmem:s22], [sflag:$0x2] =	stream.linear.gather [hbm4b:s0+s3], $0x4000, $0x38;
	[tilespmem:$0x1E800] =	vst v63  }
0x68: {  	_ =	swait.ge [sflag:s24], $0x4000  }
0x69: {  	[sflag:s24] =	ssyncset.done $0x0  }
0x6a: {  	s29 =	simm.s32 $0x2700;
	[sflag:s24] =	ssyncadd.s32 $0xFFFFC000  }
0x6b: {  	[spmem:s1] =	stream.indirect.scatter.add.f32 [tilespmem:s21], [sflag:$0x3], $0x80, s29, s25, $0xb8;
	[tilespmem:$0x1E800] =	vst v63  }
0x6c: {  	_ =	swait.ge [sflag:s23], $0x4000  }
0x6d: {  	[sflag:s23] =	ssyncset.done $0x0  }
0x6e: {  	[sflag:s23] =	ssyncadd.s32 $0xFFFFC000  }
0x6f: {  	_ =	swait.ge [sflag:s26], $0x4000  }
0x70: {  	[sflag:s26] =	ssyncset.done $0x0  }
0x71: {  	s30 =	simm.s32 $0x2780;
	[sflag:s26] =	ssyncadd.s32 $0xFFFFC000  }
0x72: {  	[spmem:s1] =	stream.indirect.scatter.add.f32 [tilespmem:s22], [sflag:$0x4], $0x80, s30, s25, $0xb8;
	[tilespmem:$0x1E800] =	vst v63  }
0x73: {  	_ =	swait.ge [sflag:s28], $0x4000  }
0x74: {  	[sflag:s28] =	ssyncset.done $0x0  }
0x75: {  	[sflag:s28] =	ssyncadd.s32 $0xFFFFC000  }
0x76: {  	[bflag:$0x0] =	sbarrier.arrive $0xFFFF  }
0x77: {  	[tilespmem:s21], [sflag:$0x5] =	stream.linear.gather [spmem:s7], $0x4000, $0x38;
	[tilespmem:$0x1E800] =	vst v63  }
0x78: {  	_ =	swait.ge [sflag:s20], $0x4000  }
0x79: {  	[sflag:s20] =	ssyncset.done $0x0  }
0x7a: {  	[sflag:s20] =	ssyncadd.s32 $0xFFFFC000  }
0x7b: {  	[hbm4b:s13+s3] =	stream.linear.scatter [tilespmem:s21], [sflag:$0x1], $0x4000, $0x38;
	[tilespmem:$0x1E800] =	vst v63  }
0x7c: {  	_ = 	snop  }
0x7d: {  	[tilespmem:s22], [sflag:$0x5] =	stream.linear.gather [spmem:s8], $0x4000, $0x38;
	[tilespmem:$0x1E800] =	vst v63  }
0x7e: {  	_ =	swait.ge [sflag:s20], $0x4000  }
0x7f: {  	[sflag:s20] =	ssyncset.done $0x0  }
0x80: {  	[sflag:s20] =	ssyncadd.s32 $0xFFFFC000  }
0x81: {  	[hbm4b:s14+s3] =	stream.linear.scatter [tilespmem:s22], [sflag:$0x2], $0x4000, $0x38;
	[tilespmem:$0x1E800] =	vst v63  }
0x82: {  	_ =	swait.ge [sflag:s24], $0x4000  }
0x83: {  	[sflag:s24] =	ssyncset.done $0x0  }
0x84: {  	[sflag:s24] =	ssyncadd.s32 $0xFFFFC000  }
0x85: {  	[tilespmem:s21], [sflag:$0x5] =	stream.linear.gather [spmem:s9], $0x4000, $0x38;
	[tilespmem:$0x1E800] =	vst v63  }
0x86: {  	_ =	swait.ge [sflag:s20], $0x4000  }
0x87: {  	[sflag:s20] =	ssyncset.done $0x0  }
0x88: {  	[sflag:s20] =	ssyncadd.s32 $0xFFFFC000  }
0x89: {  	[hbm4b:s15+s3] =	stream.linear.scatter [tilespmem:s21], [sflag:$0x1], $0x4000, $0x38;
	[tilespmem:$0x1E800] =	vst v63  }
0x8a: {  	_ =	swait.ge [sflag:s26], $0x4000  }
0x8b: {  	[sflag:s26] =	ssyncset.done $0x0  }
0x8c: {  	[sflag:s26] =	ssyncadd.s32 $0xFFFFC000  }
0x8d: {  	[tilespmem:s22], [sflag:$0x5] =	stream.linear.gather [spmem:s10], $0x4000, $0x38;
	[tilespmem:$0x1E800] =	vst v63  }
0x8e: {  	_ =	swait.ge [sflag:s20], $0x4000  }
0x8f: {  	[sflag:s20] =	ssyncset.done $0x0  }
0x90: {  	[sflag:s20] =	ssyncadd.s32 $0xFFFFC000  }
0x91: {  	[hbm4b:s16+s3] =	stream.linear.scatter [tilespmem:s22], [sflag:$0x2], $0x4000, $0x38;
	[tilespmem:$0x1E800] =	vst v63  }
0x92: {  	_ =	swait.ge [sflag:s24], $0x4000  }
0x93: {  	[sflag:s24] =	ssyncset.done $0x0  }
0x94: {  	[sflag:s24] =	ssyncadd.s32 $0xFFFFC000  }
0x95: {  	[tilespmem:s21], [sflag:$0x5] =	stream.linear.gather [spmem:s11], $0x4000, $0x38;
	[tilespmem:$0x1E800] =	vst v63  }
0x96: {  	_ =	swait.ge [sflag:s20], $0x4000  }
0x97: {  	[sflag:s20] =	ssyncset.done $0x0  }
0x98: {  	s31 =	sadd.s32 $0x1, s31;
	[sflag:s20] =	ssyncadd.s32 $0xFFFFC000  }
0x99: {  	[hbm4b:s17+s3] =	stream.linear.scatter [tilespmem:s21], [sflag:$0x1], $0x4000, $0x38;
	[tilespmem:$0x1E800] =	vst v63  }
0x9a: {  	p0 =	sne.s32 s31, s18;
	_ =	swait.ge [sflag:s26], $0x4000  }
.Ltmp2:
0x9b: {  	[sflag:s26] =	ssyncset.done $0x0;
	(pc) =	sbr.rel @p0 .LBB2_1-.Ltmp2, $4  }
0x9c: {  	[sflag:s26] =	ssyncadd.s32 $0xFFFFC000  }
0x9d: {  	_ =	swait.ge [sflag:s24], $0x4000  }
0x9e: {  	[sflag:s24] =	ssyncset.done $0x0  }
0x9f: {  	[sflag:s24] =	ssyncadd.s32 $0xFFFFC000  }
0xa0: {  	_ =	sfence.sel $0x180000  }
0xa1: {  	[bflag:$0x0] =	sbarrier.arrive $0xFFFF  }
0xa2: {  	_ =	strace $0x90000047  }
0xa3: {  	s0 =	stileid.u32;
	[bflag:$0x2] =	sbarrier.arrive $0xFFFF  }
0xa4: {  	p0 =	sne.s32 s0, $0x0;
	s0 =	rddreg [dreg:$0x3]  }
0xa5: {  	s0 =	sadd.s32 @!p0 $0x100000, s0  }
0xa6: {  	[sflag:s0] =	ssyncadd.tile.s32 @!p0 $0x1;
	_ =	shalt  }
.Lfunc_end2:
_tile_overlayer_lowered:
.L_overlay_start_2:
0xa7: {  	(tag) =	ssettag $0x2  }
0xa8: {  	s0 =	rddreg [dreg:$0x0];
	s2 =	stileid.u32  }
0xa9: {  	s1 =	rddreg [dreg:$0x1];
	p0 =	sne.s32 s2, $0x0  }
0xaa: {  	s3 =	rddreg [dreg:$0x2];
	[bflag:$0x3] =	sbarrier.arrive $0xFFFF;
	s2 =	simm.s32 @!p0 $0x1C05  }
0xab: {  	[timem:s3], [sflag:s2] =	dma.local @!p0 [hbm:s0], s1  }
0xac: {  	s0 =	simm.s32 @!p0 $0x5  }
0xad: {  	_ =	swait.ge @!p0 [sflag:s0], s1  }
0xae: {  	s1 =	ssub.s32 @!p0 $0x0, s1;
	[sflag:s0] =	ssyncset.done @!p0 $0x0  }
0xaf: {  	[sflag:s0] =	ssyncadd.s32 @!p0 s1  }
0xb0: {  	[bflag:$0x3] =	sbarrier.arrive $0xFFFF  }
0xb1: {  	_ =	shalt  }

</sc_bundles>
